<compile_context>
chip_gen: v7x
topology: tpu7x:2x2x1
jax: 0.10.2.dev20260603
libtpu: 0.0.44.dev20260713+nightly
codegen_flags: <defaults>
</compile_context>

<pallas_src>
import functools

import jax
import jax.numpy as jnp
from jax import lax
from jax.experimental import pallas as pl
from jax.experimental.pallas import tpu as pltpu
from jax.experimental.pallas import tpu_sc as plsc

_B, _N, _D, _C, _Q = 4, 8192, 256, 91, 300
_BLK = 1024


def _mlp_body(x_ref, anch_ref, ws1, bs1, ws2, bs2, ws3, bs3, wb1, bb1, wb2, bb2,
              logits_ref, boxes_ref, scores_ref, inv_ref):
    i = pl.program_id(0)

    @pl.when(i == 0)
    def _():
        a = jnp.clip(anch_ref[...], 1e-06, 1 - 1e-06)
        inv_ref[...] = jnp.log(a / (1.0 - a))

    x = x_ref[...]
    g = jnp.maximum(jnp.dot(x, wb1[...], preferred_element_type=jnp.float32) + bb1[...], 0.0)
    h = jnp.maximum(jnp.dot(x, ws1[...], preferred_element_type=jnp.float32) + bs1[...], 0.0)
    delta = jnp.dot(g, wb2[...], preferred_element_type=jnp.float32) + bb2[...]
    h = jnp.maximum(jnp.dot(h, ws2[...], preferred_element_type=jnp.float32) + bs2[...], 0.0)
    logits = jnp.dot(h, ws3[...], preferred_element_type=jnp.float32) + bs3[...]
    logits_ref[...] = logits
    nanch = _N // _BLK
    inv = inv_ref[pl.ds((i % nanch) * _BLK, _BLK), :]
    boxes_ref[...] = jax.nn.sigmoid(inv + delta)
    lt = logits.T
    m = jnp.max(lt, axis=0)
    scores_ref[...] = jax.nn.sigmoid(m)[None, None, :]


def _run_mlp(x, anchors, ws1, bs1, ws2, bs2, ws3, bs3, wb1, bb1, wb2, bb2):
    bn = _B * _N
    nb = bn // _BLK
    full = lambda arr: pl.BlockSpec(arr.shape, lambda i: (0,) * arr.ndim)
    grid_spec = pltpu.PrefetchScalarGridSpec(
        num_scalar_prefetch=0,
        grid=(nb,),
        scratch_shapes=[pltpu.VMEM((_N, 4), jnp.float32)],
        in_specs=[
            pl.BlockSpec((_BLK, _D), lambda i: (i, 0)),
            full(anchors),
            full(ws1), full(bs1), full(ws2), full(bs2), full(ws3), full(bs3),
            full(wb1), full(bb1), full(wb2), full(bb2),
        ],
        out_specs=[
            pl.BlockSpec((_BLK, _C), lambda i: (i, 0)),
            pl.BlockSpec((_BLK, 4), lambda i: (i, 0)),
            pl.BlockSpec((1, 1, _BLK), lambda i: (i, 0, 0)),
        ],
    )
    return pl.pallas_call(
        _mlp_body,
        grid_spec=grid_spec,
        out_shape=[
            jax.ShapeDtypeStruct((bn, _C), jnp.float32),
            jax.ShapeDtypeStruct((bn, 4), jnp.float32),
            jax.ShapeDtypeStruct((nb, 1, _BLK), jnp.float32),
        ],
        compiler_params=pltpu.CompilerParams(
            dimension_semantics=("arbitrary",),
        ),
    )(x, anchors, ws1, bs1, ws2, bs2, ws3, bs3, wb1, bb1, wb2, bb2)


_L = 16
_SURV = 384
_SBUF = 416
_WPB = 8
_RSL = 48
_GCH = 40
_QP = 304


def _iota16():
    return lax.iota(jnp.int32, _L)


def _sget(vec, i):
    return jnp.sum(jnp.where(_iota16() == i, vec, 0))


def _sc_body(skey_hbm, feats_hbm, boxes_hbm, qc_hbm, qr_hbm,
             keys_v, hist_v, skc_v, sgc_v, tgc_v, sk_all, sg_all,
             st_idx0, st_idx1, st_idx2, st_val0, st_val1, st_val2,
             mr_idx, mr_val, meta_v, z_v,
             gidx_v, rows_v, idx4a, idx4b, brows_a, brows_b,
             sh_key, sh_gidx, sh_meta, sh_out, sem):
    c = lax.axis_index("c")
    s = lax.axis_index("s")
    b = 2 * c + s // _WPB
    w = s % _WPB
    slot = s // _WPB
    iot = _iota16()

    @pl.when(w == 0)
    def _leader():
        pltpu.sync_copy(skey_hbm.at[pl.ds(b * _N, _N)], keys_v)
        for j in range(_SURV // _L):
            z_v[pl.ds(j * _L, _L)] = jnp.zeros((_L,), jnp.int32)
        pltpu.sync_copy(z_v, sh_out.at[pl.ds(slot * _SURV, _SURV)])

        base = jnp.int32(0)
        need = jnp.int32(_Q)
        for p in range(4):
            sh_d = 24 - 8 * p

            def zero_body(j, _):
                for u in range(4):
                    hist_v[pl.ds((j * 4 + u) * _L, _L)] = jnp.zeros((_L,), jnp.int32)
                return 0
            lax.fori_loop(0, 64, zero_body, 0)

            def fill_body(j, _, base=base, p=p, sh_d=sh_d):
                for u in range(4):
                    kv = keys_v[pl.ds((j * 4 + u) * _L, _L)]
                    digit = (kv >> sh_d) & 0xFF
                    idx = digit * _L + iot
                    if p == 0:
                        plsc.addupdate_scatter(hist_v, [idx],
                                               jnp.ones((_L,), jnp.int32))
                    else:
                        elig = (kv >> (sh_d + 8)) == (base >> (sh_d + 8))
                        plsc.addupdate_scatter(
                            hist_v, [idx],
                            jnp.where(elig, 1, 0).astype(jnp.int32))
                return 0
            lax.fori_loop(0, _N // (4 * _L), fill_body, 0)

            def grp_body(g, gt_vec):
                acc = jnp.zeros((_L,), jnp.int32)
                for d in range(_L):
                    acc = acc + hist_v[pl.ds((g * _L + d) * _L, _L)]
                return jnp.where(iot == g, jnp.sum(acc), gt_vec)
            gt_vec = lax.fori_loop(0, _L, grp_body, jnp.zeros((_L,), jnp.int32))
            sfx_g = lax.rev(jnp.cumsum(lax.rev(gt_vec, (0,))), (0,))
            gstar = jnp.max(jnp.where(sfx_g >= need, iot, -1))
            need_g = need - (_sget(sfx_g, gstar) - _sget(gt_vec, gstar))

            def dt_body(d, dt_vec):
                row = hist_v[pl.ds((gstar * _L + d) * _L, _L)]
                return jnp.where(iot == d, jnp.sum(row), dt_vec)
            dt_vec = lax.fori_loop(0, _L, dt_body, jnp.zeros((_L,), jnp.int32))
            sfx_d = lax.rev(jnp.cumsum(lax.rev(dt_vec, (0,))), (0,))
            dstar = jnp.max(jnp.where(sfx_d >= need_g, iot, -1))
            need = need_g - (_sget(sfx_d, dstar) - _sget(dt_vec, dstar))
            base = base | ((gstar * _L + dstar) << sh_d)

        thr = base

        def coll_body(j, carry):
            for u in range(4):
                n_gt_v, n_eq_v = carry
                kv = keys_v[pl.ds((j * 4 + u) * _L, _L)]
                gv = jnp.full((_L,), b * _N + (j * 4 + u) * _L, jnp.int32) + iot
                m_gt = kv > thr
                pos = n_gt_v + jnp.cumsum(jnp.where(m_gt, 1, 0)) - 1
                pos = jnp.where(m_gt, pos, _SBUF - 1)
                plsc.store_scatter(skc_v, [pos], kv, mask=m_gt)
                plsc.store_scatter(sgc_v, [pos], gv, mask=m_gt)
                m_eq = kv == thr
                pos_eq = n_eq_v + jnp.cumsum(jnp.where(m_eq, 1, 0)) - 1
                m_eq_st = m_eq & (pos_eq < _Q + 20)
                pos_eq = jnp.where(m_eq_st, pos_eq, _SBUF - 1)
                plsc.store_scatter(tgc_v, [pos_eq], gv, mask=m_eq_st)
                carry = (n_gt_v + plsc.all_reduce_population_count(m_gt),
                         n_eq_v + plsc.all_reduce_population_count(m_eq))
            return carry
        n_gt_v, _n_eq_v = lax.fori_loop(
            0, _N // (4 * _L), coll_body,
            (jnp.zeros((_L,), jnp.int32), jnp.zeros((_L,), jnp.int32)))
        n_gt = jnp.sum(jnp.where(iot == 0, n_gt_v, 0))

        meta_v[...] = jnp.where(iot == 0, n_gt, 0) + jnp.where(iot == 1, need, 0)
        pltpu.sync_copy(meta_v, sh_meta.at[pl.ds(slot * _L, _L)])
        pltpu.sync_copy(skc_v.at[pl.ds(0, _SURV)], sh_key.at[pl.ds(slot * _SBUF, _SURV)])
        pltpu.sync_copy(sgc_v.at[pl.ds(0, _SURV)], sh_gidx.at[pl.ds(slot * _SBUF, _SURV)])

        dump = slot * _SURV + _SURV - _L + iot
        st_idx = (st_idx0, st_idx1, st_idx2)
        st_val = (st_val0, st_val1, st_val2)
        for t in range(_SURV // _L):
            posv = jnp.full((_L,), t * _L, jnp.int32) + iot
            r = jnp.where(posv < need, n_gt + posv + slot * _SURV, dump)
            st_idx[t // 8][pl.ds((t % 8) * _L, _L)] = r
            st_val[t // 8][pl.ds((t % 8) * _L, _L)] = tgc_v[pl.ds(t * _L, _L)]
        for j in range(3):
            pltpu.sync_copy(st_val[j], sh_out.at[st_idx[j]], add=True)

    plsc.subcore_barrier()

    pltpu.sync_copy(sh_meta.at[pl.ds(slot * _L, _L)], meta_v)
    c_gt = jnp.sum(jnp.where(iot == 0, meta_v[...], 0))
    pltpu.sync_copy(sh_key.at[pl.ds(slot * _SBUF, _SURV)], sk_all)
    pltpu.sync_copy(sh_gidx.at[pl.ds(slot * _SBUF, _SURV)], sg_all)
    nch = (c_gt + _L - 1) // _L
    dump = slot * _SURV + _SURV - _L + iot

    def chunk_body(t, _):
        cbase = w * _RSL + t * _L
        gv = sg_all[pl.ds(cbase, _L)]

        @pl.when(cbase < c_gt)
        def _():
            def elem_body(e, rvec):
                pe = jnp.full((_L,), cbase + e, jnp.int32)
                ke = plsc.load_gather(sk_all, [pe])
                ge = plsc.load_gather(sg_all, [pe])

                def cmp_body(j, acc):
                    for u in range(4):
                        sk = sk_all[pl.ds((j * 4 + u) * _L, _L)]
                        sg = sg_all[pl.ds((j * 4 + u) * _L, _L)]
                        posj = jnp.full((_L,), (j * 4 + u) * _L, jnp.int32) + iot
                        hit = (posj < c_gt) & ((sk > ke) | ((sk == ke) & (sg < ge)))
                        acc = acc + jnp.where(hit, 1, 0)
                    return acc
                acc = lax.fori_loop(0, _SURV // (4 * _L), cmp_body,
                                    jnp.zeros((_L,), jnp.int32))
                return jnp.where(iot == e, jnp.sum(acc), rvec)
            rvec = lax.fori_loop(0, _L, elem_body, jnp.zeros((_L,), jnp.int32))
            posv = jnp.full((_L,), cbase, jnp.int32) + iot
            mr_idx[pl.ds(t * _L, _L)] = jnp.where(
                posv < c_gt, rvec + slot * _SURV, dump)
            mr_val[pl.ds(t * _L, _L)] = gv

        @pl.when(cbase >= c_gt)
        def _():
            mr_idx[pl.ds(t * _L, _L)] = dump
            mr_val[pl.ds(t * _L, _L)] = jnp.zeros((_L,), jnp.int32)
        return 0
    lax.fori_loop(0, _RSL // _L, chunk_body, 0)
    pltpu.sync_copy(mr_val, sh_out.at[mr_idx], add=True)
    plsc.subcore_barrier()

    qbase = b * _QP + w * _GCH
    lbase = slot * _SURV + w * _GCH
    pltpu.sync_copy(sh_out.at[pl.ds(lbase, _GCH)], gidx_v)
    pltpu.async_copy(feats_hbm.at[gidx_v], rows_v, sem).wait()
    for t in range(10):
        p = jnp.full((_L,), t * _L, jnp.int32) + iot
        rowvals = plsc.load_gather(gidx_v, [p >> 2])
        ev = rowvals * 4 + (p & 3)
        if t < 5:
            idx4a[pl.ds(t * _L, _L)] = ev
        else:
            idx4b[pl.ds((t - 5) * _L, _L)] = ev
    pltpu.async_copy(boxes_hbm.at[idx4a], brows_a, sem).wait()
    pltpu.async_copy(boxes_hbm.at[idx4b], brows_b, sem).wait()
    qb4 = qbase * 4

    @pl.when(w < _WPB - 1)
    def _():
        pltpu.sync_copy(rows_v, qc_hbm.at[pl.ds(qbase, _GCH)])
        pltpu.sync_copy(brows_a, qr_hbm.at[pl.ds(qb4, 80)])
        pltpu.sync_copy(brows_b, qr_hbm.at[pl.ds(qb4 + 80, 80)])

    @pl.when(w == _WPB - 1)
    def _():
        last = _QP - (_WPB - 1) * _GCH
        pltpu.sync_copy(rows_v.at[pl.ds(0, last)], qc_hbm.at[pl.ds(qbase, last)])
        pltpu.sync_copy(brows_a, qr_hbm.at[pl.ds(qb4, 80)])
        pltpu.sync_copy(brows_b.at[pl.ds(0, last * 4 - 80)],
                        qr_hbm.at[pl.ds(qb4 + 80, last * 4 - 80)])


def _run_sc_topk(skey_flat, feats2d, boxes2d):
    mesh = plsc.VectorSubcoreMesh(core_axis_name="c", subcore_axis_name="s")
    fn = pl.kernel(
        _sc_body,
        mesh=mesh,
        out_type=[
            jax.ShapeDtypeStruct((_B * _QP, _D), jnp.float32),
            jax.ShapeDtypeStruct((_B * _QP * 4,), jnp.float32),
        ],
        scratch_types=[
            pltpu.VMEM((_N,), jnp.int32),
            pltpu.VMEM((4096,), jnp.int32),
            pltpu.VMEM((_SBUF,), jnp.int32),
            pltpu.VMEM((_SBUF,), jnp.int32),
            pltpu.VMEM((_SBUF,), jnp.int32),
            pltpu.VMEM((_SURV,), jnp.int32),
            pltpu.VMEM((_SURV,), jnp.int32),
            pltpu.VMEM((128,), jnp.int32),
            pltpu.VMEM((128,), jnp.int32),
            pltpu.VMEM((128,), jnp.int32),
            pltpu.VMEM((128,), jnp.int32),
            pltpu.VMEM((128,), jnp.int32),
            pltpu.VMEM((128,), jnp.int32),
            pltpu.VMEM((_RSL,), jnp.int32),
            pltpu.VMEM((_RSL,), jnp.int32),
            pltpu.VMEM((_L,), jnp.int32),
            pltpu.VMEM((_SURV,), jnp.int32),
            pltpu.VMEM((_GCH,), jnp.int32),
            pltpu.VMEM((_GCH, _D), jnp.float32),
            pltpu.VMEM((80,), jnp.int32),
            pltpu.VMEM((80,), jnp.int32),
            pltpu.VMEM((80,), jnp.float32),
            pltpu.VMEM((80,), jnp.float32),
            pltpu.VMEM_SHARED((2 * _SBUF,), jnp.int32),
            pltpu.VMEM_SHARED((2 * _SBUF,), jnp.int32),
            pltpu.VMEM_SHARED((2 * _L,), jnp.int32),
            pltpu.VMEM_SHARED((2 * _SURV,), jnp.int32),
            pltpu.SemaphoreType.DMA,
        ],
        compiler_params=pltpu.CompilerParams(needs_layout_passes=False, use_tc_tiling_on_sc=True),
    )
    return fn(skey_flat, feats2d, boxes2d)


def kernel(flat_feats, flat_anchors, Ws1, bs1, Ws2, bs2, Ws3, bs3, Wb1, bb1, Wb2, bb2):
    bn = _B * _N
    x = flat_feats.reshape(bn, _D)
    logits, boxes, scores = _run_mlp(
        x, flat_anchors,
        Ws1, bs1.reshape(1, -1), Ws2, bs2.reshape(1, -1), Ws3, bs3.reshape(1, -1),
        Wb1, bb1.reshape(1, -1), Wb2, bb2.reshape(1, -1))
    enc_logits = logits.reshape(_B, _N, _C)
    enc_boxes = boxes.reshape(_B, _N, 4)
    s = scores.reshape(_B, _N)
    skey_flat = jax.lax.bitcast_convert_type(s, jnp.int32).reshape(bn)
    qc, qr = _run_sc_topk(skey_flat, x, boxes.reshape(-1))
    query_content = qc.reshape(_B, _QP, _D)[:, :_Q]
    query_ref_pts = qr.reshape(_B, _QP, 4)[:, :_Q]
    return (query_content, query_ref_pts, enc_logits, enc_boxes)

# --- scband reference (transcript-rebuilt; emitter-appended) ---
"""Pipeline reference for scband-proposal-network-24627342475372 (READ-ONLY COPY).

The authoritative reference and input builder live on the scoring server;
editing this copy changes nothing except your own understanding.
"""

import jax, jax.numpy as jnp
import numpy as np

B, N, D, C, Q = 4, 8192, 256, 91, 300


def _linear_params(k, fan_in, fan_out):
    kw, kb = jax.random.split(k)
    s = 1.0 / np.sqrt(fan_in)
    W = jax.random.uniform(kw, (fan_in, fan_out), minval=-s, maxval=s, dtype=jnp.float32)
    b = jax.random.uniform(kb, (fan_out,), minval=-s, maxval=s, dtype=jnp.float32)
    return W, b


def setup_inputs(seed: int = 0) -> dict:
    key = jax.random.key(seed)
    ks = jax.random.split(key, 7)
    flat_feats = jax.random.normal(ks[0], (B, N, D), dtype=jnp.float32)
    flat_anchors = jax.random.uniform(ks[1], (N, 4), dtype=jnp.float32)
    Ws1, bs1 = _linear_params(ks[2], D, D)
    Ws2, bs2 = _linear_params(ks[3], D, D)
    Ws3, bs3 = _linear_params(ks[4], D, C)
    Wb1, bb1 = _linear_params(ks[5], D, D)
    Wb2, bb2 = _linear_params(ks[6], D, 4)
    return {
        'flat_feats': flat_feats, 'flat_anchors': flat_anchors,
        'Ws1': Ws1, 'bs1': bs1, 'Ws2': Ws2, 'bs2': bs2, 'Ws3': Ws3, 'bs3': bs3,
        'Wb1': Wb1, 'bb1': bb1, 'Wb2': Wb2, 'bb2': bb2,
    }


def _inv_sigmoid(x):
    x = jnp.clip(x, 1e-06, 1 - 1e-06)
    return jnp.log(x / (1 - x))


def reference(flat_feats, flat_anchors, Ws1, bs1, Ws2, bs2, Ws3, bs3, Wb1, bb1, Wb2, bb2):
    # score_head: 3-layer MLP
    h = jax.nn.relu(flat_feats @ Ws1 + bs1)
    h = jax.nn.relu(h @ Ws2 + bs2)
    enc_logits = h @ Ws3 + bs3
    # bbox_head: 2-layer MLP
    g = jax.nn.relu(flat_feats @ Wb1 + bb1)
    delta = g @ Wb2 + bb2
    enc_boxes = jax.nn.sigmoid(_inv_sigmoid(flat_anchors)[None, :, :] + delta)
    # top-k selection under no_grad
    scores = jax.lax.stop_gradient(jnp.max(jax.nn.sigmoid(enc_logits), axis=-1))
    _, topk_indices = jax.lax.top_k(scores, Q)  # (B, Q)
    idx = topk_indices[:, :, None]
    query_content = jnp.take_along_axis(flat_feats, idx, axis=1)  # (B, Q, D)
    query_ref_pts = jnp.take_along_axis(enc_boxes, idx, axis=1)   # (B, Q, 4)
    return (query_content, query_ref_pts, enc_logits, enc_boxes)

if __name__ == "__main__":
    import jax
    _d = setup_inputs()
    print(jax.jit(kernel)(*tuple(_d.values())))

</pallas_src>

<mosaic_0001>
#map = affine_map<(d0, d1) -> (0)>
#map1 = affine_map<(d0, d1) -> (0, 0)>
module attributes {stable_mosaic.version = 14 : i64} {
  func.func @_sc_body(%arg0: i32, %arg1: i32, %arg2: memref<32768xi32, #tpu.memory_space<hbm>>, %arg3: memref<32768x256xf32, #tpu.memory_space<hbm>>, %arg4: memref<131072xf32, #tpu.memory_space<hbm>>, %arg5: memref<1216x256xf32, #tpu.memory_space<hbm>>, %arg6: memref<4864xf32, #tpu.memory_space<hbm>>, %arg7: memref<8192xi32, #tpu.memory_space<vmem>>, %arg8: memref<4096xi32, #tpu.memory_space<vmem>>, %arg9: memref<416xi32, #tpu.memory_space<vmem>>, %arg10: memref<416xi32, #tpu.memory_space<vmem>>, %arg11: memref<416xi32, #tpu.memory_space<vmem>>, %arg12: memref<384xi32, #tpu.memory_space<vmem>>, %arg13: memref<384xi32, #tpu.memory_space<vmem>>, %arg14: memref<128xi32, #tpu.memory_space<vmem>>, %arg15: memref<128xi32, #tpu.memory_space<vmem>>, %arg16: memref<128xi32, #tpu.memory_space<vmem>>, %arg17: memref<128xi32, #tpu.memory_space<vmem>>, %arg18: memref<128xi32, #tpu.memory_space<vmem>>, %arg19: memref<128xi32, #tpu.memory_space<vmem>>, %arg20: memref<48xi32, #tpu.memory_space<vmem>>, %arg21: memref<48xi32, #tpu.memory_space<vmem>>, %arg22: memref<16xi32, #tpu.memory_space<vmem>>, %arg23: memref<384xi32, #tpu.memory_space<vmem>>, %arg24: memref<40xi32, #tpu.memory_space<vmem>>, %arg25: memref<40x256xf32, #tpu.memory_space<vmem>>, %arg26: memref<80xi32, #tpu.memory_space<vmem>>, %arg27: memref<80xi32, #tpu.memory_space<vmem>>, %arg28: memref<80xf32, #tpu.memory_space<vmem>>, %arg29: memref<80xf32, #tpu.memory_space<vmem>>, %arg30: memref<832xi32, #tpu.memory_space<vmem_shared>>, %arg31: memref<832xi32, #tpu.memory_space<vmem_shared>>, %arg32: memref<32xi32, #tpu.memory_space<vmem_shared>>, %arg33: memref<768xi32, #tpu.memory_space<vmem_shared>>, %arg34: memref<!tpu.dma_semaphore, #tpu.memory_space<semaphore_mem>>) attributes {dimension_semantics = [#tpu.dimension_semantics<core_parallel>, #tpu.dimension_semantics<subcore_parallel>], iteration_bounds = array<i64: 2, 16>, scalar_prefetch = 0 : i64, scratch_operands = 28 : i64, tpu.core_type = #tpu.core_type<sc_vector_subcore>, window_params = [{transform_indices = #map}, {transform_indices = #map1}, {transform_indices = #map}, {transform_indices = #map1}, {transform_indices = #map}]} {
    %mul3A = arith.constant 2 : i32
    %mul3A_0 = arith.muli %mul3A, %arg0 : i32
    %jit3A = arith.constant 8 : i32
    %div3A = arith.divsi %arg1, %jit3A : i32
    %sign3A = arith.constant 0 : i32
    %sign3A_1 = arith.cmpi sgt, %arg1, %sign3A : i32
    %sign3A_2 = arith.extui %sign3A_1 : i1 to i32
    %sign3A_3 = arith.constant 0 : i32
    %sign3A_4 = arith.cmpi slt, %arg1, %sign3A_3 : i32
    %sign3A_5 = arith.extui %sign3A_4 : i1 to i32
    %sign3A_6 = arith.subi %sign3A_2, %sign3A_5 : i32
    %sign3A_7 = arith.constant 0 : i32
    %sign3A_8 = arith.cmpi sgt, %jit3A, %sign3A_7 : i32
    %sign3A_9 = arith.extui %sign3A_8 : i1 to i32
    %sign3A_10 = arith.constant 0 : i32
    %sign3A_11 = arith.cmpi slt, %jit3A, %sign3A_10 : i32
    %sign3A_12 = arith.extui %sign3A_11 : i1 to i32
    %sign3A_13 = arith.subi %sign3A_9, %sign3A_12 : i32
    %ne3A = arith.cmpi ne, %sign3A_6, %sign3A_13 : i32
    %rem3A = arith.remsi %arg1, %jit3A : i32
    %ne3A_14 = arith.constant 0 : i32
    %ne3A_15 = arith.cmpi ne, %rem3A, %ne3A_14 : i32
    %and3A = arith.andi %ne3A, %ne3A_15 : i1
    %sub3A = arith.constant 1 : i32
    %sub3A_16 = arith.subi %div3A, %sub3A : i32
    %select_n3A = arith.select %and3A, %sub3A_16, %div3A : i32
    %add3A = arith.addi %mul3A_0, %select_n3A : i32
    %jit3A_17 = arith.constant 8 : i32
    %eq3A = arith.constant 0 : i32
    %eq3A_18 = arith.cmpi eq, %jit3A_17, %eq3A : i32
    %jit3A_19 = arith.constant 1 : i32
    %select_n3A_20 = arith.select %eq3A_18, %jit3A_19, %jit3A_17 : i32
    %rem3A_21 = arith.remsi %arg1, %select_n3A_20 : i32
    %ne3A_22 = arith.constant 0 : i32
    %ne3A_23 = arith.cmpi ne, %rem3A_21, %ne3A_22 : i32
    %lt3A = arith.constant 0 : i32
    %lt3A_24 = arith.cmpi slt, %rem3A_21, %lt3A : i32
    %lt3A_25 = arith.constant 0 : i32
    %lt3A_26 = arith.cmpi slt, %select_n3A_20, %lt3A_25 : i32
    %ne3A_27 = arith.xori %lt3A_24, %lt3A_26 : i1
    %and3A_28 = arith.andi %ne3A_27, %ne3A_23 : i1
    %add3A_29 = arith.addi %rem3A_21, %select_n3A_20 : i32
    %select_n3A_30 = arith.select %and3A_28, %add3A_29, %rem3A_21 : i32
    %jit3A_31 = arith.constant 8 : i32
    %div3A_32 = arith.divsi %arg1, %jit3A_31 : i32
    %sign3A_33 = arith.constant 0 : i32
    %sign3A_34 = arith.cmpi sgt, %arg1, %sign3A_33 : i32
    %sign3A_35 = arith.extui %sign3A_34 : i1 to i32
    %sign3A_36 = arith.constant 0 : i32
    %sign3A_37 = arith.cmpi slt, %arg1, %sign3A_36 : i32
    %sign3A_38 = arith.extui %sign3A_37 : i1 to i32
    %sign3A_39 = arith.subi %sign3A_35, %sign3A_38 : i32
    %sign3A_40 = arith.constant 0 : i32
    %sign3A_41 = arith.cmpi sgt, %jit3A_31, %sign3A_40 : i32
    %sign3A_42 = arith.extui %sign3A_41 : i1 to i32
    %sign3A_43 = arith.constant 0 : i32
    %sign3A_44 = arith.cmpi slt, %jit3A_31, %sign3A_43 : i32
    %sign3A_45 = arith.extui %sign3A_44 : i1 to i32
    %sign3A_46 = arith.subi %sign3A_42, %sign3A_45 : i32
    %ne3A_47 = arith.cmpi ne, %sign3A_39, %sign3A_46 : i32
    %rem3A_48 = arith.remsi %arg1, %jit3A_31 : i32
    %ne3A_49 = arith.constant 0 : i32
    %ne3A_50 = arith.cmpi ne, %rem3A_48, %ne3A_49 : i32
    %and3A_51 = arith.andi %ne3A_47, %ne3A_50 : i1
    %sub3A_52 = arith.constant 1 : i32
    %sub3A_53 = arith.subi %div3A_32, %sub3A_52 : i32
    %select_n3A_54 = arith.select %and3A_51, %sub3A_53, %div3A_32 : i32
    %iota3A = tpu.iota {dimensions = array<i32: 0>} : vector<16xi32>
    %eq3A_55 = arith.constant 0 : i32
    %eq3A_56 = arith.cmpi eq, %select_n3A_30, %eq3A_55 : i32
    %convert_element_type3A = arith.extui %eq3A_56 : i1 to i32
    %cond3A = arith.constant 0 : i32
    %cond3A_57 = arith.cmpi ne, %convert_element_type3A, %cond3A : i32
    scf.if %cond3A_57 {
      %mul3A_307 = arith.constant 8192 : i32
      %mul3A_308 = arith.muli %add3A, %mul3A_307 : i32
      "tpu.region"() ({
        %run_scoped3A = tpu.sem_alloc : memref<!tpu.dma_semaphore, #tpu.memory_space<semaphore_mem>>
        %dma_start3A_1415 = tpu.memref_slice %arg2[%mul3A_308] : memref<32768xi32, #tpu.memory_space<hbm>> -> memref<8192xi32, #tpu.memory_space<hbm>>
        %dma_start3A_1416 = tpu.memref_slice %arg2[%mul3A_308] : memref<32768xi32, #tpu.memory_space<hbm>> -> memref<8192xi32, #tpu.memory_space<hbm>>
        tpu.enqueue_dma source(%dma_start3A_1416 : memref<8192xi32, #tpu.memory_space<hbm>>) target(%arg7 : memref<8192xi32, #tpu.memory_space<vmem>>) target_semaphore(%run_scoped3A : memref<!tpu.dma_semaphore, #tpu.memory_space<semaphore_mem>>)
        %dma_wait3A_1417 = tpu.memref_slice %arg2[%mul3A_308] : memref<32768xi32, #tpu.memory_space<hbm>> -> memref<8192xi32, #tpu.memory_space<hbm>>
        %dma_wait3A_1418 = tpu.memref_slice %arg2[%mul3A_308] : memref<32768xi32, #tpu.memory_space<hbm>> -> memref<8192xi32, #tpu.memory_space<hbm>>
        tpu.wait_dma2 semaphore(%run_scoped3A : memref<!tpu.dma_semaphore, #tpu.memory_space<semaphore_mem>>) src(%dma_wait3A_1418 : memref<8192xi32, #tpu.memory_space<hbm>>) dst(%arg7 : memref<8192xi32, #tpu.memory_space<vmem>>)
        tpu.yield
      }) : () -> ()
      %broadcast_in_dim3A_309 = arith.constant 0 : i32
      %broadcast_in_dim3A_310 = vector.broadcast %broadcast_in_dim3A_309 : i32 to vector<16xi32>
      %swap3A_311 = arith.constant 0 : index
      %swap3A_312 = tpu.vector_load %arg23[%swap3A_311] {strides = array<i32>} : memref<384xi32, #tpu.memory_space<vmem>>, vector<16xi32>,
      tpu.vector_store %arg23[%swap3A_311], %broadcast_in_dim3A_310 {strides = array<i32>} : memref<384xi32, #tpu.memory_space<vmem>>, vector<16xi32>,
      %broadcast_in_dim3A_313 = arith.constant 0 : i32
      %broadcast_in_dim3A_314 = vector.broadcast %broadcast_in_dim3A_313 : i32 to vector<16xi32>
      %swap3A_315 = arith.constant 16 : index
      %swap3A_316 = tpu.vector_load %arg23[%swap3A_315] {strides = array<i32>} : memref<384xi32, #tpu.memory_space<vmem>>, vector<16xi32>,
      tpu.vector_store %arg23[%swap3A_315], %broadcast_in_dim3A_314 {strides = array<i32>} : memref<384xi32, #tpu.memory_space<vmem>>, vector<16xi32>,
      %broadcast_in_dim3A_317 = arith.constant 0 : i32
      %broadcast_in_dim3A_318 = vector.broadcast %broadcast_in_dim3A_317 : i32 to vector<16xi32>
      %swap3A_319 = arith.constant 32 : index
      %swap3A_320 = tpu.vector_load %arg23[%swap3A_319] {strides = array<i32>} : memref<384xi32, #tpu.memory_space<vmem>>, vector<16xi32>,
      tpu.vector_store %arg23[%swap3A_319], %broadcast_in_dim3A_318 {strides = array<i32>} : memref<384xi32, #tpu.memory_space<vmem>>, vector<16xi32>,
      %broadcast_in_dim3A_321 = arith.constant 0 : i32
      %broadcast_in_dim3A_322 = vector.broadcast %broadcast_in_dim3A_321 : i32 to vector<16xi32>
      %swap3A_323 = arith.constant 48 : index
      %swap3A_324 = tpu.vector_load %arg23[%swap3A_323] {strides = array<i32>} : memref<384xi32, #tpu.memory_space<vmem>>, vector<16xi32>,
      tpu.vector_store %arg23[%swap3A_323], %broadcast_in_dim3A_322 {strides = array<i32>} : memref<384xi32, #tpu.memory_space<vmem>>, vector<16xi32>,
      %broadcast_in_dim3A_325 = arith.constant 0 : i32
      %broadcast_in_dim3A_326 = vector.broadcast %broadcast_in_dim3A_325 : i32 to vector<16xi32>
      %swap3A_327 = arith.constant 64 : index
      %swap3A_328 = tpu.vector_load %arg23[%swap3A_327] {strides = array<i32>} : memref<384xi32, #tpu.memory_space<vmem>>, vector<16xi32>,
      tpu.vector_store %arg23[%swap3A_327], %broadcast_in_dim3A_326 {strides = array<i32>} : memref<384xi32, #tpu.memory_space<vmem>>, vector<16xi32>,
      %broadcast_in_dim3A_329 = arith.constant 0 : i32
      %broadcast_in_dim3A_330 = vector.broadcast %broadcast_in_dim3A_329 : i32 to vector<16xi32>
      %swap3A_331 = arith.constant 80 : index
      %swap3A_332 = tpu.vector_load %arg23[%swap3A_331] {strides = array<i32>} : memref<384xi32, #tpu.memory_space<vmem>>, vector<16xi32>,
      tpu.vector_store %arg23[%swap3A_331], %broadcast_in_dim3A_330 {strides = array<i32>} : memref<384xi32, #tpu.memory_space<vmem>>, vector<16xi32>,
      %broadcast_in_dim3A_333 = arith.constant 0 : i32
      %broadcast_in_dim3A_334 = vector.broadcast %broadcast_in_dim3A_333 : i32 to vector<16xi32>
      %swap3A_335 = arith.constant 96 : index
      %swap3A_336 = tpu.vector_load %arg23[%swap3A_335] {strides = array<i32>} : memref<384xi32, #tpu.memory_space<vmem>>, vector<16xi32>,
      tpu.vector_store %arg23[%swap3A_335], %broadcast_in_dim3A_334 {strides = array<i32>} : memref<384xi32, #tpu.memory_space<vmem>>, vector<16xi32>,
      %broadcast_in_dim3A_337 = arith.constant 0 : i32
      %broadcast_in_dim3A_338 = vector.broadcast %broadcast_in_dim3A_337 : i32 to vector<16xi32>
      %swap3A_339 = arith.constant 112 : index
      %swap3A_340 = tpu.vector_load %arg23[%swap3A_339] {strides = array<i32>} : memref<384xi32, #tpu.memory_space<vmem>>, vector<16xi32>,
      tpu.vector_store %arg23[%swap3A_339], %broadcast_in_dim3A_338 {strides = array<i32>} : memref<384xi32, #tpu.memory_space<vmem>>, vector<16xi32>,
      %broadcast_in_dim3A_341 = arith.constant 0 : i32
      %broadcast_in_dim3A_342 = vector.broadcast %broadcast_in_dim3A_341 : i32 to vector<16xi32>
      %swap3A_343 = arith.constant 128 : index
      %swap3A_344 = tpu.vector_load %arg23[%swap3A_343] {strides = array<i32>} : memref<384xi32, #tpu.memory_space<vmem>>, vector<16xi32>,
      tpu.vector_store %arg23[%swap3A_343], %broadcast_in_dim3A_342 {strides = array<i32>} : memref<384xi32, #tpu.memory_space<vmem>>, vector<16xi32>,
      %broadcast_in_dim3A_345 = arith.constant 0 : i32
      %broadcast_in_dim3A_346 = vector.broadcast %broadcast_in_dim3A_345 : i32 to vector<16xi32>
      %swap3A_347 = arith.constant 144 : index
      %swap3A_348 = tpu.vector_load %arg23[%swap3A_347] {strides = array<i32>} : memref<384xi32, #tpu.memory_space<vmem>>, vector<16xi32>,
      tpu.vector_store %arg23[%swap3A_347], %broadcast_in_dim3A_346 {strides = array<i32>} : memref<384xi32, #tpu.memory_space<vmem>>, vector<16xi32>,
      %broadcast_in_dim3A_349 = arith.constant 0 : i32
      %broadcast_in_dim3A_350 = vector.broadcast %broadcast_in_dim3A_349 : i32 to vector<16xi32>
      %swap3A_351 = arith.constant 160 : index
      %swap3A_352 = tpu.vector_load %arg23[%swap3A_351] {strides = array<i32>} : memref<384xi32, #tpu.memory_space<vmem>>, vector<16xi32>,
      tpu.vector_store %arg23[%swap3A_351], %broadcast_in_dim3A_350 {strides = array<i32>} : memref<384xi32, #tpu.memory_space<vmem>>, vector<16xi32>,
      %broadcast_in_dim3A_353 = arith.constant 0 : i32
      %broadcast_in_dim3A_354 = vector.broadcast %broadcast_in_dim3A_353 : i32 to vector<16xi32>
      %swap3A_355 = arith.constant 176 : index
      %swap3A_356 = tpu.vector_load %arg23[%swap3A_355] {strides = array<i32>} : memref<384xi32, #tpu.memory_space<vmem>>, vector<16xi32>,
      tpu.vector_store %arg23[%swap3A_355], %broadcast_in_dim3A_354 {strides = array<i32>} : memref<384xi32, #tpu.memory_space<vmem>>, vector<16xi32>,
      %broadcast_in_dim3A_357 = arith.constant 0 : i32
      %broadcast_in_dim3A_358 = vector.broadcast %broadcast_in_dim3A_357 : i32 to vector<16xi32>
      %swap3A_359 = arith.constant 192 : index
      %swap3A_360 = tpu.vector_load %arg23[%swap3A_359] {strides = array<i32>} : memref<384xi32, #tpu.memory_space<vmem>>, vector<16xi32>,
      tpu.vector_store %arg23[%swap3A_359], %broadcast_in_dim3A_358 {strides = array<i32>} : memref<384xi32, #tpu.memory_space<vmem>>, vector<16xi32>,
      %broadcast_in_dim3A_361 = arith.constant 0 : i32
      %broadcast_in_dim3A_362 = vector.broadcast %broadcast_in_dim3A_361 : i32 to vector<16xi32>
      %swap3A_363 = arith.constant 208 : index
      %swap3A_364 = tpu.vector_load %arg23[%swap3A_363] {strides = array<i32>} : memref<384xi32, #tpu.memory_space<vmem>>, vector<16xi32>,
      tpu.vector_store %arg23[%swap3A_363], %broadcast_in_dim3A_362 {strides = array<i32>} : memref<384xi32, #tpu.memory_space<vmem>>, vector<16xi32>,
      %broadcast_in_dim3A_365 = arith.constant 0 : i32
      %broadcast_in_dim3A_366 = vector.broadcast %broadcast_in_dim3A_365 : i32 to vector<16xi32>
      %swap3A_367 = arith.constant 224 : index
      %swap3A_368 = tpu.vector_load %arg23[%swap3A_367] {strides = array<i32>} : memref<384xi32, #tpu.memory_space<vmem>>, vector<16xi32>,
      tpu.vector_store %arg23[%swap3A_367], %broadcast_in_dim3A_366 {strides = array<i32>} : memref<384xi32, #tpu.memory_space<vmem>>, vector<16xi32>,
      %broadcast_in_dim3A_369 = arith.constant 0 : i32
      %broadcast_in_dim3A_370 = vector.broadcast %broadcast_in_dim3A_369 : i32 to vector<16xi32>
      %swap3A_371 = arith.constant 240 : index
      %swap3A_372 = tpu.vector_load %arg23[%swap3A_371] {strides = array<i32>} : memref<384xi32, #tpu.memory_space<vmem>>, vector<16xi32>,
      tpu.vector_store %arg23[%swap3A_371], %broadcast_in_dim3A_370 {strides = array<i32>} : memref<384xi32, #tpu.memory_space<vmem>>, vector<16xi32>,
      %broadcast_in_dim3A_373 = arith.constant 0 : i32
      %broadcast_in_dim3A_374 = vector.broadcast %broadcast_in_dim3A_373 : i32 to vector<16xi32>
      %swap3A_375 = arith.constant 256 : index
      %swap3A_376 = tpu.vector_load %arg23[%swap3A_375] {strides = array<i32>} : memref<384xi32, #tpu.memory_space<vmem>>, vector<16xi32>,
      tpu.vector_store %arg23[%swap3A_375], %broadcast_in_dim3A_374 {strides = array<i32>} : memref<384xi32, #tpu.memory_space<vmem>>, vector<16xi32>,
      %broadcast_in_dim3A_377 = arith.constant 0 : i32
      %broadcast_in_dim3A_378 = vector.broadcast %broadcast_in_dim3A_377 : i32 to vector<16xi32>
      %swap3A_379 = arith.constant 272 : index
      %swap3A_380 = tpu.vector_load %arg23[%swap3A_379] {strides = array<i32>} : memref<384xi32, #tpu.memory_space<vmem>>, vector<16xi32>,
      tpu.vector_store %arg23[%swap3A_379], %broadcast_in_dim3A_378 {strides = array<i32>} : memref<384xi32, #tpu.memory_space<vmem>>, vector<16xi32>,
      %broadcast_in_dim3A_381 = arith.constant 0 : i32
      %broadcast_in_dim3A_382 = vector.broadcast %broadcast_in_dim3A_381 : i32 to vector<16xi32>
      %swap3A_383 = arith.constant 288 : index
      %swap3A_384 = tpu.vector_load %arg23[%swap3A_383] {strides = array<i32>} : memref<384xi32, #tpu.memory_space<vmem>>, vector<16xi32>,
      tpu.vector_store %arg23[%swap3A_383], %broadcast_in_dim3A_382 {strides = array<i32>} : memref<384xi32, #tpu.memory_space<vmem>>, vector<16xi32>,
      %broadcast_in_dim3A_385 = arith.constant 0 : i32
      %broadcast_in_dim3A_386 = vector.broadcast %broadcast_in_dim3A_385 : i32 to vector<16xi32>
      %swap3A_387 = arith.constant 304 : index
      %swap3A_388 = tpu.vector_load %arg23[%swap3A_387] {strides = array<i32>} : memref<384xi32, #tpu.memory_space<vmem>>, vector<16xi32>,
      tpu.vector_store %arg23[%swap3A_387], %broadcast_in_dim3A_386 {strides = array<i32>} : memref<384xi32, #tpu.memory_space<vmem>>, vector<16xi32>,
      %broadcast_in_dim3A_389 = arith.constant 0 : i32
      %broadcast_in_dim3A_390 = vector.broadcast %broadcast_in_dim3A_389 : i32 to vector<16xi32>
      %swap3A_391 = arith.constant 320 : index
      %swap3A_392 = tpu.vector_load %arg23[%swap3A_391] {strides = array<i32>} : memref<384xi32, #tpu.memory_space<vmem>>, vector<16xi32>,
      tpu.vector_store %arg23[%swap3A_391], %broadcast_in_dim3A_390 {strides = array<i32>} : memref<384xi32, #tpu.memory_space<vmem>>, vector<16xi32>,
      %broadcast_in_dim3A_393 = arith.constant 0 : i32
      %broadcast_in_dim3A_394 = vector.broadcast %broadcast_in_dim3A_393 : i32 to vector<16xi32>
      %swap3A_395 = arith.constant 336 : index
      %swap3A_396 = tpu.vector_load %arg23[%swap3A_395] {strides = array<i32>} : memref<384xi32, #tpu.memory_space<vmem>>, vector<16xi32>,
      tpu.vector_store %arg23[%swap3A_395], %broadcast_in_dim3A_394 {strides = array<i32>} : memref<384xi32, #tpu.memory_space<vmem>>, vector<16xi32>,
      %broadcast_in_dim3A_397 = arith.constant 0 : i32
      %broadcast_in_dim3A_398 = vector.broadcast %broadcast_in_dim3A_397 : i32 to vector<16xi32>
      %swap3A_399 = arith.constant 352 : index
      %swap3A_400 = tpu.vector_load %arg23[%swap3A_399] {strides = array<i32>} : memref<384xi32, #tpu.memory_space<vmem>>, vector<16xi32>,
      tpu.vector_store %arg23[%swap3A_399], %broadcast_in_dim3A_398 {strides = array<i32>} : memref<384xi32, #tpu.memory_space<vmem>>, vector<16xi32>,
      %broadcast_in_dim3A_401 = arith.constant 0 : i32
      %broadcast_in_dim3A_402 = vector.broadcast %broadcast_in_dim3A_401 : i32 to vector<16xi32>
      %swap3A_403 = arith.constant 368 : index
      %swap3A_404 = tpu.vector_load %arg23[%swap3A_403] {strides = array<i32>} : memref<384xi32, #tpu.memory_space<vmem>>, vector<16xi32>,
      tpu.vector_store %arg23[%swap3A_403], %broadcast_in_dim3A_402 {strides = array<i32>} : memref<384xi32, #tpu.memory_space<vmem>>, vector<16xi32>,
      %mul3A_405 = arith.constant 384 : i32
      %mul3A_406 = arith.muli %select_n3A_54, %mul3A_405 : i32
      "tpu.region"() ({
        %run_scoped3A = tpu.sem_alloc : memref<!tpu.dma_semaphore, #tpu.memory_space<semaphore_mem>>
        %dma_start3A_1415 = tpu.memref_slice %arg33[%mul3A_406] : memref<768xi32, #tpu.memory_space<vmem_shared>> -> memref<384xi32, #tpu.memory_space<vmem_shared>>
        %dma_start3A_1416 = tpu.memref_slice %arg33[%mul3A_406] : memref<768xi32, #tpu.memory_space<vmem_shared>> -> memref<384xi32, #tpu.memory_space<vmem_shared>>
        tpu.enqueue_dma source(%arg23 : memref<384xi32, #tpu.memory_space<vmem>>) target(%dma_start3A_1416 : memref<384xi32, #tpu.memory_space<vmem_shared>>) target_semaphore(%run_scoped3A : memref<!tpu.dma_semaphore, #tpu.memory_space<semaphore_mem>>)
        %dma_wait3A_1417 = tpu.memref_slice %arg33[%mul3A_406] : memref<768xi32, #tpu.memory_space<vmem_shared>> -> memref<384xi32, #tpu.memory_space<vmem_shared>>
        %dma_wait3A_1418 = tpu.memref_slice %arg33[%mul3A_406] : memref<768xi32, #tpu.memory_space<vmem_shared>> -> memref<384xi32, #tpu.memory_space<vmem_shared>>
        tpu.wait_dma2 semaphore(%run_scoped3A : memref<!tpu.dma_semaphore, #tpu.memory_space<semaphore_mem>>) src(%arg23 : memref<384xi32, #tpu.memory_space<vmem>>) dst(%dma_wait3A_1418 : memref<384xi32, #tpu.memory_space<vmem_shared>>)
        tpu.yield
      }) : () -> ()
      %scan3A_407 = arith.constant 0 : i32
      %scan3A_408 = arith.constant 0 : i32
      %scan3A_409 = arith.constant 64 : i32
      %scan3A_410 = arith.addi %scan3A_408, %scan3A_409 : i32
      %scan3A_411 = arith.constant 1 : i32
      %scan3A_412 = scf.for %scan3A_1415 = %scan3A_408 to %scan3A_410 step %scan3A_411 iter_args(%scan3A_1416 = %scan3A_407) -> (i32)  : i32 {
        %broadcast_in_dim3A_1417 = arith.constant 0 : i32
        %broadcast_in_dim3A_1418 = vector.broadcast %broadcast_in_dim3A_1417 : i32 to vector<16xi32>
        %mul3A_1419 = arith.constant 4 : i32
        %mul3A_1420 = arith.muli %scan3A_1415, %mul3A_1419 : i32
        %add3A_1421 = arith.constant 0 : i32
        %add3A_1422 = arith.addi %mul3A_1420, %add3A_1421 : i32
        %mul3A_1423 = arith.constant 16 : i32
        %mul3A_1424 = arith.muli %add3A_1422, %mul3A_1423 : i32
        %swap3A_1425 = arith.index_cast %mul3A_1424 : i32 to index
        %swap3A_1426 = tpu.vector_load %arg8[%swap3A_1425] {strides = array<i32>} : memref<4096xi32, #tpu.memory_space<vmem>>, vector<16xi32>,
        tpu.vector_store %arg8[%swap3A_1425], %broadcast_in_dim3A_1418 {strides = array<i32>} : memref<4096xi32, #tpu.memory_space<vmem>>, vector<16xi32>,
        %broadcast_in_dim3A_1427 = arith.constant 0 : i32
        %broadcast_in_dim3A_1428 = vector.broadcast %broadcast_in_dim3A_1427 : i32 to vector<16xi32>
        %mul3A_1429 = arith.constant 4 : i32
        %mul3A_1430 = arith.muli %scan3A_1415, %mul3A_1429 : i32
        %add3A_1431 = arith.constant 1 : i32
        %add3A_1432 = arith.addi %mul3A_1430, %add3A_1431 : i32
        %mul3A_1433 = arith.constant 16 : i32
        %mul3A_1434 = arith.muli %add3A_1432, %mul3A_1433 : i32
        %swap3A_1435 = arith.index_cast %mul3A_1434 : i32 to index
        %swap3A_1436 = tpu.vector_load %arg8[%swap3A_1435] {strides = array<i32>} : memref<4096xi32, #tpu.memory_space<vmem>>, vector<16xi32>,
        tpu.vector_store %arg8[%swap3A_1435], %broadcast_in_dim3A_1428 {strides = array<i32>} : memref<4096xi32, #tpu.memory_space<vmem>>, vector<16xi32>,
        %broadcast_in_dim3A_1437 = arith.constant 0 : i32
        %broadcast_in_dim3A_1438 = vector.broadcast %broadcast_in_dim3A_1437 : i32 to vector<16xi32>
        %mul3A_1439 = arith.constant 4 : i32
        %mul3A_1440 = arith.muli %scan3A_1415, %mul3A_1439 : i32
        %add3A_1441 = arith.constant 2 : i32
        %add3A_1442 = arith.addi %mul3A_1440, %add3A_1441 : i32
        %mul3A_1443 = arith.constant 16 : i32
        %mul3A_1444 = arith.muli %add3A_1442, %mul3A_1443 : i32
        %swap3A_1445 = arith.index_cast %mul3A_1444 : i32 to index
        %swap3A_1446 = tpu.vector_load %arg8[%swap3A_1445] {strides = array<i32>} : memref<4096xi32, #tpu.memory_space<vmem>>, vector<16xi32>,
        tpu.vector_store %arg8[%swap3A_1445], %broadcast_in_dim3A_1438 {strides = array<i32>} : memref<4096xi32, #tpu.memory_space<vmem>>, vector<16xi32>,
        %broadcast_in_dim3A_1447 = arith.constant 0 : i32
        %broadcast_in_dim3A_1448 = vector.broadcast %broadcast_in_dim3A_1447 : i32 to vector<16xi32>
        %mul3A_1449 = arith.constant 4 : i32
        %mul3A_1450 = arith.muli %scan3A_1415, %mul3A_1449 : i32
        %add3A_1451 = arith.constant 3 : i32
        %add3A_1452 = arith.addi %mul3A_1450, %add3A_1451 : i32
        %mul3A_1453 = arith.constant 16 : i32
        %mul3A_1454 = arith.muli %add3A_1452, %mul3A_1453 : i32
        %swap3A_1455 = arith.index_cast %mul3A_1454 : i32 to index
        %swap3A_1456 = tpu.vector_load %arg8[%swap3A_1455] {strides = array<i32>} : memref<4096xi32, #tpu.memory_space<vmem>>, vector<16xi32>,
        tpu.vector_store %arg8[%swap3A_1455], %broadcast_in_dim3A_1448 {strides = array<i32>} : memref<4096xi32, #tpu.memory_space<vmem>>, vector<16xi32>,
        %scan3A_1457 = arith.constant 0 : i32
        scf.yield %scan3A_1457 : i32
      }
      %scan3A_413 = arith.constant 64 : i32
      %scan3A_414 = arith.constant 0 : i32
      %scan3A_415 = arith.constant 0 : i32
      %scan3A_416 = arith.constant 128 : i32
      %scan3A_417 = arith.addi %scan3A_415, %scan3A_416 : i32
      %scan3A_418 = arith.constant 1 : i32
      %scan3A_419 = scf.for %scan3A_1415 = %scan3A_415 to %scan3A_417 step %scan3A_418 iter_args(%scan3A_1416 = %scan3A_414) -> (i32)  : i32 {
        %mul3A_1417 = arith.constant 4 : i32
        %mul3A_1418 = arith.muli %scan3A_1415, %mul3A_1417 : i32
        %add3A_1419 = arith.constant 0 : i32
        %add3A_1420 = arith.addi %mul3A_1418, %add3A_1419 : i32
        %mul3A_1421 = arith.constant 16 : i32
        %mul3A_1422 = arith.muli %add3A_1420, %mul3A_1421 : i32
        %get3A_1423 = arith.index_cast %mul3A_1422 : i32 to index
        %get3A_1424 = tpu.vector_load %arg7[%get3A_1423] {strides = array<i32>} : memref<8192xi32, #tpu.memory_space<vmem>>, vector<16xi32>,
        %shift_right_arithmetic3A_1425 = arith.constant 24 : i32
        %shift_right_arithmetic3A_1426 = vector.broadcast %shift_right_arithmetic3A_1425 : i32 to vector<16xi32>
        %shift_right_arithmetic3A_1427 = arith.shrsi %get3A_1424, %shift_right_arithmetic3A_1426 : vector<16xi32>
        %and3A_1428 = arith.constant 255 : i32
        %and3A_1429 = vector.broadcast %and3A_1428 : i32 to vector<16xi32>
        %and3A_1430 = arith.andi %shift_right_arithmetic3A_1427, %and3A_1429 : vector<16xi32>
        %mul3A_1431 = arith.constant 16 : i32
        %mul3A_1432 = vector.broadcast %mul3A_1431 : i32 to vector<16xi32>
        %mul3A_1433 = arith.muli %and3A_1430, %mul3A_1432 : vector<16xi32>
        %add3A_1434 = arith.addi %mul3A_1433, %iota3A : vector<16xi32>
        %broadcast_in_dim3A_1435 = arith.constant 1 : i32
        %broadcast_in_dim3A_1436 = vector.broadcast %broadcast_in_dim3A_1435 : i32 to vector<16xi32>
        tpu.vector_store_idx %arg8[%add3A_1434], %broadcast_in_dim3A_1436 {add = true} : memref<4096xi32, #tpu.memory_space<vmem>>[vector<16xi32>], vector<16xi32>,
        %mul3A_1437 = arith.constant 4 : i32
        %mul3A_1438 = arith.muli %scan3A_1415, %mul3A_1437 : i32
        %add3A_1439 = arith.constant 1 : i32
        %add3A_1440 = arith.addi %mul3A_1438, %add3A_1439 : i32
        %mul3A_1441 = arith.constant 16 : i32
        %mul3A_1442 = arith.muli %add3A_1440, %mul3A_1441 : i32
        %get3A_1443 = arith.index_cast %mul3A_1442 : i32 to index
        %get3A_1444 = tpu.vector_load %arg7[%get3A_1443] {strides = array<i32>} : memref<8192xi32, #tpu.memory_space<vmem>>, vector<16xi32>,
        %shift_right_arithmetic3A_1445 = arith.constant 24 : i32
        %shift_right_arithmetic3A_1446 = vector.broadcast %shift_right_arithmetic3A_1445 : i32 to vector<16xi32>
        %shift_right_arithmetic3A_1447 = arith.shrsi %get3A_1444, %shift_right_arithmetic3A_1446 : vector<16xi32>
        %and3A_1448 = arith.constant 255 : i32
        %and3A_1449 = vector.broadcast %and3A_1448 : i32 to vector<16xi32>
        %and3A_1450 = arith.andi %shift_right_arithmetic3A_1447, %and3A_1449 : vector<16xi32>
        %mul3A_1451 = arith.constant 16 : i32
        %mul3A_1452 = vector.broadcast %mul3A_1451 : i32 to vector<16xi32>
        %mul3A_1453 = arith.muli %and3A_1450, %mul3A_1452 : vector<16xi32>
        %add3A_1454 = arith.addi %mul3A_1453, %iota3A : vector<16xi32>
        %broadcast_in_dim3A_1455 = arith.constant 1 : i32
        %broadcast_in_dim3A_1456 = vector.broadcast %broadcast_in_dim3A_1455 : i32 to vector<16xi32>
        tpu.vector_store_idx %arg8[%add3A_1454], %broadcast_in_dim3A_1456 {add = true} : memref<4096xi32, #tpu.memory_space<vmem>>[vector<16xi32>], vector<16xi32>,
        %mul3A_1457 = arith.constant 4 : i32
        %mul3A_1458 = arith.muli %scan3A_1415, %mul3A_1457 : i32
        %add3A_1459 = arith.constant 2 : i32
        %add3A_1460 = arith.addi %mul3A_1458, %add3A_1459 : i32
        %mul3A_1461 = arith.constant 16 : i32
        %mul3A_1462 = arith.muli %add3A_1460, %mul3A_1461 : i32
        %get3A_1463 = arith.index_cast %mul3A_1462 : i32 to index
        %get3A_1464 = tpu.vector_load %arg7[%get3A_1463] {strides = array<i32>} : memref<8192xi32, #tpu.memory_space<vmem>>, vector<16xi32>,
        %shift_right_arithmetic3A_1465 = arith.constant 24 : i32
        %shift_right_arithmetic3A_1466 = vector.broadcast %shift_right_arithmetic3A_1465 : i32 to vector<16xi32>
        %shift_right_arithmetic3A_1467 = arith.shrsi %get3A_1464, %shift_right_arithmetic3A_1466 : vector<16xi32>
        %and3A_1468 = arith.constant 255 : i32
        %and3A_1469 = vector.broadcast %and3A_1468 : i32 to vector<16xi32>
        %and3A_1470 = arith.andi %shift_right_arithmetic3A_1467, %and3A_1469 : vector<16xi32>
        %mul3A_1471 = arith.constant 16 : i32
        %mul3A_1472 = vector.broadcast %mul3A_1471 : i32 to vector<16xi32>
        %mul3A_1473 = arith.muli %and3A_1470, %mul3A_1472 : vector<16xi32>
        %add3A_1474 = arith.addi %mul3A_1473, %iota3A : vector<16xi32>
        %broadcast_in_dim3A_1475 = arith.constant 1 : i32
        %broadcast_in_dim3A_1476 = vector.broadcast %broadcast_in_dim3A_1475 : i32 to vector<16xi32>
        tpu.vector_store_idx %arg8[%add3A_1474], %broadcast_in_dim3A_1476 {add = true} : memref<4096xi32, #tpu.memory_space<vmem>>[vector<16xi32>], vector<16xi32>,
        %mul3A_1477 = arith.constant 4 : i32
        %mul3A_1478 = arith.muli %scan3A_1415, %mul3A_1477 : i32
        %add3A_1479 = arith.constant 3 : i32
        %add3A_1480 = arith.addi %mul3A_1478, %add3A_1479 : i32
        %mul3A_1481 = arith.constant 16 : i32
        %mul3A_1482 = arith.muli %add3A_1480, %mul3A_1481 : i32
        %get3A_1483 = arith.index_cast %mul3A_1482 : i32 to index
        %get3A_1484 = tpu.vector_load %arg7[%get3A_1483] {strides = array<i32>} : memref<8192xi32, #tpu.memory_space<vmem>>, vector<16xi32>,
        %shift_right_arithmetic3A_1485 = arith.constant 24 : i32
        %shift_right_arithmetic3A_1486 = vector.broadcast %shift_right_arithmetic3A_1485 : i32 to vector<16xi32>
        %shift_right_arithmetic3A_1487 = arith.shrsi %get3A_1484, %shift_right_arithmetic3A_1486 : vector<16xi32>
        %and3A_1488 = arith.constant 255 : i32
        %and3A_1489 = vector.broadcast %and3A_1488 : i32 to vector<16xi32>
        %and3A_1490 = arith.andi %shift_right_arithmetic3A_1487, %and3A_1489 : vector<16xi32>
        %mul3A_1491 = arith.constant 16 : i32
        %mul3A_1492 = vector.broadcast %mul3A_1491 : i32 to vector<16xi32>
        %mul3A_1493 = arith.muli %and3A_1490, %mul3A_1492 : vector<16xi32>
        %add3A_1494 = arith.addi %mul3A_1493, %iota3A : vector<16xi32>
        %broadcast_in_dim3A_1495 = arith.constant 1 : i32
        %broadcast_in_dim3A_1496 = vector.broadcast %broadcast_in_dim3A_1495 : i32 to vector<16xi32>
        tpu.vector_store_idx %arg8[%add3A_1494], %broadcast_in_dim3A_1496 {add = true} : memref<4096xi32, #tpu.memory_space<vmem>>[vector<16xi32>], vector<16xi32>,
        %scan3A_1497 = arith.constant 0 : i32
        scf.yield %scan3A_1497 : i32
      }
      %scan3A_420 = arith.constant 128 : i32
      %broadcast_in_dim3A_421 = arith.constant 0 : i32
      %broadcast_in_dim3A_422 = vector.broadcast %broadcast_in_dim3A_421 : i32 to vector<16xi32>
      %scan3A_423 = arith.constant 0 : i32
      %scan3A_424 = arith.constant 16 : i32
      %scan3A_425 = arith.addi %scan3A_423, %scan3A_424 : i32
      %scan3A_426 = arith.constant 1 : i32
      %scan3A_427 = scf.for %scan3A_1415 = %scan3A_423 to %scan3A_425 step %scan3A_426 iter_args(%scan3A_1416 = %broadcast_in_dim3A_422) -> (vector<16xi32>)  : i32 {
        %broadcast_in_dim3A_1417 = arith.constant 0 : i32
        %broadcast_in_dim3A_1418 = vector.broadcast %broadcast_in_dim3A_1417 : i32 to vector<16xi32>
        %mul3A_1419 = arith.constant 16 : i32
        %mul3A_1420 = arith.muli %scan3A_1415, %mul3A_1419 : i32
        %add3A_1421 = arith.constant 0 : i32
        %add3A_1422 = arith.addi %mul3A_1420, %add3A_1421 : i32
        %mul3A_1423 = arith.constant 16 : i32
        %mul3A_1424 = arith.muli %add3A_1422, %mul3A_1423 : i32
        %get3A_1425 = arith.index_cast %mul3A_1424 : i32 to index
        %get3A_1426 = tpu.vector_load %arg8[%get3A_1425] {strides = array<i32>} : memref<4096xi32, #tpu.memory_space<vmem>>, vector<16xi32>,
        %add3A_1427 = arith.addi %broadcast_in_dim3A_1418, %get3A_1426 : vector<16xi32>
        %mul3A_1428 = arith.constant 16 : i32
        %mul3A_1429 = arith.muli %scan3A_1415, %mul3A_1428 : i32
        %add3A_1430 = arith.constant 1 : i32
        %add3A_1431 = arith.addi %mul3A_1429, %add3A_1430 : i32
        %mul3A_1432 = arith.constant 16 : i32
        %mul3A_1433 = arith.muli %add3A_1431, %mul3A_1432 : i32
        %get3A_1434 = arith.index_cast %mul3A_1433 : i32 to index
        %get3A_1435 = tpu.vector_load %arg8[%get3A_1434] {strides = array<i32>} : memref<4096xi32, #tpu.memory_space<vmem>>, vector<16xi32>,
        %add3A_1436 = arith.addi %add3A_1427, %get3A_1435 : vector<16xi32>
        %mul3A_1437 = arith.constant 16 : i32
        %mul3A_1438 = arith.muli %scan3A_1415, %mul3A_1437 : i32
        %add3A_1439 = arith.constant 2 : i32
        %add3A_1440 = arith.addi %mul3A_1438, %add3A_1439 : i32
        %mul3A_1441 = arith.constant 16 : i32
        %mul3A_1442 = arith.muli %add3A_1440, %mul3A_1441 : i32
        %get3A_1443 = arith.index_cast %mul3A_1442 : i32 to index
        %get3A_1444 = tpu.vector_load %arg8[%get3A_1443] {strides = array<i32>} : memref<4096xi32, #tpu.memory_space<vmem>>, vector<16xi32>,
        %add3A_1445 = arith.addi %add3A_1436, %get3A_1444 : vector<16xi32>
        %mul3A_1446 = arith.constant 16 : i32
        %mul3A_1447 = arith.muli %scan3A_1415, %mul3A_1446 : i32
        %add3A_1448 = arith.constant 3 : i32
        %add3A_1449 = arith.addi %mul3A_1447, %add3A_1448 : i32
        %mul3A_1450 = arith.constant 16 : i32
        %mul3A_1451 = arith.muli %add3A_1449, %mul3A_1450 : i32
        %get3A_1452 = arith.index_cast %mul3A_1451 : i32 to index
        %get3A_1453 = tpu.vector_load %arg8[%get3A_1452] {strides = array<i32>} : memref<4096xi32, #tpu.memory_space<vmem>>, vector<16xi32>,
        %add3A_1454 = arith.addi %add3A_1445, %get3A_1453 : vector<16xi32>
        %mul3A_1455 = arith.constant 16 : i32
        %mul3A_1456 = arith.muli %scan3A_1415, %mul3A_1455 : i32
        %add3A_1457 = arith.constant 4 : i32
        %add3A_1458 = arith.addi %mul3A_1456, %add3A_1457 : i32
        %mul3A_1459 = arith.constant 16 : i32
        %mul3A_1460 = arith.muli %add3A_1458, %mul3A_1459 : i32
        %get3A_1461 = arith.index_cast %mul3A_1460 : i32 to index
        %get3A_1462 = tpu.vector_load %arg8[%get3A_1461] {strides = array<i32>} : memref<4096xi32, #tpu.memory_space<vmem>>, vector<16xi32>,
        %add3A_1463 = arith.addi %add3A_1454, %get3A_1462 : vector<16xi32>
        %mul3A_1464 = arith.constant 16 : i32
        %mul3A_1465 = arith.muli %scan3A_1415, %mul3A_1464 : i32
        %add3A_1466 = arith.constant 5 : i32
        %add3A_1467 = arith.addi %mul3A_1465, %add3A_1466 : i32
        %mul3A_1468 = arith.constant 16 : i32
        %mul3A_1469 = arith.muli %add3A_1467, %mul3A_1468 : i32
        %get3A_1470 = arith.index_cast %mul3A_1469 : i32 to index
        %get3A_1471 = tpu.vector_load %arg8[%get3A_1470] {strides = array<i32>} : memref<4096xi32, #tpu.memory_space<vmem>>, vector<16xi32>,
        %add3A_1472 = arith.addi %add3A_1463, %get3A_1471 : vector<16xi32>
        %mul3A_1473 = arith.constant 16 : i32
        %mul3A_1474 = arith.muli %scan3A_1415, %mul3A_1473 : i32
        %add3A_1475 = arith.constant 6 : i32
        %add3A_1476 = arith.addi %mul3A_1474, %add3A_1475 : i32
        %mul3A_1477 = arith.constant 16 : i32
        %mul3A_1478 = arith.muli %add3A_1476, %mul3A_1477 : i32
        %get3A_1479 = arith.index_cast %mul3A_1478 : i32 to index
        %get3A_1480 = tpu.vector_load %arg8[%get3A_1479] {strides = array<i32>} : memref<4096xi32, #tpu.memory_space<vmem>>, vector<16xi32>,
        %add3A_1481 = arith.addi %add3A_1472, %get3A_1480 : vector<16xi32>
        %mul3A_1482 = arith.constant 16 : i32
        %mul3A_1483 = arith.muli %scan3A_1415, %mul3A_1482 : i32
        %add3A_1484 = arith.constant 7 : i32
        %add3A_1485 = arith.addi %mul3A_1483, %add3A_1484 : i32
        %mul3A_1486 = arith.constant 16 : i32
        %mul3A_1487 = arith.muli %add3A_1485, %mul3A_1486 : i32
        %get3A_1488 = arith.index_cast %mul3A_1487 : i32 to index
        %get3A_1489 = tpu.vector_load %arg8[%get3A_1488] {strides = array<i32>} : memref<4096xi32, #tpu.memory_space<vmem>>, vector<16xi32>,
        %add3A_1490 = arith.addi %add3A_1481, %get3A_1489 : vector<16xi32>
        %mul3A_1491 = arith.constant 16 : i32
        %mul3A_1492 = arith.muli %scan3A_1415, %mul3A_1491 : i32
        %add3A_1493 = arith.constant 8 : i32
        %add3A_1494 = arith.addi %mul3A_1492, %add3A_1493 : i32
        %mul3A_1495 = arith.constant 16 : i32
        %mul3A_1496 = arith.muli %add3A_1494, %mul3A_1495 : i32
        %get3A_1497 = arith.index_cast %mul3A_1496 : i32 to index
        %get3A_1498 = tpu.vector_load %arg8[%get3A_1497] {strides = array<i32>} : memref<4096xi32, #tpu.memory_space<vmem>>, vector<16xi32>,
        %add3A_1499 = arith.addi %add3A_1490, %get3A_1498 : vector<16xi32>
        %mul3A_1500 = arith.constant 16 : i32
        %mul3A_1501 = arith.muli %scan3A_1415, %mul3A_1500 : i32
        %add3A_1502 = arith.constant 9 : i32
        %add3A_1503 = arith.addi %mul3A_1501, %add3A_1502 : i32
        %mul3A_1504 = arith.constant 16 : i32
        %mul3A_1505 = arith.muli %add3A_1503, %mul3A_1504 : i32
        %get3A_1506 = arith.index_cast %mul3A_1505 : i32 to index
        %get3A_1507 = tpu.vector_load %arg8[%get3A_1506] {strides = array<i32>} : memref<4096xi32, #tpu.memory_space<vmem>>, vector<16xi32>,
        %add3A_1508 = arith.addi %add3A_1499, %get3A_1507 : vector<16xi32>
        %mul3A_1509 = arith.constant 16 : i32
        %mul3A_1510 = arith.muli %scan3A_1415, %mul3A_1509 : i32
        %add3A_1511 = arith.constant 10 : i32
        %add3A_1512 = arith.addi %mul3A_1510, %add3A_1511 : i32
        %mul3A_1513 = arith.constant 16 : i32
        %mul3A_1514 = arith.muli %add3A_1512, %mul3A_1513 : i32
        %get3A_1515 = arith.index_cast %mul3A_1514 : i32 to index
        %get3A_1516 = tpu.vector_load %arg8[%get3A_1515] {strides = array<i32>} : memref<4096xi32, #tpu.memory_space<vmem>>, vector<16xi32>,
        %add3A_1517 = arith.addi %add3A_1508, %get3A_1516 : vector<16xi32>
        %mul3A_1518 = arith.constant 16 : i32
        %mul3A_1519 = arith.muli %scan3A_1415, %mul3A_1518 : i32
        %add3A_1520 = arith.constant 11 : i32
        %add3A_1521 = arith.addi %mul3A_1519, %add3A_1520 : i32
        %mul3A_1522 = arith.constant 16 : i32
        %mul3A_1523 = arith.muli %add3A_1521, %mul3A_1522 : i32
        %get3A_1524 = arith.index_cast %mul3A_1523 : i32 to index
        %get3A_1525 = tpu.vector_load %arg8[%get3A_1524] {strides = array<i32>} : memref<4096xi32, #tpu.memory_space<vmem>>, vector<16xi32>,
        %add3A_1526 = arith.addi %add3A_1517, %get3A_1525 : vector<16xi32>
        %mul3A_1527 = arith.constant 16 : i32
        %mul3A_1528 = arith.muli %scan3A_1415, %mul3A_1527 : i32
        %add3A_1529 = arith.constant 12 : i32
        %add3A_1530 = arith.addi %mul3A_1528, %add3A_1529 : i32
        %mul3A_1531 = arith.constant 16 : i32
        %mul3A_1532 = arith.muli %add3A_1530, %mul3A_1531 : i32
        %get3A_1533 = arith.index_cast %mul3A_1532 : i32 to index
        %get3A_1534 = tpu.vector_load %arg8[%get3A_1533] {strides = array<i32>} : memref<4096xi32, #tpu.memory_space<vmem>>, vector<16xi32>,
        %add3A_1535 = arith.addi %add3A_1526, %get3A_1534 : vector<16xi32>
        %mul3A_1536 = arith.constant 16 : i32
        %mul3A_1537 = arith.muli %scan3A_1415, %mul3A_1536 : i32
        %add3A_1538 = arith.constant 13 : i32
        %add3A_1539 = arith.addi %mul3A_1537, %add3A_1538 : i32
        %mul3A_1540 = arith.constant 16 : i32
        %mul3A_1541 = arith.muli %add3A_1539, %mul3A_1540 : i32
        %get3A_1542 = arith.index_cast %mul3A_1541 : i32 to index
        %get3A_1543 = tpu.vector_load %arg8[%get3A_1542] {strides = array<i32>} : memref<4096xi32, #tpu.memory_space<vmem>>, vector<16xi32>,
        %add3A_1544 = arith.addi %add3A_1535, %get3A_1543 : vector<16xi32>
        %mul3A_1545 = arith.constant 16 : i32
        %mul3A_1546 = arith.muli %scan3A_1415, %mul3A_1545 : i32
        %add3A_1547 = arith.constant 14 : i32
        %add3A_1548 = arith.addi %mul3A_1546, %add3A_1547 : i32
        %mul3A_1549 = arith.constant 16 : i32
        %mul3A_1550 = arith.muli %add3A_1548, %mul3A_1549 : i32
        %get3A_1551 = arith.index_cast %mul3A_1550 : i32 to index
        %get3A_1552 = tpu.vector_load %arg8[%get3A_1551] {strides = array<i32>} : memref<4096xi32, #tpu.memory_space<vmem>>, vector<16xi32>,
        %add3A_1553 = arith.addi %add3A_1544, %get3A_1552 : vector<16xi32>
        %mul3A_1554 = arith.constant 16 : i32
        %mul3A_1555 = arith.muli %scan3A_1415, %mul3A_1554 : i32
        %add3A_1556 = arith.constant 15 : i32
        %add3A_1557 = arith.addi %mul3A_1555, %add3A_1556 : i32
        %mul3A_1558 = arith.constant 16 : i32
        %mul3A_1559 = arith.muli %add3A_1557, %mul3A_1558 : i32
        %get3A_1560 = arith.index_cast %mul3A_1559 : i32 to index
        %get3A_1561 = tpu.vector_load %arg8[%get3A_1560] {strides = array<i32>} : memref<4096xi32, #tpu.memory_space<vmem>>, vector<16xi32>,
        %add3A_1562 = arith.addi %add3A_1553, %get3A_1561 : vector<16xi32>
        %eq3A_1563 = vector.broadcast %scan3A_1415 : i32 to vector<16xi32>
        %eq3A_1564 = arith.cmpi eq, %iota3A, %eq3A_1563 : vector<16xi32>
        %reduce_sum3A_1565 = arith.constant true
        %reduce_sum3A_1566 = vector.broadcast %reduce_sum3A_1565 : i1 to vector<16xi1>
        %reduce_sum3A_1567 = tpu.scan <sum>, %add3A_1562 masked %reduce_sum3A_1566 : vector<16xi32>, vector<16xi1> -> vector<16xi32>
        %reduce_sum3A_1568 = vector.extract %reduce_sum3A_1567[15] : i32 from vector<16xi32>
        %broadcast_in_dim3A_1569 = vector.broadcast %reduce_sum3A_1568 : i32 to vector<16xi32>
        %select_n3A_1570 = arith.select %eq3A_1564, %broadcast_in_dim3A_1569, %scan3A_1416 : vector<16xi1>, vector<16xi32>
        scf.yield %select_n3A_1570 : vector<16xi32>
      }
      %scan3A_428 = arith.constant 16 : i32
      %rev3A = arith.constant 15 : i32
      %rev3A_429 = vector.broadcast %rev3A : i32 to vector<16xi32>
      %rev3A_430 = tpu.iota {dimensions = array<i32: 0>} : vector<16xi32>
      %rev3A_431 = arith.subi %rev3A_429, %rev3A_430 : vector<16xi32>
      %rev3A_432 = tpu.dynamic_gather %scan3A_427[%rev3A_431] in [0] : vector<16xi32>, vector<16xi32> -> vector<16xi32>
      %cumsum3A = arith.constant true
      %cumsum3A_433 = vector.broadcast %cumsum3A : i1 to vector<16xi1>
      %cumsum3A_434 = tpu.scan <sum>, %rev3A_432 masked %cumsum3A_433 : vector<16xi32>, vector<16xi1> -> vector<16xi32>
      %rev3A_435 = arith.constant 15 : i32
      %rev3A_436 = vector.broadcast %rev3A_435 : i32 to vector<16xi32>
      %rev3A_437 = tpu.iota {dimensions = array<i32: 0>} : vector<16xi32>
      %rev3A_438 = arith.subi %rev3A_436, %rev3A_437 : vector<16xi32>
      %rev3A_439 = tpu.dynamic_gather %cumsum3A_434[%rev3A_438] in [0] : vector<16xi32>, vector<16xi32> -> vector<16xi32>
      %ge3A = arith.constant 300 : i32
      %ge3A_440 = vector.broadcast %ge3A : i32 to vector<16xi32>
      %ge3A_441 = arith.cmpi sge, %rev3A_439, %ge3A_440 : vector<16xi32>
      %jit3A_442 = arith.constant -1 : i32
      %broadcast_in_dim3A_443 = vector.broadcast %jit3A_442 : i32 to vector<16xi32>
      %select_n3A_444 = arith.select %ge3A_441, %iota3A, %broadcast_in_dim3A_443 : vector<16xi1>, vector<16xi32>
      %reduce_max3A = arith.constant true
      %reduce_max3A_445 = vector.broadcast %reduce_max3A : i1 to vector<16xi1>
      %reduce_max3A_446 = arith.constant -2147483648 : i32
      %reduce_max3A_447 = vector.broadcast %reduce_max3A_446 : i32 to vector<16xi32>
      %reduce_max3A_448 = arith.xori %select_n3A_444, %reduce_max3A_447 : vector<16xi32>
      %reduce_max3A_449 = tpu.scan <max>, %reduce_max3A_448 masked %reduce_max3A_445 : vector<16xi32>, vector<16xi1> -> vector<16xi32>
      %reduce_max3A_450 = arith.xori %reduce_max3A_449, %reduce_max3A_447 : vector<16xi32>
      %reduce_max3A_451 = vector.extract %reduce_max3A_450[15] : i32 from vector<16xi32>
      %iota3A_452 = tpu.iota {dimensions = array<i32: 0>} : vector<16xi32>
      %eq3A_453 = vector.broadcast %reduce_max3A_451 : i32 to vector<16xi32>
      %eq3A_454 = arith.cmpi eq, %iota3A_452, %eq3A_453 : vector<16xi32>
      %jit3A_455 = arith.constant 0 : i32
      %broadcast_in_dim3A_456 = vector.broadcast %jit3A_455 : i32 to vector<16xi32>
      %select_n3A_457 = arith.select %eq3A_454, %rev3A_439, %broadcast_in_dim3A_456 : vector<16xi1>, vector<16xi32>
      %reduce_sum3A_458 = arith.constant true
      %reduce_sum3A_459 = vector.broadcast %reduce_sum3A_458 : i1 to vector<16xi1>
      %reduce_sum3A_460 = tpu.scan <sum>, %select_n3A_457 masked %reduce_sum3A_459 : vector<16xi32>, vector<16xi1> -> vector<16xi32>
      %reduce_sum3A_461 = vector.extract %reduce_sum3A_460[15] : i32 from vector<16xi32>
      %iota3A_462 = tpu.iota {dimensions = array<i32: 0>} : vector<16xi32>
      %eq3A_463 = vector.broadcast %reduce_max3A_451 : i32 to vector<16xi32>
      %eq3A_464 = arith.cmpi eq, %iota3A_462, %eq3A_463 : vector<16xi32>
      %jit3A_465 = arith.constant 0 : i32
      %broadcast_in_dim3A_466 = vector.broadcast %jit3A_465 : i32 to vector<16xi32>
      %select_n3A_467 = arith.select %eq3A_464, %scan3A_427, %broadcast_in_dim3A_466 : vector<16xi1>, vector<16xi32>
      %reduce_sum3A_468 = arith.constant true
      %reduce_sum3A_469 = vector.broadcast %reduce_sum3A_468 : i1 to vector<16xi1>
      %reduce_sum3A_470 = tpu.scan <sum>, %select_n3A_467 masked %reduce_sum3A_469 : vector<16xi32>, vector<16xi1> -> vector<16xi32>
      %reduce_sum3A_471 = vector.extract %reduce_sum3A_470[15] : i32 from vector<16xi32>
      %sub3A_472 = arith.subi %reduce_sum3A_461, %reduce_sum3A_471 : i32
      %sub3A_473 = arith.constant 300 : i32
      %sub3A_474 = arith.subi %sub3A_473, %sub3A_472 : i32
      %broadcast_in_dim3A_475 = arith.constant 0 : i32
      %broadcast_in_dim3A_476 = vector.broadcast %broadcast_in_dim3A_475 : i32 to vector<16xi32>
      %scan3A_477 = arith.constant 0 : i32
      %scan3A_478 = arith.constant 16 : i32
      %scan3A_479 = arith.addi %scan3A_477, %scan3A_478 : i32
      %scan3A_480 = arith.constant 1 : i32
      %scan3A_481 = scf.for %scan3A_1415 = %scan3A_477 to %scan3A_479 step %scan3A_480 iter_args(%scan3A_1416 = %broadcast_in_dim3A_476) -> (vector<16xi32>)  : i32 {
        %mul3A_1417 = arith.constant 16 : i32
        %mul3A_1418 = arith.muli %reduce_max3A_451, %mul3A_1417 : i32
        %add3A_1419 = arith.addi %mul3A_1418, %scan3A_1415 : i32
        %mul3A_1420 = arith.constant 16 : i32
        %mul3A_1421 = arith.muli %add3A_1419, %mul3A_1420 : i32
        %get3A_1422 = arith.index_cast %mul3A_1421 : i32 to index
        %get3A_1423 = tpu.vector_load %arg8[%get3A_1422] {strides = array<i32>} : memref<4096xi32, #tpu.memory_space<vmem>>, vector<16xi32>,
        %eq3A_1424 = vector.broadcast %scan3A_1415 : i32 to vector<16xi32>
        %eq3A_1425 = arith.cmpi eq, %iota3A, %eq3A_1424 : vector<16xi32>
        %reduce_sum3A_1426 = arith.constant true
        %reduce_sum3A_1427 = vector.broadcast %reduce_sum3A_1426 : i1 to vector<16xi1>
        %reduce_sum3A_1428 = tpu.scan <sum>, %get3A_1423 masked %reduce_sum3A_1427 : vector<16xi32>, vector<16xi1> -> vector<16xi32>
        %reduce_sum3A_1429 = vector.extract %reduce_sum3A_1428[15] : i32 from vector<16xi32>
        %broadcast_in_dim3A_1430 = vector.broadcast %reduce_sum3A_1429 : i32 to vector<16xi32>
        %select_n3A_1431 = arith.select %eq3A_1425, %broadcast_in_dim3A_1430, %scan3A_1416 : vector<16xi1>, vector<16xi32>
        scf.yield %select_n3A_1431 : vector<16xi32>
      }
      %scan3A_482 = arith.constant 16 : i32
      %rev3A_483 = arith.constant 15 : i32
      %rev3A_484 = vector.broadcast %rev3A_483 : i32 to vector<16xi32>
      %rev3A_485 = tpu.iota {dimensions = array<i32: 0>} : vector<16xi32>
      %rev3A_486 = arith.subi %rev3A_484, %rev3A_485 : vector<16xi32>
      %rev3A_487 = tpu.dynamic_gather %scan3A_481[%rev3A_486] in [0] : vector<16xi32>, vector<16xi32> -> vector<16xi32>
      %cumsum3A_488 = arith.constant true
      %cumsum3A_489 = vector.broadcast %cumsum3A_488 : i1 to vector<16xi1>
      %cumsum3A_490 = tpu.scan <sum>, %rev3A_487 masked %cumsum3A_489 : vector<16xi32>, vector<16xi1> -> vector<16xi32>
      %rev3A_491 = arith.constant 15 : i32
      %rev3A_492 = vector.broadcast %rev3A_491 : i32 to vector<16xi32>
      %rev3A_493 = tpu.iota {dimensions = array<i32: 0>} : vector<16xi32>
      %rev3A_494 = arith.subi %rev3A_492, %rev3A_493 : vector<16xi32>
      %rev3A_495 = tpu.dynamic_gather %cumsum3A_490[%rev3A_494] in [0] : vector<16xi32>, vector<16xi32> -> vector<16xi32>
      %ge3A_496 = vector.broadcast %sub3A_474 : i32 to vector<16xi32>
      %ge3A_497 = arith.cmpi sge, %rev3A_495, %ge3A_496 : vector<16xi32>
      %jit3A_498 = arith.constant -1 : i32
      %broadcast_in_dim3A_499 = vector.broadcast %jit3A_498 : i32 to vector<16xi32>
      %select_n3A_500 = arith.select %ge3A_497, %iota3A, %broadcast_in_dim3A_499 : vector<16xi1>, vector<16xi32>
      %reduce_max3A_501 = arith.constant true
      %reduce_max3A_502 = vector.broadcast %reduce_max3A_501 : i1 to vector<16xi1>
      %reduce_max3A_503 = arith.constant -2147483648 : i32
      %reduce_max3A_504 = vector.broadcast %reduce_max3A_503 : i32 to vector<16xi32>
      %reduce_max3A_505 = arith.xori %select_n3A_500, %reduce_max3A_504 : vector<16xi32>
      %reduce_max3A_506 = tpu.scan <max>, %reduce_max3A_505 masked %reduce_max3A_502 : vector<16xi32>, vector<16xi1> -> vector<16xi32>
      %reduce_max3A_507 = arith.xori %reduce_max3A_506, %reduce_max3A_504 : vector<16xi32>
      %reduce_max3A_508 = vector.extract %reduce_max3A_507[15] : i32 from vector<16xi32>
      %iota3A_509 = tpu.iota {dimensions = array<i32: 0>} : vector<16xi32>
      %eq3A_510 = vector.broadcast %reduce_max3A_508 : i32 to vector<16xi32>
      %eq3A_511 = arith.cmpi eq, %iota3A_509, %eq3A_510 : vector<16xi32>
      %jit3A_512 = arith.constant 0 : i32
      %broadcast_in_dim3A_513 = vector.broadcast %jit3A_512 : i32 to vector<16xi32>
      %select_n3A_514 = arith.select %eq3A_511, %rev3A_495, %broadcast_in_dim3A_513 : vector<16xi1>, vector<16xi32>
      %reduce_sum3A_515 = arith.constant true
      %reduce_sum3A_516 = vector.broadcast %reduce_sum3A_515 : i1 to vector<16xi1>
      %reduce_sum3A_517 = tpu.scan <sum>, %select_n3A_514 masked %reduce_sum3A_516 : vector<16xi32>, vector<16xi1> -> vector<16xi32>
      %reduce_sum3A_518 = vector.extract %reduce_sum3A_517[15] : i32 from vector<16xi32>
      %iota3A_519 = tpu.iota {dimensions = array<i32: 0>} : vector<16xi32>
      %eq3A_520 = vector.broadcast %reduce_max3A_508 : i32 to vector<16xi32>
      %eq3A_521 = arith.cmpi eq, %iota3A_519, %eq3A_520 : vector<16xi32>
      %jit3A_522 = arith.constant 0 : i32
      %broadcast_in_dim3A_523 = vector.broadcast %jit3A_522 : i32 to vector<16xi32>
      %select_n3A_524 = arith.select %eq3A_521, %scan3A_481, %broadcast_in_dim3A_523 : vector<16xi1>, vector<16xi32>
      %reduce_sum3A_525 = arith.constant true
      %reduce_sum3A_526 = vector.broadcast %reduce_sum3A_525 : i1 to vector<16xi1>
      %reduce_sum3A_527 = tpu.scan <sum>, %select_n3A_524 masked %reduce_sum3A_526 : vector<16xi32>, vector<16xi1> -> vector<16xi32>
      %reduce_sum3A_528 = vector.extract %reduce_sum3A_527[15] : i32 from vector<16xi32>
      %sub3A_529 = arith.subi %reduce_sum3A_518, %reduce_sum3A_528 : i32
      %sub3A_530 = arith.subi %sub3A_474, %sub3A_529 : i32
      %mul3A_531 = arith.constant 16 : i32
      %mul3A_532 = arith.muli %reduce_max3A_451, %mul3A_531 : i32
      %add3A_533 = arith.addi %mul3A_532, %reduce_max3A_508 : i32
      %shift_left3A = arith.constant 24 : i32
      %shift_left3A_534 = arith.shli %add3A_533, %shift_left3A : i32
      %or3A = arith.constant 0 : i32
      %or3A_535 = arith.ori %or3A, %shift_left3A_534 : i32
      %scan3A_536 = arith.constant 0 : i32
      %scan3A_537 = arith.constant 0 : i32
      %scan3A_538 = arith.constant 64 : i32
      %scan3A_539 = arith.addi %scan3A_537, %scan3A_538 : i32
      %scan3A_540 = arith.constant 1 : i32
      %scan3A_541 = scf.for %scan3A_1415 = %scan3A_537 to %scan3A_539 step %scan3A_540 iter_args(%scan3A_1416 = %scan3A_536) -> (i32)  : i32 {
        %broadcast_in_dim3A_1417 = arith.constant 0 : i32
        %broadcast_in_dim3A_1418 = vector.broadcast %broadcast_in_dim3A_1417 : i32 to vector<16xi32>
        %mul3A_1419 = arith.constant 4 : i32
        %mul3A_1420 = arith.muli %scan3A_1415, %mul3A_1419 : i32
        %add3A_1421 = arith.constant 0 : i32
        %add3A_1422 = arith.addi %mul3A_1420, %add3A_1421 : i32
        %mul3A_1423 = arith.constant 16 : i32
        %mul3A_1424 = arith.muli %add3A_1422, %mul3A_1423 : i32
        %swap3A_1425 = arith.index_cast %mul3A_1424 : i32 to index
        %swap3A_1426 = tpu.vector_load %arg8[%swap3A_1425] {strides = array<i32>} : memref<4096xi32, #tpu.memory_space<vmem>>, vector<16xi32>,
        tpu.vector_store %arg8[%swap3A_1425], %broadcast_in_dim3A_1418 {strides = array<i32>} : memref<4096xi32, #tpu.memory_space<vmem>>, vector<16xi32>,
        %broadcast_in_dim3A_1427 = arith.constant 0 : i32
        %broadcast_in_dim3A_1428 = vector.broadcast %broadcast_in_dim3A_1427 : i32 to vector<16xi32>
        %mul3A_1429 = arith.constant 4 : i32
        %mul3A_1430 = arith.muli %scan3A_1415, %mul3A_1429 : i32
        %add3A_1431 = arith.constant 1 : i32
        %add3A_1432 = arith.addi %mul3A_1430, %add3A_1431 : i32
        %mul3A_1433 = arith.constant 16 : i32
        %mul3A_1434 = arith.muli %add3A_1432, %mul3A_1433 : i32
        %swap3A_1435 = arith.index_cast %mul3A_1434 : i32 to index
        %swap3A_1436 = tpu.vector_load %arg8[%swap3A_1435] {strides = array<i32>} : memref<4096xi32, #tpu.memory_space<vmem>>, vector<16xi32>,
        tpu.vector_store %arg8[%swap3A_1435], %broadcast_in_dim3A_1428 {strides = array<i32>} : memref<4096xi32, #tpu.memory_space<vmem>>, vector<16xi32>,
        %broadcast_in_dim3A_1437 = arith.constant 0 : i32
        %broadcast_in_dim3A_1438 = vector.broadcast %broadcast_in_dim3A_1437 : i32 to vector<16xi32>
        %mul3A_1439 = arith.constant 4 : i32
        %mul3A_1440 = arith.muli %scan3A_1415, %mul3A_1439 : i32
        %add3A_1441 = arith.constant 2 : i32
        %add3A_1442 = arith.addi %mul3A_1440, %add3A_1441 : i32
        %mul3A_1443 = arith.constant 16 : i32
        %mul3A_1444 = arith.muli %add3A_1442, %mul3A_1443 : i32
        %swap3A_1445 = arith.index_cast %mul3A_1444 : i32 to index
        %swap3A_1446 = tpu.vector_load %arg8[%swap3A_1445] {strides = array<i32>} : memref<4096xi32, #tpu.memory_space<vmem>>, vector<16xi32>,
        tpu.vector_store %arg8[%swap3A_1445], %broadcast_in_dim3A_1438 {strides = array<i32>} : memref<4096xi32, #tpu.memory_space<vmem>>, vector<16xi32>,
        %broadcast_in_dim3A_1447 = arith.constant 0 : i32
        %broadcast_in_dim3A_1448 = vector.broadcast %broadcast_in_dim3A_1447 : i32 to vector<16xi32>
        %mul3A_1449 = arith.constant 4 : i32
        %mul3A_1450 = arith.muli %scan3A_1415, %mul3A_1449 : i32
        %add3A_1451 = arith.constant 3 : i32
        %add3A_1452 = arith.addi %mul3A_1450, %add3A_1451 : i32
        %mul3A_1453 = arith.constant 16 : i32
        %mul3A_1454 = arith.muli %add3A_1452, %mul3A_1453 : i32
        %swap3A_1455 = arith.index_cast %mul3A_1454 : i32 to index
        %swap3A_1456 = tpu.vector_load %arg8[%swap3A_1455] {strides = array<i32>} : memref<4096xi32, #tpu.memory_space<vmem>>, vector<16xi32>,
        tpu.vector_store %arg8[%swap3A_1455], %broadcast_in_dim3A_1448 {strides = array<i32>} : memref<4096xi32, #tpu.memory_space<vmem>>, vector<16xi32>,
        %scan3A_1457 = arith.constant 0 : i32
        scf.yield %scan3A_1457 : i32
      }
      %scan3A_542 = arith.constant 64 : i32
      %scan3A_543 = arith.constant 0 : i32
      %scan3A_544 = arith.constant 0 : i32
      %scan3A_545 = arith.constant 128 : i32
      %scan3A_546 = arith.addi %scan3A_544, %scan3A_545 : i32
      %scan3A_547 = arith.constant 1 : i32
      %scan3A_548 = scf.for %scan3A_1415 = %scan3A_544 to %scan3A_546 step %scan3A_547 iter_args(%scan3A_1416 = %scan3A_543) -> (i32)  : i32 {
        %mul3A_1417 = arith.constant 4 : i32
        %mul3A_1418 = arith.muli %scan3A_1415, %mul3A_1417 : i32
        %add3A_1419 = arith.constant 0 : i32
        %add3A_1420 = arith.addi %mul3A_1418, %add3A_1419 : i32
        %mul3A_1421 = arith.constant 16 : i32
        %mul3A_1422 = arith.muli %add3A_1420, %mul3A_1421 : i32
        %get3A_1423 = arith.index_cast %mul3A_1422 : i32 to index
        %get3A_1424 = tpu.vector_load %arg7[%get3A_1423] {strides = array<i32>} : memref<8192xi32, #tpu.memory_space<vmem>>, vector<16xi32>,
        %shift_right_arithmetic3A_1425 = arith.constant 16 : i32
        %shift_right_arithmetic3A_1426 = vector.broadcast %shift_right_arithmetic3A_1425 : i32 to vector<16xi32>
        %shift_right_arithmetic3A_1427 = arith.shrsi %get3A_1424, %shift_right_arithmetic3A_1426 : vector<16xi32>
        %and3A_1428 = arith.constant 255 : i32
        %and3A_1429 = vector.broadcast %and3A_1428 : i32 to vector<16xi32>
        %and3A_1430 = arith.andi %shift_right_arithmetic3A_1427, %and3A_1429 : vector<16xi32>
        %mul3A_1431 = arith.constant 16 : i32
        %mul3A_1432 = vector.broadcast %mul3A_1431 : i32 to vector<16xi32>
        %mul3A_1433 = arith.muli %and3A_1430, %mul3A_1432 : vector<16xi32>
        %add3A_1434 = arith.addi %mul3A_1433, %iota3A : vector<16xi32>
        %shift_right_arithmetic3A_1435 = arith.constant 24 : i32
        %shift_right_arithmetic3A_1436 = vector.broadcast %shift_right_arithmetic3A_1435 : i32 to vector<16xi32>
        %shift_right_arithmetic3A_1437 = arith.shrsi %get3A_1424, %shift_right_arithmetic3A_1436 : vector<16xi32>
        %shift_right_arithmetic3A_1438 = arith.constant 24 : i32
        %shift_right_arithmetic3A_1439 = arith.shrsi %or3A_535, %shift_right_arithmetic3A_1438 : i32
        %eq3A_1440 = vector.broadcast %shift_right_arithmetic3A_1439 : i32 to vector<16xi32>
        %eq3A_1441 = arith.cmpi eq, %shift_right_arithmetic3A_1437, %eq3A_1440 : vector<16xi32>
        %jit3A_1442 = arith.constant 1 : i32
        %jit3A_1443 = arith.constant 0 : i32
        %broadcast_in_dim3A_1444 = vector.broadcast %jit3A_1442 : i32 to vector<16xi32>
        %broadcast_in_dim3A_1445 = vector.broadcast %jit3A_1443 : i32 to vector<16xi32>
        %select_n3A_1446 = arith.select %eq3A_1441, %broadcast_in_dim3A_1444, %broadcast_in_dim3A_1445 : vector<16xi1>, vector<16xi32>
        tpu.vector_store_idx %arg8[%add3A_1434], %select_n3A_1446 {add = true} : memref<4096xi32, #tpu.memory_space<vmem>>[vector<16xi32>], vector<16xi32>,
        %mul3A_1447 = arith.constant 4 : i32
        %mul3A_1448 = arith.muli %scan3A_1415, %mul3A_1447 : i32
        %add3A_1449 = arith.constant 1 : i32
        %add3A_1450 = arith.addi %mul3A_1448, %add3A_1449 : i32
        %mul3A_1451 = arith.constant 16 : i32
        %mul3A_1452 = arith.muli %add3A_1450, %mul3A_1451 : i32
        %get3A_1453 = arith.index_cast %mul3A_1452 : i32 to index
        %get3A_1454 = tpu.vector_load %arg7[%get3A_1453] {strides = array<i32>} : memref<8192xi32, #tpu.memory_space<vmem>>, vector<16xi32>,
        %shift_right_arithmetic3A_1455 = arith.constant 16 : i32
        %shift_right_arithmetic3A_1456 = vector.broadcast %shift_right_arithmetic3A_1455 : i32 to vector<16xi32>
        %shift_right_arithmetic3A_1457 = arith.shrsi %get3A_1454, %shift_right_arithmetic3A_1456 : vector<16xi32>
        %and3A_1458 = arith.constant 255 : i32
        %and3A_1459 = vector.broadcast %and3A_1458 : i32 to vector<16xi32>
        %and3A_1460 = arith.andi %shift_right_arithmetic3A_1457, %and3A_1459 : vector<16xi32>
        %mul3A_1461 = arith.constant 16 : i32
        %mul3A_1462 = vector.broadcast %mul3A_1461 : i32 to vector<16xi32>
        %mul3A_1463 = arith.muli %and3A_1460, %mul3A_1462 : vector<16xi32>
        %add3A_1464 = arith.addi %mul3A_1463, %iota3A : vector<16xi32>
        %shift_right_arithmetic3A_1465 = arith.constant 24 : i32
        %shift_right_arithmetic3A_1466 = vector.broadcast %shift_right_arithmetic3A_1465 : i32 to vector<16xi32>
        %shift_right_arithmetic3A_1467 = arith.shrsi %get3A_1454, %shift_right_arithmetic3A_1466 : vector<16xi32>
        %shift_right_arithmetic3A_1468 = arith.constant 24 : i32
        %shift_right_arithmetic3A_1469 = arith.shrsi %or3A_535, %shift_right_arithmetic3A_1468 : i32
        %eq3A_1470 = vector.broadcast %shift_right_arithmetic3A_1469 : i32 to vector<16xi32>
        %eq3A_1471 = arith.cmpi eq, %shift_right_arithmetic3A_1467, %eq3A_1470 : vector<16xi32>
        %jit3A_1472 = arith.constant 1 : i32
        %jit3A_1473 = arith.constant 0 : i32
        %broadcast_in_dim3A_1474 = vector.broadcast %jit3A_1472 : i32 to vector<16xi32>
        %broadcast_in_dim3A_1475 = vector.broadcast %jit3A_1473 : i32 to vector<16xi32>
        %select_n3A_1476 = arith.select %eq3A_1471, %broadcast_in_dim3A_1474, %broadcast_in_dim3A_1475 : vector<16xi1>, vector<16xi32>
        tpu.vector_store_idx %arg8[%add3A_1464], %select_n3A_1476 {add = true} : memref<4096xi32, #tpu.memory_space<vmem>>[vector<16xi32>], vector<16xi32>,
        %mul3A_1477 = arith.constant 4 : i32
        %mul3A_1478 = arith.muli %scan3A_1415, %mul3A_1477 : i32
        %add3A_1479 = arith.constant 2 : i32
        %add3A_1480 = arith.addi %mul3A_1478, %add3A_1479 : i32
        %mul3A_1481 = arith.constant 16 : i32
        %mul3A_1482 = arith.muli %add3A_1480, %mul3A_1481 : i32
        %get3A_1483 = arith.index_cast %mul3A_1482 : i32 to index
        %get3A_1484 = tpu.vector_load %arg7[%get3A_1483] {strides = array<i32>} : memref<8192xi32, #tpu.memory_space<vmem>>, vector<16xi32>,
        %shift_right_arithmetic3A_1485 = arith.constant 16 : i32
        %shift_right_arithmetic3A_1486 = vector.broadcast %shift_right_arithmetic3A_1485 : i32 to vector<16xi32>
        %shift_right_arithmetic3A_1487 = arith.shrsi %get3A_1484, %shift_right_arithmetic3A_1486 : vector<16xi32>
        %and3A_1488 = arith.constant 255 : i32
        %and3A_1489 = vector.broadcast %and3A_1488 : i32 to vector<16xi32>
        %and3A_1490 = arith.andi %shift_right_arithmetic3A_1487, %and3A_1489 : vector<16xi32>
        %mul3A_1491 = arith.constant 16 : i32
        %mul3A_1492 = vector.broadcast %mul3A_1491 : i32 to vector<16xi32>
        %mul3A_1493 = arith.muli %and3A_1490, %mul3A_1492 : vector<16xi32>
        %add3A_1494 = arith.addi %mul3A_1493, %iota3A : vector<16xi32>
        %shift_right_arithmetic3A_1495 = arith.constant 24 : i32
        %shift_right_arithmetic3A_1496 = vector.broadcast %shift_right_arithmetic3A_1495 : i32 to vector<16xi32>
        %shift_right_arithmetic3A_1497 = arith.shrsi %get3A_1484, %shift_right_arithmetic3A_1496 : vector<16xi32>
        %shift_right_arithmetic3A_1498 = arith.constant 24 : i32
        %shift_right_arithmetic3A_1499 = arith.shrsi %or3A_535, %shift_right_arithmetic3A_1498 : i32
        %eq3A_1500 = vector.broadcast %shift_right_arithmetic3A_1499 : i32 to vector<16xi32>
        %eq3A_1501 = arith.cmpi eq, %shift_right_arithmetic3A_1497, %eq3A_1500 : vector<16xi32>
        %jit3A_1502 = arith.constant 1 : i32
        %jit3A_1503 = arith.constant 0 : i32
        %broadcast_in_dim3A_1504 = vector.broadcast %jit3A_1502 : i32 to vector<16xi32>
        %broadcast_in_dim3A_1505 = vector.broadcast %jit3A_1503 : i32 to vector<16xi32>
        %select_n3A_1506 = arith.select %eq3A_1501, %broadcast_in_dim3A_1504, %broadcast_in_dim3A_1505 : vector<16xi1>, vector<16xi32>
        tpu.vector_store_idx %arg8[%add3A_1494], %select_n3A_1506 {add = true} : memref<4096xi32, #tpu.memory_space<vmem>>[vector<16xi32>], vector<16xi32>,
        %mul3A_1507 = arith.constant 4 : i32
        %mul3A_1508 = arith.muli %scan3A_1415, %mul3A_1507 : i32
        %add3A_1509 = arith.constant 3 : i32
        %add3A_1510 = arith.addi %mul3A_1508, %add3A_1509 : i32
        %mul3A_1511 = arith.constant 16 : i32
        %mul3A_1512 = arith.muli %add3A_1510, %mul3A_1511 : i32
        %get3A_1513 = arith.index_cast %mul3A_1512 : i32 to index
        %get3A_1514 = tpu.vector_load %arg7[%get3A_1513] {strides = array<i32>} : memref<8192xi32, #tpu.memory_space<vmem>>, vector<16xi32>,
        %shift_right_arithmetic3A_1515 = arith.constant 16 : i32
        %shift_right_arithmetic3A_1516 = vector.broadcast %shift_right_arithmetic3A_1515 : i32 to vector<16xi32>
        %shift_right_arithmetic3A_1517 = arith.shrsi %get3A_1514, %shift_right_arithmetic3A_1516 : vector<16xi32>
        %and3A_1518 = arith.constant 255 : i32
        %and3A_1519 = vector.broadcast %and3A_1518 : i32 to vector<16xi32>
        %and3A_1520 = arith.andi %shift_right_arithmetic3A_1517, %and3A_1519 : vector<16xi32>
        %mul3A_1521 = arith.constant 16 : i32
        %mul3A_1522 = vector.broadcast %mul3A_1521 : i32 to vector<16xi32>
        %mul3A_1523 = arith.muli %and3A_1520, %mul3A_1522 : vector<16xi32>
        %add3A_1524 = arith.addi %mul3A_1523, %iota3A : vector<16xi32>
        %shift_right_arithmetic3A_1525 = arith.constant 24 : i32
        %shift_right_arithmetic3A_1526 = vector.broadcast %shift_right_arithmetic3A_1525 : i32 to vector<16xi32>
        %shift_right_arithmetic3A_1527 = arith.shrsi %get3A_1514, %shift_right_arithmetic3A_1526 : vector<16xi32>
        %shift_right_arithmetic3A_1528 = arith.constant 24 : i32
        %shift_right_arithmetic3A_1529 = arith.shrsi %or3A_535, %shift_right_arithmetic3A_1528 : i32
        %eq3A_1530 = vector.broadcast %shift_right_arithmetic3A_1529 : i32 to vector<16xi32>
        %eq3A_1531 = arith.cmpi eq, %shift_right_arithmetic3A_1527, %eq3A_1530 : vector<16xi32>
        %jit3A_1532 = arith.constant 1 : i32
        %jit3A_1533 = arith.constant 0 : i32
        %broadcast_in_dim3A_1534 = vector.broadcast %jit3A_1532 : i32 to vector<16xi32>
        %broadcast_in_dim3A_1535 = vector.broadcast %jit3A_1533 : i32 to vector<16xi32>
        %select_n3A_1536 = arith.select %eq3A_1531, %broadcast_in_dim3A_1534, %broadcast_in_dim3A_1535 : vector<16xi1>, vector<16xi32>
        tpu.vector_store_idx %arg8[%add3A_1524], %select_n3A_1536 {add = true} : memref<4096xi32, #tpu.memory_space<vmem>>[vector<16xi32>], vector<16xi32>,
        %scan3A_1537 = arith.constant 0 : i32
        scf.yield %scan3A_1537 : i32
      }
      %scan3A_549 = arith.constant 128 : i32
      %broadcast_in_dim3A_550 = arith.constant 0 : i32
      %broadcast_in_dim3A_551 = vector.broadcast %broadcast_in_dim3A_550 : i32 to vector<16xi32>
      %scan3A_552 = arith.constant 0 : i32
      %scan3A_553 = arith.constant 16 : i32
      %scan3A_554 = arith.addi %scan3A_552, %scan3A_553 : i32
      %scan3A_555 = arith.constant 1 : i32
      %scan3A_556 = scf.for %scan3A_1415 = %scan3A_552 to %scan3A_554 step %scan3A_555 iter_args(%scan3A_1416 = %broadcast_in_dim3A_551) -> (vector<16xi32>)  : i32 {
        %broadcast_in_dim3A_1417 = arith.constant 0 : i32
        %broadcast_in_dim3A_1418 = vector.broadcast %broadcast_in_dim3A_1417 : i32 to vector<16xi32>
        %mul3A_1419 = arith.constant 16 : i32
        %mul3A_1420 = arith.muli %scan3A_1415, %mul3A_1419 : i32
        %add3A_1421 = arith.constant 0 : i32
        %add3A_1422 = arith.addi %mul3A_1420, %add3A_1421 : i32
        %mul3A_1423 = arith.constant 16 : i32
        %mul3A_1424 = arith.muli %add3A_1422, %mul3A_1423 : i32
        %get3A_1425 = arith.index_cast %mul3A_1424 : i32 to index
        %get3A_1426 = tpu.vector_load %arg8[%get3A_1425] {strides = array<i32>} : memref<4096xi32, #tpu.memory_space<vmem>>, vector<16xi32>,
        %add3A_1427 = arith.addi %broadcast_in_dim3A_1418, %get3A_1426 : vector<16xi32>
        %mul3A_1428 = arith.constant 16 : i32
        %mul3A_1429 = arith.muli %scan3A_1415, %mul3A_1428 : i32
        %add3A_1430 = arith.constant 1 : i32
        %add3A_1431 = arith.addi %mul3A_1429, %add3A_1430 : i32
        %mul3A_1432 = arith.constant 16 : i32
        %mul3A_1433 = arith.muli %add3A_1431, %mul3A_1432 : i32
        %get3A_1434 = arith.index_cast %mul3A_1433 : i32 to index
        %get3A_1435 = tpu.vector_load %arg8[%get3A_1434] {strides = array<i32>} : memref<4096xi32, #tpu.memory_space<vmem>>, vector<16xi32>,
        %add3A_1436 = arith.addi %add3A_1427, %get3A_1435 : vector<16xi32>
        %mul3A_1437 = arith.constant 16 : i32
        %mul3A_1438 = arith.muli %scan3A_1415, %mul3A_1437 : i32
        %add3A_1439 = arith.constant 2 : i32
        %add3A_1440 = arith.addi %mul3A_1438, %add3A_1439 : i32
        %mul3A_1441 = arith.constant 16 : i32
        %mul3A_1442 = arith.muli %add3A_1440, %mul3A_1441 : i32
        %get3A_1443 = arith.index_cast %mul3A_1442 : i32 to index
        %get3A_1444 = tpu.vector_load %arg8[%get3A_1443] {strides = array<i32>} : memref<4096xi32, #tpu.memory_space<vmem>>, vector<16xi32>,
        %add3A_1445 = arith.addi %add3A_1436, %get3A_1444 : vector<16xi32>
        %mul3A_1446 = arith.constant 16 : i32
        %mul3A_1447 = arith.muli %scan3A_1415, %mul3A_1446 : i32
        %add3A_1448 = arith.constant 3 : i32
        %add3A_1449 = arith.addi %mul3A_1447, %add3A_1448 : i32
        %mul3A_1450 = arith.constant 16 : i32
        %mul3A_1451 = arith.muli %add3A_1449, %mul3A_1450 : i32
        %get3A_1452 = arith.index_cast %mul3A_1451 : i32 to index
        %get3A_1453 = tpu.vector_load %arg8[%get3A_1452] {strides = array<i32>} : memref<4096xi32, #tpu.memory_space<vmem>>, vector<16xi32>,
        %add3A_1454 = arith.addi %add3A_1445, %get3A_1453 : vector<16xi32>
        %mul3A_1455 = arith.constant 16 : i32
        %mul3A_1456 = arith.muli %scan3A_1415, %mul3A_1455 : i32
        %add3A_1457 = arith.constant 4 : i32
        %add3A_1458 = arith.addi %mul3A_1456, %add3A_1457 : i32
        %mul3A_1459 = arith.constant 16 : i32
        %mul3A_1460 = arith.muli %add3A_1458, %mul3A_1459 : i32
        %get3A_1461 = arith.index_cast %mul3A_1460 : i32 to index
        %get3A_1462 = tpu.vector_load %arg8[%get3A_1461] {strides = array<i32>} : memref<4096xi32, #tpu.memory_space<vmem>>, vector<16xi32>,
        %add3A_1463 = arith.addi %add3A_1454, %get3A_1462 : vector<16xi32>
        %mul3A_1464 = arith.constant 16 : i32
        %mul3A_1465 = arith.muli %scan3A_1415, %mul3A_1464 : i32
        %add3A_1466 = arith.constant 5 : i32
        %add3A_1467 = arith.addi %mul3A_1465, %add3A_1466 : i32
        %mul3A_1468 = arith.constant 16 : i32
        %mul3A_1469 = arith.muli %add3A_1467, %mul3A_1468 : i32
        %get3A_1470 = arith.index_cast %mul3A_1469 : i32 to index
        %get3A_1471 = tpu.vector_load %arg8[%get3A_1470] {strides = array<i32>} : memref<4096xi32, #tpu.memory_space<vmem>>, vector<16xi32>,
        %add3A_1472 = arith.addi %add3A_1463, %get3A_1471 : vector<16xi32>
        %mul3A_1473 = arith.constant 16 : i32
        %mul3A_1474 = arith.muli %scan3A_1415, %mul3A_1473 : i32
        %add3A_1475 = arith.constant 6 : i32
        %add3A_1476 = arith.addi %mul3A_1474, %add3A_1475 : i32
        %mul3A_1477 = arith.constant 16 : i32
        %mul3A_1478 = arith.muli %add3A_1476, %mul3A_1477 : i32
        %get3A_1479 = arith.index_cast %mul3A_1478 : i32 to index
        %get3A_1480 = tpu.vector_load %arg8[%get3A_1479] {strides = array<i32>} : memref<4096xi32, #tpu.memory_space<vmem>>, vector<16xi32>,
        %add3A_1481 = arith.addi %add3A_1472, %get3A_1480 : vector<16xi32>
        %mul3A_1482 = arith.constant 16 : i32
        %mul3A_1483 = arith.muli %scan3A_1415, %mul3A_1482 : i32
        %add3A_1484 = arith.constant 7 : i32
        %add3A_1485 = arith.addi %mul3A_1483, %add3A_1484 : i32
        %mul3A_1486 = arith.constant 16 : i32
        %mul3A_1487 = arith.muli %add3A_1485, %mul3A_1486 : i32
        %get3A_1488 = arith.index_cast %mul3A_1487 : i32 to index
        %get3A_1489 = tpu.vector_load %arg8[%get3A_1488] {strides = array<i32>} : memref<4096xi32, #tpu.memory_space<vmem>>, vector<16xi32>,
        %add3A_1490 = arith.addi %add3A_1481, %get3A_1489 : vector<16xi32>
        %mul3A_1491 = arith.constant 16 : i32
        %mul3A_1492 = arith.muli %scan3A_1415, %mul3A_1491 : i32
        %add3A_1493 = arith.constant 8 : i32
        %add3A_1494 = arith.addi %mul3A_1492, %add3A_1493 : i32
        %mul3A_1495 = arith.constant 16 : i32
        %mul3A_1496 = arith.muli %add3A_1494, %mul3A_1495 : i32
        %get3A_1497 = arith.index_cast %mul3A_1496 : i32 to index
        %get3A_1498 = tpu.vector_load %arg8[%get3A_1497] {strides = array<i32>} : memref<4096xi32, #tpu.memory_space<vmem>>, vector<16xi32>,
        %add3A_1499 = arith.addi %add3A_1490, %get3A_1498 : vector<16xi32>
        %mul3A_1500 = arith.constant 16 : i32
        %mul3A_1501 = arith.muli %scan3A_1415, %mul3A_1500 : i32
        %add3A_1502 = arith.constant 9 : i32
        %add3A_1503 = arith.addi %mul3A_1501, %add3A_1502 : i32
        %mul3A_1504 = arith.constant 16 : i32
        %mul3A_1505 = arith.muli %add3A_1503, %mul3A_1504 : i32
        %get3A_1506 = arith.index_cast %mul3A_1505 : i32 to index
        %get3A_1507 = tpu.vector_load %arg8[%get3A_1506] {strides = array<i32>} : memref<4096xi32, #tpu.memory_space<vmem>>, vector<16xi32>,
        %add3A_1508 = arith.addi %add3A_1499, %get3A_1507 : vector<16xi32>
        %mul3A_1509 = arith.constant 16 : i32
        %mul3A_1510 = arith.muli %scan3A_1415, %mul3A_1509 : i32
        %add3A_1511 = arith.constant 10 : i32
        %add3A_1512 = arith.addi %mul3A_1510, %add3A_1511 : i32
        %mul3A_1513 = arith.constant 16 : i32
        %mul3A_1514 = arith.muli %add3A_1512, %mul3A_1513 : i32
        %get3A_1515 = arith.index_cast %mul3A_1514 : i32 to index
        %get3A_1516 = tpu.vector_load %arg8[%get3A_1515] {strides = array<i32>} : memref<4096xi32, #tpu.memory_space<vmem>>, vector<16xi32>,
        %add3A_1517 = arith.addi %add3A_1508, %get3A_1516 : vector<16xi32>
        %mul3A_1518 = arith.constant 16 : i32
        %mul3A_1519 = arith.muli %scan3A_1415, %mul3A_1518 : i32
        %add3A_1520 = arith.constant 11 : i32
        %add3A_1521 = arith.addi %mul3A_1519, %add3A_1520 : i32
        %mul3A_1522 = arith.constant 16 : i32
        %mul3A_1523 = arith.muli %add3A_1521, %mul3A_1522 : i32
        %get3A_1524 = arith.index_cast %mul3A_1523 : i32 to index
        %get3A_1525 = tpu.vector_load %arg8[%get3A_1524] {strides = array<i32>} : memref<4096xi32, #tpu.memory_space<vmem>>, vector<16xi32>,
        %add3A_1526 = arith.addi %add3A_1517, %get3A_1525 : vector<16xi32>
        %mul3A_1527 = arith.constant 16 : i32
        %mul3A_1528 = arith.muli %scan3A_1415, %mul3A_1527 : i32
        %add3A_1529 = arith.constant 12 : i32
        %add3A_1530 = arith.addi %mul3A_1528, %add3A_1529 : i32
        %mul3A_1531 = arith.constant 16 : i32
        %mul3A_1532 = arith.muli %add3A_1530, %mul3A_1531 : i32
        %get3A_1533 = arith.index_cast %mul3A_1532 : i32 to index
        %get3A_1534 = tpu.vector_load %arg8[%get3A_1533] {strides = array<i32>} : memref<4096xi32, #tpu.memory_space<vmem>>, vector<16xi32>,
        %add3A_1535 = arith.addi %add3A_1526, %get3A_1534 : vector<16xi32>
        %mul3A_1536 = arith.constant 16 : i32
        %mul3A_1537 = arith.muli %scan3A_1415, %mul3A_1536 : i32
        %add3A_1538 = arith.constant 13 : i32
        %add3A_1539 = arith.addi %mul3A_1537, %add3A_1538 : i32
        %mul3A_1540 = arith.constant 16 : i32
        %mul3A_1541 = arith.muli %add3A_1539, %mul3A_1540 : i32
        %get3A_1542 = arith.index_cast %mul3A_1541 : i32 to index
        %get3A_1543 = tpu.vector_load %arg8[%get3A_1542] {strides = array<i32>} : memref<4096xi32, #tpu.memory_space<vmem>>, vector<16xi32>,
        %add3A_1544 = arith.addi %add3A_1535, %get3A_1543 : vector<16xi32>
        %mul3A_1545 = arith.constant 16 : i32
        %mul3A_1546 = arith.muli %scan3A_1415, %mul3A_1545 : i32
        %add3A_1547 = arith.constant 14 : i32
        %add3A_1548 = arith.addi %mul3A_1546, %add3A_1547 : i32
        %mul3A_1549 = arith.constant 16 : i32
        %mul3A_1550 = arith.muli %add3A_1548, %mul3A_1549 : i32
        %get3A_1551 = arith.index_cast %mul3A_1550 : i32 to index
        %get3A_1552 = tpu.vector_load %arg8[%get3A_1551] {strides = array<i32>} : memref<4096xi32, #tpu.memory_space<vmem>>, vector<16xi32>,
        %add3A_1553 = arith.addi %add3A_1544, %get3A_1552 : vector<16xi32>
        %mul3A_1554 = arith.constant 16 : i32
        %mul3A_1555 = arith.muli %scan3A_1415, %mul3A_1554 : i32
        %add3A_1556 = arith.constant 15 : i32
        %add3A_1557 = arith.addi %mul3A_1555, %add3A_1556 : i32
        %mul3A_1558 = arith.constant 16 : i32
        %mul3A_1559 = arith.muli %add3A_1557, %mul3A_1558 : i32
        %get3A_1560 = arith.index_cast %mul3A_1559 : i32 to index
        %get3A_1561 = tpu.vector_load %arg8[%get3A_1560] {strides = array<i32>} : memref<4096xi32, #tpu.memory_space<vmem>>, vector<16xi32>,
        %add3A_1562 = arith.addi %add3A_1553, %get3A_1561 : vector<16xi32>
        %eq3A_1563 = vector.broadcast %scan3A_1415 : i32 to vector<16xi32>
        %eq3A_1564 = arith.cmpi eq, %iota3A, %eq3A_1563 : vector<16xi32>
        %reduce_sum3A_1565 = arith.constant true
        %reduce_sum3A_1566 = vector.broadcast %reduce_sum3A_1565 : i1 to vector<16xi1>
        %reduce_sum3A_1567 = tpu.scan <sum>, %add3A_1562 masked %reduce_sum3A_1566 : vector<16xi32>, vector<16xi1> -> vector<16xi32>
        %reduce_sum3A_1568 = vector.extract %reduce_sum3A_1567[15] : i32 from vector<16xi32>
        %broadcast_in_dim3A_1569 = vector.broadcast %reduce_sum3A_1568 : i32 to vector<16xi32>
        %select_n3A_1570 = arith.select %eq3A_1564, %broadcast_in_dim3A_1569, %scan3A_1416 : vector<16xi1>, vector<16xi32>
        scf.yield %select_n3A_1570 : vector<16xi32>
      }
      %scan3A_557 = arith.constant 16 : i32
      %rev3A_558 = arith.constant 15 : i32
      %rev3A_559 = vector.broadcast %rev3A_558 : i32 to vector<16xi32>
      %rev3A_560 = tpu.iota {dimensions = array<i32: 0>} : vector<16xi32>
      %rev3A_561 = arith.subi %rev3A_559, %rev3A_560 : vector<16xi32>
      %rev3A_562 = tpu.dynamic_gather %scan3A_556[%rev3A_561] in [0] : vector<16xi32>, vector<16xi32> -> vector<16xi32>
      %cumsum3A_563 = arith.constant true
      %cumsum3A_564 = vector.broadcast %cumsum3A_563 : i1 to vector<16xi1>
      %cumsum3A_565 = tpu.scan <sum>, %rev3A_562 masked %cumsum3A_564 : vector<16xi32>, vector<16xi1> -> vector<16xi32>
      %rev3A_566 = arith.constant 15 : i32
      %rev3A_567 = vector.broadcast %rev3A_566 : i32 to vector<16xi32>
      %rev3A_568 = tpu.iota {dimensions = array<i32: 0>} : vector<16xi32>
      %rev3A_569 = arith.subi %rev3A_567, %rev3A_568 : vector<16xi32>
      %rev3A_570 = tpu.dynamic_gather %cumsum3A_565[%rev3A_569] in [0] : vector<16xi32>, vector<16xi32> -> vector<16xi32>
      %ge3A_571 = vector.broadcast %sub3A_530 : i32 to vector<16xi32>
      %ge3A_572 = arith.cmpi sge, %rev3A_570, %ge3A_571 : vector<16xi32>
      %jit3A_573 = arith.constant -1 : i32
      %broadcast_in_dim3A_574 = vector.broadcast %jit3A_573 : i32 to vector<16xi32>
      %select_n3A_575 = arith.select %ge3A_572, %iota3A, %broadcast_in_dim3A_574 : vector<16xi1>, vector<16xi32>
      %reduce_max3A_576 = arith.constant true
      %reduce_max3A_577 = vector.broadcast %reduce_max3A_576 : i1 to vector<16xi1>
      %reduce_max3A_578 = arith.constant -2147483648 : i32
      %reduce_max3A_579 = vector.broadcast %reduce_max3A_578 : i32 to vector<16xi32>
      %reduce_max3A_580 = arith.xori %select_n3A_575, %reduce_max3A_579 : vector<16xi32>
      %reduce_max3A_581 = tpu.scan <max>, %reduce_max3A_580 masked %reduce_max3A_577 : vector<16xi32>, vector<16xi1> -> vector<16xi32>
      %reduce_max3A_582 = arith.xori %reduce_max3A_581, %reduce_max3A_579 : vector<16xi32>
      %reduce_max3A_583 = vector.extract %reduce_max3A_582[15] : i32 from vector<16xi32>
      %iota3A_584 = tpu.iota {dimensions = array<i32: 0>} : vector<16xi32>
      %eq3A_585 = vector.broadcast %reduce_max3A_583 : i32 to vector<16xi32>
      %eq3A_586 = arith.cmpi eq, %iota3A_584, %eq3A_585 : vector<16xi32>
      %jit3A_587 = arith.constant 0 : i32
      %broadcast_in_dim3A_588 = vector.broadcast %jit3A_587 : i32 to vector<16xi32>
      %select_n3A_589 = arith.select %eq3A_586, %rev3A_570, %broadcast_in_dim3A_588 : vector<16xi1>, vector<16xi32>
      %reduce_sum3A_590 = arith.constant true
      %reduce_sum3A_591 = vector.broadcast %reduce_sum3A_590 : i1 to vector<16xi1>
      %reduce_sum3A_592 = tpu.scan <sum>, %select_n3A_589 masked %reduce_sum3A_591 : vector<16xi32>, vector<16xi1> -> vector<16xi32>
      %reduce_sum3A_593 = vector.extract %reduce_sum3A_592[15] : i32 from vector<16xi32>
      %iota3A_594 = tpu.iota {dimensions = array<i32: 0>} : vector<16xi32>
      %eq3A_595 = vector.broadcast %reduce_max3A_583 : i32 to vector<16xi32>
      %eq3A_596 = arith.cmpi eq, %iota3A_594, %eq3A_595 : vector<16xi32>
      %jit3A_597 = arith.constant 0 : i32
      %broadcast_in_dim3A_598 = vector.broadcast %jit3A_597 : i32 to vector<16xi32>
      %select_n3A_599 = arith.select %eq3A_596, %scan3A_556, %broadcast_in_dim3A_598 : vector<16xi1>, vector<16xi32>
      %reduce_sum3A_600 = arith.constant true
      %reduce_sum3A_601 = vector.broadcast %reduce_sum3A_600 : i1 to vector<16xi1>
      %reduce_sum3A_602 = tpu.scan <sum>, %select_n3A_599 masked %reduce_sum3A_601 : vector<16xi32>, vector<16xi1> -> vector<16xi32>
      %reduce_sum3A_603 = vector.extract %reduce_sum3A_602[15] : i32 from vector<16xi32>
      %sub3A_604 = arith.subi %reduce_sum3A_593, %reduce_sum3A_603 : i32
      %sub3A_605 = arith.subi %sub3A_530, %sub3A_604 : i32
      %broadcast_in_dim3A_606 = arith.constant 0 : i32
      %broadcast_in_dim3A_607 = vector.broadcast %broadcast_in_dim3A_606 : i32 to vector<16xi32>
      %scan3A_608 = arith.constant 0 : i32
      %scan3A_609 = arith.constant 16 : i32
      %scan3A_610 = arith.addi %scan3A_608, %scan3A_609 : i32
      %scan3A_611 = arith.constant 1 : i32
      %scan3A_612 = scf.for %scan3A_1415 = %scan3A_608 to %scan3A_610 step %scan3A_611 iter_args(%scan3A_1416 = %broadcast_in_dim3A_607) -> (vector<16xi32>)  : i32 {
        %mul3A_1417 = arith.constant 16 : i32
        %mul3A_1418 = arith.muli %reduce_max3A_583, %mul3A_1417 : i32
        %add3A_1419 = arith.addi %mul3A_1418, %scan3A_1415 : i32
        %mul3A_1420 = arith.constant 16 : i32
        %mul3A_1421 = arith.muli %add3A_1419, %mul3A_1420 : i32
        %get3A_1422 = arith.index_cast %mul3A_1421 : i32 to index
        %get3A_1423 = tpu.vector_load %arg8[%get3A_1422] {strides = array<i32>} : memref<4096xi32, #tpu.memory_space<vmem>>, vector<16xi32>,
        %eq3A_1424 = vector.broadcast %scan3A_1415 : i32 to vector<16xi32>
        %eq3A_1425 = arith.cmpi eq, %iota3A, %eq3A_1424 : vector<16xi32>
        %reduce_sum3A_1426 = arith.constant true
        %reduce_sum3A_1427 = vector.broadcast %reduce_sum3A_1426 : i1 to vector<16xi1>
        %reduce_sum3A_1428 = tpu.scan <sum>, %get3A_1423 masked %reduce_sum3A_1427 : vector<16xi32>, vector<16xi1> -> vector<16xi32>
        %reduce_sum3A_1429 = vector.extract %reduce_sum3A_1428[15] : i32 from vector<16xi32>
        %broadcast_in_dim3A_1430 = vector.broadcast %reduce_sum3A_1429 : i32 to vector<16xi32>
        %select_n3A_1431 = arith.select %eq3A_1425, %broadcast_in_dim3A_1430, %scan3A_1416 : vector<16xi1>, vector<16xi32>
        scf.yield %select_n3A_1431 : vector<16xi32>
      }
      %scan3A_613 = arith.constant 16 : i32
      %rev3A_614 = arith.constant 15 : i32
      %rev3A_615 = vector.broadcast %rev3A_614 : i32 to vector<16xi32>
      %rev3A_616 = tpu.iota {dimensions = array<i32: 0>} : vector<16xi32>
      %rev3A_617 = arith.subi %rev3A_615, %rev3A_616 : vector<16xi32>
      %rev3A_618 = tpu.dynamic_gather %scan3A_612[%rev3A_617] in [0] : vector<16xi32>, vector<16xi32> -> vector<16xi32>
      %cumsum3A_619 = arith.constant true
      %cumsum3A_620 = vector.broadcast %cumsum3A_619 : i1 to vector<16xi1>
      %cumsum3A_621 = tpu.scan <sum>, %rev3A_618 masked %cumsum3A_620 : vector<16xi32>, vector<16xi1> -> vector<16xi32>
      %rev3A_622 = arith.constant 15 : i32
      %rev3A_623 = vector.broadcast %rev3A_622 : i32 to vector<16xi32>
      %rev3A_624 = tpu.iota {dimensions = array<i32: 0>} : vector<16xi32>
      %rev3A_625 = arith.subi %rev3A_623, %rev3A_624 : vector<16xi32>
      %rev3A_626 = tpu.dynamic_gather %cumsum3A_621[%rev3A_625] in [0] : vector<16xi32>, vector<16xi32> -> vector<16xi32>
      %ge3A_627 = vector.broadcast %sub3A_605 : i32 to vector<16xi32>
      %ge3A_628 = arith.cmpi sge, %rev3A_626, %ge3A_627 : vector<16xi32>
      %jit3A_629 = arith.constant -1 : i32
      %broadcast_in_dim3A_630 = vector.broadcast %jit3A_629 : i32 to vector<16xi32>
      %select_n3A_631 = arith.select %ge3A_628, %iota3A, %broadcast_in_dim3A_630 : vector<16xi1>, vector<16xi32>
      %reduce_max3A_632 = arith.constant true
      %reduce_max3A_633 = vector.broadcast %reduce_max3A_632 : i1 to vector<16xi1>
      %reduce_max3A_634 = arith.constant -2147483648 : i32
      %reduce_max3A_635 = vector.broadcast %reduce_max3A_634 : i32 to vector<16xi32>
      %reduce_max3A_636 = arith.xori %select_n3A_631, %reduce_max3A_635 : vector<16xi32>
      %reduce_max3A_637 = tpu.scan <max>, %reduce_max3A_636 masked %reduce_max3A_633 : vector<16xi32>, vector<16xi1> -> vector<16xi32>
      %reduce_max3A_638 = arith.xori %reduce_max3A_637, %reduce_max3A_635 : vector<16xi32>
      %reduce_max3A_639 = vector.extract %reduce_max3A_638[15] : i32 from vector<16xi32>
      %iota3A_640 = tpu.iota {dimensions = array<i32: 0>} : vector<16xi32>
      %eq3A_641 = vector.broadcast %reduce_max3A_639 : i32 to vector<16xi32>
      %eq3A_642 = arith.cmpi eq, %iota3A_640, %eq3A_641 : vector<16xi32>
      %jit3A_643 = arith.constant 0 : i32
      %broadcast_in_dim3A_644 = vector.broadcast %jit3A_643 : i32 to vector<16xi32>
      %select_n3A_645 = arith.select %eq3A_642, %rev3A_626, %broadcast_in_dim3A_644 : vector<16xi1>, vector<16xi32>
      %reduce_sum3A_646 = arith.constant true
      %reduce_sum3A_647 = vector.broadcast %reduce_sum3A_646 : i1 to vector<16xi1>
      %reduce_sum3A_648 = tpu.scan <sum>, %select_n3A_645 masked %reduce_sum3A_647 : vector<16xi32>, vector<16xi1> -> vector<16xi32>
      %reduce_sum3A_649 = vector.extract %reduce_sum3A_648[15] : i32 from vector<16xi32>
      %iota3A_650 = tpu.iota {dimensions = array<i32: 0>} : vector<16xi32>
      %eq3A_651 = vector.broadcast %reduce_max3A_639 : i32 to vector<16xi32>
      %eq3A_652 = arith.cmpi eq, %iota3A_650, %eq3A_651 : vector<16xi32>
      %jit3A_653 = arith.constant 0 : i32
      %broadcast_in_dim3A_654 = vector.broadcast %jit3A_653 : i32 to vector<16xi32>
      %select_n3A_655 = arith.select %eq3A_652, %scan3A_612, %broadcast_in_dim3A_654 : vector<16xi1>, vector<16xi32>
      %reduce_sum3A_656 = arith.constant true
      %reduce_sum3A_657 = vector.broadcast %reduce_sum3A_656 : i1 to vector<16xi1>
      %reduce_sum3A_658 = tpu.scan <sum>, %select_n3A_655 masked %reduce_sum3A_657 : vector<16xi32>, vector<16xi1> -> vector<16xi32>
      %reduce_sum3A_659 = vector.extract %reduce_sum3A_658[15] : i32 from vector<16xi32>
      %sub3A_660 = arith.subi %reduce_sum3A_649, %reduce_sum3A_659 : i32
      %sub3A_661 = arith.subi %sub3A_605, %sub3A_660 : i32
      %mul3A_662 = arith.constant 16 : i32
      %mul3A_663 = arith.muli %reduce_max3A_583, %mul3A_662 : i32
      %add3A_664 = arith.addi %mul3A_663, %reduce_max3A_639 : i32
      %shift_left3A_665 = arith.constant 16 : i32
      %shift_left3A_666 = arith.shli %add3A_664, %shift_left3A_665 : i32
      %or3A_667 = arith.ori %or3A_535, %shift_left3A_666 : i32
      %scan3A_668 = arith.constant 0 : i32
      %scan3A_669 = arith.constant 0 : i32
      %scan3A_670 = arith.constant 64 : i32
      %scan3A_671 = arith.addi %scan3A_669, %scan3A_670 : i32
      %scan3A_672 = arith.constant 1 : i32
      %scan3A_673 = scf.for %scan3A_1415 = %scan3A_669 to %scan3A_671 step %scan3A_672 iter_args(%scan3A_1416 = %scan3A_668) -> (i32)  : i32 {
        %broadcast_in_dim3A_1417 = arith.constant 0 : i32
        %broadcast_in_dim3A_1418 = vector.broadcast %broadcast_in_dim3A_1417 : i32 to vector<16xi32>
        %mul3A_1419 = arith.constant 4 : i32
        %mul3A_1420 = arith.muli %scan3A_1415, %mul3A_1419 : i32
        %add3A_1421 = arith.constant 0 : i32
        %add3A_1422 = arith.addi %mul3A_1420, %add3A_1421 : i32
        %mul3A_1423 = arith.constant 16 : i32
        %mul3A_1424 = arith.muli %add3A_1422, %mul3A_1423 : i32
        %swap3A_1425 = arith.index_cast %mul3A_1424 : i32 to index
        %swap3A_1426 = tpu.vector_load %arg8[%swap3A_1425] {strides = array<i32>} : memref<4096xi32, #tpu.memory_space<vmem>>, vector<16xi32>,
        tpu.vector_store %arg8[%swap3A_1425], %broadcast_in_dim3A_1418 {strides = array<i32>} : memref<4096xi32, #tpu.memory_space<vmem>>, vector<16xi32>,
        %broadcast_in_dim3A_1427 = arith.constant 0 : i32
        %broadcast_in_dim3A_1428 = vector.broadcast %broadcast_in_dim3A_1427 : i32 to vector<16xi32>
        %mul3A_1429 = arith.constant 4 : i32
        %mul3A_1430 = arith.muli %scan3A_1415, %mul3A_1429 : i32
        %add3A_1431 = arith.constant 1 : i32
        %add3A_1432 = arith.addi %mul3A_1430, %add3A_1431 : i32
        %mul3A_1433 = arith.constant 16 : i32
        %mul3A_1434 = arith.muli %add3A_1432, %mul3A_1433 : i32
        %swap3A_1435 = arith.index_cast %mul3A_1434 : i32 to index
        %swap3A_1436 = tpu.vector_load %arg8[%swap3A_1435] {strides = array<i32>} : memref<4096xi32, #tpu.memory_space<vmem>>, vector<16xi32>,
        tpu.vector_store %arg8[%swap3A_1435], %broadcast_in_dim3A_1428 {strides = array<i32>} : memref<4096xi32, #tpu.memory_space<vmem>>, vector<16xi32>,
        %broadcast_in_dim3A_1437 = arith.constant 0 : i32
        %broadcast_in_dim3A_1438 = vector.broadcast %broadcast_in_dim3A_1437 : i32 to vector<16xi32>
        %mul3A_1439 = arith.constant 4 : i32
        %mul3A_1440 = arith.muli %scan3A_1415, %mul3A_1439 : i32
        %add3A_1441 = arith.constant 2 : i32
        %add3A_1442 = arith.addi %mul3A_1440, %add3A_1441 : i32
        %mul3A_1443 = arith.constant 16 : i32
        %mul3A_1444 = arith.muli %add3A_1442, %mul3A_1443 : i32
        %swap3A_1445 = arith.index_cast %mul3A_1444 : i32 to index
        %swap3A_1446 = tpu.vector_load %arg8[%swap3A_1445] {strides = array<i32>} : memref<4096xi32, #tpu.memory_space<vmem>>, vector<16xi32>,
        tpu.vector_store %arg8[%swap3A_1445], %broadcast_in_dim3A_1438 {strides = array<i32>} : memref<4096xi32, #tpu.memory_space<vmem>>, vector<16xi32>,
        %broadcast_in_dim3A_1447 = arith.constant 0 : i32
        %broadcast_in_dim3A_1448 = vector.broadcast %broadcast_in_dim3A_1447 : i32 to vector<16xi32>
        %mul3A_1449 = arith.constant 4 : i32
        %mul3A_1450 = arith.muli %scan3A_1415, %mul3A_1449 : i32
        %add3A_1451 = arith.constant 3 : i32
        %add3A_1452 = arith.addi %mul3A_1450, %add3A_1451 : i32
        %mul3A_1453 = arith.constant 16 : i32
        %mul3A_1454 = arith.muli %add3A_1452, %mul3A_1453 : i32
        %swap3A_1455 = arith.index_cast %mul3A_1454 : i32 to index
        %swap3A_1456 = tpu.vector_load %arg8[%swap3A_1455] {strides = array<i32>} : memref<4096xi32, #tpu.memory_space<vmem>>, vector<16xi32>,
        tpu.vector_store %arg8[%swap3A_1455], %broadcast_in_dim3A_1448 {strides = array<i32>} : memref<4096xi32, #tpu.memory_space<vmem>>, vector<16xi32>,
        %scan3A_1457 = arith.constant 0 : i32
        scf.yield %scan3A_1457 : i32
      }
      %scan3A_674 = arith.constant 64 : i32
      %scan3A_675 = arith.constant 0 : i32
      %scan3A_676 = arith.constant 0 : i32
      %scan3A_677 = arith.constant 128 : i32
      %scan3A_678 = arith.addi %scan3A_676, %scan3A_677 : i32
      %scan3A_679 = arith.constant 1 : i32
      %scan3A_680 = scf.for %scan3A_1415 = %scan3A_676 to %scan3A_678 step %scan3A_679 iter_args(%scan3A_1416 = %scan3A_675) -> (i32)  : i32 {
        %mul3A_1417 = arith.constant 4 : i32
        %mul3A_1418 = arith.muli %scan3A_1415, %mul3A_1417 : i32
        %add3A_1419 = arith.constant 0 : i32
        %add3A_1420 = arith.addi %mul3A_1418, %add3A_1419 : i32
        %mul3A_1421 = arith.constant 16 : i32
        %mul3A_1422 = arith.muli %add3A_1420, %mul3A_1421 : i32
        %get3A_1423 = arith.index_cast %mul3A_1422 : i32 to index
        %get3A_1424 = tpu.vector_load %arg7[%get3A_1423] {strides = array<i32>} : memref<8192xi32, #tpu.memory_space<vmem>>, vector<16xi32>,
        %shift_right_arithmetic3A_1425 = arith.constant 8 : i32
        %shift_right_arithmetic3A_1426 = vector.broadcast %shift_right_arithmetic3A_1425 : i32 to vector<16xi32>
        %shift_right_arithmetic3A_1427 = arith.shrsi %get3A_1424, %shift_right_arithmetic3A_1426 : vector<16xi32>
        %and3A_1428 = arith.constant 255 : i32
        %and3A_1429 = vector.broadcast %and3A_1428 : i32 to vector<16xi32>
        %and3A_1430 = arith.andi %shift_right_arithmetic3A_1427, %and3A_1429 : vector<16xi32>
        %mul3A_1431 = arith.constant 16 : i32
        %mul3A_1432 = vector.broadcast %mul3A_1431 : i32 to vector<16xi32>
        %mul3A_1433 = arith.muli %and3A_1430, %mul3A_1432 : vector<16xi32>
        %add3A_1434 = arith.addi %mul3A_1433, %iota3A : vector<16xi32>
        %shift_right_arithmetic3A_1435 = arith.constant 16 : i32
        %shift_right_arithmetic3A_1436 = vector.broadcast %shift_right_arithmetic3A_1435 : i32 to vector<16xi32>
        %shift_right_arithmetic3A_1437 = arith.shrsi %get3A_1424, %shift_right_arithmetic3A_1436 : vector<16xi32>
        %shift_right_arithmetic3A_1438 = arith.constant 16 : i32
        %shift_right_arithmetic3A_1439 = arith.shrsi %or3A_667, %shift_right_arithmetic3A_1438 : i32
        %eq3A_1440 = vector.broadcast %shift_right_arithmetic3A_1439 : i32 to vector<16xi32>
        %eq3A_1441 = arith.cmpi eq, %shift_right_arithmetic3A_1437, %eq3A_1440 : vector<16xi32>
        %jit3A_1442 = arith.constant 1 : i32
        %jit3A_1443 = arith.constant 0 : i32
        %broadcast_in_dim3A_1444 = vector.broadcast %jit3A_1442 : i32 to vector<16xi32>
        %broadcast_in_dim3A_1445 = vector.broadcast %jit3A_1443 : i32 to vector<16xi32>
        %select_n3A_1446 = arith.select %eq3A_1441, %broadcast_in_dim3A_1444, %broadcast_in_dim3A_1445 : vector<16xi1>, vector<16xi32>
        tpu.vector_store_idx %arg8[%add3A_1434], %select_n3A_1446 {add = true} : memref<4096xi32, #tpu.memory_space<vmem>>[vector<16xi32>], vector<16xi32>,
        %mul3A_1447 = arith.constant 4 : i32
        %mul3A_1448 = arith.muli %scan3A_1415, %mul3A_1447 : i32
        %add3A_1449 = arith.constant 1 : i32
        %add3A_1450 = arith.addi %mul3A_1448, %add3A_1449 : i32
        %mul3A_1451 = arith.constant 16 : i32
        %mul3A_1452 = arith.muli %add3A_1450, %mul3A_1451 : i32
        %get3A_1453 = arith.index_cast %mul3A_1452 : i32 to index
        %get3A_1454 = tpu.vector_load %arg7[%get3A_1453] {strides = array<i32>} : memref<8192xi32, #tpu.memory_space<vmem>>, vector<16xi32>,
        %shift_right_arithmetic3A_1455 = arith.constant 8 : i32
        %shift_right_arithmetic3A_1456 = vector.broadcast %shift_right_arithmetic3A_1455 : i32 to vector<16xi32>
        %shift_right_arithmetic3A_1457 = arith.shrsi %get3A_1454, %shift_right_arithmetic3A_1456 : vector<16xi32>
        %and3A_1458 = arith.constant 255 : i32
        %and3A_1459 = vector.broadcast %and3A_1458 : i32 to vector<16xi32>
        %and3A_1460 = arith.andi %shift_right_arithmetic3A_1457, %and3A_1459 : vector<16xi32>
        %mul3A_1461 = arith.constant 16 : i32
        %mul3A_1462 = vector.broadcast %mul3A_1461 : i32 to vector<16xi32>
        %mul3A_1463 = arith.muli %and3A_1460, %mul3A_1462 : vector<16xi32>
        %add3A_1464 = arith.addi %mul3A_1463, %iota3A : vector<16xi32>
        %shift_right_arithmetic3A_1465 = arith.constant 16 : i32
        %shift_right_arithmetic3A_1466 = vector.broadcast %shift_right_arithmetic3A_1465 : i32 to vector<16xi32>
        %shift_right_arithmetic3A_1467 = arith.shrsi %get3A_1454, %shift_right_arithmetic3A_1466 : vector<16xi32>
        %shift_right_arithmetic3A_1468 = arith.constant 16 : i32
        %shift_right_arithmetic3A_1469 = arith.shrsi %or3A_667, %shift_right_arithmetic3A_1468 : i32
        %eq3A_1470 = vector.broadcast %shift_right_arithmetic3A_1469 : i32 to vector<16xi32>
        %eq3A_1471 = arith.cmpi eq, %shift_right_arithmetic3A_1467, %eq3A_1470 : vector<16xi32>
        %jit3A_1472 = arith.constant 1 : i32
        %jit3A_1473 = arith.constant 0 : i32
        %broadcast_in_dim3A_1474 = vector.broadcast %jit3A_1472 : i32 to vector<16xi32>
        %broadcast_in_dim3A_1475 = vector.broadcast %jit3A_1473 : i32 to vector<16xi32>
        %select_n3A_1476 = arith.select %eq3A_1471, %broadcast_in_dim3A_1474, %broadcast_in_dim3A_1475 : vector<16xi1>, vector<16xi32>
        tpu.vector_store_idx %arg8[%add3A_1464], %select_n3A_1476 {add = true} : memref<4096xi32, #tpu.memory_space<vmem>>[vector<16xi32>], vector<16xi32>,
        %mul3A_1477 = arith.constant 4 : i32
        %mul3A_1478 = arith.muli %scan3A_1415, %mul3A_1477 : i32
        %add3A_1479 = arith.constant 2 : i32
        %add3A_1480 = arith.addi %mul3A_1478, %add3A_1479 : i32
        %mul3A_1481 = arith.constant 16 : i32
        %mul3A_1482 = arith.muli %add3A_1480, %mul3A_1481 : i32
        %get3A_1483 = arith.index_cast %mul3A_1482 : i32 to index
        %get3A_1484 = tpu.vector_load %arg7[%get3A_1483] {strides = array<i32>} : memref<8192xi32, #tpu.memory_space<vmem>>, vector<16xi32>,
        %shift_right_arithmetic3A_1485 = arith.constant 8 : i32
        %shift_right_arithmetic3A_1486 = vector.broadcast %shift_right_arithmetic3A_1485 : i32 to vector<16xi32>
        %shift_right_arithmetic3A_1487 = arith.shrsi %get3A_1484, %shift_right_arithmetic3A_1486 : vector<16xi32>
        %and3A_1488 = arith.constant 255 : i32
        %and3A_1489 = vector.broadcast %and3A_1488 : i32 to vector<16xi32>
        %and3A_1490 = arith.andi %shift_right_arithmetic3A_1487, %and3A_1489 : vector<16xi32>
        %mul3A_1491 = arith.constant 16 : i32
        %mul3A_1492 = vector.broadcast %mul3A_1491 : i32 to vector<16xi32>
        %mul3A_1493 = arith.muli %and3A_1490, %mul3A_1492 : vector<16xi32>
        %add3A_1494 = arith.addi %mul3A_1493, %iota3A : vector<16xi32>
        %shift_right_arithmetic3A_1495 = arith.constant 16 : i32
        %shift_right_arithmetic3A_1496 = vector.broadcast %shift_right_arithmetic3A_1495 : i32 to vector<16xi32>
        %shift_right_arithmetic3A_1497 = arith.shrsi %get3A_1484, %shift_right_arithmetic3A_1496 : vector<16xi32>
        %shift_right_arithmetic3A_1498 = arith.constant 16 : i32
        %shift_right_arithmetic3A_1499 = arith.shrsi %or3A_667, %shift_right_arithmetic3A_1498 : i32
        %eq3A_1500 = vector.broadcast %shift_right_arithmetic3A_1499 : i32 to vector<16xi32>
        %eq3A_1501 = arith.cmpi eq, %shift_right_arithmetic3A_1497, %eq3A_1500 : vector<16xi32>
        %jit3A_1502 = arith.constant 1 : i32
        %jit3A_1503 = arith.constant 0 : i32
        %broadcast_in_dim3A_1504 = vector.broadcast %jit3A_1502 : i32 to vector<16xi32>
        %broadcast_in_dim3A_1505 = vector.broadcast %jit3A_1503 : i32 to vector<16xi32>
        %select_n3A_1506 = arith.select %eq3A_1501, %broadcast_in_dim3A_1504, %broadcast_in_dim3A_1505 : vector<16xi1>, vector<16xi32>
        tpu.vector_store_idx %arg8[%add3A_1494], %select_n3A_1506 {add = true} : memref<4096xi32, #tpu.memory_space<vmem>>[vector<16xi32>], vector<16xi32>,
        %mul3A_1507 = arith.constant 4 : i32
        %mul3A_1508 = arith.muli %scan3A_1415, %mul3A_1507 : i32
        %add3A_1509 = arith.constant 3 : i32
        %add3A_1510 = arith.addi %mul3A_1508, %add3A_1509 : i32
        %mul3A_1511 = arith.constant 16 : i32
        %mul3A_1512 = arith.muli %add3A_1510, %mul3A_1511 : i32
        %get3A_1513 = arith.index_cast %mul3A_1512 : i32 to index
        %get3A_1514 = tpu.vector_load %arg7[%get3A_1513] {strides = array<i32>} : memref<8192xi32, #tpu.memory_space<vmem>>, vector<16xi32>,
        %shift_right_arithmetic3A_1515 = arith.constant 8 : i32
        %shift_right_arithmetic3A_1516 = vector.broadcast %shift_right_arithmetic3A_1515 : i32 to vector<16xi32>
        %shift_right_arithmetic3A_1517 = arith.shrsi %get3A_1514, %shift_right_arithmetic3A_1516 : vector<16xi32>
        %and3A_1518 = arith.constant 255 : i32
        %and3A_1519 = vector.broadcast %and3A_1518 : i32 to vector<16xi32>
        %and3A_1520 = arith.andi %shift_right_arithmetic3A_1517, %and3A_1519 : vector<16xi32>
        %mul3A_1521 = arith.constant 16 : i32
        %mul3A_1522 = vector.broadcast %mul3A_1521 : i32 to vector<16xi32>
        %mul3A_1523 = arith.muli %and3A_1520, %mul3A_1522 : vector<16xi32>
        %add3A_1524 = arith.addi %mul3A_1523, %iota3A : vector<16xi32>
        %shift_right_arithmetic3A_1525 = arith.constant 16 : i32
        %shift_right_arithmetic3A_1526 = vector.broadcast %shift_right_arithmetic3A_1525 : i32 to vector<16xi32>
        %shift_right_arithmetic3A_1527 = arith.shrsi %get3A_1514, %shift_right_arithmetic3A_1526 : vector<16xi32>
        %shift_right_arithmetic3A_1528 = arith.constant 16 : i32
        %shift_right_arithmetic3A_1529 = arith.shrsi %or3A_667, %shift_right_arithmetic3A_1528 : i32
        %eq3A_1530 = vector.broadcast %shift_right_arithmetic3A_1529 : i32 to vector<16xi32>
        %eq3A_1531 = arith.cmpi eq, %shift_right_arithmetic3A_1527, %eq3A_1530 : vector<16xi32>
        %jit3A_1532 = arith.constant 1 : i32
        %jit3A_1533 = arith.constant 0 : i32
        %broadcast_in_dim3A_1534 = vector.broadcast %jit3A_1532 : i32 to vector<16xi32>
        %broadcast_in_dim3A_1535 = vector.broadcast %jit3A_1533 : i32 to vector<16xi32>
        %select_n3A_1536 = arith.select %eq3A_1531, %broadcast_in_dim3A_1534, %broadcast_in_dim3A_1535 : vector<16xi1>, vector<16xi32>
        tpu.vector_store_idx %arg8[%add3A_1524], %select_n3A_1536 {add = true} : memref<4096xi32, #tpu.memory_space<vmem>>[vector<16xi32>], vector<16xi32>,
        %scan3A_1537 = arith.constant 0 : i32
        scf.yield %scan3A_1537 : i32
      }
      %scan3A_681 = arith.constant 128 : i32
      %broadcast_in_dim3A_682 = arith.constant 0 : i32
      %broadcast_in_dim3A_683 = vector.broadcast %broadcast_in_dim3A_682 : i32 to vector<16xi32>
      %scan3A_684 = arith.constant 0 : i32
      %scan3A_685 = arith.constant 16 : i32
      %scan3A_686 = arith.addi %scan3A_684, %scan3A_685 : i32
      %scan3A_687 = arith.constant 1 : i32
      %scan3A_688 = scf.for %scan3A_1415 = %scan3A_684 to %scan3A_686 step %scan3A_687 iter_args(%scan3A_1416 = %broadcast_in_dim3A_683) -> (vector<16xi32>)  : i32 {
        %broadcast_in_dim3A_1417 = arith.constant 0 : i32
        %broadcast_in_dim3A_1418 = vector.broadcast %broadcast_in_dim3A_1417 : i32 to vector<16xi32>
        %mul3A_1419 = arith.constant 16 : i32
        %mul3A_1420 = arith.muli %scan3A_1415, %mul3A_1419 : i32
        %add3A_1421 = arith.constant 0 : i32
        %add3A_1422 = arith.addi %mul3A_1420, %add3A_1421 : i32
        %mul3A_1423 = arith.constant 16 : i32
        %mul3A_1424 = arith.muli %add3A_1422, %mul3A_1423 : i32
        %get3A_1425 = arith.index_cast %mul3A_1424 : i32 to index
        %get3A_1426 = tpu.vector_load %arg8[%get3A_1425] {strides = array<i32>} : memref<4096xi32, #tpu.memory_space<vmem>>, vector<16xi32>,
        %add3A_1427 = arith.addi %broadcast_in_dim3A_1418, %get3A_1426 : vector<16xi32>
        %mul3A_1428 = arith.constant 16 : i32
        %mul3A_1429 = arith.muli %scan3A_1415, %mul3A_1428 : i32
        %add3A_1430 = arith.constant 1 : i32
        %add3A_1431 = arith.addi %mul3A_1429, %add3A_1430 : i32
        %mul3A_1432 = arith.constant 16 : i32
        %mul3A_1433 = arith.muli %add3A_1431, %mul3A_1432 : i32
        %get3A_1434 = arith.index_cast %mul3A_1433 : i32 to index
        %get3A_1435 = tpu.vector_load %arg8[%get3A_1434] {strides = array<i32>} : memref<4096xi32, #tpu.memory_space<vmem>>, vector<16xi32>,
        %add3A_1436 = arith.addi %add3A_1427, %get3A_1435 : vector<16xi32>
        %mul3A_1437 = arith.constant 16 : i32
        %mul3A_1438 = arith.muli %scan3A_1415, %mul3A_1437 : i32
        %add3A_1439 = arith.constant 2 : i32
        %add3A_1440 = arith.addi %mul3A_1438, %add3A_1439 : i32
        %mul3A_1441 = arith.constant 16 : i32
        %mul3A_1442 = arith.muli %add3A_1440, %mul3A_1441 : i32
        %get3A_1443 = arith.index_cast %mul3A_1442 : i32 to index
        %get3A_1444 = tpu.vector_load %arg8[%get3A_1443] {strides = array<i32>} : memref<4096xi32, #tpu.memory_space<vmem>>, vector<16xi32>,
        %add3A_1445 = arith.addi %add3A_1436, %get3A_1444 : vector<16xi32>
        %mul3A_1446 = arith.constant 16 : i32
        %mul3A_1447 = arith.muli %scan3A_1415, %mul3A_1446 : i32
        %add3A_1448 = arith.constant 3 : i32
        %add3A_1449 = arith.addi %mul3A_1447, %add3A_1448 : i32
        %mul3A_1450 = arith.constant 16 : i32
        %mul3A_1451 = arith.muli %add3A_1449, %mul3A_1450 : i32
        %get3A_1452 = arith.index_cast %mul3A_1451 : i32 to index
        %get3A_1453 = tpu.vector_load %arg8[%get3A_1452] {strides = array<i32>} : memref<4096xi32, #tpu.memory_space<vmem>>, vector<16xi32>,
        %add3A_1454 = arith.addi %add3A_1445, %get3A_1453 : vector<16xi32>
        %mul3A_1455 = arith.constant 16 : i32
        %mul3A_1456 = arith.muli %scan3A_1415, %mul3A_1455 : i32
        %add3A_1457 = arith.constant 4 : i32
        %add3A_1458 = arith.addi %mul3A_1456, %add3A_1457 : i32
        %mul3A_1459 = arith.constant 16 : i32
        %mul3A_1460 = arith.muli %add3A_1458, %mul3A_1459 : i32
        %get3A_1461 = arith.index_cast %mul3A_1460 : i32 to index
        %get3A_1462 = tpu.vector_load %arg8[%get3A_1461] {strides = array<i32>} : memref<4096xi32, #tpu.memory_space<vmem>>, vector<16xi32>,
        %add3A_1463 = arith.addi %add3A_1454, %get3A_1462 : vector<16xi32>
        %mul3A_1464 = arith.constant 16 : i32
        %mul3A_1465 = arith.muli %scan3A_1415, %mul3A_1464 : i32
        %add3A_1466 = arith.constant 5 : i32
        %add3A_1467 = arith.addi %mul3A_1465, %add3A_1466 : i32
        %mul3A_1468 = arith.constant 16 : i32
        %mul3A_1469 = arith.muli %add3A_1467, %mul3A_1468 : i32
        %get3A_1470 = arith.index_cast %mul3A_1469 : i32 to index
        %get3A_1471 = tpu.vector_load %arg8[%get3A_1470] {strides = array<i32>} : memref<4096xi32, #tpu.memory_space<vmem>>, vector<16xi32>,
        %add3A_1472 = arith.addi %add3A_1463, %get3A_1471 : vector<16xi32>
        %mul3A_1473 = arith.constant 16 : i32
        %mul3A_1474 = arith.muli %scan3A_1415, %mul3A_1473 : i32
        %add3A_1475 = arith.constant 6 : i32
        %add3A_1476 = arith.addi %mul3A_1474, %add3A_1475 : i32
        %mul3A_1477 = arith.constant 16 : i32
        %mul3A_1478 = arith.muli %add3A_1476, %mul3A_1477 : i32
        %get3A_1479 = arith.index_cast %mul3A_1478 : i32 to index
        %get3A_1480 = tpu.vector_load %arg8[%get3A_1479] {strides = array<i32>} : memref<4096xi32, #tpu.memory_space<vmem>>, vector<16xi32>,
        %add3A_1481 = arith.addi %add3A_1472, %get3A_1480 : vector<16xi32>
        %mul3A_1482 = arith.constant 16 : i32
        %mul3A_1483 = arith.muli %scan3A_1415, %mul3A_1482 : i32
        %add3A_1484 = arith.constant 7 : i32
        %add3A_1485 = arith.addi %mul3A_1483, %add3A_1484 : i32
        %mul3A_1486 = arith.constant 16 : i32
        %mul3A_1487 = arith.muli %add3A_1485, %mul3A_1486 : i32
        %get3A_1488 = arith.index_cast %mul3A_1487 : i32 to index
        %get3A_1489 = tpu.vector_load %arg8[%get3A_1488] {strides = array<i32>} : memref<4096xi32, #tpu.memory_space<vmem>>, vector<16xi32>,
        %add3A_1490 = arith.addi %add3A_1481, %get3A_1489 : vector<16xi32>
        %mul3A_1491 = arith.constant 16 : i32
        %mul3A_1492 = arith.muli %scan3A_1415, %mul3A_1491 : i32
        %add3A_1493 = arith.constant 8 : i32
        %add3A_1494 = arith.addi %mul3A_1492, %add3A_1493 : i32
        %mul3A_1495 = arith.constant 16 : i32
        %mul3A_1496 = arith.muli %add3A_1494, %mul3A_1495 : i32
        %get3A_1497 = arith.index_cast %mul3A_1496 : i32 to index
        %get3A_1498 = tpu.vector_load %arg8[%get3A_1497] {strides = array<i32>} : memref<4096xi32, #tpu.memory_space<vmem>>, vector<16xi32>,
        %add3A_1499 = arith.addi %add3A_1490, %get3A_1498 : vector<16xi32>
        %mul3A_1500 = arith.constant 16 : i32
        %mul3A_1501 = arith.muli %scan3A_1415, %mul3A_1500 : i32
        %add3A_1502 = arith.constant 9 : i32
        %add3A_1503 = arith.addi %mul3A_1501, %add3A_1502 : i32
        %mul3A_1504 = arith.constant 16 : i32
        %mul3A_1505 = arith.muli %add3A_1503, %mul3A_1504 : i32
        %get3A_1506 = arith.index_cast %mul3A_1505 : i32 to index
        %get3A_1507 = tpu.vector_load %arg8[%get3A_1506] {strides = array<i32>} : memref<4096xi32, #tpu.memory_space<vmem>>, vector<16xi32>,
        %add3A_1508 = arith.addi %add3A_1499, %get3A_1507 : vector<16xi32>
        %mul3A_1509 = arith.constant 16 : i32
        %mul3A_1510 = arith.muli %scan3A_1415, %mul3A_1509 : i32
        %add3A_1511 = arith.constant 10 : i32
        %add3A_1512 = arith.addi %mul3A_1510, %add3A_1511 : i32
        %mul3A_1513 = arith.constant 16 : i32
        %mul3A_1514 = arith.muli %add3A_1512, %mul3A_1513 : i32
        %get3A_1515 = arith.index_cast %mul3A_1514 : i32 to index
        %get3A_1516 = tpu.vector_load %arg8[%get3A_1515] {strides = array<i32>} : memref<4096xi32, #tpu.memory_space<vmem>>, vector<16xi32>,
        %add3A_1517 = arith.addi %add3A_1508, %get3A_1516 : vector<16xi32>
        %mul3A_1518 = arith.constant 16 : i32
        %mul3A_1519 = arith.muli %scan3A_1415, %mul3A_1518 : i32
        %add3A_1520 = arith.constant 11 : i32
        %add3A_1521 = arith.addi %mul3A_1519, %add3A_1520 : i32
        %mul3A_1522 = arith.constant 16 : i32
        %mul3A_1523 = arith.muli %add3A_1521, %mul3A_1522 : i32
        %get3A_1524 = arith.index_cast %mul3A_1523 : i32 to index
        %get3A_1525 = tpu.vector_load %arg8[%get3A_1524] {strides = array<i32>} : memref<4096xi32, #tpu.memory_space<vmem>>, vector<16xi32>,
        %add3A_1526 = arith.addi %add3A_1517, %get3A_1525 : vector<16xi32>
        %mul3A_1527 = arith.constant 16 : i32
        %mul3A_1528 = arith.muli %scan3A_1415, %mul3A_1527 : i32
        %add3A_1529 = arith.constant 12 : i32
        %add3A_1530 = arith.addi %mul3A_1528, %add3A_1529 : i32
        %mul3A_1531 = arith.constant 16 : i32
        %mul3A_1532 = arith.muli %add3A_1530, %mul3A_1531 : i32
        %get3A_1533 = arith.index_cast %mul3A_1532 : i32 to index
        %get3A_1534 = tpu.vector_load %arg8[%get3A_1533] {strides = array<i32>} : memref<4096xi32, #tpu.memory_space<vmem>>, vector<16xi32>,
        %add3A_1535 = arith.addi %add3A_1526, %get3A_1534 : vector<16xi32>
        %mul3A_1536 = arith.constant 16 : i32
        %mul3A_1537 = arith.muli %scan3A_1415, %mul3A_1536 : i32
        %add3A_1538 = arith.constant 13 : i32
        %add3A_1539 = arith.addi %mul3A_1537, %add3A_1538 : i32
        %mul3A_1540 = arith.constant 16 : i32
        %mul3A_1541 = arith.muli %add3A_1539, %mul3A_1540 : i32
        %get3A_1542 = arith.index_cast %mul3A_1541 : i32 to index
        %get3A_1543 = tpu.vector_load %arg8[%get3A_1542] {strides = array<i32>} : memref<4096xi32, #tpu.memory_space<vmem>>, vector<16xi32>,
        %add3A_1544 = arith.addi %add3A_1535, %get3A_1543 : vector<16xi32>
        %mul3A_1545 = arith.constant 16 : i32
        %mul3A_1546 = arith.muli %scan3A_1415, %mul3A_1545 : i32
        %add3A_1547 = arith.constant 14 : i32
        %add3A_1548 = arith.addi %mul3A_1546, %add3A_1547 : i32
        %mul3A_1549 = arith.constant 16 : i32
        %mul3A_1550 = arith.muli %add3A_1548, %mul3A_1549 : i32
        %get3A_1551 = arith.index_cast %mul3A_1550 : i32 to index
        %get3A_1552 = tpu.vector_load %arg8[%get3A_1551] {strides = array<i32>} : memref<4096xi32, #tpu.memory_space<vmem>>, vector<16xi32>,
        %add3A_1553 = arith.addi %add3A_1544, %get3A_1552 : vector<16xi32>
        %mul3A_1554 = arith.constant 16 : i32
        %mul3A_1555 = arith.muli %scan3A_1415, %mul3A_1554 : i32
        %add3A_1556 = arith.constant 15 : i32
        %add3A_1557 = arith.addi %mul3A_1555, %add3A_1556 : i32
        %mul3A_1558 = arith.constant 16 : i32
        %mul3A_1559 = arith.muli %add3A_1557, %mul3A_1558 : i32
        %get3A_1560 = arith.index_cast %mul3A_1559 : i32 to index
        %get3A_1561 = tpu.vector_load %arg8[%get3A_1560] {strides = array<i32>} : memref<4096xi32, #tpu.memory_space<vmem>>, vector<16xi32>,
        %add3A_1562 = arith.addi %add3A_1553, %get3A_1561 : vector<16xi32>
        %eq3A_1563 = vector.broadcast %scan3A_1415 : i32 to vector<16xi32>
        %eq3A_1564 = arith.cmpi eq, %iota3A, %eq3A_1563 : vector<16xi32>
        %reduce_sum3A_1565 = arith.constant true
        %reduce_sum3A_1566 = vector.broadcast %reduce_sum3A_1565 : i1 to vector<16xi1>
        %reduce_sum3A_1567 = tpu.scan <sum>, %add3A_1562 masked %reduce_sum3A_1566 : vector<16xi32>, vector<16xi1> -> vector<16xi32>
        %reduce_sum3A_1568 = vector.extract %reduce_sum3A_1567[15] : i32 from vector<16xi32>
        %broadcast_in_dim3A_1569 = vector.broadcast %reduce_sum3A_1568 : i32 to vector<16xi32>
        %select_n3A_1570 = arith.select %eq3A_1564, %broadcast_in_dim3A_1569, %scan3A_1416 : vector<16xi1>, vector<16xi32>
        scf.yield %select_n3A_1570 : vector<16xi32>
      }
      %scan3A_689 = arith.constant 16 : i32
      %rev3A_690 = arith.constant 15 : i32
      %rev3A_691 = vector.broadcast %rev3A_690 : i32 to vector<16xi32>
      %rev3A_692 = tpu.iota {dimensions = array<i32: 0>} : vector<16xi32>
      %rev3A_693 = arith.subi %rev3A_691, %rev3A_692 : vector<16xi32>
      %rev3A_694 = tpu.dynamic_gather %scan3A_688[%rev3A_693] in [0] : vector<16xi32>, vector<16xi32> -> vector<16xi32>
      %cumsum3A_695 = arith.constant true
      %cumsum3A_696 = vector.broadcast %cumsum3A_695 : i1 to vector<16xi1>
      %cumsum3A_697 = tpu.scan <sum>, %rev3A_694 masked %cumsum3A_696 : vector<16xi32>, vector<16xi1> -> vector<16xi32>
      %rev3A_698 = arith.constant 15 : i32
      %rev3A_699 = vector.broadcast %rev3A_698 : i32 to vector<16xi32>
      %rev3A_700 = tpu.iota {dimensions = array<i32: 0>} : vector<16xi32>
      %rev3A_701 = arith.subi %rev3A_699, %rev3A_700 : vector<16xi32>
      %rev3A_702 = tpu.dynamic_gather %cumsum3A_697[%rev3A_701] in [0] : vector<16xi32>, vector<16xi32> -> vector<16xi32>
      %ge3A_703 = vector.broadcast %sub3A_661 : i32 to vector<16xi32>
      %ge3A_704 = arith.cmpi sge, %rev3A_702, %ge3A_703 : vector<16xi32>
      %jit3A_705 = arith.constant -1 : i32
      %broadcast_in_dim3A_706 = vector.broadcast %jit3A_705 : i32 to vector<16xi32>
      %select_n3A_707 = arith.select %ge3A_704, %iota3A, %broadcast_in_dim3A_706 : vector<16xi1>, vector<16xi32>
      %reduce_max3A_708 = arith.constant true
      %reduce_max3A_709 = vector.broadcast %reduce_max3A_708 : i1 to vector<16xi1>
      %reduce_max3A_710 = arith.constant -2147483648 : i32
      %reduce_max3A_711 = vector.broadcast %reduce_max3A_710 : i32 to vector<16xi32>
      %reduce_max3A_712 = arith.xori %select_n3A_707, %reduce_max3A_711 : vector<16xi32>
      %reduce_max3A_713 = tpu.scan <max>, %reduce_max3A_712 masked %reduce_max3A_709 : vector<16xi32>, vector<16xi1> -> vector<16xi32>
      %reduce_max3A_714 = arith.xori %reduce_max3A_713, %reduce_max3A_711 : vector<16xi32>
      %reduce_max3A_715 = vector.extract %reduce_max3A_714[15] : i32 from vector<16xi32>
      %iota3A_716 = tpu.iota {dimensions = array<i32: 0>} : vector<16xi32>
      %eq3A_717 = vector.broadcast %reduce_max3A_715 : i32 to vector<16xi32>
      %eq3A_718 = arith.cmpi eq, %iota3A_716, %eq3A_717 : vector<16xi32>
      %jit3A_719 = arith.constant 0 : i32
      %broadcast_in_dim3A_720 = vector.broadcast %jit3A_719 : i32 to vector<16xi32>
      %select_n3A_721 = arith.select %eq3A_718, %rev3A_702, %broadcast_in_dim3A_720 : vector<16xi1>, vector<16xi32>
      %reduce_sum3A_722 = arith.constant true
      %reduce_sum3A_723 = vector.broadcast %reduce_sum3A_722 : i1 to vector<16xi1>
      %reduce_sum3A_724 = tpu.scan <sum>, %select_n3A_721 masked %reduce_sum3A_723 : vector<16xi32>, vector<16xi1> -> vector<16xi32>
      %reduce_sum3A_725 = vector.extract %reduce_sum3A_724[15] : i32 from vector<16xi32>
      %iota3A_726 = tpu.iota {dimensions = array<i32: 0>} : vector<16xi32>
      %eq3A_727 = vector.broadcast %reduce_max3A_715 : i32 to vector<16xi32>
      %eq3A_728 = arith.cmpi eq, %iota3A_726, %eq3A_727 : vector<16xi32>
      %jit3A_729 = arith.constant 0 : i32
      %broadcast_in_dim3A_730 = vector.broadcast %jit3A_729 : i32 to vector<16xi32>
      %select_n3A_731 = arith.select %eq3A_728, %scan3A_688, %broadcast_in_dim3A_730 : vector<16xi1>, vector<16xi32>
      %reduce_sum3A_732 = arith.constant true
      %reduce_sum3A_733 = vector.broadcast %reduce_sum3A_732 : i1 to vector<16xi1>
      %reduce_sum3A_734 = tpu.scan <sum>, %select_n3A_731 masked %reduce_sum3A_733 : vector<16xi32>, vector<16xi1> -> vector<16xi32>
      %reduce_sum3A_735 = vector.extract %reduce_sum3A_734[15] : i32 from vector<16xi32>
      %sub3A_736 = arith.subi %reduce_sum3A_725, %reduce_sum3A_735 : i32
      %sub3A_737 = arith.subi %sub3A_661, %sub3A_736 : i32
      %broadcast_in_dim3A_738 = arith.constant 0 : i32
      %broadcast_in_dim3A_739 = vector.broadcast %broadcast_in_dim3A_738 : i32 to vector<16xi32>
      %scan3A_740 = arith.constant 0 : i32
      %scan3A_741 = arith.constant 16 : i32
      %scan3A_742 = arith.addi %scan3A_740, %scan3A_741 : i32
      %scan3A_743 = arith.constant 1 : i32
      %scan3A_744 = scf.for %scan3A_1415 = %scan3A_740 to %scan3A_742 step %scan3A_743 iter_args(%scan3A_1416 = %broadcast_in_dim3A_739) -> (vector<16xi32>)  : i32 {
        %mul3A_1417 = arith.constant 16 : i32
        %mul3A_1418 = arith.muli %reduce_max3A_715, %mul3A_1417 : i32
        %add3A_1419 = arith.addi %mul3A_1418, %scan3A_1415 : i32
        %mul3A_1420 = arith.constant 16 : i32
        %mul3A_1421 = arith.muli %add3A_1419, %mul3A_1420 : i32
        %get3A_1422 = arith.index_cast %mul3A_1421 : i32 to index
        %get3A_1423 = tpu.vector_load %arg8[%get3A_1422] {strides = array<i32>} : memref<4096xi32, #tpu.memory_space<vmem>>, vector<16xi32>,
        %eq3A_1424 = vector.broadcast %scan3A_1415 : i32 to vector<16xi32>
        %eq3A_1425 = arith.cmpi eq, %iota3A, %eq3A_1424 : vector<16xi32>
        %reduce_sum3A_1426 = arith.constant true
        %reduce_sum3A_1427 = vector.broadcast %reduce_sum3A_1426 : i1 to vector<16xi1>
        %reduce_sum3A_1428 = tpu.scan <sum>, %get3A_1423 masked %reduce_sum3A_1427 : vector<16xi32>, vector<16xi1> -> vector<16xi32>
        %reduce_sum3A_1429 = vector.extract %reduce_sum3A_1428[15] : i32 from vector<16xi32>
        %broadcast_in_dim3A_1430 = vector.broadcast %reduce_sum3A_1429 : i32 to vector<16xi32>
        %select_n3A_1431 = arith.select %eq3A_1425, %broadcast_in_dim3A_1430, %scan3A_1416 : vector<16xi1>, vector<16xi32>
        scf.yield %select_n3A_1431 : vector<16xi32>
      }
      %scan3A_745 = arith.constant 16 : i32
      %rev3A_746 = arith.constant 15 : i32
      %rev3A_747 = vector.broadcast %rev3A_746 : i32 to vector<16xi32>
      %rev3A_748 = tpu.iota {dimensions = array<i32: 0>} : vector<16xi32>
      %rev3A_749 = arith.subi %rev3A_747, %rev3A_748 : vector<16xi32>
      %rev3A_750 = tpu.dynamic_gather %scan3A_744[%rev3A_749] in [0] : vector<16xi32>, vector<16xi32> -> vector<16xi32>
      %cumsum3A_751 = arith.constant true
      %cumsum3A_752 = vector.broadcast %cumsum3A_751 : i1 to vector<16xi1>
      %cumsum3A_753 = tpu.scan <sum>, %rev3A_750 masked %cumsum3A_752 : vector<16xi32>, vector<16xi1> -> vector<16xi32>
      %rev3A_754 = arith.constant 15 : i32
      %rev3A_755 = vector.broadcast %rev3A_754 : i32 to vector<16xi32>
      %rev3A_756 = tpu.iota {dimensions = array<i32: 0>} : vector<16xi32>
      %rev3A_757 = arith.subi %rev3A_755, %rev3A_756 : vector<16xi32>
      %rev3A_758 = tpu.dynamic_gather %cumsum3A_753[%rev3A_757] in [0] : vector<16xi32>, vector<16xi32> -> vector<16xi32>
      %ge3A_759 = vector.broadcast %sub3A_737 : i32 to vector<16xi32>
      %ge3A_760 = arith.cmpi sge, %rev3A_758, %ge3A_759 : vector<16xi32>
      %jit3A_761 = arith.constant -1 : i32
      %broadcast_in_dim3A_762 = vector.broadcast %jit3A_761 : i32 to vector<16xi32>
      %select_n3A_763 = arith.select %ge3A_760, %iota3A, %broadcast_in_dim3A_762 : vector<16xi1>, vector<16xi32>
      %reduce_max3A_764 = arith.constant true
      %reduce_max3A_765 = vector.broadcast %reduce_max3A_764 : i1 to vector<16xi1>
      %reduce_max3A_766 = arith.constant -2147483648 : i32
      %reduce_max3A_767 = vector.broadcast %reduce_max3A_766 : i32 to vector<16xi32>
      %reduce_max3A_768 = arith.xori %select_n3A_763, %reduce_max3A_767 : vector<16xi32>
      %reduce_max3A_769 = tpu.scan <max>, %reduce_max3A_768 masked %reduce_max3A_765 : vector<16xi32>, vector<16xi1> -> vector<16xi32>
      %reduce_max3A_770 = arith.xori %reduce_max3A_769, %reduce_max3A_767 : vector<16xi32>
      %reduce_max3A_771 = vector.extract %reduce_max3A_770[15] : i32 from vector<16xi32>
      %iota3A_772 = tpu.iota {dimensions = array<i32: 0>} : vector<16xi32>
      %eq3A_773 = vector.broadcast %reduce_max3A_771 : i32 to vector<16xi32>
      %eq3A_774 = arith.cmpi eq, %iota3A_772, %eq3A_773 : vector<16xi32>
      %jit3A_775 = arith.constant 0 : i32
      %broadcast_in_dim3A_776 = vector.broadcast %jit3A_775 : i32 to vector<16xi32>
      %select_n3A_777 = arith.select %eq3A_774, %rev3A_758, %broadcast_in_dim3A_776 : vector<16xi1>, vector<16xi32>
      %reduce_sum3A_778 = arith.constant true
      %reduce_sum3A_779 = vector.broadcast %reduce_sum3A_778 : i1 to vector<16xi1>
      %reduce_sum3A_780 = tpu.scan <sum>, %select_n3A_777 masked %reduce_sum3A_779 : vector<16xi32>, vector<16xi1> -> vector<16xi32>
      %reduce_sum3A_781 = vector.extract %reduce_sum3A_780[15] : i32 from vector<16xi32>
      %iota3A_782 = tpu.iota {dimensions = array<i32: 0>} : vector<16xi32>
      %eq3A_783 = vector.broadcast %reduce_max3A_771 : i32 to vector<16xi32>
      %eq3A_784 = arith.cmpi eq, %iota3A_782, %eq3A_783 : vector<16xi32>
      %jit3A_785 = arith.constant 0 : i32
      %broadcast_in_dim3A_786 = vector.broadcast %jit3A_785 : i32 to vector<16xi32>
      %select_n3A_787 = arith.select %eq3A_784, %scan3A_744, %broadcast_in_dim3A_786 : vector<16xi1>, vector<16xi32>
      %reduce_sum3A_788 = arith.constant true
      %reduce_sum3A_789 = vector.broadcast %reduce_sum3A_788 : i1 to vector<16xi1>
      %reduce_sum3A_790 = tpu.scan <sum>, %select_n3A_787 masked %reduce_sum3A_789 : vector<16xi32>, vector<16xi1> -> vector<16xi32>
      %reduce_sum3A_791 = vector.extract %reduce_sum3A_790[15] : i32 from vector<16xi32>
      %sub3A_792 = arith.subi %reduce_sum3A_781, %reduce_sum3A_791 : i32
      %sub3A_793 = arith.subi %sub3A_737, %sub3A_792 : i32
      %mul3A_794 = arith.constant 16 : i32
      %mul3A_795 = arith.muli %reduce_max3A_715, %mul3A_794 : i32
      %add3A_796 = arith.addi %mul3A_795, %reduce_max3A_771 : i32
      %shift_left3A_797 = arith.constant 8 : i32
      %shift_left3A_798 = arith.shli %add3A_796, %shift_left3A_797 : i32
      %or3A_799 = arith.ori %or3A_667, %shift_left3A_798 : i32
      %scan3A_800 = arith.constant 0 : i32
      %scan3A_801 = arith.constant 0 : i32
      %scan3A_802 = arith.constant 64 : i32
      %scan3A_803 = arith.addi %scan3A_801, %scan3A_802 : i32
      %scan3A_804 = arith.constant 1 : i32
      %scan3A_805 = scf.for %scan3A_1415 = %scan3A_801 to %scan3A_803 step %scan3A_804 iter_args(%scan3A_1416 = %scan3A_800) -> (i32)  : i32 {
        %broadcast_in_dim3A_1417 = arith.constant 0 : i32
        %broadcast_in_dim3A_1418 = vector.broadcast %broadcast_in_dim3A_1417 : i32 to vector<16xi32>
        %mul3A_1419 = arith.constant 4 : i32
        %mul3A_1420 = arith.muli %scan3A_1415, %mul3A_1419 : i32
        %add3A_1421 = arith.constant 0 : i32
        %add3A_1422 = arith.addi %mul3A_1420, %add3A_1421 : i32
        %mul3A_1423 = arith.constant 16 : i32
        %mul3A_1424 = arith.muli %add3A_1422, %mul3A_1423 : i32
        %swap3A_1425 = arith.index_cast %mul3A_1424 : i32 to index
        %swap3A_1426 = tpu.vector_load %arg8[%swap3A_1425] {strides = array<i32>} : memref<4096xi32, #tpu.memory_space<vmem>>, vector<16xi32>,
        tpu.vector_store %arg8[%swap3A_1425], %broadcast_in_dim3A_1418 {strides = array<i32>} : memref<4096xi32, #tpu.memory_space<vmem>>, vector<16xi32>,
        %broadcast_in_dim3A_1427 = arith.constant 0 : i32
        %broadcast_in_dim3A_1428 = vector.broadcast %broadcast_in_dim3A_1427 : i32 to vector<16xi32>
        %mul3A_1429 = arith.constant 4 : i32
        %mul3A_1430 = arith.muli %scan3A_1415, %mul3A_1429 : i32
        %add3A_1431 = arith.constant 1 : i32
        %add3A_1432 = arith.addi %mul3A_1430, %add3A_1431 : i32
        %mul3A_1433 = arith.constant 16 : i32
        %mul3A_1434 = arith.muli %add3A_1432, %mul3A_1433 : i32
        %swap3A_1435 = arith.index_cast %mul3A_1434 : i32 to index
        %swap3A_1436 = tpu.vector_load %arg8[%swap3A_1435] {strides = array<i32>} : memref<4096xi32, #tpu.memory_space<vmem>>, vector<16xi32>,
        tpu.vector_store %arg8[%swap3A_1435], %broadcast_in_dim3A_1428 {strides = array<i32>} : memref<4096xi32, #tpu.memory_space<vmem>>, vector<16xi32>,
        %broadcast_in_dim3A_1437 = arith.constant 0 : i32
        %broadcast_in_dim3A_1438 = vector.broadcast %broadcast_in_dim3A_1437 : i32 to vector<16xi32>
        %mul3A_1439 = arith.constant 4 : i32
        %mul3A_1440 = arith.muli %scan3A_1415, %mul3A_1439 : i32
        %add3A_1441 = arith.constant 2 : i32
        %add3A_1442 = arith.addi %mul3A_1440, %add3A_1441 : i32
        %mul3A_1443 = arith.constant 16 : i32
        %mul3A_1444 = arith.muli %add3A_1442, %mul3A_1443 : i32
        %swap3A_1445 = arith.index_cast %mul3A_1444 : i32 to index
        %swap3A_1446 = tpu.vector_load %arg8[%swap3A_1445] {strides = array<i32>} : memref<4096xi32, #tpu.memory_space<vmem>>, vector<16xi32>,
        tpu.vector_store %arg8[%swap3A_1445], %broadcast_in_dim3A_1438 {strides = array<i32>} : memref<4096xi32, #tpu.memory_space<vmem>>, vector<16xi32>,
        %broadcast_in_dim3A_1447 = arith.constant 0 : i32
        %broadcast_in_dim3A_1448 = vector.broadcast %broadcast_in_dim3A_1447 : i32 to vector<16xi32>
        %mul3A_1449 = arith.constant 4 : i32
        %mul3A_1450 = arith.muli %scan3A_1415, %mul3A_1449 : i32
        %add3A_1451 = arith.constant 3 : i32
        %add3A_1452 = arith.addi %mul3A_1450, %add3A_1451 : i32
        %mul3A_1453 = arith.constant 16 : i32
        %mul3A_1454 = arith.muli %add3A_1452, %mul3A_1453 : i32
        %swap3A_1455 = arith.index_cast %mul3A_1454 : i32 to index
        %swap3A_1456 = tpu.vector_load %arg8[%swap3A_1455] {strides = array<i32>} : memref<4096xi32, #tpu.memory_space<vmem>>, vector<16xi32>,
        tpu.vector_store %arg8[%swap3A_1455], %broadcast_in_dim3A_1448 {strides = array<i32>} : memref<4096xi32, #tpu.memory_space<vmem>>, vector<16xi32>,
        %scan3A_1457 = arith.constant 0 : i32
        scf.yield %scan3A_1457 : i32
      }
      %scan3A_806 = arith.constant 64 : i32
      %scan3A_807 = arith.constant 0 : i32
      %scan3A_808 = arith.constant 0 : i32
      %scan3A_809 = arith.constant 128 : i32
      %scan3A_810 = arith.addi %scan3A_808, %scan3A_809 : i32
      %scan3A_811 = arith.constant 1 : i32
      %scan3A_812 = scf.for %scan3A_1415 = %scan3A_808 to %scan3A_810 step %scan3A_811 iter_args(%scan3A_1416 = %scan3A_807) -> (i32)  : i32 {
        %mul3A_1417 = arith.constant 4 : i32
        %mul3A_1418 = arith.muli %scan3A_1415, %mul3A_1417 : i32
        %add3A_1419 = arith.constant 0 : i32
        %add3A_1420 = arith.addi %mul3A_1418, %add3A_1419 : i32
        %mul3A_1421 = arith.constant 16 : i32
        %mul3A_1422 = arith.muli %add3A_1420, %mul3A_1421 : i32
        %get3A_1423 = arith.index_cast %mul3A_1422 : i32 to index
        %get3A_1424 = tpu.vector_load %arg7[%get3A_1423] {strides = array<i32>} : memref<8192xi32, #tpu.memory_space<vmem>>, vector<16xi32>,
        %shift_right_arithmetic3A_1425 = arith.constant 0 : i32
        %shift_right_arithmetic3A_1426 = vector.broadcast %shift_right_arithmetic3A_1425 : i32 to vector<16xi32>
        %shift_right_arithmetic3A_1427 = arith.shrsi %get3A_1424, %shift_right_arithmetic3A_1426 : vector<16xi32>
        %and3A_1428 = arith.constant 255 : i32
        %and3A_1429 = vector.broadcast %and3A_1428 : i32 to vector<16xi32>
        %and3A_1430 = arith.andi %shift_right_arithmetic3A_1427, %and3A_1429 : vector<16xi32>
        %mul3A_1431 = arith.constant 16 : i32
        %mul3A_1432 = vector.broadcast %mul3A_1431 : i32 to vector<16xi32>
        %mul3A_1433 = arith.muli %and3A_1430, %mul3A_1432 : vector<16xi32>
        %add3A_1434 = arith.addi %mul3A_1433, %iota3A : vector<16xi32>
        %shift_right_arithmetic3A_1435 = arith.constant 8 : i32
        %shift_right_arithmetic3A_1436 = vector.broadcast %shift_right_arithmetic3A_1435 : i32 to vector<16xi32>
        %shift_right_arithmetic3A_1437 = arith.shrsi %get3A_1424, %shift_right_arithmetic3A_1436 : vector<16xi32>
        %shift_right_arithmetic3A_1438 = arith.constant 8 : i32
        %shift_right_arithmetic3A_1439 = arith.shrsi %or3A_799, %shift_right_arithmetic3A_1438 : i32
        %eq3A_1440 = vector.broadcast %shift_right_arithmetic3A_1439 : i32 to vector<16xi32>
        %eq3A_1441 = arith.cmpi eq, %shift_right_arithmetic3A_1437, %eq3A_1440 : vector<16xi32>
        %jit3A_1442 = arith.constant 1 : i32
        %jit3A_1443 = arith.constant 0 : i32
        %broadcast_in_dim3A_1444 = vector.broadcast %jit3A_1442 : i32 to vector<16xi32>
        %broadcast_in_dim3A_1445 = vector.broadcast %jit3A_1443 : i32 to vector<16xi32>
        %select_n3A_1446 = arith.select %eq3A_1441, %broadcast_in_dim3A_1444, %broadcast_in_dim3A_1445 : vector<16xi1>, vector<16xi32>
        tpu.vector_store_idx %arg8[%add3A_1434], %select_n3A_1446 {add = true} : memref<4096xi32, #tpu.memory_space<vmem>>[vector<16xi32>], vector<16xi32>,
        %mul3A_1447 = arith.constant 4 : i32
        %mul3A_1448 = arith.muli %scan3A_1415, %mul3A_1447 : i32
        %add3A_1449 = arith.constant 1 : i32
        %add3A_1450 = arith.addi %mul3A_1448, %add3A_1449 : i32
        %mul3A_1451 = arith.constant 16 : i32
        %mul3A_1452 = arith.muli %add3A_1450, %mul3A_1451 : i32
        %get3A_1453 = arith.index_cast %mul3A_1452 : i32 to index
        %get3A_1454 = tpu.vector_load %arg7[%get3A_1453] {strides = array<i32>} : memref<8192xi32, #tpu.memory_space<vmem>>, vector<16xi32>,
        %shift_right_arithmetic3A_1455 = arith.constant 0 : i32
        %shift_right_arithmetic3A_1456 = vector.broadcast %shift_right_arithmetic3A_1455 : i32 to vector<16xi32>
        %shift_right_arithmetic3A_1457 = arith.shrsi %get3A_1454, %shift_right_arithmetic3A_1456 : vector<16xi32>
        %and3A_1458 = arith.constant 255 : i32
        %and3A_1459 = vector.broadcast %and3A_1458 : i32 to vector<16xi32>
        %and3A_1460 = arith.andi %shift_right_arithmetic3A_1457, %and3A_1459 : vector<16xi32>
        %mul3A_1461 = arith.constant 16 : i32
        %mul3A_1462 = vector.broadcast %mul3A_1461 : i32 to vector<16xi32>
        %mul3A_1463 = arith.muli %and3A_1460, %mul3A_1462 : vector<16xi32>
        %add3A_1464 = arith.addi %mul3A_1463, %iota3A : vector<16xi32>
        %shift_right_arithmetic3A_1465 = arith.constant 8 : i32
        %shift_right_arithmetic3A_1466 = vector.broadcast %shift_right_arithmetic3A_1465 : i32 to vector<16xi32>
        %shift_right_arithmetic3A_1467 = arith.shrsi %get3A_1454, %shift_right_arithmetic3A_1466 : vector<16xi32>
        %shift_right_arithmetic3A_1468 = arith.constant 8 : i32
        %shift_right_arithmetic3A_1469 = arith.shrsi %or3A_799, %shift_right_arithmetic3A_1468 : i32
        %eq3A_1470 = vector.broadcast %shift_right_arithmetic3A_1469 : i32 to vector<16xi32>
        %eq3A_1471 = arith.cmpi eq, %shift_right_arithmetic3A_1467, %eq3A_1470 : vector<16xi32>
        %jit3A_1472 = arith.constant 1 : i32
        %jit3A_1473 = arith.constant 0 : i32
        %broadcast_in_dim3A_1474 = vector.broadcast %jit3A_1472 : i32 to vector<16xi32>
        %broadcast_in_dim3A_1475 = vector.broadcast %jit3A_1473 : i32 to vector<16xi32>
        %select_n3A_1476 = arith.select %eq3A_1471, %broadcast_in_dim3A_1474, %broadcast_in_dim3A_1475 : vector<16xi1>, vector<16xi32>
        tpu.vector_store_idx %arg8[%add3A_1464], %select_n3A_1476 {add = true} : memref<4096xi32, #tpu.memory_space<vmem>>[vector<16xi32>], vector<16xi32>,
        %mul3A_1477 = arith.constant 4 : i32
        %mul3A_1478 = arith.muli %scan3A_1415, %mul3A_1477 : i32
        %add3A_1479 = arith.constant 2 : i32
        %add3A_1480 = arith.addi %mul3A_1478, %add3A_1479 : i32
        %mul3A_1481 = arith.constant 16 : i32
        %mul3A_1482 = arith.muli %add3A_1480, %mul3A_1481 : i32
        %get3A_1483 = arith.index_cast %mul3A_1482 : i32 to index
        %get3A_1484 = tpu.vector_load %arg7[%get3A_1483] {strides = array<i32>} : memref<8192xi32, #tpu.memory_space<vmem>>, vector<16xi32>,
        %shift_right_arithmetic3A_1485 = arith.constant 0 : i32
        %shift_right_arithmetic3A_1486 = vector.broadcast %shift_right_arithmetic3A_1485 : i32 to vector<16xi32>
        %shift_right_arithmetic3A_1487 = arith.shrsi %get3A_1484, %shift_right_arithmetic3A_1486 : vector<16xi32>
        %and3A_1488 = arith.constant 255 : i32
        %and3A_1489 = vector.broadcast %and3A_1488 : i32 to vector<16xi32>
        %and3A_1490 = arith.andi %shift_right_arithmetic3A_1487, %and3A_1489 : vector<16xi32>
        %mul3A_1491 = arith.constant 16 : i32
        %mul3A_1492 = vector.broadcast %mul3A_1491 : i32 to vector<16xi32>
        %mul3A_1493 = arith.muli %and3A_1490, %mul3A_1492 : vector<16xi32>
        %add3A_1494 = arith.addi %mul3A_1493, %iota3A : vector<16xi32>
        %shift_right_arithmetic3A_1495 = arith.constant 8 : i32
        %shift_right_arithmetic3A_1496 = vector.broadcast %shift_right_arithmetic3A_1495 : i32 to vector<16xi32>
        %shift_right_arithmetic3A_1497 = arith.shrsi %get3A_1484, %shift_right_arithmetic3A_1496 : vector<16xi32>
        %shift_right_arithmetic3A_1498 = arith.constant 8 : i32
        %shift_right_arithmetic3A_1499 = arith.shrsi %or3A_799, %shift_right_arithmetic3A_1498 : i32
        %eq3A_1500 = vector.broadcast %shift_right_arithmetic3A_1499 : i32 to vector<16xi32>
        %eq3A_1501 = arith.cmpi eq, %shift_right_arithmetic3A_1497, %eq3A_1500 : vector<16xi32>
        %jit3A_1502 = arith.constant 1 : i32
        %jit3A_1503 = arith.constant 0 : i32
        %broadcast_in_dim3A_1504 = vector.broadcast %jit3A_1502 : i32 to vector<16xi32>
        %broadcast_in_dim3A_1505 = vector.broadcast %jit3A_1503 : i32 to vector<16xi32>
        %select_n3A_1506 = arith.select %eq3A_1501, %broadcast_in_dim3A_1504, %broadcast_in_dim3A_1505 : vector<16xi1>, vector<16xi32>
        tpu.vector_store_idx %arg8[%add3A_1494], %select_n3A_1506 {add = true} : memref<4096xi32, #tpu.memory_space<vmem>>[vector<16xi32>], vector<16xi32>,
        %mul3A_1507 = arith.constant 4 : i32
        %mul3A_1508 = arith.muli %scan3A_1415, %mul3A_1507 : i32
        %add3A_1509 = arith.constant 3 : i32
        %add3A_1510 = arith.addi %mul3A_1508, %add3A_1509 : i32
        %mul3A_1511 = arith.constant 16 : i32
        %mul3A_1512 = arith.muli %add3A_1510, %mul3A_1511 : i32
        %get3A_1513 = arith.index_cast %mul3A_1512 : i32 to index
        %get3A_1514 = tpu.vector_load %arg7[%get3A_1513] {strides = array<i32>} : memref<8192xi32, #tpu.memory_space<vmem>>, vector<16xi32>,
        %shift_right_arithmetic3A_1515 = arith.constant 0 : i32
        %shift_right_arithmetic3A_1516 = vector.broadcast %shift_right_arithmetic3A_1515 : i32 to vector<16xi32>
        %shift_right_arithmetic3A_1517 = arith.shrsi %get3A_1514, %shift_right_arithmetic3A_1516 : vector<16xi32>
        %and3A_1518 = arith.constant 255 : i32
        %and3A_1519 = vector.broadcast %and3A_1518 : i32 to vector<16xi32>
        %and3A_1520 = arith.andi %shift_right_arithmetic3A_1517, %and3A_1519 : vector<16xi32>
        %mul3A_1521 = arith.constant 16 : i32
        %mul3A_1522 = vector.broadcast %mul3A_1521 : i32 to vector<16xi32>
        %mul3A_1523 = arith.muli %and3A_1520, %mul3A_1522 : vector<16xi32>
        %add3A_1524 = arith.addi %mul3A_1523, %iota3A : vector<16xi32>
        %shift_right_arithmetic3A_1525 = arith.constant 8 : i32
        %shift_right_arithmetic3A_1526 = vector.broadcast %shift_right_arithmetic3A_1525 : i32 to vector<16xi32>
        %shift_right_arithmetic3A_1527 = arith.shrsi %get3A_1514, %shift_right_arithmetic3A_1526 : vector<16xi32>
        %shift_right_arithmetic3A_1528 = arith.constant 8 : i32
        %shift_right_arithmetic3A_1529 = arith.shrsi %or3A_799, %shift_right_arithmetic3A_1528 : i32
        %eq3A_1530 = vector.broadcast %shift_right_arithmetic3A_1529 : i32 to vector<16xi32>
        %eq3A_1531 = arith.cmpi eq, %shift_right_arithmetic3A_1527, %eq3A_1530 : vector<16xi32>
        %jit3A_1532 = arith.constant 1 : i32
        %jit3A_1533 = arith.constant 0 : i32
        %broadcast_in_dim3A_1534 = vector.broadcast %jit3A_1532 : i32 to vector<16xi32>
        %broadcast_in_dim3A_1535 = vector.broadcast %jit3A_1533 : i32 to vector<16xi32>
        %select_n3A_1536 = arith.select %eq3A_1531, %broadcast_in_dim3A_1534, %broadcast_in_dim3A_1535 : vector<16xi1>, vector<16xi32>
        tpu.vector_store_idx %arg8[%add3A_1524], %select_n3A_1536 {add = true} : memref<4096xi32, #tpu.memory_space<vmem>>[vector<16xi32>], vector<16xi32>,
        %scan3A_1537 = arith.constant 0 : i32
        scf.yield %scan3A_1537 : i32
      }
      %scan3A_813 = arith.constant 128 : i32
      %broadcast_in_dim3A_814 = arith.constant 0 : i32
      %broadcast_in_dim3A_815 = vector.broadcast %broadcast_in_dim3A_814 : i32 to vector<16xi32>
      %scan3A_816 = arith.constant 0 : i32
      %scan3A_817 = arith.constant 16 : i32
      %scan3A_818 = arith.addi %scan3A_816, %scan3A_817 : i32
      %scan3A_819 = arith.constant 1 : i32
      %scan3A_820 = scf.for %scan3A_1415 = %scan3A_816 to %scan3A_818 step %scan3A_819 iter_args(%scan3A_1416 = %broadcast_in_dim3A_815) -> (vector<16xi32>)  : i32 {
        %broadcast_in_dim3A_1417 = arith.constant 0 : i32
        %broadcast_in_dim3A_1418 = vector.broadcast %broadcast_in_dim3A_1417 : i32 to vector<16xi32>
        %mul3A_1419 = arith.constant 16 : i32
        %mul3A_1420 = arith.muli %scan3A_1415, %mul3A_1419 : i32
        %add3A_1421 = arith.constant 0 : i32
        %add3A_1422 = arith.addi %mul3A_1420, %add3A_1421 : i32
        %mul3A_1423 = arith.constant 16 : i32
        %mul3A_1424 = arith.muli %add3A_1422, %mul3A_1423 : i32
        %get3A_1425 = arith.index_cast %mul3A_1424 : i32 to index
        %get3A_1426 = tpu.vector_load %arg8[%get3A_1425] {strides = array<i32>} : memref<4096xi32, #tpu.memory_space<vmem>>, vector<16xi32>,
        %add3A_1427 = arith.addi %broadcast_in_dim3A_1418, %get3A_1426 : vector<16xi32>
        %mul3A_1428 = arith.constant 16 : i32
        %mul3A_1429 = arith.muli %scan3A_1415, %mul3A_1428 : i32
        %add3A_1430 = arith.constant 1 : i32
        %add3A_1431 = arith.addi %mul3A_1429, %add3A_1430 : i32
        %mul3A_1432 = arith.constant 16 : i32
        %mul3A_1433 = arith.muli %add3A_1431, %mul3A_1432 : i32
        %get3A_1434 = arith.index_cast %mul3A_1433 : i32 to index
        %get3A_1435 = tpu.vector_load %arg8[%get3A_1434] {strides = array<i32>} : memref<4096xi32, #tpu.memory_space<vmem>>, vector<16xi32>,
        %add3A_1436 = arith.addi %add3A_1427, %get3A_1435 : vector<16xi32>
        %mul3A_1437 = arith.constant 16 : i32
        %mul3A_1438 = arith.muli %scan3A_1415, %mul3A_1437 : i32
        %add3A_1439 = arith.constant 2 : i32
        %add3A_1440 = arith.addi %mul3A_1438, %add3A_1439 : i32
        %mul3A_1441 = arith.constant 16 : i32
        %mul3A_1442 = arith.muli %add3A_1440, %mul3A_1441 : i32
        %get3A_1443 = arith.index_cast %mul3A_1442 : i32 to index
        %get3A_1444 = tpu.vector_load %arg8[%get3A_1443] {strides = array<i32>} : memref<4096xi32, #tpu.memory_space<vmem>>, vector<16xi32>,
        %add3A_1445 = arith.addi %add3A_1436, %get3A_1444 : vector<16xi32>
        %mul3A_1446 = arith.constant 16 : i32
        %mul3A_1447 = arith.muli %scan3A_1415, %mul3A_1446 : i32
        %add3A_1448 = arith.constant 3 : i32
        %add3A_1449 = arith.addi %mul3A_1447, %add3A_1448 : i32
        %mul3A_1450 = arith.constant 16 : i32
        %mul3A_1451 = arith.muli %add3A_1449, %mul3A_1450 : i32
        %get3A_1452 = arith.index_cast %mul3A_1451 : i32 to index
        %get3A_1453 = tpu.vector_load %arg8[%get3A_1452] {strides = array<i32>} : memref<4096xi32, #tpu.memory_space<vmem>>, vector<16xi32>,
        %add3A_1454 = arith.addi %add3A_1445, %get3A_1453 : vector<16xi32>
        %mul3A_1455 = arith.constant 16 : i32
        %mul3A_1456 = arith.muli %scan3A_1415, %mul3A_1455 : i32
        %add3A_1457 = arith.constant 4 : i32
        %add3A_1458 = arith.addi %mul3A_1456, %add3A_1457 : i32
        %mul3A_1459 = arith.constant 16 : i32
        %mul3A_1460 = arith.muli %add3A_1458, %mul3A_1459 : i32
        %get3A_1461 = arith.index_cast %mul3A_1460 : i32 to index
        %get3A_1462 = tpu.vector_load %arg8[%get3A_1461] {strides = array<i32>} : memref<4096xi32, #tpu.memory_space<vmem>>, vector<16xi32>,
        %add3A_1463 = arith.addi %add3A_1454, %get3A_1462 : vector<16xi32>
        %mul3A_1464 = arith.constant 16 : i32
        %mul3A_1465 = arith.muli %scan3A_1415, %mul3A_1464 : i32
        %add3A_1466 = arith.constant 5 : i32
        %add3A_1467 = arith.addi %mul3A_1465, %add3A_1466 : i32
        %mul3A_1468 = arith.constant 16 : i32
        %mul3A_1469 = arith.muli %add3A_1467, %mul3A_1468 : i32
        %get3A_1470 = arith.index_cast %mul3A_1469 : i32 to index
        %get3A_1471 = tpu.vector_load %arg8[%get3A_1470] {strides = array<i32>} : memref<4096xi32, #tpu.memory_space<vmem>>, vector<16xi32>,
        %add3A_1472 = arith.addi %add3A_1463, %get3A_1471 : vector<16xi32>
        %mul3A_1473 = arith.constant 16 : i32
        %mul3A_1474 = arith.muli %scan3A_1415, %mul3A_1473 : i32
        %add3A_1475 = arith.constant 6 : i32
        %add3A_1476 = arith.addi %mul3A_1474, %add3A_1475 : i32
        %mul3A_1477 = arith.constant 16 : i32
        %mul3A_1478 = arith.muli %add3A_1476, %mul3A_1477 : i32
        %get3A_1479 = arith.index_cast %mul3A_1478 : i32 to index
        %get3A_1480 = tpu.vector_load %arg8[%get3A_1479] {strides = array<i32>} : memref<4096xi32, #tpu.memory_space<vmem>>, vector<16xi32>,
        %add3A_1481 = arith.addi %add3A_1472, %get3A_1480 : vector<16xi32>
        %mul3A_1482 = arith.constant 16 : i32
        %mul3A_1483 = arith.muli %scan3A_1415, %mul3A_1482 : i32
        %add3A_1484 = arith.constant 7 : i32
        %add3A_1485 = arith.addi %mul3A_1483, %add3A_1484 : i32
        %mul3A_1486 = arith.constant 16 : i32
        %mul3A_1487 = arith.muli %add3A_1485, %mul3A_1486 : i32
        %get3A_1488 = arith.index_cast %mul3A_1487 : i32 to index
        %get3A_1489 = tpu.vector_load %arg8[%get3A_1488] {strides = array<i32>} : memref<4096xi32, #tpu.memory_space<vmem>>, vector<16xi32>,
        %add3A_1490 = arith.addi %add3A_1481, %get3A_1489 : vector<16xi32>
        %mul3A_1491 = arith.constant 16 : i32
        %mul3A_1492 = arith.muli %scan3A_1415, %mul3A_1491 : i32
        %add3A_1493 = arith.constant 8 : i32
        %add3A_1494 = arith.addi %mul3A_1492, %add3A_1493 : i32
        %mul3A_1495 = arith.constant 16 : i32
        %mul3A_1496 = arith.muli %add3A_1494, %mul3A_1495 : i32
        %get3A_1497 = arith.index_cast %mul3A_1496 : i32 to index
        %get3A_1498 = tpu.vector_load %arg8[%get3A_1497] {strides = array<i32>} : memref<4096xi32, #tpu.memory_space<vmem>>, vector<16xi32>,
        %add3A_1499 = arith.addi %add3A_1490, %get3A_1498 : vector<16xi32>
        %mul3A_1500 = arith.constant 16 : i32
        %mul3A_1501 = arith.muli %scan3A_1415, %mul3A_1500 : i32
        %add3A_1502 = arith.constant 9 : i32
        %add3A_1503 = arith.addi %mul3A_1501, %add3A_1502 : i32
        %mul3A_1504 = arith.constant 16 : i32
        %mul3A_1505 = arith.muli %add3A_1503, %mul3A_1504 : i32
        %get3A_1506 = arith.index_cast %mul3A_1505 : i32 to index
        %get3A_1507 = tpu.vector_load %arg8[%get3A_1506] {strides = array<i32>} : memref<4096xi32, #tpu.memory_space<vmem>>, vector<16xi32>,
        %add3A_1508 = arith.addi %add3A_1499, %get3A_1507 : vector<16xi32>
        %mul3A_1509 = arith.constant 16 : i32
        %mul3A_1510 = arith.muli %scan3A_1415, %mul3A_1509 : i32
        %add3A_1511 = arith.constant 10 : i32
        %add3A_1512 = arith.addi %mul3A_1510, %add3A_1511 : i32
        %mul3A_1513 = arith.constant 16 : i32
        %mul3A_1514 = arith.muli %add3A_1512, %mul3A_1513 : i32
        %get3A_1515 = arith.index_cast %mul3A_1514 : i32 to index
        %get3A_1516 = tpu.vector_load %arg8[%get3A_1515] {strides = array<i32>} : memref<4096xi32, #tpu.memory_space<vmem>>, vector<16xi32>,
        %add3A_1517 = arith.addi %add3A_1508, %get3A_1516 : vector<16xi32>
        %mul3A_1518 = arith.constant 16 : i32
        %mul3A_1519 = arith.muli %scan3A_1415, %mul3A_1518 : i32
        %add3A_1520 = arith.constant 11 : i32
        %add3A_1521 = arith.addi %mul3A_1519, %add3A_1520 : i32
        %mul3A_1522 = arith.constant 16 : i32
        %mul3A_1523 = arith.muli %add3A_1521, %mul3A_1522 : i32
        %get3A_1524 = arith.index_cast %mul3A_1523 : i32 to index
        %get3A_1525 = tpu.vector_load %arg8[%get3A_1524] {strides = array<i32>} : memref<4096xi32, #tpu.memory_space<vmem>>, vector<16xi32>,
        %add3A_1526 = arith.addi %add3A_1517, %get3A_1525 : vector<16xi32>
        %mul3A_1527 = arith.constant 16 : i32
        %mul3A_1528 = arith.muli %scan3A_1415, %mul3A_1527 : i32
        %add3A_1529 = arith.constant 12 : i32
        %add3A_1530 = arith.addi %mul3A_1528, %add3A_1529 : i32
        %mul3A_1531 = arith.constant 16 : i32
        %mul3A_1532 = arith.muli %add3A_1530, %mul3A_1531 : i32
        %get3A_1533 = arith.index_cast %mul3A_1532 : i32 to index
        %get3A_1534 = tpu.vector_load %arg8[%get3A_1533] {strides = array<i32>} : memref<4096xi32, #tpu.memory_space<vmem>>, vector<16xi32>,
        %add3A_1535 = arith.addi %add3A_1526, %get3A_1534 : vector<16xi32>
        %mul3A_1536 = arith.constant 16 : i32
        %mul3A_1537 = arith.muli %scan3A_1415, %mul3A_1536 : i32
        %add3A_1538 = arith.constant 13 : i32
        %add3A_1539 = arith.addi %mul3A_1537, %add3A_1538 : i32
        %mul3A_1540 = arith.constant 16 : i32
        %mul3A_1541 = arith.muli %add3A_1539, %mul3A_1540 : i32
        %get3A_1542 = arith.index_cast %mul3A_1541 : i32 to index
        %get3A_1543 = tpu.vector_load %arg8[%get3A_1542] {strides = array<i32>} : memref<4096xi32, #tpu.memory_space<vmem>>, vector<16xi32>,
        %add3A_1544 = arith.addi %add3A_1535, %get3A_1543 : vector<16xi32>
        %mul3A_1545 = arith.constant 16 : i32
        %mul3A_1546 = arith.muli %scan3A_1415, %mul3A_1545 : i32
        %add3A_1547 = arith.constant 14 : i32
        %add3A_1548 = arith.addi %mul3A_1546, %add3A_1547 : i32
        %mul3A_1549 = arith.constant 16 : i32
        %mul3A_1550 = arith.muli %add3A_1548, %mul3A_1549 : i32
        %get3A_1551 = arith.index_cast %mul3A_1550 : i32 to index
        %get3A_1552 = tpu.vector_load %arg8[%get3A_1551] {strides = array<i32>} : memref<4096xi32, #tpu.memory_space<vmem>>, vector<16xi32>,
        %add3A_1553 = arith.addi %add3A_1544, %get3A_1552 : vector<16xi32>
        %mul3A_1554 = arith.constant 16 : i32
        %mul3A_1555 = arith.muli %scan3A_1415, %mul3A_1554 : i32
        %add3A_1556 = arith.constant 15 : i32
        %add3A_1557 = arith.addi %mul3A_1555, %add3A_1556 : i32
        %mul3A_1558 = arith.constant 16 : i32
        %mul3A_1559 = arith.muli %add3A_1557, %mul3A_1558 : i32
        %get3A_1560 = arith.index_cast %mul3A_1559 : i32 to index
        %get3A_1561 = tpu.vector_load %arg8[%get3A_1560] {strides = array<i32>} : memref<4096xi32, #tpu.memory_space<vmem>>, vector<16xi32>,
        %add3A_1562 = arith.addi %add3A_1553, %get3A_1561 : vector<16xi32>
        %eq3A_1563 = vector.broadcast %scan3A_1415 : i32 to vector<16xi32>
        %eq3A_1564 = arith.cmpi eq, %iota3A, %eq3A_1563 : vector<16xi32>
        %reduce_sum3A_1565 = arith.constant true
        %reduce_sum3A_1566 = vector.broadcast %reduce_sum3A_1565 : i1 to vector<16xi1>
        %reduce_sum3A_1567 = tpu.scan <sum>, %add3A_1562 masked %reduce_sum3A_1566 : vector<16xi32>, vector<16xi1> -> vector<16xi32>
        %reduce_sum3A_1568 = vector.extract %reduce_sum3A_1567[15] : i32 from vector<16xi32>
        %broadcast_in_dim3A_1569 = vector.broadcast %reduce_sum3A_1568 : i32 to vector<16xi32>
        %select_n3A_1570 = arith.select %eq3A_1564, %broadcast_in_dim3A_1569, %scan3A_1416 : vector<16xi1>, vector<16xi32>
        scf.yield %select_n3A_1570 : vector<16xi32>
      }
      %scan3A_821 = arith.constant 16 : i32
      %rev3A_822 = arith.constant 15 : i32
      %rev3A_823 = vector.broadcast %rev3A_822 : i32 to vector<16xi32>
      %rev3A_824 = tpu.iota {dimensions = array<i32: 0>} : vector<16xi32>
      %rev3A_825 = arith.subi %rev3A_823, %rev3A_824 : vector<16xi32>
      %rev3A_826 = tpu.dynamic_gather %scan3A_820[%rev3A_825] in [0] : vector<16xi32>, vector<16xi32> -> vector<16xi32>
      %cumsum3A_827 = arith.constant true
      %cumsum3A_828 = vector.broadcast %cumsum3A_827 : i1 to vector<16xi1>
      %cumsum3A_829 = tpu.scan <sum>, %rev3A_826 masked %cumsum3A_828 : vector<16xi32>, vector<16xi1> -> vector<16xi32>
      %rev3A_830 = arith.constant 15 : i32
      %rev3A_831 = vector.broadcast %rev3A_830 : i32 to vector<16xi32>
      %rev3A_832 = tpu.iota {dimensions = array<i32: 0>} : vector<16xi32>
      %rev3A_833 = arith.subi %rev3A_831, %rev3A_832 : vector<16xi32>
      %rev3A_834 = tpu.dynamic_gather %cumsum3A_829[%rev3A_833] in [0] : vector<16xi32>, vector<16xi32> -> vector<16xi32>
      %ge3A_835 = vector.broadcast %sub3A_793 : i32 to vector<16xi32>
      %ge3A_836 = arith.cmpi sge, %rev3A_834, %ge3A_835 : vector<16xi32>
      %jit3A_837 = arith.constant -1 : i32
      %broadcast_in_dim3A_838 = vector.broadcast %jit3A_837 : i32 to vector<16xi32>
      %select_n3A_839 = arith.select %ge3A_836, %iota3A, %broadcast_in_dim3A_838 : vector<16xi1>, vector<16xi32>
      %reduce_max3A_840 = arith.constant true
      %reduce_max3A_841 = vector.broadcast %reduce_max3A_840 : i1 to vector<16xi1>
      %reduce_max3A_842 = arith.constant -2147483648 : i32
      %reduce_max3A_843 = vector.broadcast %reduce_max3A_842 : i32 to vector<16xi32>
      %reduce_max3A_844 = arith.xori %select_n3A_839, %reduce_max3A_843 : vector<16xi32>
      %reduce_max3A_845 = tpu.scan <max>, %reduce_max3A_844 masked %reduce_max3A_841 : vector<16xi32>, vector<16xi1> -> vector<16xi32>
      %reduce_max3A_846 = arith.xori %reduce_max3A_845, %reduce_max3A_843 : vector<16xi32>
      %reduce_max3A_847 = vector.extract %reduce_max3A_846[15] : i32 from vector<16xi32>
      %iota3A_848 = tpu.iota {dimensions = array<i32: 0>} : vector<16xi32>
      %eq3A_849 = vector.broadcast %reduce_max3A_847 : i32 to vector<16xi32>
      %eq3A_850 = arith.cmpi eq, %iota3A_848, %eq3A_849 : vector<16xi32>
      %jit3A_851 = arith.constant 0 : i32
      %broadcast_in_dim3A_852 = vector.broadcast %jit3A_851 : i32 to vector<16xi32>
      %select_n3A_853 = arith.select %eq3A_850, %rev3A_834, %broadcast_in_dim3A_852 : vector<16xi1>, vector<16xi32>
      %reduce_sum3A_854 = arith.constant true
      %reduce_sum3A_855 = vector.broadcast %reduce_sum3A_854 : i1 to vector<16xi1>
      %reduce_sum3A_856 = tpu.scan <sum>, %select_n3A_853 masked %reduce_sum3A_855 : vector<16xi32>, vector<16xi1> -> vector<16xi32>
      %reduce_sum3A_857 = vector.extract %reduce_sum3A_856[15] : i32 from vector<16xi32>
      %iota3A_858 = tpu.iota {dimensions = array<i32: 0>} : vector<16xi32>
      %eq3A_859 = vector.broadcast %reduce_max3A_847 : i32 to vector<16xi32>
      %eq3A_860 = arith.cmpi eq, %iota3A_858, %eq3A_859 : vector<16xi32>
      %jit3A_861 = arith.constant 0 : i32
      %broadcast_in_dim3A_862 = vector.broadcast %jit3A_861 : i32 to vector<16xi32>
      %select_n3A_863 = arith.select %eq3A_860, %scan3A_820, %broadcast_in_dim3A_862 : vector<16xi1>, vector<16xi32>
      %reduce_sum3A_864 = arith.constant true
      %reduce_sum3A_865 = vector.broadcast %reduce_sum3A_864 : i1 to vector<16xi1>
      %reduce_sum3A_866 = tpu.scan <sum>, %select_n3A_863 masked %reduce_sum3A_865 : vector<16xi32>, vector<16xi1> -> vector<16xi32>
      %reduce_sum3A_867 = vector.extract %reduce_sum3A_866[15] : i32 from vector<16xi32>
      %sub3A_868 = arith.subi %reduce_sum3A_857, %reduce_sum3A_867 : i32
      %sub3A_869 = arith.subi %sub3A_793, %sub3A_868 : i32
      %broadcast_in_dim3A_870 = arith.constant 0 : i32
      %broadcast_in_dim3A_871 = vector.broadcast %broadcast_in_dim3A_870 : i32 to vector<16xi32>
      %scan3A_872 = arith.constant 0 : i32
      %scan3A_873 = arith.constant 16 : i32
      %scan3A_874 = arith.addi %scan3A_872, %scan3A_873 : i32
      %scan3A_875 = arith.constant 1 : i32
      %scan3A_876 = scf.for %scan3A_1415 = %scan3A_872 to %scan3A_874 step %scan3A_875 iter_args(%scan3A_1416 = %broadcast_in_dim3A_871) -> (vector<16xi32>)  : i32 {
        %mul3A_1417 = arith.constant 16 : i32
        %mul3A_1418 = arith.muli %reduce_max3A_847, %mul3A_1417 : i32
        %add3A_1419 = arith.addi %mul3A_1418, %scan3A_1415 : i32
        %mul3A_1420 = arith.constant 16 : i32
        %mul3A_1421 = arith.muli %add3A_1419, %mul3A_1420 : i32
        %get3A_1422 = arith.index_cast %mul3A_1421 : i32 to index
        %get3A_1423 = tpu.vector_load %arg8[%get3A_1422] {strides = array<i32>} : memref<4096xi32, #tpu.memory_space<vmem>>, vector<16xi32>,
        %eq3A_1424 = vector.broadcast %scan3A_1415 : i32 to vector<16xi32>
        %eq3A_1425 = arith.cmpi eq, %iota3A, %eq3A_1424 : vector<16xi32>
        %reduce_sum3A_1426 = arith.constant true
        %reduce_sum3A_1427 = vector.broadcast %reduce_sum3A_1426 : i1 to vector<16xi1>
        %reduce_sum3A_1428 = tpu.scan <sum>, %get3A_1423 masked %reduce_sum3A_1427 : vector<16xi32>, vector<16xi1> -> vector<16xi32>
        %reduce_sum3A_1429 = vector.extract %reduce_sum3A_1428[15] : i32 from vector<16xi32>
        %broadcast_in_dim3A_1430 = vector.broadcast %reduce_sum3A_1429 : i32 to vector<16xi32>
        %select_n3A_1431 = arith.select %eq3A_1425, %broadcast_in_dim3A_1430, %scan3A_1416 : vector<16xi1>, vector<16xi32>
        scf.yield %select_n3A_1431 : vector<16xi32>
      }
      %scan3A_877 = arith.constant 16 : i32
      %rev3A_878 = arith.constant 15 : i32
      %rev3A_879 = vector.broadcast %rev3A_878 : i32 to vector<16xi32>
      %rev3A_880 = tpu.iota {dimensions = array<i32: 0>} : vector<16xi32>
      %rev3A_881 = arith.subi %rev3A_879, %rev3A_880 : vector<16xi32>
      %rev3A_882 = tpu.dynamic_gather %scan3A_876[%rev3A_881] in [0] : vector<16xi32>, vector<16xi32> -> vector<16xi32>
      %cumsum3A_883 = arith.constant true
      %cumsum3A_884 = vector.broadcast %cumsum3A_883 : i1 to vector<16xi1>
      %cumsum3A_885 = tpu.scan <sum>, %rev3A_882 masked %cumsum3A_884 : vector<16xi32>, vector<16xi1> -> vector<16xi32>
      %rev3A_886 = arith.constant 15 : i32
      %rev3A_887 = vector.broadcast %rev3A_886 : i32 to vector<16xi32>
      %rev3A_888 = tpu.iota {dimensions = array<i32: 0>} : vector<16xi32>
      %rev3A_889 = arith.subi %rev3A_887, %rev3A_888 : vector<16xi32>
      %rev3A_890 = tpu.dynamic_gather %cumsum3A_885[%rev3A_889] in [0] : vector<16xi32>, vector<16xi32> -> vector<16xi32>
      %ge3A_891 = vector.broadcast %sub3A_869 : i32 to vector<16xi32>
      %ge3A_892 = arith.cmpi sge, %rev3A_890, %ge3A_891 : vector<16xi32>
      %jit3A_893 = arith.constant -1 : i32
      %broadcast_in_dim3A_894 = vector.broadcast %jit3A_893 : i32 to vector<16xi32>
      %select_n3A_895 = arith.select %ge3A_892, %iota3A, %broadcast_in_dim3A_894 : vector<16xi1>, vector<16xi32>
      %reduce_max3A_896 = arith.constant true
      %reduce_max3A_897 = vector.broadcast %reduce_max3A_896 : i1 to vector<16xi1>
      %reduce_max3A_898 = arith.constant -2147483648 : i32
      %reduce_max3A_899 = vector.broadcast %reduce_max3A_898 : i32 to vector<16xi32>
      %reduce_max3A_900 = arith.xori %select_n3A_895, %reduce_max3A_899 : vector<16xi32>
      %reduce_max3A_901 = tpu.scan <max>, %reduce_max3A_900 masked %reduce_max3A_897 : vector<16xi32>, vector<16xi1> -> vector<16xi32>
      %reduce_max3A_902 = arith.xori %reduce_max3A_901, %reduce_max3A_899 : vector<16xi32>
      %reduce_max3A_903 = vector.extract %reduce_max3A_902[15] : i32 from vector<16xi32>
      %iota3A_904 = tpu.iota {dimensions = array<i32: 0>} : vector<16xi32>
      %eq3A_905 = vector.broadcast %reduce_max3A_903 : i32 to vector<16xi32>
      %eq3A_906 = arith.cmpi eq, %iota3A_904, %eq3A_905 : vector<16xi32>
      %jit3A_907 = arith.constant 0 : i32
      %broadcast_in_dim3A_908 = vector.broadcast %jit3A_907 : i32 to vector<16xi32>
      %select_n3A_909 = arith.select %eq3A_906, %rev3A_890, %broadcast_in_dim3A_908 : vector<16xi1>, vector<16xi32>
      %reduce_sum3A_910 = arith.constant true
      %reduce_sum3A_911 = vector.broadcast %reduce_sum3A_910 : i1 to vector<16xi1>
      %reduce_sum3A_912 = tpu.scan <sum>, %select_n3A_909 masked %reduce_sum3A_911 : vector<16xi32>, vector<16xi1> -> vector<16xi32>
      %reduce_sum3A_913 = vector.extract %reduce_sum3A_912[15] : i32 from vector<16xi32>
      %iota3A_914 = tpu.iota {dimensions = array<i32: 0>} : vector<16xi32>
      %eq3A_915 = vector.broadcast %reduce_max3A_903 : i32 to vector<16xi32>
      %eq3A_916 = arith.cmpi eq, %iota3A_914, %eq3A_915 : vector<16xi32>
      %jit3A_917 = arith.constant 0 : i32
      %broadcast_in_dim3A_918 = vector.broadcast %jit3A_917 : i32 to vector<16xi32>
      %select_n3A_919 = arith.select %eq3A_916, %scan3A_876, %broadcast_in_dim3A_918 : vector<16xi1>, vector<16xi32>
      %reduce_sum3A_920 = arith.constant true
      %reduce_sum3A_921 = vector.broadcast %reduce_sum3A_920 : i1 to vector<16xi1>
      %reduce_sum3A_922 = tpu.scan <sum>, %select_n3A_919 masked %reduce_sum3A_921 : vector<16xi32>, vector<16xi1> -> vector<16xi32>
      %reduce_sum3A_923 = vector.extract %reduce_sum3A_922[15] : i32 from vector<16xi32>
      %sub3A_924 = arith.subi %reduce_sum3A_913, %reduce_sum3A_923 : i32
      %sub3A_925 = arith.subi %sub3A_869, %sub3A_924 : i32
      %mul3A_926 = arith.constant 16 : i32
      %mul3A_927 = arith.muli %reduce_max3A_847, %mul3A_926 : i32
      %add3A_928 = arith.addi %mul3A_927, %reduce_max3A_903 : i32
      %shift_left3A_929 = arith.constant 0 : i32
      %shift_left3A_930 = arith.shli %add3A_928, %shift_left3A_929 : i32
      %or3A_931 = arith.ori %or3A_799, %shift_left3A_930 : i32
      %broadcast_in_dim3A_932 = arith.constant 0 : i32
      %broadcast_in_dim3A_933 = vector.broadcast %broadcast_in_dim3A_932 : i32 to vector<16xi32>
      %broadcast_in_dim3A_934 = arith.constant 0 : i32
      %broadcast_in_dim3A_935 = vector.broadcast %broadcast_in_dim3A_934 : i32 to vector<16xi32>
      %scan3A_936 = arith.constant 0 : i32
      %scan3A_937 = arith.constant 128 : i32
      %scan3A_938 = arith.addi %scan3A_936, %scan3A_937 : i32
      %scan3A_939 = arith.constant 1 : i32
      %scan3A_940:2 = scf.for %scan3A_1415 = %scan3A_936 to %scan3A_938 step %scan3A_939 iter_args(%scan3A_1416 = %broadcast_in_dim3A_933, %scan3A_1417 = %broadcast_in_dim3A_935) -> (vector<16xi32>, vector<16xi32>)  : i32 {
        %mul3A_1418 = arith.constant 4 : i32
        %mul3A_1419 = arith.muli %scan3A_1415, %mul3A_1418 : i32
        %add3A_1420 = arith.constant 0 : i32
        %add3A_1421 = arith.addi %mul3A_1419, %add3A_1420 : i32
        %mul3A_1422 = arith.constant 16 : i32
        %mul3A_1423 = arith.muli %add3A_1421, %mul3A_1422 : i32
        %get3A_1424 = arith.index_cast %mul3A_1423 : i32 to index
        %get3A_1425 = tpu.vector_load %arg7[%get3A_1424] {strides = array<i32>} : memref<8192xi32, #tpu.memory_space<vmem>>, vector<16xi32>,
        %mul3A_1426 = arith.constant 8192 : i32
        %mul3A_1427 = arith.muli %add3A, %mul3A_1426 : i32
        %mul3A_1428 = arith.constant 4 : i32
        %mul3A_1429 = arith.muli %scan3A_1415, %mul3A_1428 : i32
        %add3A_1430 = arith.constant 0 : i32
        %add3A_1431 = arith.addi %mul3A_1429, %add3A_1430 : i32
        %mul3A_1432 = arith.constant 16 : i32
        %mul3A_1433 = arith.muli %add3A_1431, %mul3A_1432 : i32
        %add3A_1434 = arith.addi %mul3A_1427, %mul3A_1433 : i32
        %broadcast_in_dim3A_1435 = vector.broadcast %add3A_1434 : i32 to vector<16xi32>
        %add3A_1436 = arith.addi %broadcast_in_dim3A_1435, %iota3A : vector<16xi32>
        %gt3A = vector.broadcast %or3A_931 : i32 to vector<16xi32>
        %gt3A_1437 = arith.cmpi sgt, %get3A_1425, %gt3A : vector<16xi32>
        %jit3A_1438 = arith.constant 1 : i32
        %jit3A_1439 = arith.constant 0 : i32
        %broadcast_in_dim3A_1440 = vector.broadcast %jit3A_1438 : i32 to vector<16xi32>
        %broadcast_in_dim3A_1441 = vector.broadcast %jit3A_1439 : i32 to vector<16xi32>
        %select_n3A_1442 = arith.select %gt3A_1437, %broadcast_in_dim3A_1440, %broadcast_in_dim3A_1441 : vector<16xi1>, vector<16xi32>
        %cumsum3A_1443 = arith.constant true
        %cumsum3A_1444 = vector.broadcast %cumsum3A_1443 : i1 to vector<16xi1>
        %cumsum3A_1445 = tpu.scan <sum>, %select_n3A_1442 masked %cumsum3A_1444 : vector<16xi32>, vector<16xi1> -> vector<16xi32>
        %add3A_1446 = arith.addi %scan3A_1416, %cumsum3A_1445 : vector<16xi32>
        %sub3A_1447 = arith.constant 1 : i32
        %sub3A_1448 = vector.broadcast %sub3A_1447 : i32 to vector<16xi32>
        %sub3A_1449 = arith.subi %add3A_1446, %sub3A_1448 : vector<16xi32>
        %jit3A_1450 = arith.constant 415 : i32
        %broadcast_in_dim3A_1451 = vector.broadcast %jit3A_1450 : i32 to vector<16xi32>
        %select_n3A_1452 = arith.select %gt3A_1437, %sub3A_1449, %broadcast_in_dim3A_1451 : vector<16xi1>, vector<16xi32>
        tpu.vector_store_idx %arg9[%select_n3A_1452], %get3A_1425 masked %gt3A_1437 : memref<416xi32, #tpu.memory_space<vmem>>[vector<16xi32>], vector<16xi32>, vector<16xi1>
        tpu.vector_store_idx %arg10[%select_n3A_1452], %add3A_1436 masked %gt3A_1437 : memref<416xi32, #tpu.memory_space<vmem>>[vector<16xi32>], vector<16xi32>, vector<16xi1>
        %eq3A_1453 = vector.broadcast %or3A_931 : i32 to vector<16xi32>
        %eq3A_1454 = arith.cmpi eq, %get3A_1425, %eq3A_1453 : vector<16xi32>
        %jit3A_1455 = arith.constant 1 : i32
        %jit3A_1456 = arith.constant 0 : i32
        %broadcast_in_dim3A_1457 = vector.broadcast %jit3A_1455 : i32 to vector<16xi32>
        %broadcast_in_dim3A_1458 = vector.broadcast %jit3A_1456 : i32 to vector<16xi32>
        %select_n3A_1459 = arith.select %eq3A_1454, %broadcast_in_dim3A_1457, %broadcast_in_dim3A_1458 : vector<16xi1>, vector<16xi32>
        %cumsum3A_1460 = arith.constant true
        %cumsum3A_1461 = vector.broadcast %cumsum3A_1460 : i1 to vector<16xi1>
        %cumsum3A_1462 = tpu.scan <sum>, %select_n3A_1459 masked %cumsum3A_1461 : vector<16xi32>, vector<16xi1> -> vector<16xi32>
        %add3A_1463 = arith.addi %scan3A_1417, %cumsum3A_1462 : vector<16xi32>
        %sub3A_1464 = arith.constant 1 : i32
        %sub3A_1465 = vector.broadcast %sub3A_1464 : i32 to vector<16xi32>
        %sub3A_1466 = arith.subi %add3A_1463, %sub3A_1465 : vector<16xi32>
        %lt3A_1467 = arith.constant 320 : i32
        %lt3A_1468 = vector.broadcast %lt3A_1467 : i32 to vector<16xi32>
        %lt3A_1469 = arith.cmpi slt, %sub3A_1466, %lt3A_1468 : vector<16xi32>
        %and3A_1470 = arith.andi %eq3A_1454, %lt3A_1469 : vector<16xi1>
        %jit3A_1471 = arith.constant 415 : i32
        %broadcast_in_dim3A_1472 = vector.broadcast %jit3A_1471 : i32 to vector<16xi32>
        %select_n3A_1473 = arith.select %and3A_1470, %sub3A_1466, %broadcast_in_dim3A_1472 : vector<16xi1>, vector<16xi32>
        tpu.vector_store_idx %arg11[%select_n3A_1473], %add3A_1436 masked %and3A_1470 : memref<416xi32, #tpu.memory_space<vmem>>[vector<16xi32>], vector<16xi32>, vector<16xi1>
        %all_reduce_population_count3A = tpu.all_reduce %gt3A_1437 {dim = 0 : i64, kind = #tpu.reduction_kind<sum>} : vector<16xi1> -> vector<16xi32>
        %add3A_1474 = arith.addi %scan3A_1416, %all_reduce_population_count3A : vector<16xi32>
        %all_reduce_population_count3A_1475 = tpu.all_reduce %eq3A_1454 {dim = 0 : i64, kind = #tpu.reduction_kind<sum>} : vector<16xi1> -> vector<16xi32>
        %add3A_1476 = arith.addi %scan3A_1417, %all_reduce_population_count3A_1475 : vector<16xi32>
        %mul3A_1477 = arith.constant 4 : i32
        %mul3A_1478 = arith.muli %scan3A_1415, %mul3A_1477 : i32
        %add3A_1479 = arith.constant 1 : i32
        %add3A_1480 = arith.addi %mul3A_1478, %add3A_1479 : i32
        %mul3A_1481 = arith.constant 16 : i32
        %mul3A_1482 = arith.muli %add3A_1480, %mul3A_1481 : i32
        %get3A_1483 = arith.index_cast %mul3A_1482 : i32 to index
        %get3A_1484 = tpu.vector_load %arg7[%get3A_1483] {strides = array<i32>} : memref<8192xi32, #tpu.memory_space<vmem>>, vector<16xi32>,
        %mul3A_1485 = arith.constant 8192 : i32
        %mul3A_1486 = arith.muli %add3A, %mul3A_1485 : i32
        %mul3A_1487 = arith.constant 4 : i32
        %mul3A_1488 = arith.muli %scan3A_1415, %mul3A_1487 : i32
        %add3A_1489 = arith.constant 1 : i32
        %add3A_1490 = arith.addi %mul3A_1488, %add3A_1489 : i32
        %mul3A_1491 = arith.constant 16 : i32
        %mul3A_1492 = arith.muli %add3A_1490, %mul3A_1491 : i32
        %add3A_1493 = arith.addi %mul3A_1486, %mul3A_1492 : i32
        %broadcast_in_dim3A_1494 = vector.broadcast %add3A_1493 : i32 to vector<16xi32>
        %add3A_1495 = arith.addi %broadcast_in_dim3A_1494, %iota3A : vector<16xi32>
        %gt3A_1496 = vector.broadcast %or3A_931 : i32 to vector<16xi32>
        %gt3A_1497 = arith.cmpi sgt, %get3A_1484, %gt3A_1496 : vector<16xi32>
        %jit3A_1498 = arith.constant 1 : i32
        %jit3A_1499 = arith.constant 0 : i32
        %broadcast_in_dim3A_1500 = vector.broadcast %jit3A_1498 : i32 to vector<16xi32>
        %broadcast_in_dim3A_1501 = vector.broadcast %jit3A_1499 : i32 to vector<16xi32>
        %select_n3A_1502 = arith.select %gt3A_1497, %broadcast_in_dim3A_1500, %broadcast_in_dim3A_1501 : vector<16xi1>, vector<16xi32>
        %cumsum3A_1503 = arith.constant true
        %cumsum3A_1504 = vector.broadcast %cumsum3A_1503 : i1 to vector<16xi1>
        %cumsum3A_1505 = tpu.scan <sum>, %select_n3A_1502 masked %cumsum3A_1504 : vector<16xi32>, vector<16xi1> -> vector<16xi32>
        %add3A_1506 = arith.addi %add3A_1474, %cumsum3A_1505 : vector<16xi32>
        %sub3A_1507 = arith.constant 1 : i32
        %sub3A_1508 = vector.broadcast %sub3A_1507 : i32 to vector<16xi32>
        %sub3A_1509 = arith.subi %add3A_1506, %sub3A_1508 : vector<16xi32>
        %jit3A_1510 = arith.constant 415 : i32
        %broadcast_in_dim3A_1511 = vector.broadcast %jit3A_1510 : i32 to vector<16xi32>
        %select_n3A_1512 = arith.select %gt3A_1497, %sub3A_1509, %broadcast_in_dim3A_1511 : vector<16xi1>, vector<16xi32>
        tpu.vector_store_idx %arg9[%select_n3A_1512], %get3A_1484 masked %gt3A_1497 : memref<416xi32, #tpu.memory_space<vmem>>[vector<16xi32>], vector<16xi32>, vector<16xi1>
        tpu.vector_store_idx %arg10[%select_n3A_1512], %add3A_1495 masked %gt3A_1497 : memref<416xi32, #tpu.memory_space<vmem>>[vector<16xi32>], vector<16xi32>, vector<16xi1>
        %eq3A_1513 = vector.broadcast %or3A_931 : i32 to vector<16xi32>
        %eq3A_1514 = arith.cmpi eq, %get3A_1484, %eq3A_1513 : vector<16xi32>
        %jit3A_1515 = arith.constant 1 : i32
        %jit3A_1516 = arith.constant 0 : i32
        %broadcast_in_dim3A_1517 = vector.broadcast %jit3A_1515 : i32 to vector<16xi32>
        %broadcast_in_dim3A_1518 = vector.broadcast %jit3A_1516 : i32 to vector<16xi32>
        %select_n3A_1519 = arith.select %eq3A_1514, %broadcast_in_dim3A_1517, %broadcast_in_dim3A_1518 : vector<16xi1>, vector<16xi32>
        %cumsum3A_1520 = arith.constant true
        %cumsum3A_1521 = vector.broadcast %cumsum3A_1520 : i1 to vector<16xi1>
        %cumsum3A_1522 = tpu.scan <sum>, %select_n3A_1519 masked %cumsum3A_1521 : vector<16xi32>, vector<16xi1> -> vector<16xi32>
        %add3A_1523 = arith.addi %add3A_1476, %cumsum3A_1522 : vector<16xi32>
        %sub3A_1524 = arith.constant 1 : i32
        %sub3A_1525 = vector.broadcast %sub3A_1524 : i32 to vector<16xi32>
        %sub3A_1526 = arith.subi %add3A_1523, %sub3A_1525 : vector<16xi32>
        %lt3A_1527 = arith.constant 320 : i32
        %lt3A_1528 = vector.broadcast %lt3A_1527 : i32 to vector<16xi32>
        %lt3A_1529 = arith.cmpi slt, %sub3A_1526, %lt3A_1528 : vector<16xi32>
        %and3A_1530 = arith.andi %eq3A_1514, %lt3A_1529 : vector<16xi1>
        %jit3A_1531 = arith.constant 415 : i32
        %broadcast_in_dim3A_1532 = vector.broadcast %jit3A_1531 : i32 to vector<16xi32>
        %select_n3A_1533 = arith.select %and3A_1530, %sub3A_1526, %broadcast_in_dim3A_1532 : vector<16xi1>, vector<16xi32>
        tpu.vector_store_idx %arg11[%select_n3A_1533], %add3A_1495 masked %and3A_1530 : memref<416xi32, #tpu.memory_space<vmem>>[vector<16xi32>], vector<16xi32>, vector<16xi1>
        %all_reduce_population_count3A_1534 = tpu.all_reduce %gt3A_1497 {dim = 0 : i64, kind = #tpu.reduction_kind<sum>} : vector<16xi1> -> vector<16xi32>
        %add3A_1535 = arith.addi %add3A_1474, %all_reduce_population_count3A_1534 : vector<16xi32>
        %all_reduce_population_count3A_1536 = tpu.all_reduce %eq3A_1514 {dim = 0 : i64, kind = #tpu.reduction_kind<sum>} : vector<16xi1> -> vector<16xi32>
        %add3A_1537 = arith.addi %add3A_1476, %all_reduce_population_count3A_1536 : vector<16xi32>
        %mul3A_1538 = arith.constant 4 : i32
        %mul3A_1539 = arith.muli %scan3A_1415, %mul3A_1538 : i32
        %add3A_1540 = arith.constant 2 : i32
        %add3A_1541 = arith.addi %mul3A_1539, %add3A_1540 : i32
        %mul3A_1542 = arith.constant 16 : i32
        %mul3A_1543 = arith.muli %add3A_1541, %mul3A_1542 : i32
        %get3A_1544 = arith.index_cast %mul3A_1543 : i32 to index
        %get3A_1545 = tpu.vector_load %arg7[%get3A_1544] {strides = array<i32>} : memref<8192xi32, #tpu.memory_space<vmem>>, vector<16xi32>,
        %mul3A_1546 = arith.constant 8192 : i32
        %mul3A_1547 = arith.muli %add3A, %mul3A_1546 : i32
        %mul3A_1548 = arith.constant 4 : i32
        %mul3A_1549 = arith.muli %scan3A_1415, %mul3A_1548 : i32
        %add3A_1550 = arith.constant 2 : i32
        %add3A_1551 = arith.addi %mul3A_1549, %add3A_1550 : i32
        %mul3A_1552 = arith.constant 16 : i32
        %mul3A_1553 = arith.muli %add3A_1551, %mul3A_1552 : i32
        %add3A_1554 = arith.addi %mul3A_1547, %mul3A_1553 : i32
        %broadcast_in_dim3A_1555 = vector.broadcast %add3A_1554 : i32 to vector<16xi32>
        %add3A_1556 = arith.addi %broadcast_in_dim3A_1555, %iota3A : vector<16xi32>
        %gt3A_1557 = vector.broadcast %or3A_931 : i32 to vector<16xi32>
        %gt3A_1558 = arith.cmpi sgt, %get3A_1545, %gt3A_1557 : vector<16xi32>
        %jit3A_1559 = arith.constant 1 : i32
        %jit3A_1560 = arith.constant 0 : i32
        %broadcast_in_dim3A_1561 = vector.broadcast %jit3A_1559 : i32 to vector<16xi32>
        %broadcast_in_dim3A_1562 = vector.broadcast %jit3A_1560 : i32 to vector<16xi32>
        %select_n3A_1563 = arith.select %gt3A_1558, %broadcast_in_dim3A_1561, %broadcast_in_dim3A_1562 : vector<16xi1>, vector<16xi32>
        %cumsum3A_1564 = arith.constant true
        %cumsum3A_1565 = vector.broadcast %cumsum3A_1564 : i1 to vector<16xi1>
        %cumsum3A_1566 = tpu.scan <sum>, %select_n3A_1563 masked %cumsum3A_1565 : vector<16xi32>, vector<16xi1> -> vector<16xi32>
        %add3A_1567 = arith.addi %add3A_1535, %cumsum3A_1566 : vector<16xi32>
        %sub3A_1568 = arith.constant 1 : i32
        %sub3A_1569 = vector.broadcast %sub3A_1568 : i32 to vector<16xi32>
        %sub3A_1570 = arith.subi %add3A_1567, %sub3A_1569 : vector<16xi32>
        %jit3A_1571 = arith.constant 415 : i32
        %broadcast_in_dim3A_1572 = vector.broadcast %jit3A_1571 : i32 to vector<16xi32>
        %select_n3A_1573 = arith.select %gt3A_1558, %sub3A_1570, %broadcast_in_dim3A_1572 : vector<16xi1>, vector<16xi32>
        tpu.vector_store_idx %arg9[%select_n3A_1573], %get3A_1545 masked %gt3A_1558 : memref<416xi32, #tpu.memory_space<vmem>>[vector<16xi32>], vector<16xi32>, vector<16xi1>
        tpu.vector_store_idx %arg10[%select_n3A_1573], %add3A_1556 masked %gt3A_1558 : memref<416xi32, #tpu.memory_space<vmem>>[vector<16xi32>], vector<16xi32>, vector<16xi1>
        %eq3A_1574 = vector.broadcast %or3A_931 : i32 to vector<16xi32>
        %eq3A_1575 = arith.cmpi eq, %get3A_1545, %eq3A_1574 : vector<16xi32>
        %jit3A_1576 = arith.constant 1 : i32
        %jit3A_1577 = arith.constant 0 : i32
        %broadcast_in_dim3A_1578 = vector.broadcast %jit3A_1576 : i32 to vector<16xi32>
        %broadcast_in_dim3A_1579 = vector.broadcast %jit3A_1577 : i32 to vector<16xi32>
        %select_n3A_1580 = arith.select %eq3A_1575, %broadcast_in_dim3A_1578, %broadcast_in_dim3A_1579 : vector<16xi1>, vector<16xi32>
        %cumsum3A_1581 = arith.constant true
        %cumsum3A_1582 = vector.broadcast %cumsum3A_1581 : i1 to vector<16xi1>
        %cumsum3A_1583 = tpu.scan <sum>, %select_n3A_1580 masked %cumsum3A_1582 : vector<16xi32>, vector<16xi1> -> vector<16xi32>
        %add3A_1584 = arith.addi %add3A_1537, %cumsum3A_1583 : vector<16xi32>
        %sub3A_1585 = arith.constant 1 : i32
        %sub3A_1586 = vector.broadcast %sub3A_1585 : i32 to vector<16xi32>
        %sub3A_1587 = arith.subi %add3A_1584, %sub3A_1586 : vector<16xi32>
        %lt3A_1588 = arith.constant 320 : i32
        %lt3A_1589 = vector.broadcast %lt3A_1588 : i32 to vector<16xi32>
        %lt3A_1590 = arith.cmpi slt, %sub3A_1587, %lt3A_1589 : vector<16xi32>
        %and3A_1591 = arith.andi %eq3A_1575, %lt3A_1590 : vector<16xi1>
        %jit3A_1592 = arith.constant 415 : i32
        %broadcast_in_dim3A_1593 = vector.broadcast %jit3A_1592 : i32 to vector<16xi32>
        %select_n3A_1594 = arith.select %and3A_1591, %sub3A_1587, %broadcast_in_dim3A_1593 : vector<16xi1>, vector<16xi32>
        tpu.vector_store_idx %arg11[%select_n3A_1594], %add3A_1556 masked %and3A_1591 : memref<416xi32, #tpu.memory_space<vmem>>[vector<16xi32>], vector<16xi32>, vector<16xi1>
        %all_reduce_population_count3A_1595 = tpu.all_reduce %gt3A_1558 {dim = 0 : i64, kind = #tpu.reduction_kind<sum>} : vector<16xi1> -> vector<16xi32>
        %add3A_1596 = arith.addi %add3A_1535, %all_reduce_population_count3A_1595 : vector<16xi32>
        %all_reduce_population_count3A_1597 = tpu.all_reduce %eq3A_1575 {dim = 0 : i64, kind = #tpu.reduction_kind<sum>} : vector<16xi1> -> vector<16xi32>
        %add3A_1598 = arith.addi %add3A_1537, %all_reduce_population_count3A_1597 : vector<16xi32>
        %mul3A_1599 = arith.constant 4 : i32
        %mul3A_1600 = arith.muli %scan3A_1415, %mul3A_1599 : i32
        %add3A_1601 = arith.constant 3 : i32
        %add3A_1602 = arith.addi %mul3A_1600, %add3A_1601 : i32
        %mul3A_1603 = arith.constant 16 : i32
        %mul3A_1604 = arith.muli %add3A_1602, %mul3A_1603 : i32
        %get3A_1605 = arith.index_cast %mul3A_1604 : i32 to index
        %get3A_1606 = tpu.vector_load %arg7[%get3A_1605] {strides = array<i32>} : memref<8192xi32, #tpu.memory_space<vmem>>, vector<16xi32>,
        %mul3A_1607 = arith.constant 8192 : i32
        %mul3A_1608 = arith.muli %add3A, %mul3A_1607 : i32
        %mul3A_1609 = arith.constant 4 : i32
        %mul3A_1610 = arith.muli %scan3A_1415, %mul3A_1609 : i32
        %add3A_1611 = arith.constant 3 : i32
        %add3A_1612 = arith.addi %mul3A_1610, %add3A_1611 : i32
        %mul3A_1613 = arith.constant 16 : i32
        %mul3A_1614 = arith.muli %add3A_1612, %mul3A_1613 : i32
        %add3A_1615 = arith.addi %mul3A_1608, %mul3A_1614 : i32
        %broadcast_in_dim3A_1616 = vector.broadcast %add3A_1615 : i32 to vector<16xi32>
        %add3A_1617 = arith.addi %broadcast_in_dim3A_1616, %iota3A : vector<16xi32>
        %gt3A_1618 = vector.broadcast %or3A_931 : i32 to vector<16xi32>
        %gt3A_1619 = arith.cmpi sgt, %get3A_1606, %gt3A_1618 : vector<16xi32>
        %jit3A_1620 = arith.constant 1 : i32
        %jit3A_1621 = arith.constant 0 : i32
        %broadcast_in_dim3A_1622 = vector.broadcast %jit3A_1620 : i32 to vector<16xi32>
        %broadcast_in_dim3A_1623 = vector.broadcast %jit3A_1621 : i32 to vector<16xi32>
        %select_n3A_1624 = arith.select %gt3A_1619, %broadcast_in_dim3A_1622, %broadcast_in_dim3A_1623 : vector<16xi1>, vector<16xi32>
        %cumsum3A_1625 = arith.constant true
        %cumsum3A_1626 = vector.broadcast %cumsum3A_1625 : i1 to vector<16xi1>
        %cumsum3A_1627 = tpu.scan <sum>, %select_n3A_1624 masked %cumsum3A_1626 : vector<16xi32>, vector<16xi1> -> vector<16xi32>
        %add3A_1628 = arith.addi %add3A_1596, %cumsum3A_1627 : vector<16xi32>
        %sub3A_1629 = arith.constant 1 : i32
        %sub3A_1630 = vector.broadcast %sub3A_1629 : i32 to vector<16xi32>
        %sub3A_1631 = arith.subi %add3A_1628, %sub3A_1630 : vector<16xi32>
        %jit3A_1632 = arith.constant 415 : i32
        %broadcast_in_dim3A_1633 = vector.broadcast %jit3A_1632 : i32 to vector<16xi32>
        %select_n3A_1634 = arith.select %gt3A_1619, %sub3A_1631, %broadcast_in_dim3A_1633 : vector<16xi1>, vector<16xi32>
        tpu.vector_store_idx %arg9[%select_n3A_1634], %get3A_1606 masked %gt3A_1619 : memref<416xi32, #tpu.memory_space<vmem>>[vector<16xi32>], vector<16xi32>, vector<16xi1>
        tpu.vector_store_idx %arg10[%select_n3A_1634], %add3A_1617 masked %gt3A_1619 : memref<416xi32, #tpu.memory_space<vmem>>[vector<16xi32>], vector<16xi32>, vector<16xi1>
        %eq3A_1635 = vector.broadcast %or3A_931 : i32 to vector<16xi32>
        %eq3A_1636 = arith.cmpi eq, %get3A_1606, %eq3A_1635 : vector<16xi32>
        %jit3A_1637 = arith.constant 1 : i32
        %jit3A_1638 = arith.constant 0 : i32
        %broadcast_in_dim3A_1639 = vector.broadcast %jit3A_1637 : i32 to vector<16xi32>
        %broadcast_in_dim3A_1640 = vector.broadcast %jit3A_1638 : i32 to vector<16xi32>
        %select_n3A_1641 = arith.select %eq3A_1636, %broadcast_in_dim3A_1639, %broadcast_in_dim3A_1640 : vector<16xi1>, vector<16xi32>
        %cumsum3A_1642 = arith.constant true
        %cumsum3A_1643 = vector.broadcast %cumsum3A_1642 : i1 to vector<16xi1>
        %cumsum3A_1644 = tpu.scan <sum>, %select_n3A_1641 masked %cumsum3A_1643 : vector<16xi32>, vector<16xi1> -> vector<16xi32>
        %add3A_1645 = arith.addi %add3A_1598, %cumsum3A_1644 : vector<16xi32>
        %sub3A_1646 = arith.constant 1 : i32
        %sub3A_1647 = vector.broadcast %sub3A_1646 : i32 to vector<16xi32>
        %sub3A_1648 = arith.subi %add3A_1645, %sub3A_1647 : vector<16xi32>
        %lt3A_1649 = arith.constant 320 : i32
        %lt3A_1650 = vector.broadcast %lt3A_1649 : i32 to vector<16xi32>
        %lt3A_1651 = arith.cmpi slt, %sub3A_1648, %lt3A_1650 : vector<16xi32>
        %and3A_1652 = arith.andi %eq3A_1636, %lt3A_1651 : vector<16xi1>
        %jit3A_1653 = arith.constant 415 : i32
        %broadcast_in_dim3A_1654 = vector.broadcast %jit3A_1653 : i32 to vector<16xi32>
        %select_n3A_1655 = arith.select %and3A_1652, %sub3A_1648, %broadcast_in_dim3A_1654 : vector<16xi1>, vector<16xi32>
        tpu.vector_store_idx %arg11[%select_n3A_1655], %add3A_1617 masked %and3A_1652 : memref<416xi32, #tpu.memory_space<vmem>>[vector<16xi32>], vector<16xi32>, vector<16xi1>
        %all_reduce_population_count3A_1656 = tpu.all_reduce %gt3A_1619 {dim = 0 : i64, kind = #tpu.reduction_kind<sum>} : vector<16xi1> -> vector<16xi32>
        %add3A_1657 = arith.addi %add3A_1596, %all_reduce_population_count3A_1656 : vector<16xi32>
        %all_reduce_population_count3A_1658 = tpu.all_reduce %eq3A_1636 {dim = 0 : i64, kind = #tpu.reduction_kind<sum>} : vector<16xi1> -> vector<16xi32>
        %add3A_1659 = arith.addi %add3A_1598, %all_reduce_population_count3A_1658 : vector<16xi32>
        scf.yield %add3A_1657, %add3A_1659 : vector<16xi32>, vector<16xi32>
      }
      %scan3A_941 = arith.constant 128 : i32
      %eq3A_942 = arith.constant 0 : i32
      %eq3A_943 = vector.broadcast %eq3A_942 : i32 to vector<16xi32>
      %eq3A_944 = arith.cmpi eq, %iota3A, %eq3A_943 : vector<16xi32>
      %jit3A_945 = arith.constant 0 : i32
      %broadcast_in_dim3A_946 = vector.broadcast %jit3A_945 : i32 to vector<16xi32>
      %select_n3A_947 = arith.select %eq3A_944, %scan3A_940#0, %broadcast_in_dim3A_946 : vector<16xi1>, vector<16xi32>
      %reduce_sum3A_948 = arith.constant true
      %reduce_sum3A_949 = vector.broadcast %reduce_sum3A_948 : i1 to vector<16xi1>
      %reduce_sum3A_950 = tpu.scan <sum>, %select_n3A_947 masked %reduce_sum3A_949 : vector<16xi32>, vector<16xi1> -> vector<16xi32>
      %reduce_sum3A_951 = vector.extract %reduce_sum3A_950[15] : i32 from vector<16xi32>
      %eq3A_952 = arith.constant 0 : i32
      %eq3A_953 = vector.broadcast %eq3A_952 : i32 to vector<16xi32>
      %eq3A_954 = arith.cmpi eq, %iota3A, %eq3A_953 : vector<16xi32>
      %jit3A_955 = arith.constant 0 : i32
      %broadcast_in_dim3A_956 = vector.broadcast %reduce_sum3A_951 : i32 to vector<16xi32>
      %broadcast_in_dim3A_957 = vector.broadcast %jit3A_955 : i32 to vector<16xi32>
      %select_n3A_958 = arith.select %eq3A_954, %broadcast_in_dim3A_956, %broadcast_in_dim3A_957 : vector<16xi1>, vector<16xi32>
      %eq3A_959 = arith.constant 1 : i32
      %eq3A_960 = vector.broadcast %eq3A_959 : i32 to vector<16xi32>
      %eq3A_961 = arith.cmpi eq, %iota3A, %eq3A_960 : vector<16xi32>
      %jit3A_962 = arith.constant 0 : i32
      %broadcast_in_dim3A_963 = vector.broadcast %sub3A_925 : i32 to vector<16xi32>
      %broadcast_in_dim3A_964 = vector.broadcast %jit3A_962 : i32 to vector<16xi32>
      %select_n3A_965 = arith.select %eq3A_961, %broadcast_in_dim3A_963, %broadcast_in_dim3A_964 : vector<16xi1>, vector<16xi32>
      %add3A_966 = arith.addi %select_n3A_958, %select_n3A_965 : vector<16xi32>
      %swap3A_967 = arith.constant 0 : index
      %swap3A_968 = tpu.vector_load %arg22[%swap3A_967] {strides = array<i32>} : memref<16xi32, #tpu.memory_space<vmem>>, vector<16xi32>,
      tpu.vector_store %arg22[%swap3A_967], %add3A_966 {strides = array<i32>} : memref<16xi32, #tpu.memory_space<vmem>>, vector<16xi32>,
      %mul3A_969 = arith.constant 16 : i32
      %mul3A_970 = arith.muli %select_n3A_54, %mul3A_969 : i32
      "tpu.region"() ({
        %run_scoped3A = tpu.sem_alloc : memref<!tpu.dma_semaphore, #tpu.memory_space<semaphore_mem>>
        %dma_start3A_1415 = tpu.memref_slice %arg32[%mul3A_970] : memref<32xi32, #tpu.memory_space<vmem_shared>> -> memref<16xi32, #tpu.memory_space<vmem_shared>>
        %dma_start3A_1416 = tpu.memref_slice %arg32[%mul3A_970] : memref<32xi32, #tpu.memory_space<vmem_shared>> -> memref<16xi32, #tpu.memory_space<vmem_shared>>
        tpu.enqueue_dma source(%arg22 : memref<16xi32, #tpu.memory_space<vmem>>) target(%dma_start3A_1416 : memref<16xi32, #tpu.memory_space<vmem_shared>>) target_semaphore(%run_scoped3A : memref<!tpu.dma_semaphore, #tpu.memory_space<semaphore_mem>>)
        %dma_wait3A_1417 = tpu.memref_slice %arg32[%mul3A_970] : memref<32xi32, #tpu.memory_space<vmem_shared>> -> memref<16xi32, #tpu.memory_space<vmem_shared>>
        %dma_wait3A_1418 = tpu.memref_slice %arg32[%mul3A_970] : memref<32xi32, #tpu.memory_space<vmem_shared>> -> memref<16xi32, #tpu.memory_space<vmem_shared>>
        tpu.wait_dma2 semaphore(%run_scoped3A : memref<!tpu.dma_semaphore, #tpu.memory_space<semaphore_mem>>) src(%arg22 : memref<16xi32, #tpu.memory_space<vmem>>) dst(%dma_wait3A_1418 : memref<16xi32, #tpu.memory_space<vmem_shared>>)
        tpu.yield
      }) : () -> ()
      %mul3A_971 = arith.constant 416 : i32
      %mul3A_972 = arith.muli %select_n3A_54, %mul3A_971 : i32
      "tpu.region"() ({
        %run_scoped3A = tpu.sem_alloc : memref<!tpu.dma_semaphore, #tpu.memory_space<semaphore_mem>>
        %dma_start3A_1415 = arith.constant 0 : i32
        %dma_start3A_1416 = tpu.memref_slice %arg9[%dma_start3A_1415] : memref<416xi32, #tpu.memory_space<vmem>> -> memref<384xi32, #tpu.memory_space<vmem>>
        %dma_start3A_1417 = tpu.memref_slice %arg30[%mul3A_972] : memref<832xi32, #tpu.memory_space<vmem_shared>> -> memref<384xi32, #tpu.memory_space<vmem_shared>>
        %dma_start3A_1418 = tpu.memref_slice %arg30[%mul3A_972] : memref<832xi32, #tpu.memory_space<vmem_shared>> -> memref<384xi32, #tpu.memory_space<vmem_shared>>
        %dma_start3A_1419 = arith.constant 0 : i32
        %dma_start3A_1420 = tpu.memref_slice %arg9[%dma_start3A_1419] : memref<416xi32, #tpu.memory_space<vmem>> -> memref<384xi32, #tpu.memory_space<vmem>>
        tpu.enqueue_dma source(%dma_start3A_1420 : memref<384xi32, #tpu.memory_space<vmem>>) target(%dma_start3A_1418 : memref<384xi32, #tpu.memory_space<vmem_shared>>) target_semaphore(%run_scoped3A : memref<!tpu.dma_semaphore, #tpu.memory_space<semaphore_mem>>)
        %dma_wait3A_1421 = arith.constant 0 : i32
        %dma_wait3A_1422 = tpu.memref_slice %arg9[%dma_wait3A_1421] : memref<416xi32, #tpu.memory_space<vmem>> -> memref<384xi32, #tpu.memory_space<vmem>>
        %dma_wait3A_1423 = tpu.memref_slice %arg30[%mul3A_972] : memref<832xi32, #tpu.memory_space<vmem_shared>> -> memref<384xi32, #tpu.memory_space<vmem_shared>>
        %dma_wait3A_1424 = tpu.memref_slice %arg30[%mul3A_972] : memref<832xi32, #tpu.memory_space<vmem_shared>> -> memref<384xi32, #tpu.memory_space<vmem_shared>>
        %dma_wait3A_1425 = arith.constant 0 : i32
        %dma_wait3A_1426 = tpu.memref_slice %arg9[%dma_wait3A_1425] : memref<416xi32, #tpu.memory_space<vmem>> -> memref<384xi32, #tpu.memory_space<vmem>>
        tpu.wait_dma2 semaphore(%run_scoped3A : memref<!tpu.dma_semaphore, #tpu.memory_space<semaphore_mem>>) src(%dma_wait3A_1426 : memref<384xi32, #tpu.memory_space<vmem>>) dst(%dma_wait3A_1424 : memref<384xi32, #tpu.memory_space<vmem_shared>>)
        tpu.yield
      }) : () -> ()
      %mul3A_973 = arith.constant 416 : i32
      %mul3A_974 = arith.muli %select_n3A_54, %mul3A_973 : i32
      "tpu.region"() ({
        %run_scoped3A = tpu.sem_alloc : memref<!tpu.dma_semaphore, #tpu.memory_space<semaphore_mem>>
        %dma_start3A_1415 = arith.constant 0 : i32
        %dma_start3A_1416 = tpu.memref_slice %arg10[%dma_start3A_1415] : memref<416xi32, #tpu.memory_space<vmem>> -> memref<384xi32, #tpu.memory_space<vmem>>
        %dma_start3A_1417 = tpu.memref_slice %arg31[%mul3A_974] : memref<832xi32, #tpu.memory_space<vmem_shared>> -> memref<384xi32, #tpu.memory_space<vmem_shared>>
        %dma_start3A_1418 = tpu.memref_slice %arg31[%mul3A_974] : memref<832xi32, #tpu.memory_space<vmem_shared>> -> memref<384xi32, #tpu.memory_space<vmem_shared>>
        %dma_start3A_1419 = arith.constant 0 : i32
        %dma_start3A_1420 = tpu.memref_slice %arg10[%dma_start3A_1419] : memref<416xi32, #tpu.memory_space<vmem>> -> memref<384xi32, #tpu.memory_space<vmem>>
        tpu.enqueue_dma source(%dma_start3A_1420 : memref<384xi32, #tpu.memory_space<vmem>>) target(%dma_start3A_1418 : memref<384xi32, #tpu.memory_space<vmem_shared>>) target_semaphore(%run_scoped3A : memref<!tpu.dma_semaphore, #tpu.memory_space<semaphore_mem>>)
        %dma_wait3A_1421 = arith.constant 0 : i32
        %dma_wait3A_1422 = tpu.memref_slice %arg10[%dma_wait3A_1421] : memref<416xi32, #tpu.memory_space<vmem>> -> memref<384xi32, #tpu.memory_space<vmem>>
        %dma_wait3A_1423 = tpu.memref_slice %arg31[%mul3A_974] : memref<832xi32, #tpu.memory_space<vmem_shared>> -> memref<384xi32, #tpu.memory_space<vmem_shared>>
        %dma_wait3A_1424 = tpu.memref_slice %arg31[%mul3A_974] : memref<832xi32, #tpu.memory_space<vmem_shared>> -> memref<384xi32, #tpu.memory_space<vmem_shared>>
        %dma_wait3A_1425 = arith.constant 0 : i32
        %dma_wait3A_1426 = tpu.memref_slice %arg10[%dma_wait3A_1425] : memref<416xi32, #tpu.memory_space<vmem>> -> memref<384xi32, #tpu.memory_space<vmem>>
        tpu.wait_dma2 semaphore(%run_scoped3A : memref<!tpu.dma_semaphore, #tpu.memory_space<semaphore_mem>>) src(%dma_wait3A_1426 : memref<384xi32, #tpu.memory_space<vmem>>) dst(%dma_wait3A_1424 : memref<384xi32, #tpu.memory_space<vmem_shared>>)
        tpu.yield
      }) : () -> ()
      %mul3A_975 = arith.constant 384 : i32
      %mul3A_976 = arith.muli %select_n3A_54, %mul3A_975 : i32
      %add3A_977 = arith.constant 384 : i32
      %add3A_978 = arith.addi %mul3A_976, %add3A_977 : i32
      %sub3A_979 = arith.constant 16 : i32
      %sub3A_980 = arith.subi %add3A_978, %sub3A_979 : i32
      %add3A_981 = vector.broadcast %sub3A_980 : i32 to vector<16xi32>
      %add3A_982 = arith.addi %add3A_981, %iota3A : vector<16xi32>
      %broadcast_in_dim3A_983 = arith.constant 0 : i32
      %broadcast_in_dim3A_984 = vector.broadcast %broadcast_in_dim3A_983 : i32 to vector<16xi32>
      %add3A_985 = arith.addi %broadcast_in_dim3A_984, %iota3A : vector<16xi32>
      %lt3A_986 = vector.broadcast %sub3A_925 : i32 to vector<16xi32>
      %lt3A_987 = arith.cmpi slt, %add3A_985, %lt3A_986 : vector<16xi32>
      %add3A_988 = vector.broadcast %reduce_sum3A_951 : i32 to vector<16xi32>
      %add3A_989 = arith.addi %add3A_988, %add3A_985 : vector<16xi32>
      %mul3A_990 = arith.constant 384 : i32
      %mul3A_991 = arith.muli %select_n3A_54, %mul3A_990 : i32
      %add3A_992 = vector.broadcast %mul3A_991 : i32 to vector<16xi32>
      %add3A_993 = arith.addi %add3A_989, %add3A_992 : vector<16xi32>
      %select_n3A_994 = arith.select %lt3A_987, %add3A_993, %add3A_982 : vector<16xi1>, vector<16xi32>
      %swap3A_995 = arith.constant 0 : index
      %swap3A_996 = tpu.vector_load %arg14[%swap3A_995] {strides = array<i32>} : memref<128xi32, #tpu.memory_space<vmem>>, vector<16xi32>,
      tpu.vector_store %arg14[%swap3A_995], %select_n3A_994 {strides = array<i32>} : memref<128xi32, #tpu.memory_space<vmem>>, vector<16xi32>,
      %get3A_997 = arith.constant 0 : index
      %get3A_998 = tpu.vector_load %arg11[%get3A_997] {strides = array<i32>} : memref<416xi32, #tpu.memory_space<vmem>>, vector<16xi32>,
      %swap3A_999 = arith.constant 0 : index
      %swap3A_1000 = tpu.vector_load %arg17[%swap3A_999] {strides = array<i32>} : memref<128xi32, #tpu.memory_space<vmem>>, vector<16xi32>,
      tpu.vector_store %arg17[%swap3A_999], %get3A_998 {strides = array<i32>} : memref<128xi32, #tpu.memory_space<vmem>>, vector<16xi32>,
      %broadcast_in_dim3A_1001 = arith.constant 16 : i32
      %broadcast_in_dim3A_1002 = vector.broadcast %broadcast_in_dim3A_1001 : i32 to vector<16xi32>
      %add3A_1003 = arith.addi %broadcast_in_dim3A_1002, %iota3A : vector<16xi32>
      %lt3A_1004 = vector.broadcast %sub3A_925 : i32 to vector<16xi32>
      %lt3A_1005 = arith.cmpi slt, %add3A_1003, %lt3A_1004 : vector<16xi32>
      %add3A_1006 = vector.broadcast %reduce_sum3A_951 : i32 to vector<16xi32>
      %add3A_1007 = arith.addi %add3A_1006, %add3A_1003 : vector<16xi32>
      %mul3A_1008 = arith.constant 384 : i32
      %mul3A_1009 = arith.muli %select_n3A_54, %mul3A_1008 : i32
      %add3A_1010 = vector.broadcast %mul3A_1009 : i32 to vector<16xi32>
      %add3A_1011 = arith.addi %add3A_1007, %add3A_1010 : vector<16xi32>
      %select_n3A_1012 = arith.select %lt3A_1005, %add3A_1011, %add3A_982 : vector<16xi1>, vector<16xi32>
      %swap3A_1013 = arith.constant 16 : index
      %swap3A_1014 = tpu.vector_load %arg14[%swap3A_1013] {strides = array<i32>} : memref<128xi32, #tpu.memory_space<vmem>>, vector<16xi32>,
      tpu.vector_store %arg14[%swap3A_1013], %select_n3A_1012 {strides = array<i32>} : memref<128xi32, #tpu.memory_space<vmem>>, vector<16xi32>,
      %get3A_1015 = arith.constant 16 : index
      %get3A_1016 = tpu.vector_load %arg11[%get3A_1015] {strides = array<i32>} : memref<416xi32, #tpu.memory_space<vmem>>, vector<16xi32>,
      %swap3A_1017 = arith.constant 16 : index
      %swap3A_1018 = tpu.vector_load %arg17[%swap3A_1017] {strides = array<i32>} : memref<128xi32, #tpu.memory_space<vmem>>, vector<16xi32>,
      tpu.vector_store %arg17[%swap3A_1017], %get3A_1016 {strides = array<i32>} : memref<128xi32, #tpu.memory_space<vmem>>, vector<16xi32>,
      %broadcast_in_dim3A_1019 = arith.constant 32 : i32
      %broadcast_in_dim3A_1020 = vector.broadcast %broadcast_in_dim3A_1019 : i32 to vector<16xi32>
      %add3A_1021 = arith.addi %broadcast_in_dim3A_1020, %iota3A : vector<16xi32>
      %lt3A_1022 = vector.broadcast %sub3A_925 : i32 to vector<16xi32>
      %lt3A_1023 = arith.cmpi slt, %add3A_1021, %lt3A_1022 : vector<16xi32>
      %add3A_1024 = vector.broadcast %reduce_sum3A_951 : i32 to vector<16xi32>
      %add3A_1025 = arith.addi %add3A_1024, %add3A_1021 : vector<16xi32>
      %mul3A_1026 = arith.constant 384 : i32
      %mul3A_1027 = arith.muli %select_n3A_54, %mul3A_1026 : i32
      %add3A_1028 = vector.broadcast %mul3A_1027 : i32 to vector<16xi32>
      %add3A_1029 = arith.addi %add3A_1025, %add3A_1028 : vector<16xi32>
      %select_n3A_1030 = arith.select %lt3A_1023, %add3A_1029, %add3A_982 : vector<16xi1>, vector<16xi32>
      %swap3A_1031 = arith.constant 32 : index
      %swap3A_1032 = tpu.vector_load %arg14[%swap3A_1031] {strides = array<i32>} : memref<128xi32, #tpu.memory_space<vmem>>, vector<16xi32>,
      tpu.vector_store %arg14[%swap3A_1031], %select_n3A_1030 {strides = array<i32>} : memref<128xi32, #tpu.memory_space<vmem>>, vector<16xi32>,
      %get3A_1033 = arith.constant 32 : index
      %get3A_1034 = tpu.vector_load %arg11[%get3A_1033] {strides = array<i32>} : memref<416xi32, #tpu.memory_space<vmem>>, vector<16xi32>,
      %swap3A_1035 = arith.constant 32 : index
      %swap3A_1036 = tpu.vector_load %arg17[%swap3A_1035] {strides = array<i32>} : memref<128xi32, #tpu.memory_space<vmem>>, vector<16xi32>,
      tpu.vector_store %arg17[%swap3A_1035], %get3A_1034 {strides = array<i32>} : memref<128xi32, #tpu.memory_space<vmem>>, vector<16xi32>,
      %broadcast_in_dim3A_1037 = arith.constant 48 : i32
      %broadcast_in_dim3A_1038 = vector.broadcast %broadcast_in_dim3A_1037 : i32 to vector<16xi32>
      %add3A_1039 = arith.addi %broadcast_in_dim3A_1038, %iota3A : vector<16xi32>
      %lt3A_1040 = vector.broadcast %sub3A_925 : i32 to vector<16xi32>
      %lt3A_1041 = arith.cmpi slt, %add3A_1039, %lt3A_1040 : vector<16xi32>
      %add3A_1042 = vector.broadcast %reduce_sum3A_951 : i32 to vector<16xi32>
      %add3A_1043 = arith.addi %add3A_1042, %add3A_1039 : vector<16xi32>
      %mul3A_1044 = arith.constant 384 : i32
      %mul3A_1045 = arith.muli %select_n3A_54, %mul3A_1044 : i32
      %add3A_1046 = vector.broadcast %mul3A_1045 : i32 to vector<16xi32>
      %add3A_1047 = arith.addi %add3A_1043, %add3A_1046 : vector<16xi32>
      %select_n3A_1048 = arith.select %lt3A_1041, %add3A_1047, %add3A_982 : vector<16xi1>, vector<16xi32>
      %swap3A_1049 = arith.constant 48 : index
      %swap3A_1050 = tpu.vector_load %arg14[%swap3A_1049] {strides = array<i32>} : memref<128xi32, #tpu.memory_space<vmem>>, vector<16xi32>,
      tpu.vector_store %arg14[%swap3A_1049], %select_n3A_1048 {strides = array<i32>} : memref<128xi32, #tpu.memory_space<vmem>>, vector<16xi32>,
      %get3A_1051 = arith.constant 48 : index
      %get3A_1052 = tpu.vector_load %arg11[%get3A_1051] {strides = array<i32>} : memref<416xi32, #tpu.memory_space<vmem>>, vector<16xi32>,
      %swap3A_1053 = arith.constant 48 : index
      %swap3A_1054 = tpu.vector_load %arg17[%swap3A_1053] {strides = array<i32>} : memref<128xi32, #tpu.memory_space<vmem>>, vector<16xi32>,
      tpu.vector_store %arg17[%swap3A_1053], %get3A_1052 {strides = array<i32>} : memref<128xi32, #tpu.memory_space<vmem>>, vector<16xi32>,
      %broadcast_in_dim3A_1055 = arith.constant 64 : i32
      %broadcast_in_dim3A_1056 = vector.broadcast %broadcast_in_dim3A_1055 : i32 to vector<16xi32>
      %add3A_1057 = arith.addi %broadcast_in_dim3A_1056, %iota3A : vector<16xi32>
      %lt3A_1058 = vector.broadcast %sub3A_925 : i32 to vector<16xi32>
      %lt3A_1059 = arith.cmpi slt, %add3A_1057, %lt3A_1058 : vector<16xi32>
      %add3A_1060 = vector.broadcast %reduce_sum3A_951 : i32 to vector<16xi32>
      %add3A_1061 = arith.addi %add3A_1060, %add3A_1057 : vector<16xi32>
      %mul3A_1062 = arith.constant 384 : i32
      %mul3A_1063 = arith.muli %select_n3A_54, %mul3A_1062 : i32
      %add3A_1064 = vector.broadcast %mul3A_1063 : i32 to vector<16xi32>
      %add3A_1065 = arith.addi %add3A_1061, %add3A_1064 : vector<16xi32>
      %select_n3A_1066 = arith.select %lt3A_1059, %add3A_1065, %add3A_982 : vector<16xi1>, vector<16xi32>
      %swap3A_1067 = arith.constant 64 : index
      %swap3A_1068 = tpu.vector_load %arg14[%swap3A_1067] {strides = array<i32>} : memref<128xi32, #tpu.memory_space<vmem>>, vector<16xi32>,
      tpu.vector_store %arg14[%swap3A_1067], %select_n3A_1066 {strides = array<i32>} : memref<128xi32, #tpu.memory_space<vmem>>, vector<16xi32>,
      %get3A_1069 = arith.constant 64 : index
      %get3A_1070 = tpu.vector_load %arg11[%get3A_1069] {strides = array<i32>} : memref<416xi32, #tpu.memory_space<vmem>>, vector<16xi32>,
      %swap3A_1071 = arith.constant 64 : index
      %swap3A_1072 = tpu.vector_load %arg17[%swap3A_1071] {strides = array<i32>} : memref<128xi32, #tpu.memory_space<vmem>>, vector<16xi32>,
      tpu.vector_store %arg17[%swap3A_1071], %get3A_1070 {strides = array<i32>} : memref<128xi32, #tpu.memory_space<vmem>>, vector<16xi32>,
      %broadcast_in_dim3A_1073 = arith.constant 80 : i32
      %broadcast_in_dim3A_1074 = vector.broadcast %broadcast_in_dim3A_1073 : i32 to vector<16xi32>
      %add3A_1075 = arith.addi %broadcast_in_dim3A_1074, %iota3A : vector<16xi32>
      %lt3A_1076 = vector.broadcast %sub3A_925 : i32 to vector<16xi32>
      %lt3A_1077 = arith.cmpi slt, %add3A_1075, %lt3A_1076 : vector<16xi32>
      %add3A_1078 = vector.broadcast %reduce_sum3A_951 : i32 to vector<16xi32>
      %add3A_1079 = arith.addi %add3A_1078, %add3A_1075 : vector<16xi32>
      %mul3A_1080 = arith.constant 384 : i32
      %mul3A_1081 = arith.muli %select_n3A_54, %mul3A_1080 : i32
      %add3A_1082 = vector.broadcast %mul3A_1081 : i32 to vector<16xi32>
      %add3A_1083 = arith.addi %add3A_1079, %add3A_1082 : vector<16xi32>
      %select_n3A_1084 = arith.select %lt3A_1077, %add3A_1083, %add3A_982 : vector<16xi1>, vector<16xi32>
      %swap3A_1085 = arith.constant 80 : index
      %swap3A_1086 = tpu.vector_load %arg14[%swap3A_1085] {strides = array<i32>} : memref<128xi32, #tpu.memory_space<vmem>>, vector<16xi32>,
      tpu.vector_store %arg14[%swap3A_1085], %select_n3A_1084 {strides = array<i32>} : memref<128xi32, #tpu.memory_space<vmem>>, vector<16xi32>,
      %get3A_1087 = arith.constant 80 : index
      %get3A_1088 = tpu.vector_load %arg11[%get3A_1087] {strides = array<i32>} : memref<416xi32, #tpu.memory_space<vmem>>, vector<16xi32>,
      %swap3A_1089 = arith.constant 80 : index
      %swap3A_1090 = tpu.vector_load %arg17[%swap3A_1089] {strides = array<i32>} : memref<128xi32, #tpu.memory_space<vmem>>, vector<16xi32>,
      tpu.vector_store %arg17[%swap3A_1089], %get3A_1088 {strides = array<i32>} : memref<128xi32, #tpu.memory_space<vmem>>, vector<16xi32>,
      %broadcast_in_dim3A_1091 = arith.constant 96 : i32
      %broadcast_in_dim3A_1092 = vector.broadcast %broadcast_in_dim3A_1091 : i32 to vector<16xi32>
      %add3A_1093 = arith.addi %broadcast_in_dim3A_1092, %iota3A : vector<16xi32>
      %lt3A_1094 = vector.broadcast %sub3A_925 : i32 to vector<16xi32>
      %lt3A_1095 = arith.cmpi slt, %add3A_1093, %lt3A_1094 : vector<16xi32>
      %add3A_1096 = vector.broadcast %reduce_sum3A_951 : i32 to vector<16xi32>
      %add3A_1097 = arith.addi %add3A_1096, %add3A_1093 : vector<16xi32>
      %mul3A_1098 = arith.constant 384 : i32
      %mul3A_1099 = arith.muli %select_n3A_54, %mul3A_1098 : i32
      %add3A_1100 = vector.broadcast %mul3A_1099 : i32 to vector<16xi32>
      %add3A_1101 = arith.addi %add3A_1097, %add3A_1100 : vector<16xi32>
      %select_n3A_1102 = arith.select %lt3A_1095, %add3A_1101, %add3A_982 : vector<16xi1>, vector<16xi32>
      %swap3A_1103 = arith.constant 96 : index
      %swap3A_1104 = tpu.vector_load %arg14[%swap3A_1103] {strides = array<i32>} : memref<128xi32, #tpu.memory_space<vmem>>, vector<16xi32>,
      tpu.vector_store %arg14[%swap3A_1103], %select_n3A_1102 {strides = array<i32>} : memref<128xi32, #tpu.memory_space<vmem>>, vector<16xi32>,
      %get3A_1105 = arith.constant 96 : index
      %get3A_1106 = tpu.vector_load %arg11[%get3A_1105] {strides = array<i32>} : memref<416xi32, #tpu.memory_space<vmem>>, vector<16xi32>,
      %swap3A_1107 = arith.constant 96 : index
      %swap3A_1108 = tpu.vector_load %arg17[%swap3A_1107] {strides = array<i32>} : memref<128xi32, #tpu.memory_space<vmem>>, vector<16xi32>,
      tpu.vector_store %arg17[%swap3A_1107], %get3A_1106 {strides = array<i32>} : memref<128xi32, #tpu.memory_space<vmem>>, vector<16xi32>,
      %broadcast_in_dim3A_1109 = arith.constant 112 : i32
      %broadcast_in_dim3A_1110 = vector.broadcast %broadcast_in_dim3A_1109 : i32 to vector<16xi32>
      %add3A_1111 = arith.addi %broadcast_in_dim3A_1110, %iota3A : vector<16xi32>
      %lt3A_1112 = vector.broadcast %sub3A_925 : i32 to vector<16xi32>
      %lt3A_1113 = arith.cmpi slt, %add3A_1111, %lt3A_1112 : vector<16xi32>
      %add3A_1114 = vector.broadcast %reduce_sum3A_951 : i32 to vector<16xi32>
      %add3A_1115 = arith.addi %add3A_1114, %add3A_1111 : vector<16xi32>
      %mul3A_1116 = arith.constant 384 : i32
      %mul3A_1117 = arith.muli %select_n3A_54, %mul3A_1116 : i32
      %add3A_1118 = vector.broadcast %mul3A_1117 : i32 to vector<16xi32>
      %add3A_1119 = arith.addi %add3A_1115, %add3A_1118 : vector<16xi32>
      %select_n3A_1120 = arith.select %lt3A_1113, %add3A_1119, %add3A_982 : vector<16xi1>, vector<16xi32>
      %swap3A_1121 = arith.constant 112 : index
      %swap3A_1122 = tpu.vector_load %arg14[%swap3A_1121] {strides = array<i32>} : memref<128xi32, #tpu.memory_space<vmem>>, vector<16xi32>,
      tpu.vector_store %arg14[%swap3A_1121], %select_n3A_1120 {strides = array<i32>} : memref<128xi32, #tpu.memory_space<vmem>>, vector<16xi32>,
      %get3A_1123 = arith.constant 112 : index
      %get3A_1124 = tpu.vector_load %arg11[%get3A_1123] {strides = array<i32>} : memref<416xi32, #tpu.memory_space<vmem>>, vector<16xi32>,
      %swap3A_1125 = arith.constant 112 : index
      %swap3A_1126 = tpu.vector_load %arg17[%swap3A_1125] {strides = array<i32>} : memref<128xi32, #tpu.memory_space<vmem>>, vector<16xi32>,
      tpu.vector_store %arg17[%swap3A_1125], %get3A_1124 {strides = array<i32>} : memref<128xi32, #tpu.memory_space<vmem>>, vector<16xi32>,
      %broadcast_in_dim3A_1127 = arith.constant 128 : i32
      %broadcast_in_dim3A_1128 = vector.broadcast %broadcast_in_dim3A_1127 : i32 to vector<16xi32>
      %add3A_1129 = arith.addi %broadcast_in_dim3A_1128, %iota3A : vector<16xi32>
      %lt3A_1130 = vector.broadcast %sub3A_925 : i32 to vector<16xi32>
      %lt3A_1131 = arith.cmpi slt, %add3A_1129, %lt3A_1130 : vector<16xi32>
      %add3A_1132 = vector.broadcast %reduce_sum3A_951 : i32 to vector<16xi32>
      %add3A_1133 = arith.addi %add3A_1132, %add3A_1129 : vector<16xi32>
      %mul3A_1134 = arith.constant 384 : i32
      %mul3A_1135 = arith.muli %select_n3A_54, %mul3A_1134 : i32
      %add3A_1136 = vector.broadcast %mul3A_1135 : i32 to vector<16xi32>
      %add3A_1137 = arith.addi %add3A_1133, %add3A_1136 : vector<16xi32>
      %select_n3A_1138 = arith.select %lt3A_1131, %add3A_1137, %add3A_982 : vector<16xi1>, vector<16xi32>
      %swap3A_1139 = arith.constant 0 : index
      %swap3A_1140 = tpu.vector_load %arg15[%swap3A_1139] {strides = array<i32>} : memref<128xi32, #tpu.memory_space<vmem>>, vector<16xi32>,
      tpu.vector_store %arg15[%swap3A_1139], %select_n3A_1138 {strides = array<i32>} : memref<128xi32, #tpu.memory_space<vmem>>, vector<16xi32>,
      %get3A_1141 = arith.constant 128 : index
      %get3A_1142 = tpu.vector_load %arg11[%get3A_1141] {strides = array<i32>} : memref<416xi32, #tpu.memory_space<vmem>>, vector<16xi32>,
      %swap3A_1143 = arith.constant 0 : index
      %swap3A_1144 = tpu.vector_load %arg18[%swap3A_1143] {strides = array<i32>} : memref<128xi32, #tpu.memory_space<vmem>>, vector<16xi32>,
      tpu.vector_store %arg18[%swap3A_1143], %get3A_1142 {strides = array<i32>} : memref<128xi32, #tpu.memory_space<vmem>>, vector<16xi32>,
      %broadcast_in_dim3A_1145 = arith.constant 144 : i32
      %broadcast_in_dim3A_1146 = vector.broadcast %broadcast_in_dim3A_1145 : i32 to vector<16xi32>
      %add3A_1147 = arith.addi %broadcast_in_dim3A_1146, %iota3A : vector<16xi32>
      %lt3A_1148 = vector.broadcast %sub3A_925 : i32 to vector<16xi32>
      %lt3A_1149 = arith.cmpi slt, %add3A_1147, %lt3A_1148 : vector<16xi32>
      %add3A_1150 = vector.broadcast %reduce_sum3A_951 : i32 to vector<16xi32>
      %add3A_1151 = arith.addi %add3A_1150, %add3A_1147 : vector<16xi32>
      %mul3A_1152 = arith.constant 384 : i32
      %mul3A_1153 = arith.muli %select_n3A_54, %mul3A_1152 : i32
      %add3A_1154 = vector.broadcast %mul3A_1153 : i32 to vector<16xi32>
      %add3A_1155 = arith.addi %add3A_1151, %add3A_1154 : vector<16xi32>
      %select_n3A_1156 = arith.select %lt3A_1149, %add3A_1155, %add3A_982 : vector<16xi1>, vector<16xi32>
      %swap3A_1157 = arith.constant 16 : index
      %swap3A_1158 = tpu.vector_load %arg15[%swap3A_1157] {strides = array<i32>} : memref<128xi32, #tpu.memory_space<vmem>>, vector<16xi32>,
      tpu.vector_store %arg15[%swap3A_1157], %select_n3A_1156 {strides = array<i32>} : memref<128xi32, #tpu.memory_space<vmem>>, vector<16xi32>,
      %get3A_1159 = arith.constant 144 : index
      %get3A_1160 = tpu.vector_load %arg11[%get3A_1159] {strides = array<i32>} : memref<416xi32, #tpu.memory_space<vmem>>, vector<16xi32>,
      %swap3A_1161 = arith.constant 16 : index
      %swap3A_1162 = tpu.vector_load %arg18[%swap3A_1161] {strides = array<i32>} : memref<128xi32, #tpu.memory_space<vmem>>, vector<16xi32>,
      tpu.vector_store %arg18[%swap3A_1161], %get3A_1160 {strides = array<i32>} : memref<128xi32, #tpu.memory_space<vmem>>, vector<16xi32>,
      %broadcast_in_dim3A_1163 = arith.constant 160 : i32
      %broadcast_in_dim3A_1164 = vector.broadcast %broadcast_in_dim3A_1163 : i32 to vector<16xi32>
      %add3A_1165 = arith.addi %broadcast_in_dim3A_1164, %iota3A : vector<16xi32>
      %lt3A_1166 = vector.broadcast %sub3A_925 : i32 to vector<16xi32>
      %lt3A_1167 = arith.cmpi slt, %add3A_1165, %lt3A_1166 : vector<16xi32>
      %add3A_1168 = vector.broadcast %reduce_sum3A_951 : i32 to vector<16xi32>
      %add3A_1169 = arith.addi %add3A_1168, %add3A_1165 : vector<16xi32>
      %mul3A_1170 = arith.constant 384 : i32
      %mul3A_1171 = arith.muli %select_n3A_54, %mul3A_1170 : i32
      %add3A_1172 = vector.broadcast %mul3A_1171 : i32 to vector<16xi32>
      %add3A_1173 = arith.addi %add3A_1169, %add3A_1172 : vector<16xi32>
      %select_n3A_1174 = arith.select %lt3A_1167, %add3A_1173, %add3A_982 : vector<16xi1>, vector<16xi32>
      %swap3A_1175 = arith.constant 32 : index
      %swap3A_1176 = tpu.vector_load %arg15[%swap3A_1175] {strides = array<i32>} : memref<128xi32, #tpu.memory_space<vmem>>, vector<16xi32>,
      tpu.vector_store %arg15[%swap3A_1175], %select_n3A_1174 {strides = array<i32>} : memref<128xi32, #tpu.memory_space<vmem>>, vector<16xi32>,
      %get3A_1177 = arith.constant 160 : index
      %get3A_1178 = tpu.vector_load %arg11[%get3A_1177] {strides = array<i32>} : memref<416xi32, #tpu.memory_space<vmem>>, vector<16xi32>,
      %swap3A_1179 = arith.constant 32 : index
      %swap3A_1180 = tpu.vector_load %arg18[%swap3A_1179] {strides = array<i32>} : memref<128xi32, #tpu.memory_space<vmem>>, vector<16xi32>,
      tpu.vector_store %arg18[%swap3A_1179], %get3A_1178 {strides = array<i32>} : memref<128xi32, #tpu.memory_space<vmem>>, vector<16xi32>,
      %broadcast_in_dim3A_1181 = arith.constant 176 : i32
      %broadcast_in_dim3A_1182 = vector.broadcast %broadcast_in_dim3A_1181 : i32 to vector<16xi32>
      %add3A_1183 = arith.addi %broadcast_in_dim3A_1182, %iota3A : vector<16xi32>
      %lt3A_1184 = vector.broadcast %sub3A_925 : i32 to vector<16xi32>
      %lt3A_1185 = arith.cmpi slt, %add3A_1183, %lt3A_1184 : vector<16xi32>
      %add3A_1186 = vector.broadcast %reduce_sum3A_951 : i32 to vector<16xi32>
      %add3A_1187 = arith.addi %add3A_1186, %add3A_1183 : vector<16xi32>
      %mul3A_1188 = arith.constant 384 : i32
      %mul3A_1189 = arith.muli %select_n3A_54, %mul3A_1188 : i32
      %add3A_1190 = vector.broadcast %mul3A_1189 : i32 to vector<16xi32>
      %add3A_1191 = arith.addi %add3A_1187, %add3A_1190 : vector<16xi32>
      %select_n3A_1192 = arith.select %lt3A_1185, %add3A_1191, %add3A_982 : vector<16xi1>, vector<16xi32>
      %swap3A_1193 = arith.constant 48 : index
      %swap3A_1194 = tpu.vector_load %arg15[%swap3A_1193] {strides = array<i32>} : memref<128xi32, #tpu.memory_space<vmem>>, vector<16xi32>,
      tpu.vector_store %arg15[%swap3A_1193], %select_n3A_1192 {strides = array<i32>} : memref<128xi32, #tpu.memory_space<vmem>>, vector<16xi32>,
      %get3A_1195 = arith.constant 176 : index
      %get3A_1196 = tpu.vector_load %arg11[%get3A_1195] {strides = array<i32>} : memref<416xi32, #tpu.memory_space<vmem>>, vector<16xi32>,
      %swap3A_1197 = arith.constant 48 : index
      %swap3A_1198 = tpu.vector_load %arg18[%swap3A_1197] {strides = array<i32>} : memref<128xi32, #tpu.memory_space<vmem>>, vector<16xi32>,
      tpu.vector_store %arg18[%swap3A_1197], %get3A_1196 {strides = array<i32>} : memref<128xi32, #tpu.memory_space<vmem>>, vector<16xi32>,
      %broadcast_in_dim3A_1199 = arith.constant 192 : i32
      %broadcast_in_dim3A_1200 = vector.broadcast %broadcast_in_dim3A_1199 : i32 to vector<16xi32>
      %add3A_1201 = arith.addi %broadcast_in_dim3A_1200, %iota3A : vector<16xi32>
      %lt3A_1202 = vector.broadcast %sub3A_925 : i32 to vector<16xi32>
      %lt3A_1203 = arith.cmpi slt, %add3A_1201, %lt3A_1202 : vector<16xi32>
      %add3A_1204 = vector.broadcast %reduce_sum3A_951 : i32 to vector<16xi32>
      %add3A_1205 = arith.addi %add3A_1204, %add3A_1201 : vector<16xi32>
      %mul3A_1206 = arith.constant 384 : i32
      %mul3A_1207 = arith.muli %select_n3A_54, %mul3A_1206 : i32
      %add3A_1208 = vector.broadcast %mul3A_1207 : i32 to vector<16xi32>
      %add3A_1209 = arith.addi %add3A_1205, %add3A_1208 : vector<16xi32>
      %select_n3A_1210 = arith.select %lt3A_1203, %add3A_1209, %add3A_982 : vector<16xi1>, vector<16xi32>
      %swap3A_1211 = arith.constant 64 : index
      %swap3A_1212 = tpu.vector_load %arg15[%swap3A_1211] {strides = array<i32>} : memref<128xi32, #tpu.memory_space<vmem>>, vector<16xi32>,
      tpu.vector_store %arg15[%swap3A_1211], %select_n3A_1210 {strides = array<i32>} : memref<128xi32, #tpu.memory_space<vmem>>, vector<16xi32>,
      %get3A_1213 = arith.constant 192 : index
      %get3A_1214 = tpu.vector_load %arg11[%get3A_1213] {strides = array<i32>} : memref<416xi32, #tpu.memory_space<vmem>>, vector<16xi32>,
      %swap3A_1215 = arith.constant 64 : index
      %swap3A_1216 = tpu.vector_load %arg18[%swap3A_1215] {strides = array<i32>} : memref<128xi32, #tpu.memory_space<vmem>>, vector<16xi32>,
      tpu.vector_store %arg18[%swap3A_1215], %get3A_1214 {strides = array<i32>} : memref<128xi32, #tpu.memory_space<vmem>>, vector<16xi32>,
      %broadcast_in_dim3A_1217 = arith.constant 208 : i32
      %broadcast_in_dim3A_1218 = vector.broadcast %broadcast_in_dim3A_1217 : i32 to vector<16xi32>
      %add3A_1219 = arith.addi %broadcast_in_dim3A_1218, %iota3A : vector<16xi32>
      %lt3A_1220 = vector.broadcast %sub3A_925 : i32 to vector<16xi32>
      %lt3A_1221 = arith.cmpi slt, %add3A_1219, %lt3A_1220 : vector<16xi32>
      %add3A_1222 = vector.broadcast %reduce_sum3A_951 : i32 to vector<16xi32>
      %add3A_1223 = arith.addi %add3A_1222, %add3A_1219 : vector<16xi32>
      %mul3A_1224 = arith.constant 384 : i32
      %mul3A_1225 = arith.muli %select_n3A_54, %mul3A_1224 : i32
      %add3A_1226 = vector.broadcast %mul3A_1225 : i32 to vector<16xi32>
      %add3A_1227 = arith.addi %add3A_1223, %add3A_1226 : vector<16xi32>
      %select_n3A_1228 = arith.select %lt3A_1221, %add3A_1227, %add3A_982 : vector<16xi1>, vector<16xi32>
      %swap3A_1229 = arith.constant 80 : index
      %swap3A_1230 = tpu.vector_load %arg15[%swap3A_1229] {strides = array<i32>} : memref<128xi32, #tpu.memory_space<vmem>>, vector<16xi32>,
      tpu.vector_store %arg15[%swap3A_1229], %select_n3A_1228 {strides = array<i32>} : memref<128xi32, #tpu.memory_space<vmem>>, vector<16xi32>,
      %get3A_1231 = arith.constant 208 : index
      %get3A_1232 = tpu.vector_load %arg11[%get3A_1231] {strides = array<i32>} : memref<416xi32, #tpu.memory_space<vmem>>, vector<16xi32>,
      %swap3A_1233 = arith.constant 80 : index
      %swap3A_1234 = tpu.vector_load %arg18[%swap3A_1233] {strides = array<i32>} : memref<128xi32, #tpu.memory_space<vmem>>, vector<16xi32>,
      tpu.vector_store %arg18[%swap3A_1233], %get3A_1232 {strides = array<i32>} : memref<128xi32, #tpu.memory_space<vmem>>, vector<16xi32>,
      %broadcast_in_dim3A_1235 = arith.constant 224 : i32
      %broadcast_in_dim3A_1236 = vector.broadcast %broadcast_in_dim3A_1235 : i32 to vector<16xi32>
      %add3A_1237 = arith.addi %broadcast_in_dim3A_1236, %iota3A : vector<16xi32>
      %lt3A_1238 = vector.broadcast %sub3A_925 : i32 to vector<16xi32>
      %lt3A_1239 = arith.cmpi slt, %add3A_1237, %lt3A_1238 : vector<16xi32>
      %add3A_1240 = vector.broadcast %reduce_sum3A_951 : i32 to vector<16xi32>
      %add3A_1241 = arith.addi %add3A_1240, %add3A_1237 : vector<16xi32>
      %mul3A_1242 = arith.constant 384 : i32
      %mul3A_1243 = arith.muli %select_n3A_54, %mul3A_1242 : i32
      %add3A_1244 = vector.broadcast %mul3A_1243 : i32 to vector<16xi32>
      %add3A_1245 = arith.addi %add3A_1241, %add3A_1244 : vector<16xi32>
      %select_n3A_1246 = arith.select %lt3A_1239, %add3A_1245, %add3A_982 : vector<16xi1>, vector<16xi32>
      %swap3A_1247 = arith.constant 96 : index
      %swap3A_1248 = tpu.vector_load %arg15[%swap3A_1247] {strides = array<i32>} : memref<128xi32, #tpu.memory_space<vmem>>, vector<16xi32>,
      tpu.vector_store %arg15[%swap3A_1247], %select_n3A_1246 {strides = array<i32>} : memref<128xi32, #tpu.memory_space<vmem>>, vector<16xi32>,
      %get3A_1249 = arith.constant 224 : index
      %get3A_1250 = tpu.vector_load %arg11[%get3A_1249] {strides = array<i32>} : memref<416xi32, #tpu.memory_space<vmem>>, vector<16xi32>,
      %swap3A_1251 = arith.constant 96 : index
      %swap3A_1252 = tpu.vector_load %arg18[%swap3A_1251] {strides = array<i32>} : memref<128xi32, #tpu.memory_space<vmem>>, vector<16xi32>,
      tpu.vector_store %arg18[%swap3A_1251], %get3A_1250 {strides = array<i32>} : memref<128xi32, #tpu.memory_space<vmem>>, vector<16xi32>,
      %broadcast_in_dim3A_1253 = arith.constant 240 : i32
      %broadcast_in_dim3A_1254 = vector.broadcast %broadcast_in_dim3A_1253 : i32 to vector<16xi32>
      %add3A_1255 = arith.addi %broadcast_in_dim3A_1254, %iota3A : vector<16xi32>
      %lt3A_1256 = vector.broadcast %sub3A_925 : i32 to vector<16xi32>
      %lt3A_1257 = arith.cmpi slt, %add3A_1255, %lt3A_1256 : vector<16xi32>
      %add3A_1258 = vector.broadcast %reduce_sum3A_951 : i32 to vector<16xi32>
      %add3A_1259 = arith.addi %add3A_1258, %add3A_1255 : vector<16xi32>
      %mul3A_1260 = arith.constant 384 : i32
      %mul3A_1261 = arith.muli %select_n3A_54, %mul3A_1260 : i32
      %add3A_1262 = vector.broadcast %mul3A_1261 : i32 to vector<16xi32>
      %add3A_1263 = arith.addi %add3A_1259, %add3A_1262 : vector<16xi32>
      %select_n3A_1264 = arith.select %lt3A_1257, %add3A_1263, %add3A_982 : vector<16xi1>, vector<16xi32>
      %swap3A_1265 = arith.constant 112 : index
      %swap3A_1266 = tpu.vector_load %arg15[%swap3A_1265] {strides = array<i32>} : memref<128xi32, #tpu.memory_space<vmem>>, vector<16xi32>,
      tpu.vector_store %arg15[%swap3A_1265], %select_n3A_1264 {strides = array<i32>} : memref<128xi32, #tpu.memory_space<vmem>>, vector<16xi32>,
      %get3A_1267 = arith.constant 240 : index
      %get3A_1268 = tpu.vector_load %arg11[%get3A_1267] {strides = array<i32>} : memref<416xi32, #tpu.memory_space<vmem>>, vector<16xi32>,
      %swap3A_1269 = arith.constant 112 : index
      %swap3A_1270 = tpu.vector_load %arg18[%swap3A_1269] {strides = array<i32>} : memref<128xi32, #tpu.memory_space<vmem>>, vector<16xi32>,
      tpu.vector_store %arg18[%swap3A_1269], %get3A_1268 {strides = array<i32>} : memref<128xi32, #tpu.memory_space<vmem>>, vector<16xi32>,
      %broadcast_in_dim3A_1271 = arith.constant 256 : i32
      %broadcast_in_dim3A_1272 = vector.broadcast %broadcast_in_dim3A_1271 : i32 to vector<16xi32>
      %add3A_1273 = arith.addi %broadcast_in_dim3A_1272, %iota3A : vector<16xi32>
      %lt3A_1274 = vector.broadcast %sub3A_925 : i32 to vector<16xi32>
      %lt3A_1275 = arith.cmpi slt, %add3A_1273, %lt3A_1274 : vector<16xi32>
      %add3A_1276 = vector.broadcast %reduce_sum3A_951 : i32 to vector<16xi32>
      %add3A_1277 = arith.addi %add3A_1276, %add3A_1273 : vector<16xi32>
      %mul3A_1278 = arith.constant 384 : i32
      %mul3A_1279 = arith.muli %select_n3A_54, %mul3A_1278 : i32
      %add3A_1280 = vector.broadcast %mul3A_1279 : i32 to vector<16xi32>
      %add3A_1281 = arith.addi %add3A_1277, %add3A_1280 : vector<16xi32>
      %select_n3A_1282 = arith.select %lt3A_1275, %add3A_1281, %add3A_982 : vector<16xi1>, vector<16xi32>
      %swap3A_1283 = arith.constant 0 : index
      %swap3A_1284 = tpu.vector_load %arg16[%swap3A_1283] {strides = array<i32>} : memref<128xi32, #tpu.memory_space<vmem>>, vector<16xi32>,
      tpu.vector_store %arg16[%swap3A_1283], %select_n3A_1282 {strides = array<i32>} : memref<128xi32, #tpu.memory_space<vmem>>, vector<16xi32>,
      %get3A_1285 = arith.constant 256 : index
      %get3A_1286 = tpu.vector_load %arg11[%get3A_1285] {strides = array<i32>} : memref<416xi32, #tpu.memory_space<vmem>>, vector<16xi32>,
      %swap3A_1287 = arith.constant 0 : index
      %swap3A_1288 = tpu.vector_load %arg19[%swap3A_1287] {strides = array<i32>} : memref<128xi32, #tpu.memory_space<vmem>>, vector<16xi32>,
      tpu.vector_store %arg19[%swap3A_1287], %get3A_1286 {strides = array<i32>} : memref<128xi32, #tpu.memory_space<vmem>>, vector<16xi32>,
      %broadcast_in_dim3A_1289 = arith.constant 272 : i32
      %broadcast_in_dim3A_1290 = vector.broadcast %broadcast_in_dim3A_1289 : i32 to vector<16xi32>
      %add3A_1291 = arith.addi %broadcast_in_dim3A_1290, %iota3A : vector<16xi32>
      %lt3A_1292 = vector.broadcast %sub3A_925 : i32 to vector<16xi32>
      %lt3A_1293 = arith.cmpi slt, %add3A_1291, %lt3A_1292 : vector<16xi32>
      %add3A_1294 = vector.broadcast %reduce_sum3A_951 : i32 to vector<16xi32>
      %add3A_1295 = arith.addi %add3A_1294, %add3A_1291 : vector<16xi32>
      %mul3A_1296 = arith.constant 384 : i32
      %mul3A_1297 = arith.muli %select_n3A_54, %mul3A_1296 : i32
      %add3A_1298 = vector.broadcast %mul3A_1297 : i32 to vector<16xi32>
      %add3A_1299 = arith.addi %add3A_1295, %add3A_1298 : vector<16xi32>
      %select_n3A_1300 = arith.select %lt3A_1293, %add3A_1299, %add3A_982 : vector<16xi1>, vector<16xi32>
      %swap3A_1301 = arith.constant 16 : index
      %swap3A_1302 = tpu.vector_load %arg16[%swap3A_1301] {strides = array<i32>} : memref<128xi32, #tpu.memory_space<vmem>>, vector<16xi32>,
      tpu.vector_store %arg16[%swap3A_1301], %select_n3A_1300 {strides = array<i32>} : memref<128xi32, #tpu.memory_space<vmem>>, vector<16xi32>,
      %get3A_1303 = arith.constant 272 : index
      %get3A_1304 = tpu.vector_load %arg11[%get3A_1303] {strides = array<i32>} : memref<416xi32, #tpu.memory_space<vmem>>, vector<16xi32>,
      %swap3A_1305 = arith.constant 16 : index
      %swap3A_1306 = tpu.vector_load %arg19[%swap3A_1305] {strides = array<i32>} : memref<128xi32, #tpu.memory_space<vmem>>, vector<16xi32>,
      tpu.vector_store %arg19[%swap3A_1305], %get3A_1304 {strides = array<i32>} : memref<128xi32, #tpu.memory_space<vmem>>, vector<16xi32>,
      %broadcast_in_dim3A_1307 = arith.constant 288 : i32
      %broadcast_in_dim3A_1308 = vector.broadcast %broadcast_in_dim3A_1307 : i32 to vector<16xi32>
      %add3A_1309 = arith.addi %broadcast_in_dim3A_1308, %iota3A : vector<16xi32>
      %lt3A_1310 = vector.broadcast %sub3A_925 : i32 to vector<16xi32>
      %lt3A_1311 = arith.cmpi slt, %add3A_1309, %lt3A_1310 : vector<16xi32>
      %add3A_1312 = vector.broadcast %reduce_sum3A_951 : i32 to vector<16xi32>
      %add3A_1313 = arith.addi %add3A_1312, %add3A_1309 : vector<16xi32>
      %mul3A_1314 = arith.constant 384 : i32
      %mul3A_1315 = arith.muli %select_n3A_54, %mul3A_1314 : i32
      %add3A_1316 = vector.broadcast %mul3A_1315 : i32 to vector<16xi32>
      %add3A_1317 = arith.addi %add3A_1313, %add3A_1316 : vector<16xi32>
      %select_n3A_1318 = arith.select %lt3A_1311, %add3A_1317, %add3A_982 : vector<16xi1>, vector<16xi32>
      %swap3A_1319 = arith.constant 32 : index
      %swap3A_1320 = tpu.vector_load %arg16[%swap3A_1319] {strides = array<i32>} : memref<128xi32, #tpu.memory_space<vmem>>, vector<16xi32>,
      tpu.vector_store %arg16[%swap3A_1319], %select_n3A_1318 {strides = array<i32>} : memref<128xi32, #tpu.memory_space<vmem>>, vector<16xi32>,
      %get3A_1321 = arith.constant 288 : index
      %get3A_1322 = tpu.vector_load %arg11[%get3A_1321] {strides = array<i32>} : memref<416xi32, #tpu.memory_space<vmem>>, vector<16xi32>,
      %swap3A_1323 = arith.constant 32 : index
      %swap3A_1324 = tpu.vector_load %arg19[%swap3A_1323] {strides = array<i32>} : memref<128xi32, #tpu.memory_space<vmem>>, vector<16xi32>,
      tpu.vector_store %arg19[%swap3A_1323], %get3A_1322 {strides = array<i32>} : memref<128xi32, #tpu.memory_space<vmem>>, vector<16xi32>,
      %broadcast_in_dim3A_1325 = arith.constant 304 : i32
      %broadcast_in_dim3A_1326 = vector.broadcast %broadcast_in_dim3A_1325 : i32 to vector<16xi32>
      %add3A_1327 = arith.addi %broadcast_in_dim3A_1326, %iota3A : vector<16xi32>
      %lt3A_1328 = vector.broadcast %sub3A_925 : i32 to vector<16xi32>
      %lt3A_1329 = arith.cmpi slt, %add3A_1327, %lt3A_1328 : vector<16xi32>
      %add3A_1330 = vector.broadcast %reduce_sum3A_951 : i32 to vector<16xi32>
      %add3A_1331 = arith.addi %add3A_1330, %add3A_1327 : vector<16xi32>
      %mul3A_1332 = arith.constant 384 : i32
      %mul3A_1333 = arith.muli %select_n3A_54, %mul3A_1332 : i32
      %add3A_1334 = vector.broadcast %mul3A_1333 : i32 to vector<16xi32>
      %add3A_1335 = arith.addi %add3A_1331, %add3A_1334 : vector<16xi32>
      %select_n3A_1336 = arith.select %lt3A_1329, %add3A_1335, %add3A_982 : vector<16xi1>, vector<16xi32>
      %swap3A_1337 = arith.constant 48 : index
      %swap3A_1338 = tpu.vector_load %arg16[%swap3A_1337] {strides = array<i32>} : memref<128xi32, #tpu.memory_space<vmem>>, vector<16xi32>,
      tpu.vector_store %arg16[%swap3A_1337], %select_n3A_1336 {strides = array<i32>} : memref<128xi32, #tpu.memory_space<vmem>>, vector<16xi32>,
      %get3A_1339 = arith.constant 304 : index
      %get3A_1340 = tpu.vector_load %arg11[%get3A_1339] {strides = array<i32>} : memref<416xi32, #tpu.memory_space<vmem>>, vector<16xi32>,
      %swap3A_1341 = arith.constant 48 : index
      %swap3A_1342 = tpu.vector_load %arg19[%swap3A_1341] {strides = array<i32>} : memref<128xi32, #tpu.memory_space<vmem>>, vector<16xi32>,
      tpu.vector_store %arg19[%swap3A_1341], %get3A_1340 {strides = array<i32>} : memref<128xi32, #tpu.memory_space<vmem>>, vector<16xi32>,
      %broadcast_in_dim3A_1343 = arith.constant 320 : i32
      %broadcast_in_dim3A_1344 = vector.broadcast %broadcast_in_dim3A_1343 : i32 to vector<16xi32>
      %add3A_1345 = arith.addi %broadcast_in_dim3A_1344, %iota3A : vector<16xi32>
      %lt3A_1346 = vector.broadcast %sub3A_925 : i32 to vector<16xi32>
      %lt3A_1347 = arith.cmpi slt, %add3A_1345, %lt3A_1346 : vector<16xi32>
      %add3A_1348 = vector.broadcast %reduce_sum3A_951 : i32 to vector<16xi32>
      %add3A_1349 = arith.addi %add3A_1348, %add3A_1345 : vector<16xi32>
      %mul3A_1350 = arith.constant 384 : i32
      %mul3A_1351 = arith.muli %select_n3A_54, %mul3A_1350 : i32
      %add3A_1352 = vector.broadcast %mul3A_1351 : i32 to vector<16xi32>
      %add3A_1353 = arith.addi %add3A_1349, %add3A_1352 : vector<16xi32>
      %select_n3A_1354 = arith.select %lt3A_1347, %add3A_1353, %add3A_982 : vector<16xi1>, vector<16xi32>
      %swap3A_1355 = arith.constant 64 : index
      %swap3A_1356 = tpu.vector_load %arg16[%swap3A_1355] {strides = array<i32>} : memref<128xi32, #tpu.memory_space<vmem>>, vector<16xi32>,
      tpu.vector_store %arg16[%swap3A_1355], %select_n3A_1354 {strides = array<i32>} : memref<128xi32, #tpu.memory_space<vmem>>, vector<16xi32>,
      %get3A_1357 = arith.constant 320 : index
      %get3A_1358 = tpu.vector_load %arg11[%get3A_1357] {strides = array<i32>} : memref<416xi32, #tpu.memory_space<vmem>>, vector<16xi32>,
      %swap3A_1359 = arith.constant 64 : index
      %swap3A_1360 = tpu.vector_load %arg19[%swap3A_1359] {strides = array<i32>} : memref<128xi32, #tpu.memory_space<vmem>>, vector<16xi32>,
      tpu.vector_store %arg19[%swap3A_1359], %get3A_1358 {strides = array<i32>} : memref<128xi32, #tpu.memory_space<vmem>>, vector<16xi32>,
      %broadcast_in_dim3A_1361 = arith.constant 336 : i32
      %broadcast_in_dim3A_1362 = vector.broadcast %broadcast_in_dim3A_1361 : i32 to vector<16xi32>
      %add3A_1363 = arith.addi %broadcast_in_dim3A_1362, %iota3A : vector<16xi32>
      %lt3A_1364 = vector.broadcast %sub3A_925 : i32 to vector<16xi32>
      %lt3A_1365 = arith.cmpi slt, %add3A_1363, %lt3A_1364 : vector<16xi32>
      %add3A_1366 = vector.broadcast %reduce_sum3A_951 : i32 to vector<16xi32>
      %add3A_1367 = arith.addi %add3A_1366, %add3A_1363 : vector<16xi32>
      %mul3A_1368 = arith.constant 384 : i32
      %mul3A_1369 = arith.muli %select_n3A_54, %mul3A_1368 : i32
      %add3A_1370 = vector.broadcast %mul3A_1369 : i32 to vector<16xi32>
      %add3A_1371 = arith.addi %add3A_1367, %add3A_1370 : vector<16xi32>
      %select_n3A_1372 = arith.select %lt3A_1365, %add3A_1371, %add3A_982 : vector<16xi1>, vector<16xi32>
      %swap3A_1373 = arith.constant 80 : index
      %swap3A_1374 = tpu.vector_load %arg16[%swap3A_1373] {strides = array<i32>} : memref<128xi32, #tpu.memory_space<vmem>>, vector<16xi32>,
      tpu.vector_store %arg16[%swap3A_1373], %select_n3A_1372 {strides = array<i32>} : memref<128xi32, #tpu.memory_space<vmem>>, vector<16xi32>,
      %get3A_1375 = arith.constant 336 : index
      %get3A_1376 = tpu.vector_load %arg11[%get3A_1375] {strides = array<i32>} : memref<416xi32, #tpu.memory_space<vmem>>, vector<16xi32>,
      %swap3A_1377 = arith.constant 80 : index
      %swap3A_1378 = tpu.vector_load %arg19[%swap3A_1377] {strides = array<i32>} : memref<128xi32, #tpu.memory_space<vmem>>, vector<16xi32>,
      tpu.vector_store %arg19[%swap3A_1377], %get3A_1376 {strides = array<i32>} : memref<128xi32, #tpu.memory_space<vmem>>, vector<16xi32>,
      %broadcast_in_dim3A_1379 = arith.constant 352 : i32
      %broadcast_in_dim3A_1380 = vector.broadcast %broadcast_in_dim3A_1379 : i32 to vector<16xi32>
      %add3A_1381 = arith.addi %broadcast_in_dim3A_1380, %iota3A : vector<16xi32>
      %lt3A_1382 = vector.broadcast %sub3A_925 : i32 to vector<16xi32>
      %lt3A_1383 = arith.cmpi slt, %add3A_1381, %lt3A_1382 : vector<16xi32>
      %add3A_1384 = vector.broadcast %reduce_sum3A_951 : i32 to vector<16xi32>
      %add3A_1385 = arith.addi %add3A_1384, %add3A_1381 : vector<16xi32>
      %mul3A_1386 = arith.constant 384 : i32
      %mul3A_1387 = arith.muli %select_n3A_54, %mul3A_1386 : i32
      %add3A_1388 = vector.broadcast %mul3A_1387 : i32 to vector<16xi32>
      %add3A_1389 = arith.addi %add3A_1385, %add3A_1388 : vector<16xi32>
      %select_n3A_1390 = arith.select %lt3A_1383, %add3A_1389, %add3A_982 : vector<16xi1>, vector<16xi32>
      %swap3A_1391 = arith.constant 96 : index
      %swap3A_1392 = tpu.vector_load %arg16[%swap3A_1391] {strides = array<i32>} : memref<128xi32, #tpu.memory_space<vmem>>, vector<16xi32>,
      tpu.vector_store %arg16[%swap3A_1391], %select_n3A_1390 {strides = array<i32>} : memref<128xi32, #tpu.memory_space<vmem>>, vector<16xi32>,
      %get3A_1393 = arith.constant 352 : index
      %get3A_1394 = tpu.vector_load %arg11[%get3A_1393] {strides = array<i32>} : memref<416xi32, #tpu.memory_space<vmem>>, vector<16xi32>,
      %swap3A_1395 = arith.constant 96 : index
      %swap3A_1396 = tpu.vector_load %arg19[%swap3A_1395] {strides = array<i32>} : memref<128xi32, #tpu.memory_space<vmem>>, vector<16xi32>,
      tpu.vector_store %arg19[%swap3A_1395], %get3A_1394 {strides = array<i32>} : memref<128xi32, #tpu.memory_space<vmem>>, vector<16xi32>,
      %broadcast_in_dim3A_1397 = arith.constant 368 : i32
      %broadcast_in_dim3A_1398 = vector.broadcast %broadcast_in_dim3A_1397 : i32 to vector<16xi32>
      %add3A_1399 = arith.addi %broadcast_in_dim3A_1398, %iota3A : vector<16xi32>
      %lt3A_1400 = vector.broadcast %sub3A_925 : i32 to vector<16xi32>
      %lt3A_1401 = arith.cmpi slt, %add3A_1399, %lt3A_1400 : vector<16xi32>
      %add3A_1402 = vector.broadcast %reduce_sum3A_951 : i32 to vector<16xi32>
      %add3A_1403 = arith.addi %add3A_1402, %add3A_1399 : vector<16xi32>
      %mul3A_1404 = arith.constant 384 : i32
      %mul3A_1405 = arith.muli %select_n3A_54, %mul3A_1404 : i32
      %add3A_1406 = vector.broadcast %mul3A_1405 : i32 to vector<16xi32>
      %add3A_1407 = arith.addi %add3A_1403, %add3A_1406 : vector<16xi32>
      %select_n3A_1408 = arith.select %lt3A_1401, %add3A_1407, %add3A_982 : vector<16xi1>, vector<16xi32>
      %swap3A_1409 = arith.constant 112 : index
      %swap3A_1410 = tpu.vector_load %arg16[%swap3A_1409] {strides = array<i32>} : memref<128xi32, #tpu.memory_space<vmem>>, vector<16xi32>,
      tpu.vector_store %arg16[%swap3A_1409], %select_n3A_1408 {strides = array<i32>} : memref<128xi32, #tpu.memory_space<vmem>>, vector<16xi32>,
      %get3A_1411 = arith.constant 368 : index
      %get3A_1412 = tpu.vector_load %arg11[%get3A_1411] {strides = array<i32>} : memref<416xi32, #tpu.memory_space<vmem>>, vector<16xi32>,
      %swap3A_1413 = arith.constant 112 : index
      %swap3A_1414 = tpu.vector_load %arg19[%swap3A_1413] {strides = array<i32>} : memref<128xi32, #tpu.memory_space<vmem>>, vector<16xi32>,
      tpu.vector_store %arg19[%swap3A_1413], %get3A_1412 {strides = array<i32>} : memref<128xi32, #tpu.memory_space<vmem>>, vector<16xi32>,
      "tpu.region"() ({
        %run_scoped3A = tpu.sem_alloc : memref<!tpu.dma_semaphore, #tpu.memory_space<semaphore_mem>>
        %dma_start3A_1415 = arith.constant 0 : i32
        %dma_start3A_1416 = tpu.memref_slice %arg33[%dma_start3A_1415] : memref<768xi32, #tpu.memory_space<vmem_shared>> -> memref<768xi32, #tpu.memory_space<vmem_shared>>
        tpu.enqueue_indirect_dma source(%arg17 : memref<128xi32, #tpu.memory_space<vmem>>) target(%dma_start3A_1416 : memref<768xi32, #tpu.memory_space<vmem_shared>>) offsets(%arg14 : memref<128xi32, #tpu.memory_space<vmem>>) semaphore(%run_scoped3A : memref<!tpu.dma_semaphore, #tpu.memory_space<semaphore_mem>>) {add = true}
        %dma_wait3A_1417 = arith.constant 0 : i32
        %dma_wait3A_1418 = tpu.memref_slice %arg33[%dma_wait3A_1417] : memref<768xi32, #tpu.memory_space<vmem_shared>> -> memref<768xi32, #tpu.memory_space<vmem_shared>>
        tpu.wait_indirect_dma semaphore(%run_scoped3A : memref<!tpu.dma_semaphore, #tpu.memory_space<semaphore_mem>>) src(%arg17 : memref<128xi32, #tpu.memory_space<vmem>>) dst(%dma_wait3A_1418 : memref<768xi32, #tpu.memory_space<vmem_shared>>)
        tpu.yield
      }) : () -> ()
      "tpu.region"() ({
        %run_scoped3A = tpu.sem_alloc : memref<!tpu.dma_semaphore, #tpu.memory_space<semaphore_mem>>
        %dma_start3A_1415 = arith.constant 0 : i32
        %dma_start3A_1416 = tpu.memref_slice %arg33[%dma_start3A_1415] : memref<768xi32, #tpu.memory_space<vmem_shared>> -> memref<768xi32, #tpu.memory_space<vmem_shared>>
        tpu.enqueue_indirect_dma source(%arg18 : memref<128xi32, #tpu.memory_space<vmem>>) target(%dma_start3A_1416 : memref<768xi32, #tpu.memory_space<vmem_shared>>) offsets(%arg15 : memref<128xi32, #tpu.memory_space<vmem>>) semaphore(%run_scoped3A : memref<!tpu.dma_semaphore, #tpu.memory_space<semaphore_mem>>) {add = true}
        %dma_wait3A_1417 = arith.constant 0 : i32
        %dma_wait3A_1418 = tpu.memref_slice %arg33[%dma_wait3A_1417] : memref<768xi32, #tpu.memory_space<vmem_shared>> -> memref<768xi32, #tpu.memory_space<vmem_shared>>
        tpu.wait_indirect_dma semaphore(%run_scoped3A : memref<!tpu.dma_semaphore, #tpu.memory_space<semaphore_mem>>) src(%arg18 : memref<128xi32, #tpu.memory_space<vmem>>) dst(%dma_wait3A_1418 : memref<768xi32, #tpu.memory_space<vmem_shared>>)
        tpu.yield
      }) : () -> ()
      "tpu.region"() ({
        %run_scoped3A = tpu.sem_alloc : memref<!tpu.dma_semaphore, #tpu.memory_space<semaphore_mem>>
        %dma_start3A_1415 = arith.constant 0 : i32
        %dma_start3A_1416 = tpu.memref_slice %arg33[%dma_start3A_1415] : memref<768xi32, #tpu.memory_space<vmem_shared>> -> memref<768xi32, #tpu.memory_space<vmem_shared>>
        tpu.enqueue_indirect_dma source(%arg19 : memref<128xi32, #tpu.memory_space<vmem>>) target(%dma_start3A_1416 : memref<768xi32, #tpu.memory_space<vmem_shared>>) offsets(%arg16 : memref<128xi32, #tpu.memory_space<vmem>>) semaphore(%run_scoped3A : memref<!tpu.dma_semaphore, #tpu.memory_space<semaphore_mem>>) {add = true}
        %dma_wait3A_1417 = arith.constant 0 : i32
        %dma_wait3A_1418 = tpu.memref_slice %arg33[%dma_wait3A_1417] : memref<768xi32, #tpu.memory_space<vmem_shared>> -> memref<768xi32, #tpu.memory_space<vmem_shared>>
        tpu.wait_indirect_dma semaphore(%run_scoped3A : memref<!tpu.dma_semaphore, #tpu.memory_space<semaphore_mem>>) src(%arg19 : memref<128xi32, #tpu.memory_space<vmem>>) dst(%dma_wait3A_1418 : memref<768xi32, #tpu.memory_space<vmem_shared>>)
        tpu.yield
      }) : () -> ()
    } else {
    }
    %barrier3A = arith.constant 0 : index
    tpu.barrier barrier_id(%barrier3A)
    %mul3A_58 = arith.constant 16 : i32
    %mul3A_59 = arith.muli %select_n3A_54, %mul3A_58 : i32
    "tpu.region"() ({
      %run_scoped3A = tpu.sem_alloc : memref<!tpu.dma_semaphore, #tpu.memory_space<semaphore_mem>>
      %dma_start3A_307 = tpu.memref_slice %arg32[%mul3A_59] : memref<32xi32, #tpu.memory_space<vmem_shared>> -> memref<16xi32, #tpu.memory_space<vmem_shared>>
      %dma_start3A_308 = tpu.memref_slice %arg32[%mul3A_59] : memref<32xi32, #tpu.memory_space<vmem_shared>> -> memref<16xi32, #tpu.memory_space<vmem_shared>>
      tpu.enqueue_dma source(%dma_start3A_308 : memref<16xi32, #tpu.memory_space<vmem_shared>>) target(%arg22 : memref<16xi32, #tpu.memory_space<vmem>>) target_semaphore(%run_scoped3A : memref<!tpu.dma_semaphore, #tpu.memory_space<semaphore_mem>>)
      %dma_wait3A_309 = tpu.memref_slice %arg32[%mul3A_59] : memref<32xi32, #tpu.memory_space<vmem_shared>> -> memref<16xi32, #tpu.memory_space<vmem_shared>>
      %dma_wait3A_310 = tpu.memref_slice %arg32[%mul3A_59] : memref<32xi32, #tpu.memory_space<vmem_shared>> -> memref<16xi32, #tpu.memory_space<vmem_shared>>
      tpu.wait_dma2 semaphore(%run_scoped3A : memref<!tpu.dma_semaphore, #tpu.memory_space<semaphore_mem>>) src(%dma_wait3A_310 : memref<16xi32, #tpu.memory_space<vmem_shared>>) dst(%arg22 : memref<16xi32, #tpu.memory_space<vmem>>)
      tpu.yield
    }) : () -> ()
    %eq3A_60 = arith.constant 0 : i32
    %eq3A_61 = vector.broadcast %eq3A_60 : i32 to vector<16xi32>
    %eq3A_62 = arith.cmpi eq, %iota3A, %eq3A_61 : vector<16xi32>
    %get3A = arith.constant 0 : index
    %get3A_63 = tpu.vector_load %arg22[%get3A] {strides = array<i32>} : memref<16xi32, #tpu.memory_space<vmem>>, vector<16xi32>,
    %jit3A_64 = arith.constant 0 : i32
    %broadcast_in_dim3A = vector.broadcast %jit3A_64 : i32 to vector<16xi32>
    %select_n3A_65 = arith.select %eq3A_62, %get3A_63, %broadcast_in_dim3A : vector<16xi1>, vector<16xi32>
    %reduce_sum3A = arith.constant true
    %reduce_sum3A_66 = vector.broadcast %reduce_sum3A : i1 to vector<16xi1>
    %reduce_sum3A_67 = tpu.scan <sum>, %select_n3A_65 masked %reduce_sum3A_66 : vector<16xi32>, vector<16xi1> -> vector<16xi32>
    %reduce_sum3A_68 = vector.extract %reduce_sum3A_67[15] : i32 from vector<16xi32>
    %mul3A_69 = arith.constant 416 : i32
    %mul3A_70 = arith.muli %select_n3A_54, %mul3A_69 : i32
    "tpu.region"() ({
      %run_scoped3A = tpu.sem_alloc : memref<!tpu.dma_semaphore, #tpu.memory_space<semaphore_mem>>
      %dma_start3A_307 = tpu.memref_slice %arg30[%mul3A_70] : memref<832xi32, #tpu.memory_space<vmem_shared>> -> memref<384xi32, #tpu.memory_space<vmem_shared>>
      %dma_start3A_308 = tpu.memref_slice %arg30[%mul3A_70] : memref<832xi32, #tpu.memory_space<vmem_shared>> -> memref<384xi32, #tpu.memory_space<vmem_shared>>
      tpu.enqueue_dma source(%dma_start3A_308 : memref<384xi32, #tpu.memory_space<vmem_shared>>) target(%arg12 : memref<384xi32, #tpu.memory_space<vmem>>) target_semaphore(%run_scoped3A : memref<!tpu.dma_semaphore, #tpu.memory_space<semaphore_mem>>)
      %dma_wait3A_309 = tpu.memref_slice %arg30[%mul3A_70] : memref<832xi32, #tpu.memory_space<vmem_shared>> -> memref<384xi32, #tpu.memory_space<vmem_shared>>
      %dma_wait3A_310 = tpu.memref_slice %arg30[%mul3A_70] : memref<832xi32, #tpu.memory_space<vmem_shared>> -> memref<384xi32, #tpu.memory_space<vmem_shared>>
      tpu.wait_dma2 semaphore(%run_scoped3A : memref<!tpu.dma_semaphore, #tpu.memory_space<semaphore_mem>>) src(%dma_wait3A_310 : memref<384xi32, #tpu.memory_space<vmem_shared>>) dst(%arg12 : memref<384xi32, #tpu.memory_space<vmem>>)
      tpu.yield
    }) : () -> ()
    %mul3A_71 = arith.constant 416 : i32
    %mul3A_72 = arith.muli %select_n3A_54, %mul3A_71 : i32
    "tpu.region"() ({
      %run_scoped3A = tpu.sem_alloc : memref<!tpu.dma_semaphore, #tpu.memory_space<semaphore_mem>>
      %dma_start3A_307 = tpu.memref_slice %arg31[%mul3A_72] : memref<832xi32, #tpu.memory_space<vmem_shared>> -> memref<384xi32, #tpu.memory_space<vmem_shared>>
      %dma_start3A_308 = tpu.memref_slice %arg31[%mul3A_72] : memref<832xi32, #tpu.memory_space<vmem_shared>> -> memref<384xi32, #tpu.memory_space<vmem_shared>>
      tpu.enqueue_dma source(%dma_start3A_308 : memref<384xi32, #tpu.memory_space<vmem_shared>>) target(%arg13 : memref<384xi32, #tpu.memory_space<vmem>>) target_semaphore(%run_scoped3A : memref<!tpu.dma_semaphore, #tpu.memory_space<semaphore_mem>>)
      %dma_wait3A_309 = tpu.memref_slice %arg31[%mul3A_72] : memref<832xi32, #tpu.memory_space<vmem_shared>> -> memref<384xi32, #tpu.memory_space<vmem_shared>>
      %dma_wait3A_310 = tpu.memref_slice %arg31[%mul3A_72] : memref<832xi32, #tpu.memory_space<vmem_shared>> -> memref<384xi32, #tpu.memory_space<vmem_shared>>
      tpu.wait_dma2 semaphore(%run_scoped3A : memref<!tpu.dma_semaphore, #tpu.memory_space<semaphore_mem>>) src(%dma_wait3A_310 : memref<384xi32, #tpu.memory_space<vmem_shared>>) dst(%arg13 : memref<384xi32, #tpu.memory_space<vmem>>)
      tpu.yield
    }) : () -> ()
    %add3A_73 = arith.constant 16 : i32
    %add3A_74 = arith.addi %reduce_sum3A_68, %add3A_73 : i32
    %sub3A_75 = arith.constant 1 : i32
    %sub3A_76 = arith.subi %add3A_74, %sub3A_75 : i32
    %jit3A_77 = arith.constant 16 : i32
    %div3A_78 = arith.divsi %sub3A_76, %jit3A_77 : i32
    %sign3A_79 = arith.constant 0 : i32
    %sign3A_80 = arith.cmpi sgt, %sub3A_76, %sign3A_79 : i32
    %sign3A_81 = arith.extui %sign3A_80 : i1 to i32
    %sign3A_82 = arith.constant 0 : i32
    %sign3A_83 = arith.cmpi slt, %sub3A_76, %sign3A_82 : i32
    %sign3A_84 = arith.extui %sign3A_83 : i1 to i32
    %sign3A_85 = arith.subi %sign3A_81, %sign3A_84 : i32
    %sign3A_86 = arith.constant 0 : i32
    %sign3A_87 = arith.cmpi sgt, %jit3A_77, %sign3A_86 : i32
    %sign3A_88 = arith.extui %sign3A_87 : i1 to i32
    %sign3A_89 = arith.constant 0 : i32
    %sign3A_90 = arith.cmpi slt, %jit3A_77, %sign3A_89 : i32
    %sign3A_91 = arith.extui %sign3A_90 : i1 to i32
    %sign3A_92 = arith.subi %sign3A_88, %sign3A_91 : i32
    %ne3A_93 = arith.cmpi ne, %sign3A_85, %sign3A_92 : i32
    %rem3A_94 = arith.remsi %sub3A_76, %jit3A_77 : i32
    %ne3A_95 = arith.constant 0 : i32
    %ne3A_96 = arith.cmpi ne, %rem3A_94, %ne3A_95 : i32
    %and3A_97 = arith.andi %ne3A_93, %ne3A_96 : i1
    %sub3A_98 = arith.constant 1 : i32
    %sub3A_99 = arith.subi %div3A_78, %sub3A_98 : i32
    %select_n3A_100 = arith.select %and3A_97, %sub3A_99, %div3A_78 : i32
    %mul3A_101 = arith.constant 384 : i32
    %mul3A_102 = arith.muli %select_n3A_54, %mul3A_101 : i32
    %add3A_103 = arith.constant 384 : i32
    %add3A_104 = arith.addi %mul3A_102, %add3A_103 : i32
    %sub3A_105 = arith.constant 16 : i32
    %sub3A_106 = arith.subi %add3A_104, %sub3A_105 : i32
    %add3A_107 = vector.broadcast %sub3A_106 : i32 to vector<16xi32>
    %add3A_108 = arith.addi %add3A_107, %iota3A : vector<16xi32>
    %scan3A = arith.constant 0 : i32
    %scan3A_109 = arith.constant 0 : i32
    %scan3A_110 = arith.constant 3 : i32
    %scan3A_111 = arith.addi %scan3A_109, %scan3A_110 : i32
    %scan3A_112 = arith.constant 1 : i32
    %scan3A_113 = scf.for %scan3A_307 = %scan3A_109 to %scan3A_111 step %scan3A_112 iter_args(%scan3A_308 = %scan3A) -> (i32)  : i32 {
      %mul3A_309 = arith.constant 48 : i32
      %mul3A_310 = arith.muli %select_n3A_30, %mul3A_309 : i32
      %mul3A_311 = arith.constant 16 : i32
      %mul3A_312 = arith.muli %scan3A_307, %mul3A_311 : i32
      %add3A_313 = arith.addi %mul3A_310, %mul3A_312 : i32
      %get3A_314 = arith.index_cast %add3A_313 : i32 to index
      %get3A_315 = tpu.vector_load %arg13[%get3A_314] {strides = array<i32>} : memref<384xi32, #tpu.memory_space<vmem>>, vector<16xi32>,
      %lt3A_316 = arith.cmpi slt, %add3A_313, %reduce_sum3A_68 : i32
      %convert_element_type3A_317 = arith.extui %lt3A_316 : i1 to i32
      %cond3A_318 = arith.constant 0 : i32
      %cond3A_319 = arith.cmpi ne, %convert_element_type3A_317, %cond3A_318 : i32
      scf.if %cond3A_319 {
        %broadcast_in_dim3A_324 = arith.constant 0 : i32
        %broadcast_in_dim3A_325 = vector.broadcast %broadcast_in_dim3A_324 : i32 to vector<16xi32>
        %scan3A_326 = arith.constant 0 : i32
        %scan3A_327 = arith.constant 16 : i32
        %scan3A_328 = arith.addi %scan3A_326, %scan3A_327 : i32
        %scan3A_329 = arith.constant 1 : i32
        %scan3A_330 = scf.for %scan3A_349 = %scan3A_326 to %scan3A_328 step %scan3A_329 iter_args(%scan3A_350 = %broadcast_in_dim3A_325) -> (vector<16xi32>)  : i32 {
          %add3A_351 = arith.addi %add3A_313, %scan3A_349 : i32
          %broadcast_in_dim3A_352 = vector.broadcast %add3A_351 : i32 to vector<16xi32>
          %gather3A_353 = tpu.vector_load_idx %arg12[%broadcast_in_dim3A_352] : memref<384xi32, #tpu.memory_space<vmem>>[vector<16xi32>], vector<16xi32>,
          %gather3A_354 = tpu.vector_load_idx %arg13[%broadcast_in_dim3A_352] : memref<384xi32, #tpu.memory_space<vmem>>[vector<16xi32>], vector<16xi32>,
          %broadcast_in_dim3A_355 = arith.constant 0 : i32
          %broadcast_in_dim3A_356 = vector.broadcast %broadcast_in_dim3A_355 : i32 to vector<16xi32>
          %scan3A_357 = arith.constant 0 : i32
          %scan3A_358 = arith.constant 6 : i32
          %scan3A_359 = arith.addi %scan3A_357, %scan3A_358 : i32
          %scan3A_360 = arith.constant 1 : i32
          %scan3A_361 = scf.for %scan3A_371 = %scan3A_357 to %scan3A_359 step %scan3A_360 iter_args(%scan3A_372 = %broadcast_in_dim3A_356) -> (vector<16xi32>)  : i32 {
            %mul3A_373 = arith.constant 4 : i32
            %mul3A_374 = arith.muli %scan3A_371, %mul3A_373 : i32
            %add3A_375 = arith.constant 0 : i32
            %add3A_376 = arith.addi %mul3A_374, %add3A_375 : i32
            %mul3A_377 = arith.constant 16 : i32
            %mul3A_378 = arith.muli %add3A_376, %mul3A_377 : i32
            %get3A_379 = arith.index_cast %mul3A_378 : i32 to index
            %get3A_380 = tpu.vector_load %arg12[%get3A_379] {strides = array<i32>} : memref<384xi32, #tpu.memory_space<vmem>>, vector<16xi32>,
            %mul3A_381 = arith.constant 4 : i32
            %mul3A_382 = arith.muli %scan3A_371, %mul3A_381 : i32
            %add3A_383 = arith.constant 0 : i32
            %add3A_384 = arith.addi %mul3A_382, %add3A_383 : i32
            %mul3A_385 = arith.constant 16 : i32
            %mul3A_386 = arith.muli %add3A_384, %mul3A_385 : i32
            %get3A_387 = arith.index_cast %mul3A_386 : i32 to index
            %get3A_388 = tpu.vector_load %arg13[%get3A_387] {strides = array<i32>} : memref<384xi32, #tpu.memory_space<vmem>>, vector<16xi32>,
            %mul3A_389 = arith.constant 4 : i32
            %mul3A_390 = arith.muli %scan3A_371, %mul3A_389 : i32
            %add3A_391 = arith.constant 0 : i32
            %add3A_392 = arith.addi %mul3A_390, %add3A_391 : i32
            %mul3A_393 = arith.constant 16 : i32
            %mul3A_394 = arith.muli %add3A_392, %mul3A_393 : i32
            %broadcast_in_dim3A_395 = vector.broadcast %mul3A_394 : i32 to vector<16xi32>
            %add3A_396 = arith.addi %broadcast_in_dim3A_395, %iota3A : vector<16xi32>
            %lt3A_397 = vector.broadcast %reduce_sum3A_68 : i32 to vector<16xi32>
            %lt3A_398 = arith.cmpi slt, %add3A_396, %lt3A_397 : vector<16xi32>
            %gt3A = arith.cmpi sgt, %get3A_380, %gather3A_353 : vector<16xi32>
            %eq3A_399 = arith.cmpi eq, %get3A_380, %gather3A_353 : vector<16xi32>
            %lt3A_400 = arith.cmpi slt, %get3A_388, %gather3A_354 : vector<16xi32>
            %and3A_401 = arith.andi %eq3A_399, %lt3A_400 : vector<16xi1>
            %or3A = arith.ori %gt3A, %and3A_401 : vector<16xi1>
            %and3A_402 = arith.andi %lt3A_398, %or3A : vector<16xi1>
            %jit3A_403 = arith.constant 1 : i32
            %jit3A_404 = arith.constant 0 : i32
            %broadcast_in_dim3A_405 = vector.broadcast %jit3A_403 : i32 to vector<16xi32>
            %broadcast_in_dim3A_406 = vector.broadcast %jit3A_404 : i32 to vector<16xi32>
            %select_n3A_407 = arith.select %and3A_402, %broadcast_in_dim3A_405, %broadcast_in_dim3A_406 : vector<16xi1>, vector<16xi32>
            %add3A_408 = arith.addi %scan3A_372, %select_n3A_407 : vector<16xi32>
            %mul3A_409 = arith.constant 4 : i32
            %mul3A_410 = arith.muli %scan3A_371, %mul3A_409 : i32
            %add3A_411 = arith.constant 1 : i32
            %add3A_412 = arith.addi %mul3A_410, %add3A_411 : i32
            %mul3A_413 = arith.constant 16 : i32
            %mul3A_414 = arith.muli %add3A_412, %mul3A_413 : i32
            %get3A_415 = arith.index_cast %mul3A_414 : i32 to index
            %get3A_416 = tpu.vector_load %arg12[%get3A_415] {strides = array<i32>} : memref<384xi32, #tpu.memory_space<vmem>>, vector<16xi32>,
            %mul3A_417 = arith.constant 4 : i32
            %mul3A_418 = arith.muli %scan3A_371, %mul3A_417 : i32
            %add3A_419 = arith.constant 1 : i32
            %add3A_420 = arith.addi %mul3A_418, %add3A_419 : i32
            %mul3A_421 = arith.constant 16 : i32
            %mul3A_422 = arith.muli %add3A_420, %mul3A_421 : i32
            %get3A_423 = arith.index_cast %mul3A_422 : i32 to index
            %get3A_424 = tpu.vector_load %arg13[%get3A_423] {strides = array<i32>} : memref<384xi32, #tpu.memory_space<vmem>>, vector<16xi32>,
            %mul3A_425 = arith.constant 4 : i32
            %mul3A_426 = arith.muli %scan3A_371, %mul3A_425 : i32
            %add3A_427 = arith.constant 1 : i32
            %add3A_428 = arith.addi %mul3A_426, %add3A_427 : i32
            %mul3A_429 = arith.constant 16 : i32
            %mul3A_430 = arith.muli %add3A_428, %mul3A_429 : i32
            %broadcast_in_dim3A_431 = vector.broadcast %mul3A_430 : i32 to vector<16xi32>
            %add3A_432 = arith.addi %broadcast_in_dim3A_431, %iota3A : vector<16xi32>
            %lt3A_433 = vector.broadcast %reduce_sum3A_68 : i32 to vector<16xi32>
            %lt3A_434 = arith.cmpi slt, %add3A_432, %lt3A_433 : vector<16xi32>
            %gt3A_435 = arith.cmpi sgt, %get3A_416, %gather3A_353 : vector<16xi32>
            %eq3A_436 = arith.cmpi eq, %get3A_416, %gather3A_353 : vector<16xi32>
            %lt3A_437 = arith.cmpi slt, %get3A_424, %gather3A_354 : vector<16xi32>
            %and3A_438 = arith.andi %eq3A_436, %lt3A_437 : vector<16xi1>
            %or3A_439 = arith.ori %gt3A_435, %and3A_438 : vector<16xi1>
            %and3A_440 = arith.andi %lt3A_434, %or3A_439 : vector<16xi1>
            %jit3A_441 = arith.constant 1 : i32
            %jit3A_442 = arith.constant 0 : i32
            %broadcast_in_dim3A_443 = vector.broadcast %jit3A_441 : i32 to vector<16xi32>
            %broadcast_in_dim3A_444 = vector.broadcast %jit3A_442 : i32 to vector<16xi32>
            %select_n3A_445 = arith.select %and3A_440, %broadcast_in_dim3A_443, %broadcast_in_dim3A_444 : vector<16xi1>, vector<16xi32>
            %add3A_446 = arith.addi %add3A_408, %select_n3A_445 : vector<16xi32>
            %mul3A_447 = arith.constant 4 : i32
            %mul3A_448 = arith.muli %scan3A_371, %mul3A_447 : i32
            %add3A_449 = arith.constant 2 : i32
            %add3A_450 = arith.addi %mul3A_448, %add3A_449 : i32
            %mul3A_451 = arith.constant 16 : i32
            %mul3A_452 = arith.muli %add3A_450, %mul3A_451 : i32
            %get3A_453 = arith.index_cast %mul3A_452 : i32 to index
            %get3A_454 = tpu.vector_load %arg12[%get3A_453] {strides = array<i32>} : memref<384xi32, #tpu.memory_space<vmem>>, vector<16xi32>,
            %mul3A_455 = arith.constant 4 : i32
            %mul3A_456 = arith.muli %scan3A_371, %mul3A_455 : i32
            %add3A_457 = arith.constant 2 : i32
            %add3A_458 = arith.addi %mul3A_456, %add3A_457 : i32
            %mul3A_459 = arith.constant 16 : i32
            %mul3A_460 = arith.muli %add3A_458, %mul3A_459 : i32
            %get3A_461 = arith.index_cast %mul3A_460 : i32 to index
            %get3A_462 = tpu.vector_load %arg13[%get3A_461] {strides = array<i32>} : memref<384xi32, #tpu.memory_space<vmem>>, vector<16xi32>,
            %mul3A_463 = arith.constant 4 : i32
            %mul3A_464 = arith.muli %scan3A_371, %mul3A_463 : i32
            %add3A_465 = arith.constant 2 : i32
            %add3A_466 = arith.addi %mul3A_464, %add3A_465 : i32
            %mul3A_467 = arith.constant 16 : i32
            %mul3A_468 = arith.muli %add3A_466, %mul3A_467 : i32
            %broadcast_in_dim3A_469 = vector.broadcast %mul3A_468 : i32 to vector<16xi32>
            %add3A_470 = arith.addi %broadcast_in_dim3A_469, %iota3A : vector<16xi32>
            %lt3A_471 = vector.broadcast %reduce_sum3A_68 : i32 to vector<16xi32>
            %lt3A_472 = arith.cmpi slt, %add3A_470, %lt3A_471 : vector<16xi32>
            %gt3A_473 = arith.cmpi sgt, %get3A_454, %gather3A_353 : vector<16xi32>
            %eq3A_474 = arith.cmpi eq, %get3A_454, %gather3A_353 : vector<16xi32>
            %lt3A_475 = arith.cmpi slt, %get3A_462, %gather3A_354 : vector<16xi32>
            %and3A_476 = arith.andi %eq3A_474, %lt3A_475 : vector<16xi1>
            %or3A_477 = arith.ori %gt3A_473, %and3A_476 : vector<16xi1>
            %and3A_478 = arith.andi %lt3A_472, %or3A_477 : vector<16xi1>
            %jit3A_479 = arith.constant 1 : i32
            %jit3A_480 = arith.constant 0 : i32
            %broadcast_in_dim3A_481 = vector.broadcast %jit3A_479 : i32 to vector<16xi32>
            %broadcast_in_dim3A_482 = vector.broadcast %jit3A_480 : i32 to vector<16xi32>
            %select_n3A_483 = arith.select %and3A_478, %broadcast_in_dim3A_481, %broadcast_in_dim3A_482 : vector<16xi1>, vector<16xi32>
            %add3A_484 = arith.addi %add3A_446, %select_n3A_483 : vector<16xi32>
            %mul3A_485 = arith.constant 4 : i32
            %mul3A_486 = arith.muli %scan3A_371, %mul3A_485 : i32
            %add3A_487 = arith.constant 3 : i32
            %add3A_488 = arith.addi %mul3A_486, %add3A_487 : i32
            %mul3A_489 = arith.constant 16 : i32
            %mul3A_490 = arith.muli %add3A_488, %mul3A_489 : i32
            %get3A_491 = arith.index_cast %mul3A_490 : i32 to index
            %get3A_492 = tpu.vector_load %arg12[%get3A_491] {strides = array<i32>} : memref<384xi32, #tpu.memory_space<vmem>>, vector<16xi32>,
            %mul3A_493 = arith.constant 4 : i32
            %mul3A_494 = arith.muli %scan3A_371, %mul3A_493 : i32
            %add3A_495 = arith.constant 3 : i32
            %add3A_496 = arith.addi %mul3A_494, %add3A_495 : i32
            %mul3A_497 = arith.constant 16 : i32
            %mul3A_498 = arith.muli %add3A_496, %mul3A_497 : i32
            %get3A_499 = arith.index_cast %mul3A_498 : i32 to index
            %get3A_500 = tpu.vector_load %arg13[%get3A_499] {strides = array<i32>} : memref<384xi32, #tpu.memory_space<vmem>>, vector<16xi32>,
            %mul3A_501 = arith.constant 4 : i32
            %mul3A_502 = arith.muli %scan3A_371, %mul3A_501 : i32
            %add3A_503 = arith.constant 3 : i32
            %add3A_504 = arith.addi %mul3A_502, %add3A_503 : i32
            %mul3A_505 = arith.constant 16 : i32
            %mul3A_506 = arith.muli %add3A_504, %mul3A_505 : i32
            %broadcast_in_dim3A_507 = vector.broadcast %mul3A_506 : i32 to vector<16xi32>
            %add3A_508 = arith.addi %broadcast_in_dim3A_507, %iota3A : vector<16xi32>
            %lt3A_509 = vector.broadcast %reduce_sum3A_68 : i32 to vector<16xi32>
            %lt3A_510 = arith.cmpi slt, %add3A_508, %lt3A_509 : vector<16xi32>
            %gt3A_511 = arith.cmpi sgt, %get3A_492, %gather3A_353 : vector<16xi32>
            %eq3A_512 = arith.cmpi eq, %get3A_492, %gather3A_353 : vector<16xi32>
            %lt3A_513 = arith.cmpi slt, %get3A_500, %gather3A_354 : vector<16xi32>
            %and3A_514 = arith.andi %eq3A_512, %lt3A_513 : vector<16xi1>
            %or3A_515 = arith.ori %gt3A_511, %and3A_514 : vector<16xi1>
            %and3A_516 = arith.andi %lt3A_510, %or3A_515 : vector<16xi1>
            %jit3A_517 = arith.constant 1 : i32
            %jit3A_518 = arith.constant 0 : i32
            %broadcast_in_dim3A_519 = vector.broadcast %jit3A_517 : i32 to vector<16xi32>
            %broadcast_in_dim3A_520 = vector.broadcast %jit3A_518 : i32 to vector<16xi32>
            %select_n3A_521 = arith.select %and3A_516, %broadcast_in_dim3A_519, %broadcast_in_dim3A_520 : vector<16xi1>, vector<16xi32>
            %add3A_522 = arith.addi %add3A_484, %select_n3A_521 : vector<16xi32>
            scf.yield %add3A_522 : vector<16xi32>
          }
          %scan3A_362 = arith.constant 6 : i32
          %eq3A_363 = vector.broadcast %scan3A_349 : i32 to vector<16xi32>
          %eq3A_364 = arith.cmpi eq, %iota3A, %eq3A_363 : vector<16xi32>
          %reduce_sum3A_365 = arith.constant true
          %reduce_sum3A_366 = vector.broadcast %reduce_sum3A_365 : i1 to vector<16xi1>
          %reduce_sum3A_367 = tpu.scan <sum>, %scan3A_361 masked %reduce_sum3A_366 : vector<16xi32>, vector<16xi1> -> vector<16xi32>
          %reduce_sum3A_368 = vector.extract %reduce_sum3A_367[15] : i32 from vector<16xi32>
          %broadcast_in_dim3A_369 = vector.broadcast %reduce_sum3A_368 : i32 to vector<16xi32>
          %select_n3A_370 = arith.select %eq3A_364, %broadcast_in_dim3A_369, %scan3A_350 : vector<16xi1>, vector<16xi32>
          scf.yield %select_n3A_370 : vector<16xi32>
        }
        %scan3A_331 = arith.constant 16 : i32
        %broadcast_in_dim3A_332 = vector.broadcast %add3A_313 : i32 to vector<16xi32>
        %add3A_333 = arith.addi %broadcast_in_dim3A_332, %iota3A : vector<16xi32>
        %lt3A_334 = vector.broadcast %reduce_sum3A_68 : i32 to vector<16xi32>
        %lt3A_335 = arith.cmpi slt, %add3A_333, %lt3A_334 : vector<16xi32>
        %mul3A_336 = arith.constant 384 : i32
        %mul3A_337 = arith.muli %select_n3A_54, %mul3A_336 : i32
        %add3A_338 = vector.broadcast %mul3A_337 : i32 to vector<16xi32>
        %add3A_339 = arith.addi %scan3A_330, %add3A_338 : vector<16xi32>
        %select_n3A_340 = arith.select %lt3A_335, %add3A_339, %add3A_108 : vector<16xi1>, vector<16xi32>
        %mul3A_341 = arith.constant 16 : i32
        %mul3A_342 = arith.muli %scan3A_307, %mul3A_341 : i32
        %swap3A_343 = arith.index_cast %mul3A_342 : i32 to index
        %swap3A_344 = tpu.vector_load %arg20[%swap3A_343] {strides = array<i32>} : memref<48xi32, #tpu.memory_space<vmem>>, vector<16xi32>,
        tpu.vector_store %arg20[%swap3A_343], %select_n3A_340 {strides = array<i32>} : memref<48xi32, #tpu.memory_space<vmem>>, vector<16xi32>,
        %mul3A_345 = arith.constant 16 : i32
        %mul3A_346 = arith.muli %scan3A_307, %mul3A_345 : i32
        %swap3A_347 = arith.index_cast %mul3A_346 : i32 to index
        %swap3A_348 = tpu.vector_load %arg21[%swap3A_347] {strides = array<i32>} : memref<48xi32, #tpu.memory_space<vmem>>, vector<16xi32>,
        tpu.vector_store %arg21[%swap3A_347], %get3A_315 {strides = array<i32>} : memref<48xi32, #tpu.memory_space<vmem>>, vector<16xi32>,
      } else {
      }
      %ge3A = arith.cmpi sge, %add3A_313, %reduce_sum3A_68 : i32
      %convert_element_type3A_320 = arith.extui %ge3A : i1 to i32
      %cond3A_321 = arith.constant 0 : i32
      %cond3A_322 = arith.cmpi ne, %convert_element_type3A_320, %cond3A_321 : i32
      scf.if %cond3A_322 {
        %mul3A_324 = arith.constant 16 : i32
        %mul3A_325 = arith.muli %scan3A_307, %mul3A_324 : i32
        %swap3A_326 = arith.index_cast %mul3A_325 : i32 to index
        %swap3A_327 = tpu.vector_load %arg20[%swap3A_326] {strides = array<i32>} : memref<48xi32, #tpu.memory_space<vmem>>, vector<16xi32>,
        tpu.vector_store %arg20[%swap3A_326], %add3A_108 {strides = array<i32>} : memref<48xi32, #tpu.memory_space<vmem>>, vector<16xi32>,
        %broadcast_in_dim3A_328 = arith.constant 0 : i32
        %broadcast_in_dim3A_329 = vector.broadcast %broadcast_in_dim3A_328 : i32 to vector<16xi32>
        %mul3A_330 = arith.constant 16 : i32
        %mul3A_331 = arith.muli %scan3A_307, %mul3A_330 : i32
        %swap3A_332 = arith.index_cast %mul3A_331 : i32 to index
        %swap3A_333 = tpu.vector_load %arg21[%swap3A_332] {strides = array<i32>} : memref<48xi32, #tpu.memory_space<vmem>>, vector<16xi32>,
        tpu.vector_store %arg21[%swap3A_332], %broadcast_in_dim3A_329 {strides = array<i32>} : memref<48xi32, #tpu.memory_space<vmem>>, vector<16xi32>,
      } else {
      }
      %scan3A_323 = arith.constant 0 : i32
      scf.yield %scan3A_323 : i32
    }
    %scan3A_114 = arith.constant 3 : i32
    "tpu.region"() ({
      %run_scoped3A = tpu.sem_alloc : memref<!tpu.dma_semaphore, #tpu.memory_space<semaphore_mem>>
      %dma_start3A_307 = arith.constant 0 : i32
      %dma_start3A_308 = tpu.memref_slice %arg33[%dma_start3A_307] : memref<768xi32, #tpu.memory_space<vmem_shared>> -> memref<768xi32, #tpu.memory_space<vmem_shared>>
      tpu.enqueue_indirect_dma source(%arg21 : memref<48xi32, #tpu.memory_space<vmem>>) target(%dma_start3A_308 : memref<768xi32, #tpu.memory_space<vmem_shared>>) offsets(%arg20 : memref<48xi32, #tpu.memory_space<vmem>>) semaphore(%run_scoped3A : memref<!tpu.dma_semaphore, #tpu.memory_space<semaphore_mem>>) {add = true}
      %dma_wait3A_309 = arith.constant 0 : i32
      %dma_wait3A_310 = tpu.memref_slice %arg33[%dma_wait3A_309] : memref<768xi32, #tpu.memory_space<vmem_shared>> -> memref<768xi32, #tpu.memory_space<vmem_shared>>
      tpu.wait_indirect_dma semaphore(%run_scoped3A : memref<!tpu.dma_semaphore, #tpu.memory_space<semaphore_mem>>) src(%arg21 : memref<48xi32, #tpu.memory_space<vmem>>) dst(%dma_wait3A_310 : memref<768xi32, #tpu.memory_space<vmem_shared>>)
      tpu.yield
    }) : () -> ()
    %barrier3A_115 = arith.constant 0 : index
    tpu.barrier barrier_id(%barrier3A_115)
    %mul3A_116 = arith.constant 304 : i32
    %mul3A_117 = arith.muli %add3A, %mul3A_116 : i32
    %mul3A_118 = arith.constant 40 : i32
    %mul3A_119 = arith.muli %select_n3A_30, %mul3A_118 : i32
    %add3A_120 = arith.addi %mul3A_117, %mul3A_119 : i32
    %mul3A_121 = arith.constant 384 : i32
    %mul3A_122 = arith.muli %select_n3A_54, %mul3A_121 : i32
    %mul3A_123 = arith.constant 40 : i32
    %mul3A_124 = arith.muli %select_n3A_30, %mul3A_123 : i32
    %add3A_125 = arith.addi %mul3A_122, %mul3A_124 : i32
    "tpu.region"() ({
      %run_scoped3A = tpu.sem_alloc : memref<!tpu.dma_semaphore, #tpu.memory_space<semaphore_mem>>
      %dma_start3A_307 = tpu.memref_slice %arg33[%add3A_125] : memref<768xi32, #tpu.memory_space<vmem_shared>> -> memref<40xi32, #tpu.memory_space<vmem_shared>>
      %dma_start3A_308 = tpu.memref_slice %arg33[%add3A_125] : memref<768xi32, #tpu.memory_space<vmem_shared>> -> memref<40xi32, #tpu.memory_space<vmem_shared>>
      tpu.enqueue_dma source(%dma_start3A_308 : memref<40xi32, #tpu.memory_space<vmem_shared>>) target(%arg24 : memref<40xi32, #tpu.memory_space<vmem>>) target_semaphore(%run_scoped3A : memref<!tpu.dma_semaphore, #tpu.memory_space<semaphore_mem>>)
      %dma_wait3A_309 = tpu.memref_slice %arg33[%add3A_125] : memref<768xi32, #tpu.memory_space<vmem_shared>> -> memref<40xi32, #tpu.memory_space<vmem_shared>>
      %dma_wait3A_310 = tpu.memref_slice %arg33[%add3A_125] : memref<768xi32, #tpu.memory_space<vmem_shared>> -> memref<40xi32, #tpu.memory_space<vmem_shared>>
      tpu.wait_dma2 semaphore(%run_scoped3A : memref<!tpu.dma_semaphore, #tpu.memory_space<semaphore_mem>>) src(%dma_wait3A_310 : memref<40xi32, #tpu.memory_space<vmem_shared>>) dst(%arg24 : memref<40xi32, #tpu.memory_space<vmem>>)
      tpu.yield
    }) : () -> ()
    %dma_start3A = arith.constant 0 : i32
    %dma_start3A_126 = arith.constant 0 : i32
    %dma_start3A_127 = tpu.memref_slice %arg3[%dma_start3A, %dma_start3A_126] : memref<32768x256xf32, #tpu.memory_space<hbm>> -> memref<32768x256xf32, #tpu.memory_space<hbm>>
    tpu.enqueue_indirect_dma source(%dma_start3A_127 : memref<32768x256xf32, #tpu.memory_space<hbm>>) target(%arg25 : memref<40x256xf32, #tpu.memory_space<vmem>>) offsets(%arg24 : memref<40xi32, #tpu.memory_space<vmem>>) semaphore(%arg34 : memref<!tpu.dma_semaphore, #tpu.memory_space<semaphore_mem>>)
    %dma_wait3A = arith.constant 0 : i32
    %dma_wait3A_128 = arith.constant 0 : i32
    %dma_wait3A_129 = tpu.memref_slice %arg3[%dma_wait3A, %dma_wait3A_128] : memref<32768x256xf32, #tpu.memory_space<hbm>> -> memref<32768x256xf32, #tpu.memory_space<hbm>>
    tpu.wait_indirect_dma semaphore(%arg34 : memref<!tpu.dma_semaphore, #tpu.memory_space<semaphore_mem>>) src(%dma_wait3A_129 : memref<32768x256xf32, #tpu.memory_space<hbm>>) dst(%arg25 : memref<40x256xf32, #tpu.memory_space<vmem>>)
    %broadcast_in_dim3A_130 = arith.constant 0 : i32
    %broadcast_in_dim3A_131 = vector.broadcast %broadcast_in_dim3A_130 : i32 to vector<16xi32>
    %add3A_132 = arith.addi %broadcast_in_dim3A_131, %iota3A : vector<16xi32>
    %shift_right_arithmetic3A = arith.constant 2 : i32
    %shift_right_arithmetic3A_133 = vector.broadcast %shift_right_arithmetic3A : i32 to vector<16xi32>
    %shift_right_arithmetic3A_134 = arith.shrsi %add3A_132, %shift_right_arithmetic3A_133 : vector<16xi32>
    %gather3A = tpu.vector_load_idx %arg24[%shift_right_arithmetic3A_134] : memref<40xi32, #tpu.memory_space<vmem>>[vector<16xi32>], vector<16xi32>,
    %mul3A_135 = arith.constant 4 : i32
    %mul3A_136 = vector.broadcast %mul3A_135 : i32 to vector<16xi32>
    %mul3A_137 = arith.muli %gather3A, %mul3A_136 : vector<16xi32>
    %and3A_138 = arith.constant 3 : i32
    %and3A_139 = vector.broadcast %and3A_138 : i32 to vector<16xi32>
    %and3A_140 = arith.andi %add3A_132, %and3A_139 : vector<16xi32>
    %add3A_141 = arith.addi %mul3A_137, %and3A_140 : vector<16xi32>
    %swap3A = arith.constant 0 : index
    %swap3A_142 = tpu.vector_load %arg26[%swap3A] {strides = array<i32>} : memref<80xi32, #tpu.memory_space<vmem>>, vector<16xi32>,
    tpu.vector_store %arg26[%swap3A], %add3A_141 {strides = array<i32>} : memref<80xi32, #tpu.memory_space<vmem>>, vector<16xi32>,
    %broadcast_in_dim3A_143 = arith.constant 16 : i32
    %broadcast_in_dim3A_144 = vector.broadcast %broadcast_in_dim3A_143 : i32 to vector<16xi32>
    %add3A_145 = arith.addi %broadcast_in_dim3A_144, %iota3A : vector<16xi32>
    %shift_right_arithmetic3A_146 = arith.constant 2 : i32
    %shift_right_arithmetic3A_147 = vector.broadcast %shift_right_arithmetic3A_146 : i32 to vector<16xi32>
    %shift_right_arithmetic3A_148 = arith.shrsi %add3A_145, %shift_right_arithmetic3A_147 : vector<16xi32>
    %gather3A_149 = tpu.vector_load_idx %arg24[%shift_right_arithmetic3A_148] : memref<40xi32, #tpu.memory_space<vmem>>[vector<16xi32>], vector<16xi32>,
    %mul3A_150 = arith.constant 4 : i32
    %mul3A_151 = vector.broadcast %mul3A_150 : i32 to vector<16xi32>
    %mul3A_152 = arith.muli %gather3A_149, %mul3A_151 : vector<16xi32>
    %and3A_153 = arith.constant 3 : i32
    %and3A_154 = vector.broadcast %and3A_153 : i32 to vector<16xi32>
    %and3A_155 = arith.andi %add3A_145, %and3A_154 : vector<16xi32>
    %add3A_156 = arith.addi %mul3A_152, %and3A_155 : vector<16xi32>
    %swap3A_157 = arith.constant 16 : index
    %swap3A_158 = tpu.vector_load %arg26[%swap3A_157] {strides = array<i32>} : memref<80xi32, #tpu.memory_space<vmem>>, vector<16xi32>,
    tpu.vector_store %arg26[%swap3A_157], %add3A_156 {strides = array<i32>} : memref<80xi32, #tpu.memory_space<vmem>>, vector<16xi32>,
    %broadcast_in_dim3A_159 = arith.constant 32 : i32
    %broadcast_in_dim3A_160 = vector.broadcast %broadcast_in_dim3A_159 : i32 to vector<16xi32>
    %add3A_161 = arith.addi %broadcast_in_dim3A_160, %iota3A : vector<16xi32>
    %shift_right_arithmetic3A_162 = arith.constant 2 : i32
    %shift_right_arithmetic3A_163 = vector.broadcast %shift_right_arithmetic3A_162 : i32 to vector<16xi32>
    %shift_right_arithmetic3A_164 = arith.shrsi %add3A_161, %shift_right_arithmetic3A_163 : vector<16xi32>
    %gather3A_165 = tpu.vector_load_idx %arg24[%shift_right_arithmetic3A_164] : memref<40xi32, #tpu.memory_space<vmem>>[vector<16xi32>], vector<16xi32>,
    %mul3A_166 = arith.constant 4 : i32
    %mul3A_167 = vector.broadcast %mul3A_166 : i32 to vector<16xi32>
    %mul3A_168 = arith.muli %gather3A_165, %mul3A_167 : vector<16xi32>
    %and3A_169 = arith.constant 3 : i32
    %and3A_170 = vector.broadcast %and3A_169 : i32 to vector<16xi32>
    %and3A_171 = arith.andi %add3A_161, %and3A_170 : vector<16xi32>
    %add3A_172 = arith.addi %mul3A_168, %and3A_171 : vector<16xi32>
    %swap3A_173 = arith.constant 32 : index
    %swap3A_174 = tpu.vector_load %arg26[%swap3A_173] {strides = array<i32>} : memref<80xi32, #tpu.memory_space<vmem>>, vector<16xi32>,
    tpu.vector_store %arg26[%swap3A_173], %add3A_172 {strides = array<i32>} : memref<80xi32, #tpu.memory_space<vmem>>, vector<16xi32>,
    %broadcast_in_dim3A_175 = arith.constant 48 : i32
    %broadcast_in_dim3A_176 = vector.broadcast %broadcast_in_dim3A_175 : i32 to vector<16xi32>
    %add3A_177 = arith.addi %broadcast_in_dim3A_176, %iota3A : vector<16xi32>
    %shift_right_arithmetic3A_178 = arith.constant 2 : i32
    %shift_right_arithmetic3A_179 = vector.broadcast %shift_right_arithmetic3A_178 : i32 to vector<16xi32>
    %shift_right_arithmetic3A_180 = arith.shrsi %add3A_177, %shift_right_arithmetic3A_179 : vector<16xi32>
    %gather3A_181 = tpu.vector_load_idx %arg24[%shift_right_arithmetic3A_180] : memref<40xi32, #tpu.memory_space<vmem>>[vector<16xi32>], vector<16xi32>,
    %mul3A_182 = arith.constant 4 : i32
    %mul3A_183 = vector.broadcast %mul3A_182 : i32 to vector<16xi32>
    %mul3A_184 = arith.muli %gather3A_181, %mul3A_183 : vector<16xi32>
    %and3A_185 = arith.constant 3 : i32
    %and3A_186 = vector.broadcast %and3A_185 : i32 to vector<16xi32>
    %and3A_187 = arith.andi %add3A_177, %and3A_186 : vector<16xi32>
    %add3A_188 = arith.addi %mul3A_184, %and3A_187 : vector<16xi32>
    %swap3A_189 = arith.constant 48 : index
    %swap3A_190 = tpu.vector_load %arg26[%swap3A_189] {strides = array<i32>} : memref<80xi32, #tpu.memory_space<vmem>>, vector<16xi32>,
    tpu.vector_store %arg26[%swap3A_189], %add3A_188 {strides = array<i32>} : memref<80xi32, #tpu.memory_space<vmem>>, vector<16xi32>,
    %broadcast_in_dim3A_191 = arith.constant 64 : i32
    %broadcast_in_dim3A_192 = vector.broadcast %broadcast_in_dim3A_191 : i32 to vector<16xi32>
    %add3A_193 = arith.addi %broadcast_in_dim3A_192, %iota3A : vector<16xi32>
    %shift_right_arithmetic3A_194 = arith.constant 2 : i32
    %shift_right_arithmetic3A_195 = vector.broadcast %shift_right_arithmetic3A_194 : i32 to vector<16xi32>
    %shift_right_arithmetic3A_196 = arith.shrsi %add3A_193, %shift_right_arithmetic3A_195 : vector<16xi32>
    %gather3A_197 = tpu.vector_load_idx %arg24[%shift_right_arithmetic3A_196] : memref<40xi32, #tpu.memory_space<vmem>>[vector<16xi32>], vector<16xi32>,
    %mul3A_198 = arith.constant 4 : i32
    %mul3A_199 = vector.broadcast %mul3A_198 : i32 to vector<16xi32>
    %mul3A_200 = arith.muli %gather3A_197, %mul3A_199 : vector<16xi32>
    %and3A_201 = arith.constant 3 : i32
    %and3A_202 = vector.broadcast %and3A_201 : i32 to vector<16xi32>
    %and3A_203 = arith.andi %add3A_193, %and3A_202 : vector<16xi32>
    %add3A_204 = arith.addi %mul3A_200, %and3A_203 : vector<16xi32>
    %swap3A_205 = arith.constant 64 : index
    %swap3A_206 = tpu.vector_load %arg26[%swap3A_205] {strides = array<i32>} : memref<80xi32, #tpu.memory_space<vmem>>, vector<16xi32>,
    tpu.vector_store %arg26[%swap3A_205], %add3A_204 {strides = array<i32>} : memref<80xi32, #tpu.memory_space<vmem>>, vector<16xi32>,
    %broadcast_in_dim3A_207 = arith.constant 80 : i32
    %broadcast_in_dim3A_208 = vector.broadcast %broadcast_in_dim3A_207 : i32 to vector<16xi32>
    %add3A_209 = arith.addi %broadcast_in_dim3A_208, %iota3A : vector<16xi32>
    %shift_right_arithmetic3A_210 = arith.constant 2 : i32
    %shift_right_arithmetic3A_211 = vector.broadcast %shift_right_arithmetic3A_210 : i32 to vector<16xi32>
    %shift_right_arithmetic3A_212 = arith.shrsi %add3A_209, %shift_right_arithmetic3A_211 : vector<16xi32>
    %gather3A_213 = tpu.vector_load_idx %arg24[%shift_right_arithmetic3A_212] : memref<40xi32, #tpu.memory_space<vmem>>[vector<16xi32>], vector<16xi32>,
    %mul3A_214 = arith.constant 4 : i32
    %mul3A_215 = vector.broadcast %mul3A_214 : i32 to vector<16xi32>
    %mul3A_216 = arith.muli %gather3A_213, %mul3A_215 : vector<16xi32>
    %and3A_217 = arith.constant 3 : i32
    %and3A_218 = vector.broadcast %and3A_217 : i32 to vector<16xi32>
    %and3A_219 = arith.andi %add3A_209, %and3A_218 : vector<16xi32>
    %add3A_220 = arith.addi %mul3A_216, %and3A_219 : vector<16xi32>
    %swap3A_221 = arith.constant 0 : index
    %swap3A_222 = tpu.vector_load %arg27[%swap3A_221] {strides = array<i32>} : memref<80xi32, #tpu.memory_space<vmem>>, vector<16xi32>,
    tpu.vector_store %arg27[%swap3A_221], %add3A_220 {strides = array<i32>} : memref<80xi32, #tpu.memory_space<vmem>>, vector<16xi32>,
    %broadcast_in_dim3A_223 = arith.constant 96 : i32
    %broadcast_in_dim3A_224 = vector.broadcast %broadcast_in_dim3A_223 : i32 to vector<16xi32>
    %add3A_225 = arith.addi %broadcast_in_dim3A_224, %iota3A : vector<16xi32>
    %shift_right_arithmetic3A_226 = arith.constant 2 : i32
    %shift_right_arithmetic3A_227 = vector.broadcast %shift_right_arithmetic3A_226 : i32 to vector<16xi32>
    %shift_right_arithmetic3A_228 = arith.shrsi %add3A_225, %shift_right_arithmetic3A_227 : vector<16xi32>
    %gather3A_229 = tpu.vector_load_idx %arg24[%shift_right_arithmetic3A_228] : memref<40xi32, #tpu.memory_space<vmem>>[vector<16xi32>], vector<16xi32>,
    %mul3A_230 = arith.constant 4 : i32
    %mul3A_231 = vector.broadcast %mul3A_230 : i32 to vector<16xi32>
    %mul3A_232 = arith.muli %gather3A_229, %mul3A_231 : vector<16xi32>
    %and3A_233 = arith.constant 3 : i32
    %and3A_234 = vector.broadcast %and3A_233 : i32 to vector<16xi32>
    %and3A_235 = arith.andi %add3A_225, %and3A_234 : vector<16xi32>
    %add3A_236 = arith.addi %mul3A_232, %and3A_235 : vector<16xi32>
    %swap3A_237 = arith.constant 16 : index
    %swap3A_238 = tpu.vector_load %arg27[%swap3A_237] {strides = array<i32>} : memref<80xi32, #tpu.memory_space<vmem>>, vector<16xi32>,
    tpu.vector_store %arg27[%swap3A_237], %add3A_236 {strides = array<i32>} : memref<80xi32, #tpu.memory_space<vmem>>, vector<16xi32>,
    %broadcast_in_dim3A_239 = arith.constant 112 : i32
    %broadcast_in_dim3A_240 = vector.broadcast %broadcast_in_dim3A_239 : i32 to vector<16xi32>
    %add3A_241 = arith.addi %broadcast_in_dim3A_240, %iota3A : vector<16xi32>
    %shift_right_arithmetic3A_242 = arith.constant 2 : i32
    %shift_right_arithmetic3A_243 = vector.broadcast %shift_right_arithmetic3A_242 : i32 to vector<16xi32>
    %shift_right_arithmetic3A_244 = arith.shrsi %add3A_241, %shift_right_arithmetic3A_243 : vector<16xi32>
    %gather3A_245 = tpu.vector_load_idx %arg24[%shift_right_arithmetic3A_244] : memref<40xi32, #tpu.memory_space<vmem>>[vector<16xi32>], vector<16xi32>,
    %mul3A_246 = arith.constant 4 : i32
    %mul3A_247 = vector.broadcast %mul3A_246 : i32 to vector<16xi32>
    %mul3A_248 = arith.muli %gather3A_245, %mul3A_247 : vector<16xi32>
    %and3A_249 = arith.constant 3 : i32
    %and3A_250 = vector.broadcast %and3A_249 : i32 to vector<16xi32>
    %and3A_251 = arith.andi %add3A_241, %and3A_250 : vector<16xi32>
    %add3A_252 = arith.addi %mul3A_248, %and3A_251 : vector<16xi32>
    %swap3A_253 = arith.constant 32 : index
    %swap3A_254 = tpu.vector_load %arg27[%swap3A_253] {strides = array<i32>} : memref<80xi32, #tpu.memory_space<vmem>>, vector<16xi32>,
    tpu.vector_store %arg27[%swap3A_253], %add3A_252 {strides = array<i32>} : memref<80xi32, #tpu.memory_space<vmem>>, vector<16xi32>,
    %broadcast_in_dim3A_255 = arith.constant 128 : i32
    %broadcast_in_dim3A_256 = vector.broadcast %broadcast_in_dim3A_255 : i32 to vector<16xi32>
    %add3A_257 = arith.addi %broadcast_in_dim3A_256, %iota3A : vector<16xi32>
    %shift_right_arithmetic3A_258 = arith.constant 2 : i32
    %shift_right_arithmetic3A_259 = vector.broadcast %shift_right_arithmetic3A_258 : i32 to vector<16xi32>
    %shift_right_arithmetic3A_260 = arith.shrsi %add3A_257, %shift_right_arithmetic3A_259 : vector<16xi32>
    %gather3A_261 = tpu.vector_load_idx %arg24[%shift_right_arithmetic3A_260] : memref<40xi32, #tpu.memory_space<vmem>>[vector<16xi32>], vector<16xi32>,
    %mul3A_262 = arith.constant 4 : i32
    %mul3A_263 = vector.broadcast %mul3A_262 : i32 to vector<16xi32>
    %mul3A_264 = arith.muli %gather3A_261, %mul3A_263 : vector<16xi32>
    %and3A_265 = arith.constant 3 : i32
    %and3A_266 = vector.broadcast %and3A_265 : i32 to vector<16xi32>
    %and3A_267 = arith.andi %add3A_257, %and3A_266 : vector<16xi32>
    %add3A_268 = arith.addi %mul3A_264, %and3A_267 : vector<16xi32>
    %swap3A_269 = arith.constant 48 : index
    %swap3A_270 = tpu.vector_load %arg27[%swap3A_269] {strides = array<i32>} : memref<80xi32, #tpu.memory_space<vmem>>, vector<16xi32>,
    tpu.vector_store %arg27[%swap3A_269], %add3A_268 {strides = array<i32>} : memref<80xi32, #tpu.memory_space<vmem>>, vector<16xi32>,
    %broadcast_in_dim3A_271 = arith.constant 144 : i32
    %broadcast_in_dim3A_272 = vector.broadcast %broadcast_in_dim3A_271 : i32 to vector<16xi32>
    %add3A_273 = arith.addi %broadcast_in_dim3A_272, %iota3A : vector<16xi32>
    %shift_right_arithmetic3A_274 = arith.constant 2 : i32
    %shift_right_arithmetic3A_275 = vector.broadcast %shift_right_arithmetic3A_274 : i32 to vector<16xi32>
    %shift_right_arithmetic3A_276 = arith.shrsi %add3A_273, %shift_right_arithmetic3A_275 : vector<16xi32>
    %gather3A_277 = tpu.vector_load_idx %arg24[%shift_right_arithmetic3A_276] : memref<40xi32, #tpu.memory_space<vmem>>[vector<16xi32>], vector<16xi32>,
    %mul3A_278 = arith.constant 4 : i32
    %mul3A_279 = vector.broadcast %mul3A_278 : i32 to vector<16xi32>
    %mul3A_280 = arith.muli %gather3A_277, %mul3A_279 : vector<16xi32>
    %and3A_281 = arith.constant 3 : i32
    %and3A_282 = vector.broadcast %and3A_281 : i32 to vector<16xi32>
    %and3A_283 = arith.andi %add3A_273, %and3A_282 : vector<16xi32>
    %add3A_284 = arith.addi %mul3A_280, %and3A_283 : vector<16xi32>
    %swap3A_285 = arith.constant 64 : index
    %swap3A_286 = tpu.vector_load %arg27[%swap3A_285] {strides = array<i32>} : memref<80xi32, #tpu.memory_space<vmem>>, vector<16xi32>,
    tpu.vector_store %arg27[%swap3A_285], %add3A_284 {strides = array<i32>} : memref<80xi32, #tpu.memory_space<vmem>>, vector<16xi32>,
    %dma_start3A_287 = arith.constant 0 : i32
    %dma_start3A_288 = tpu.memref_slice %arg4[%dma_start3A_287] : memref<131072xf32, #tpu.memory_space<hbm>> -> memref<131072xf32, #tpu.memory_space<hbm>>
    tpu.enqueue_indirect_dma source(%dma_start3A_288 : memref<131072xf32, #tpu.memory_space<hbm>>) target(%arg28 : memref<80xf32, #tpu.memory_space<vmem>>) offsets(%arg26 : memref<80xi32, #tpu.memory_space<vmem>>) semaphore(%arg34 : memref<!tpu.dma_semaphore, #tpu.memory_space<semaphore_mem>>)
    %dma_wait3A_289 = arith.constant 0 : i32
    %dma_wait3A_290 = tpu.memref_slice %arg4[%dma_wait3A_289] : memref<131072xf32, #tpu.memory_space<hbm>> -> memref<131072xf32, #tpu.memory_space<hbm>>
    tpu.wait_indirect_dma semaphore(%arg34 : memref<!tpu.dma_semaphore, #tpu.memory_space<semaphore_mem>>) src(%dma_wait3A_290 : memref<131072xf32, #tpu.memory_space<hbm>>) dst(%arg28 : memref<80xf32, #tpu.memory_space<vmem>>)
    %dma_start3A_291 = arith.constant 0 : i32
    %dma_start3A_292 = tpu.memref_slice %arg4[%dma_start3A_291] : memref<131072xf32, #tpu.memory_space<hbm>> -> memref<131072xf32, #tpu.memory_space<hbm>>
    tpu.enqueue_indirect_dma source(%dma_start3A_292 : memref<131072xf32, #tpu.memory_space<hbm>>) target(%arg29 : memref<80xf32, #tpu.memory_space<vmem>>) offsets(%arg27 : memref<80xi32, #tpu.memory_space<vmem>>) semaphore(%arg34 : memref<!tpu.dma_semaphore, #tpu.memory_space<semaphore_mem>>)
    %dma_wait3A_293 = arith.constant 0 : i32
    %dma_wait3A_294 = tpu.memref_slice %arg4[%dma_wait3A_293] : memref<131072xf32, #tpu.memory_space<hbm>> -> memref<131072xf32, #tpu.memory_space<hbm>>
    tpu.wait_indirect_dma semaphore(%arg34 : memref<!tpu.dma_semaphore, #tpu.memory_space<semaphore_mem>>) src(%dma_wait3A_294 : memref<131072xf32, #tpu.memory_space<hbm>>) dst(%arg29 : memref<80xf32, #tpu.memory_space<vmem>>)
    %mul3A_295 = arith.constant 4 : i32
    %mul3A_296 = arith.muli %add3A_120, %mul3A_295 : i32
    %lt3A_297 = arith.constant 7 : i32
    %lt3A_298 = arith.cmpi slt, %select_n3A_30, %lt3A_297 : i32
    %convert_element_type3A_299 = arith.extui %lt3A_298 : i1 to i32
    %cond3A_300 = arith.constant 0 : i32
    %cond3A_301 = arith.cmpi ne, %convert_element_type3A_299, %cond3A_300 : i32
    scf.if %cond3A_301 {
      "tpu.region"() ({
        %run_scoped3A = tpu.sem_alloc : memref<!tpu.dma_semaphore, #tpu.memory_space<semaphore_mem>>
        %dma_start3A_309 = arith.constant 0 : i32
        %dma_start3A_310 = tpu.memref_slice %arg5[%add3A_120, %dma_start3A_309] : memref<1216x256xf32, #tpu.memory_space<hbm>> -> memref<40x256xf32, #tpu.memory_space<hbm>>
        %dma_start3A_311 = arith.constant 0 : i32
        %dma_start3A_312 = tpu.memref_slice %arg5[%add3A_120, %dma_start3A_311] : memref<1216x256xf32, #tpu.memory_space<hbm>> -> memref<40x256xf32, #tpu.memory_space<hbm>>
        tpu.enqueue_dma source(%arg25 : memref<40x256xf32, #tpu.memory_space<vmem>>) target(%dma_start3A_312 : memref<40x256xf32, #tpu.memory_space<hbm>>) target_semaphore(%run_scoped3A : memref<!tpu.dma_semaphore, #tpu.memory_space<semaphore_mem>>)
        %dma_wait3A_313 = arith.constant 0 : i32
        %dma_wait3A_314 = tpu.memref_slice %arg5[%add3A_120, %dma_wait3A_313] : memref<1216x256xf32, #tpu.memory_space<hbm>> -> memref<40x256xf32, #tpu.memory_space<hbm>>
        %dma_wait3A_315 = arith.constant 0 : i32
        %dma_wait3A_316 = tpu.memref_slice %arg5[%add3A_120, %dma_wait3A_315] : memref<1216x256xf32, #tpu.memory_space<hbm>> -> memref<40x256xf32, #tpu.memory_space<hbm>>
        tpu.wait_dma2 semaphore(%run_scoped3A : memref<!tpu.dma_semaphore, #tpu.memory_space<semaphore_mem>>) src(%arg25 : memref<40x256xf32, #tpu.memory_space<vmem>>) dst(%dma_wait3A_316 : memref<40x256xf32, #tpu.memory_space<hbm>>)
        tpu.yield
      }) : () -> ()
      "tpu.region"() ({
        %run_scoped3A = tpu.sem_alloc : memref<!tpu.dma_semaphore, #tpu.memory_space<semaphore_mem>>
        %dma_start3A_309 = tpu.memref_slice %arg6[%mul3A_296] : memref<4864xf32, #tpu.memory_space<hbm>> -> memref<80xf32, #tpu.memory_space<hbm>>
        %dma_start3A_310 = tpu.memref_slice %arg6[%mul3A_296] : memref<4864xf32, #tpu.memory_space<hbm>> -> memref<80xf32, #tpu.memory_space<hbm>>
        tpu.enqueue_dma source(%arg28 : memref<80xf32, #tpu.memory_space<vmem>>) target(%dma_start3A_310 : memref<80xf32, #tpu.memory_space<hbm>>) target_semaphore(%run_scoped3A : memref<!tpu.dma_semaphore, #tpu.memory_space<semaphore_mem>>)
        %dma_wait3A_311 = tpu.memref_slice %arg6[%mul3A_296] : memref<4864xf32, #tpu.memory_space<hbm>> -> memref<80xf32, #tpu.memory_space<hbm>>
        %dma_wait3A_312 = tpu.memref_slice %arg6[%mul3A_296] : memref<4864xf32, #tpu.memory_space<hbm>> -> memref<80xf32, #tpu.memory_space<hbm>>
        tpu.wait_dma2 semaphore(%run_scoped3A : memref<!tpu.dma_semaphore, #tpu.memory_space<semaphore_mem>>) src(%arg28 : memref<80xf32, #tpu.memory_space<vmem>>) dst(%dma_wait3A_312 : memref<80xf32, #tpu.memory_space<hbm>>)
        tpu.yield
      }) : () -> ()
      %add3A_307 = arith.constant 80 : i32
      %add3A_308 = arith.addi %mul3A_296, %add3A_307 : i32
      "tpu.region"() ({
        %run_scoped3A = tpu.sem_alloc : memref<!tpu.dma_semaphore, #tpu.memory_space<semaphore_mem>>
        %dma_start3A_309 = tpu.memref_slice %arg6[%add3A_308] : memref<4864xf32, #tpu.memory_space<hbm>> -> memref<80xf32, #tpu.memory_space<hbm>>
        %dma_start3A_310 = tpu.memref_slice %arg6[%add3A_308] : memref<4864xf32, #tpu.memory_space<hbm>> -> memref<80xf32, #tpu.memory_space<hbm>>
        tpu.enqueue_dma source(%arg29 : memref<80xf32, #tpu.memory_space<vmem>>) target(%dma_start3A_310 : memref<80xf32, #tpu.memory_space<hbm>>) target_semaphore(%run_scoped3A : memref<!tpu.dma_semaphore, #tpu.memory_space<semaphore_mem>>)
        %dma_wait3A_311 = tpu.memref_slice %arg6[%add3A_308] : memref<4864xf32, #tpu.memory_space<hbm>> -> memref<80xf32, #tpu.memory_space<hbm>>
        %dma_wait3A_312 = tpu.memref_slice %arg6[%add3A_308] : memref<4864xf32, #tpu.memory_space<hbm>> -> memref<80xf32, #tpu.memory_space<hbm>>
        tpu.wait_dma2 semaphore(%run_scoped3A : memref<!tpu.dma_semaphore, #tpu.memory_space<semaphore_mem>>) src(%arg29 : memref<80xf32, #tpu.memory_space<vmem>>) dst(%dma_wait3A_312 : memref<80xf32, #tpu.memory_space<hbm>>)
        tpu.yield
      }) : () -> ()
    } else {
    }
    %eq3A_302 = arith.constant 7 : i32
    %eq3A_303 = arith.cmpi eq, %select_n3A_30, %eq3A_302 : i32
    %convert_element_type3A_304 = arith.extui %eq3A_303 : i1 to i32
    %cond3A_305 = arith.constant 0 : i32
    %cond3A_306 = arith.cmpi ne, %convert_element_type3A_304, %cond3A_305 : i32
    scf.if %cond3A_306 {
      "tpu.region"() ({
        %run_scoped3A = tpu.sem_alloc : memref<!tpu.dma_semaphore, #tpu.memory_space<semaphore_mem>>
        %dma_start3A_309 = arith.constant 0 : i32
        %dma_start3A_310 = arith.constant 0 : i32
        %dma_start3A_311 = tpu.memref_slice %arg25[%dma_start3A_309, %dma_start3A_310] : memref<40x256xf32, #tpu.memory_space<vmem>> -> memref<24x256xf32, #tpu.memory_space<vmem>>
        %dma_start3A_312 = arith.constant 0 : i32
        %dma_start3A_313 = tpu.memref_slice %arg5[%add3A_120, %dma_start3A_312] : memref<1216x256xf32, #tpu.memory_space<hbm>> -> memref<24x256xf32, #tpu.memory_space<hbm>>
        %dma_start3A_314 = arith.constant 0 : i32
        %dma_start3A_315 = tpu.memref_slice %arg5[%add3A_120, %dma_start3A_314] : memref<1216x256xf32, #tpu.memory_space<hbm>> -> memref<24x256xf32, #tpu.memory_space<hbm>>
        %dma_start3A_316 = arith.constant 0 : i32
        %dma_start3A_317 = arith.constant 0 : i32
        %dma_start3A_318 = tpu.memref_slice %arg25[%dma_start3A_316, %dma_start3A_317] : memref<40x256xf32, #tpu.memory_space<vmem>> -> memref<24x256xf32, #tpu.memory_space<vmem>>
        tpu.enqueue_dma source(%dma_start3A_318 : memref<24x256xf32, #tpu.memory_space<vmem>>) target(%dma_start3A_315 : memref<24x256xf32, #tpu.memory_space<hbm>>) target_semaphore(%run_scoped3A : memref<!tpu.dma_semaphore, #tpu.memory_space<semaphore_mem>>)
        %dma_wait3A_319 = arith.constant 0 : i32
        %dma_wait3A_320 = arith.constant 0 : i32
        %dma_wait3A_321 = tpu.memref_slice %arg25[%dma_wait3A_319, %dma_wait3A_320] : memref<40x256xf32, #tpu.memory_space<vmem>> -> memref<24x256xf32, #tpu.memory_space<vmem>>
        %dma_wait3A_322 = arith.constant 0 : i32
        %dma_wait3A_323 = tpu.memref_slice %arg5[%add3A_120, %dma_wait3A_322] : memref<1216x256xf32, #tpu.memory_space<hbm>> -> memref<24x256xf32, #tpu.memory_space<hbm>>
        %dma_wait3A_324 = arith.constant 0 : i32
        %dma_wait3A_325 = tpu.memref_slice %arg5[%add3A_120, %dma_wait3A_324] : memref<1216x256xf32, #tpu.memory_space<hbm>> -> memref<24x256xf32, #tpu.memory_space<hbm>>
        %dma_wait3A_326 = arith.constant 0 : i32
        %dma_wait3A_327 = arith.constant 0 : i32
        %dma_wait3A_328 = tpu.memref_slice %arg25[%dma_wait3A_326, %dma_wait3A_327] : memref<40x256xf32, #tpu.memory_space<vmem>> -> memref<24x256xf32, #tpu.memory_space<vmem>>
        tpu.wait_dma2 semaphore(%run_scoped3A : memref<!tpu.dma_semaphore, #tpu.memory_space<semaphore_mem>>) src(%dma_wait3A_328 : memref<24x256xf32, #tpu.memory_space<vmem>>) dst(%dma_wait3A_325 : memref<24x256xf32, #tpu.memory_space<hbm>>)
        tpu.yield
      }) : () -> ()
      "tpu.region"() ({
        %run_scoped3A = tpu.sem_alloc : memref<!tpu.dma_semaphore, #tpu.memory_space<semaphore_mem>>
        %dma_start3A_309 = tpu.memref_slice %arg6[%mul3A_296] : memref<4864xf32, #tpu.memory_space<hbm>> -> memref<80xf32, #tpu.memory_space<hbm>>
        %dma_start3A_310 = tpu.memref_slice %arg6[%mul3A_296] : memref<4864xf32, #tpu.memory_space<hbm>> -> memref<80xf32, #tpu.memory_space<hbm>>
        tpu.enqueue_dma source(%arg28 : memref<80xf32, #tpu.memory_space<vmem>>) target(%dma_start3A_310 : memref<80xf32, #tpu.memory_space<hbm>>) target_semaphore(%run_scoped3A : memref<!tpu.dma_semaphore, #tpu.memory_space<semaphore_mem>>)
        %dma_wait3A_311 = tpu.memref_slice %arg6[%mul3A_296] : memref<4864xf32, #tpu.memory_space<hbm>> -> memref<80xf32, #tpu.memory_space<hbm>>
        %dma_wait3A_312 = tpu.memref_slice %arg6[%mul3A_296] : memref<4864xf32, #tpu.memory_space<hbm>> -> memref<80xf32, #tpu.memory_space<hbm>>
        tpu.wait_dma2 semaphore(%run_scoped3A : memref<!tpu.dma_semaphore, #tpu.memory_space<semaphore_mem>>) src(%arg28 : memref<80xf32, #tpu.memory_space<vmem>>) dst(%dma_wait3A_312 : memref<80xf32, #tpu.memory_space<hbm>>)
        tpu.yield
      }) : () -> ()
      %add3A_307 = arith.constant 80 : i32
      %add3A_308 = arith.addi %mul3A_296, %add3A_307 : i32
      "tpu.region"() ({
        %run_scoped3A = tpu.sem_alloc : memref<!tpu.dma_semaphore, #tpu.memory_space<semaphore_mem>>
        %dma_start3A_309 = arith.constant 0 : i32
        %dma_start3A_310 = tpu.memref_slice %arg29[%dma_start3A_309] : memref<80xf32, #tpu.memory_space<vmem>> -> memref<16xf32, #tpu.memory_space<vmem>>
        %dma_start3A_311 = tpu.memref_slice %arg6[%add3A_308] : memref<4864xf32, #tpu.memory_space<hbm>> -> memref<16xf32, #tpu.memory_space<hbm>>
        %dma_start3A_312 = tpu.memref_slice %arg6[%add3A_308] : memref<4864xf32, #tpu.memory_space<hbm>> -> memref<16xf32, #tpu.memory_space<hbm>>
        %dma_start3A_313 = arith.constant 0 : i32
        %dma_start3A_314 = tpu.memref_slice %arg29[%dma_start3A_313] : memref<80xf32, #tpu.memory_space<vmem>> -> memref<16xf32, #tpu.memory_space<vmem>>
        tpu.enqueue_dma source(%dma_start3A_314 : memref<16xf32, #tpu.memory_space<vmem>>) target(%dma_start3A_312 : memref<16xf32, #tpu.memory_space<hbm>>) target_semaphore(%run_scoped3A : memref<!tpu.dma_semaphore, #tpu.memory_space<semaphore_mem>>)
        %dma_wait3A_315 = arith.constant 0 : i32
        %dma_wait3A_316 = tpu.memref_slice %arg29[%dma_wait3A_315] : memref<80xf32, #tpu.memory_space<vmem>> -> memref<16xf32, #tpu.memory_space<vmem>>
        %dma_wait3A_317 = tpu.memref_slice %arg6[%add3A_308] : memref<4864xf32, #tpu.memory_space<hbm>> -> memref<16xf32, #tpu.memory_space<hbm>>
        %dma_wait3A_318 = tpu.memref_slice %arg6[%add3A_308] : memref<4864xf32, #tpu.memory_space<hbm>> -> memref<16xf32, #tpu.memory_space<hbm>>
        %dma_wait3A_319 = arith.constant 0 : i32
        %dma_wait3A_320 = tpu.memref_slice %arg29[%dma_wait3A_319] : memref<80xf32, #tpu.memory_space<vmem>> -> memref<16xf32, #tpu.memory_space<vmem>>
        tpu.wait_dma2 semaphore(%run_scoped3A : memref<!tpu.dma_semaphore, #tpu.memory_space<semaphore_mem>>) src(%dma_wait3A_320 : memref<16xf32, #tpu.memory_space<vmem>>) dst(%dma_wait3A_318 : memref<16xf32, #tpu.memory_space<hbm>>)
        tpu.yield
      }) : () -> ()
    } else {
    }
    return
  }
}

module attributes {stable_mosaic.version = 14 : i64} {
  func.func @_mlp_body(%arg0: i32, %arg1: memref<1024x256xf32, #tpu.memory_space<vmem>>, %arg2: memref<8192x4xf32, #tpu.memory_space<vmem>>, %arg3: memref<256x256xf32, #tpu.memory_space<vmem>>, %arg4: memref<1x256xf32, #tpu.memory_space<vmem>>, %arg5: memref<256x256xf32, #tpu.memory_space<vmem>>, %arg6: memref<1x256xf32, #tpu.memory_space<vmem>>, %arg7: memref<256x91xf32, #tpu.memory_space<vmem>>, %arg8: memref<1x91xf32, #tpu.memory_space<vmem>>, %arg9: memref<256x256xf32, #tpu.memory_space<vmem>>, %arg10: memref<1x256xf32, #tpu.memory_space<vmem>>, %arg11: memref<256x4xf32, #tpu.memory_space<vmem>>, %arg12: memref<1x4xf32, #tpu.memory_space<vmem>>, %arg13: memref<1024x91xf32, #tpu.memory_space<vmem>>, %arg14: memref<1024x4xf32, #tpu.memory_space<vmem>>, %arg15: memref<1x1x1024xf32, #tpu.memory_space<vmem>>, %arg16: memref<8192x4xf32, #tpu.memory_space<vmem>>) attributes {dimension_semantics = [#tpu.dimension_semantics<arbitrary>], iteration_bounds = array<i64: 32>, scalar_prefetch = 0 : i64, scratch_operands = 1 : i64, tpu.core_type = #tpu.core_type<tc>, window_params = [{transform_indices = @transform_0, window_bounds = array<i64: 1024, 256>}, {pipeline_mode = #tpu.pipeline_mode<synchronous>, transform_indices = @transform_1, window_bounds = array<i64: 8192, 4>}, {pipeline_mode = #tpu.pipeline_mode<synchronous>, transform_indices = @transform_2, window_bounds = array<i64: 256, 256>}, {pipeline_mode = #tpu.pipeline_mode<synchronous>, transform_indices = @transform_3, window_bounds = array<i64: 1, 256>}, {pipeline_mode = #tpu.pipeline_mode<synchronous>, transform_indices = @transform_4, window_bounds = array<i64: 256, 256>}, {pipeline_mode = #tpu.pipeline_mode<synchronous>, transform_indices = @transform_5, window_bounds = array<i64: 1, 256>}, {pipeline_mode = #tpu.pipeline_mode<synchronous>, transform_indices = @transform_6, window_bounds = array<i64: 256, 91>}, {pipeline_mode = #tpu.pipeline_mode<synchronous>, transform_indices = @transform_7, window_bounds = array<i64: 1, 91>}, {pipeline_mode = #tpu.pipeline_mode<synchronous>, transform_indices = @transform_8, window_bounds = array<i64: 256, 256>}, {pipeline_mode = #tpu.pipeline_mode<synchronous>, transform_indices = @transform_9, window_bounds = array<i64: 1, 256>}, {pipeline_mode = #tpu.pipeline_mode<synchronous>, transform_indices = @transform_10, window_bounds = array<i64: 256, 4>}, {pipeline_mode = #tpu.pipeline_mode<synchronous>, transform_indices = @transform_11, window_bounds = array<i64: 1, 4>}, {transform_indices = @transform_12, window_bounds = array<i64: 1024, 91>}, {transform_indices = @transform_13, window_bounds = array<i64: 1024, 4>}, {transform_indices = @transform_14, window_bounds = array<i64: 1, 1, 1024>}]} {
    %eq3A = arith.constant 0 : i32
    %eq3A_0 = arith.cmpi eq, %arg0, %eq3A : i32
    %convert_element_type3A = arith.extui %eq3A_0 : i1 to i32
    %cond3A = arith.constant 0 : i32
    %cond3A_1 = arith.cmpi ne, %convert_element_type3A, %cond3A : i32
    scf.if %cond3A_1 {
      %get3A_96 = arith.constant 0 : index
      %get3A_97 = arith.constant 0 : index
      %get3A_98 = vector.load %arg2[%get3A_96, %get3A_97] : memref<8192x4xf32, #tpu.memory_space<vmem>>, vector<8192x4xf32>
      %jit3A_99 = arith.constant 9.99999997E-7 : f32
      %jit3A_100 = arith.constant 0.999998986 : f32
      %max3A_101 = vector.broadcast %jit3A_99 : f32 to vector<8192x4xf32>
      %max3A_102 = arith.maximumf %max3A_101, %get3A_98 : vector<8192x4xf32>
      %min3A = vector.broadcast %jit3A_100 : f32 to vector<8192x4xf32>
      %min3A_103 = arith.minimumf %min3A, %max3A_102 : vector<8192x4xf32>
      %sub3A = arith.constant 1.000000e+00 : f32
      %sub3A_104 = vector.broadcast %sub3A : f32 to vector<8192x4xf32>
      %sub3A_105 = arith.subf %sub3A_104, %min3A_103 : vector<8192x4xf32>
      %div3A = arith.divf %min3A_103, %sub3A_105 : vector<8192x4xf32>
      %log3A = math.log %div3A : vector<8192x4xf32>
      %swap3A_106 = arith.constant 0 : index
      %swap3A_107 = arith.constant 0 : index
      %swap3A_108 = vector.load %arg16[%swap3A_106, %swap3A_107] : memref<8192x4xf32, #tpu.memory_space<vmem>>, vector<8192x4xf32>
      tpu.vector_store %arg16[%swap3A_106, %swap3A_107], %log3A {strides = array<i32>} : memref<8192x4xf32, #tpu.memory_space<vmem>>, vector<8192x4xf32>,
    } else {
    }
    %get3A = arith.constant 0 : index
    %get3A_2 = arith.constant 0 : index
    %get3A_3 = vector.load %arg1[%get3A, %get3A_2] : memref<1024x256xf32, #tpu.memory_space<vmem>>, vector<1024x256xf32>
    %get3A_4 = arith.constant 0 : index
    %get3A_5 = arith.constant 0 : index
    %get3A_6 = vector.load %arg9[%get3A_4, %get3A_5] : memref<256x256xf32, #tpu.memory_space<vmem>>, vector<256x256xf32>
    %dot_general3A = arith.constant dense<0.000000e+00> : vector<1024x256xf32>
    %dot_general3A_7 = tpu.matmul %get3A_3, %get3A_6, %dot_general3A {dimension_numbers = #tpu.dot_dimension_numbers<[1], [0], [0], [1], [0, 0, 1, 1], [], []>, transpose_lhs_hint = false} : vector<1024x256xf32>, vector<256x256xf32>, vector<1024x256xf32> -> vector<1024x256xf32>
    %get3A_8 = arith.constant 0 : index
    %get3A_9 = arith.constant 0 : index
    %get3A_10 = vector.load %arg10[%get3A_8, %get3A_9] : memref<1x256xf32, #tpu.memory_space<vmem>>, vector<1x256xf32>
    %add3A = vector.broadcast %get3A_10 : vector<1x256xf32> to vector<1024x256xf32>
    %add3A_11 = arith.addf %dot_general3A_7, %add3A : vector<1024x256xf32>
    %max3A = arith.constant 0.000000e+00 : f32
    %max3A_12 = vector.broadcast %max3A : f32 to vector<1024x256xf32>
    %max3A_13 = arith.maximumf %add3A_11, %max3A_12 : vector<1024x256xf32>
    %get3A_14 = arith.constant 0 : index
    %get3A_15 = arith.constant 0 : index
    %get3A_16 = vector.load %arg3[%get3A_14, %get3A_15] : memref<256x256xf32, #tpu.memory_space<vmem>>, vector<256x256xf32>
    %dot_general3A_17 = arith.constant dense<0.000000e+00> : vector<1024x256xf32>
    %dot_general3A_18 = tpu.matmul %get3A_3, %get3A_16, %dot_general3A_17 {dimension_numbers = #tpu.dot_dimension_numbers<[1], [0], [0], [1], [0, 0, 1, 1], [], []>, transpose_lhs_hint = false} : vector<1024x256xf32>, vector<256x256xf32>, vector<1024x256xf32> -> vector<1024x256xf32>
    %get3A_19 = arith.constant 0 : index
    %get3A_20 = arith.constant 0 : index
    %get3A_21 = vector.load %arg4[%get3A_19, %get3A_20] : memref<1x256xf32, #tpu.memory_space<vmem>>, vector<1x256xf32>
    %add3A_22 = vector.broadcast %get3A_21 : vector<1x256xf32> to vector<1024x256xf32>
    %add3A_23 = arith.addf %dot_general3A_18, %add3A_22 : vector<1024x256xf32>
    %max3A_24 = arith.constant 0.000000e+00 : f32
    %max3A_25 = vector.broadcast %max3A_24 : f32 to vector<1024x256xf32>
    %max3A_26 = arith.maximumf %add3A_23, %max3A_25 : vector<1024x256xf32>
    %get3A_27 = arith.constant 0 : index
    %get3A_28 = arith.constant 0 : index
    %get3A_29 = vector.load %arg11[%get3A_27, %get3A_28] : memref<256x4xf32, #tpu.memory_space<vmem>>, vector<256x4xf32>
    %dot_general3A_30 = arith.constant dense<0.000000e+00> : vector<1024x4xf32>
    %dot_general3A_31 = tpu.matmul %max3A_13, %get3A_29, %dot_general3A_30 {dimension_numbers = #tpu.dot_dimension_numbers<[1], [0], [0], [1], [0, 0, 1, 1], [], []>, transpose_lhs_hint = false} : vector<1024x256xf32>, vector<256x4xf32>, vector<1024x4xf32> -> vector<1024x4xf32>
    %get3A_32 = arith.constant 0 : index
    %get3A_33 = arith.constant 0 : index
    %get3A_34 = vector.load %arg12[%get3A_32, %get3A_33] : memref<1x4xf32, #tpu.memory_space<vmem>>, vector<1x4xf32>
    %add3A_35 = vector.broadcast %get3A_34 : vector<1x4xf32> to vector<1024x4xf32>
    %add3A_36 = arith.addf %dot_general3A_31, %add3A_35 : vector<1024x4xf32>
    %get3A_37 = arith.constant 0 : index
    %get3A_38 = arith.constant 0 : index
    %get3A_39 = vector.load %arg5[%get3A_37, %get3A_38] : memref<256x256xf32, #tpu.memory_space<vmem>>, vector<256x256xf32>
    %dot_general3A_40 = arith.constant dense<0.000000e+00> : vector<1024x256xf32>
    %dot_general3A_41 = tpu.matmul %max3A_26, %get3A_39, %dot_general3A_40 {dimension_numbers = #tpu.dot_dimension_numbers<[1], [0], [0], [1], [0, 0, 1, 1], [], []>, transpose_lhs_hint = false} : vector<1024x256xf32>, vector<256x256xf32>, vector<1024x256xf32> -> vector<1024x256xf32>
    %get3A_42 = arith.constant 0 : index
    %get3A_43 = arith.constant 0 : index
    %get3A_44 = vector.load %arg6[%get3A_42, %get3A_43] : memref<1x256xf32, #tpu.memory_space<vmem>>, vector<1x256xf32>
    %add3A_45 = vector.broadcast %get3A_44 : vector<1x256xf32> to vector<1024x256xf32>
    %add3A_46 = arith.addf %dot_general3A_41, %add3A_45 : vector<1024x256xf32>
    %max3A_47 = arith.constant 0.000000e+00 : f32
    %max3A_48 = vector.broadcast %max3A_47 : f32 to vector<1024x256xf32>
    %max3A_49 = arith.maximumf %add3A_46, %max3A_48 : vector<1024x256xf32>
    %get3A_50 = arith.constant 0 : index
    %get3A_51 = arith.constant 0 : index
    %get3A_52 = vector.load %arg7[%get3A_50, %get3A_51] : memref<256x91xf32, #tpu.memory_space<vmem>>, vector<256x91xf32>
    %dot_general3A_53 = arith.constant dense<0.000000e+00> : vector<1024x91xf32>
    %dot_general3A_54 = tpu.matmul %max3A_49, %get3A_52, %dot_general3A_53 {dimension_numbers = #tpu.dot_dimension_numbers<[1], [0], [0], [1], [0, 0, 1, 1], [], []>, transpose_lhs_hint = false} : vector<1024x256xf32>, vector<256x91xf32>, vector<1024x91xf32> -> vector<1024x91xf32>
    %get3A_55 = arith.constant 0 : index
    %get3A_56 = arith.constant 0 : index
    %get3A_57 = vector.load %arg8[%get3A_55, %get3A_56] : memref<1x91xf32, #tpu.memory_space<vmem>>, vector<1x91xf32>
    %add3A_58 = vector.broadcast %get3A_57 : vector<1x91xf32> to vector<1024x91xf32>
    %add3A_59 = arith.addf %dot_general3A_54, %add3A_58 : vector<1024x91xf32>
    %swap3A = arith.constant 0 : index
    %swap3A_60 = arith.constant 0 : index
    %swap3A_61 = vector.load %arg13[%swap3A, %swap3A_60] : memref<1024x91xf32, #tpu.memory_space<vmem>>, vector<1024x91xf32>
    tpu.vector_store %arg13[%swap3A, %swap3A_60], %add3A_59 {strides = array<i32>} : memref<1024x91xf32, #tpu.memory_space<vmem>>, vector<1024x91xf32>,
    %jit3A = arith.constant 8 : i32
    %eq3A_62 = arith.constant 0 : i32
    %eq3A_63 = arith.cmpi eq, %jit3A, %eq3A_62 : i32
    %jit3A_64 = arith.constant 1 : i32
    %select_n3A = arith.select %eq3A_63, %jit3A_64, %jit3A : i32
    %rem3A = arith.remsi %arg0, %select_n3A : i32
    %ne3A = arith.constant 0 : i32
    %ne3A_65 = arith.cmpi ne, %rem3A, %ne3A : i32
    %lt3A = arith.constant 0 : i32
    %lt3A_66 = arith.cmpi slt, %rem3A, %lt3A : i32
    %lt3A_67 = arith.constant 0 : i32
    %lt3A_68 = arith.cmpi slt, %select_n3A, %lt3A_67 : i32
    %ne3A_69 = arith.xori %lt3A_66, %lt3A_68 : i1
    %and3A = arith.andi %ne3A_69, %ne3A_65 : i1
    %add3A_70 = arith.addi %rem3A, %select_n3A : i32
    %select_n3A_71 = arith.select %and3A, %add3A_70, %rem3A : i32
    %mul3A = arith.constant 1024 : i32
    %mul3A_72 = arith.muli %select_n3A_71, %mul3A : i32
    %get3A_73 = arith.index_cast %mul3A_72 : i32 to index
    %get3A_74 = arith.constant 0 : index
    %get3A_75 = vector.load %arg16[%get3A_73, %get3A_74] : memref<8192x4xf32, #tpu.memory_space<vmem>>, vector<1024x4xf32>
    %add3A_76 = arith.addf %get3A_75, %add3A_36 : vector<1024x4xf32>
    %logistic3A = arith.negf %add3A_76 : vector<1024x4xf32>
    %logistic3A_77 = math.exp %logistic3A : vector<1024x4xf32>
    %logistic3A_78 = arith.constant 1.000000e+00 : f32
    %logistic3A_79 = vector.broadcast %logistic3A_78 : f32 to vector<1024x4xf32>
    %logistic3A_80 = arith.addf %logistic3A_79, %logistic3A_77 : vector<1024x4xf32>
    %logistic3A_81 = arith.divf %logistic3A_79, %logistic3A_80 : vector<1024x4xf32>
    %swap3A_82 = arith.constant 0 : index
    %swap3A_83 = arith.constant 0 : index
    %swap3A_84 = vector.load %arg14[%swap3A_82, %swap3A_83] : memref<1024x4xf32, #tpu.memory_space<vmem>>, vector<1024x4xf32>
    tpu.vector_store %arg14[%swap3A_82, %swap3A_83], %logistic3A_81 {strides = array<i32>} : memref<1024x4xf32, #tpu.memory_space<vmem>>, vector<1024x4xf32>,
    %transpose3A = tpu.transpose %add3A_59, [1, 0] : vector<1024x91xf32> -> vector<91x1024xf32>
    %reduce_max3A = arith.constant dense<0xFF800000> : vector<1024xf32>
    %reduce_max3A_85 = vector.multi_reduction <maximumf>, %transpose3A, %reduce_max3A [0] : vector<91x1024xf32> to vector<1024xf32>
    %logistic3A_86 = arith.negf %reduce_max3A_85 : vector<1024xf32>
    %logistic3A_87 = math.exp %logistic3A_86 : vector<1024xf32>
    %logistic3A_88 = arith.constant 1.000000e+00 : f32
    %logistic3A_89 = vector.broadcast %logistic3A_88 : f32 to vector<1024xf32>
    %logistic3A_90 = arith.addf %logistic3A_89, %logistic3A_87 : vector<1024xf32>
    %logistic3A_91 = arith.divf %logistic3A_89, %logistic3A_90 : vector<1024xf32>
    %broadcast_in_dim3A = vector.shape_cast %logistic3A_91 : vector<1024xf32> to vector<1x1x1024xf32>
    %swap3A_92 = arith.constant 0 : index
    %swap3A_93 = arith.constant 0 : index
    %swap3A_94 = arith.constant 0 : index
    %swap3A_95 = vector.load %arg15[%swap3A_92, %swap3A_93, %swap3A_94] : memref<1x1x1024xf32, #tpu.memory_space<vmem>>, vector<1x1x1024xf32>
    tpu.vector_store %arg15[%swap3A_92, %swap3A_93, %swap3A_94], %broadcast_in_dim3A {strides = array<i32>} : memref<1x1x1024xf32, #tpu.memory_space<vmem>>, vector<1x1x1024xf32>,
    return
  }
  func.func @transform_0(%arg0: i32) -> (i32, i32) {
    %c0_i32 = arith.constant 0 : i32
    %c0_i32_0 = arith.constant 0 : i32
    return %arg0, %c0_i32 : i32, i32
  }
  func.func @transform_1(%arg0: i32) -> (i32, i32) {
    %c0_i32 = arith.constant 0 : i32
    %c0_i32_0 = arith.constant 0 : i32
    %c0_i32_1 = arith.constant 0 : i32
    return %c0_i32, %c0_i32_0 : i32, i32
  }
  func.func @transform_2(%arg0: i32) -> (i32, i32) {
    %c0_i32 = arith.constant 0 : i32
    %c0_i32_0 = arith.constant 0 : i32
    %c0_i32_1 = arith.constant 0 : i32
    return %c0_i32, %c0_i32_0 : i32, i32
  }
  func.func @transform_3(%arg0: i32) -> (i32, i32) {
    %c0_i32 = arith.constant 0 : i32
    %c0_i32_0 = arith.constant 0 : i32
    %c0_i32_1 = arith.constant 0 : i32
    return %c0_i32, %c0_i32_0 : i32, i32
  }
  func.func @transform_4(%arg0: i32) -> (i32, i32) {
    %c0_i32 = arith.constant 0 : i32
    %c0_i32_0 = arith.constant 0 : i32
    %c0_i32_1 = arith.constant 0 : i32
    return %c0_i32, %c0_i32_0 : i32, i32
  }
  func.func @transform_5(%arg0: i32) -> (i32, i32) {
    %c0_i32 = arith.constant 0 : i32
    %c0_i32_0 = arith.constant 0 : i32
    %c0_i32_1 = arith.constant 0 : i32
    return %c0_i32, %c0_i32_0 : i32, i32
  }
  func.func @transform_6(%arg0: i32) -> (i32, i32) {
    %c0_i32 = arith.constant 0 : i32
    %c0_i32_0 = arith.constant 0 : i32
    %c0_i32_1 = arith.constant 0 : i32
    return %c0_i32, %c0_i32_0 : i32, i32
  }
  func.func @transform_7(%arg0: i32) -> (i32, i32) {
    %c0_i32 = arith.constant 0 : i32
    %c0_i32_0 = arith.constant 0 : i32
    %c0_i32_1 = arith.constant 0 : i32
    return %c0_i32, %c0_i32_0 : i32, i32
  }
  func.func @transform_8(%arg0: i32) -> (i32, i32) {
    %c0_i32 = arith.constant 0 : i32
    %c0_i32_0 = arith.constant 0 : i32
    %c0_i32_1 = arith.constant 0 : i32
    return %c0_i32, %c0_i32_0 : i32, i32
  }
  func.func @transform_9(%arg0: i32) -> (i32, i32) {
    %c0_i32 = arith.constant 0 : i32
    %c0_i32_0 = arith.constant 0 : i32
    %c0_i32_1 = arith.constant 0 : i32
    return %c0_i32, %c0_i32_0 : i32, i32
  }
  func.func @transform_10(%arg0: i32) -> (i32, i32) {
    %c0_i32 = arith.constant 0 : i32
    %c0_i32_0 = arith.constant 0 : i32
    %c0_i32_1 = arith.constant 0 : i32
    return %c0_i32, %c0_i32_0 : i32, i32
  }
  func.func @transform_11(%arg0: i32) -> (i32, i32) {
    %c0_i32 = arith.constant 0 : i32
    %c0_i32_0 = arith.constant 0 : i32
    %c0_i32_1 = arith.constant 0 : i32
    return %c0_i32, %c0_i32_0 : i32, i32
  }
  func.func @transform_12(%arg0: i32) -> (i32, i32) {
    %c0_i32 = arith.constant 0 : i32
    %c0_i32_0 = arith.constant 0 : i32
    return %arg0, %c0_i32 : i32, i32
  }
  func.func @transform_13(%arg0: i32) -> (i32, i32) {
    %c0_i32 = arith.constant 0 : i32
    %c0_i32_0 = arith.constant 0 : i32
    return %arg0, %c0_i32 : i32, i32
  }
  func.func @transform_14(%arg0: i32) -> (i32, i32, i32) {
    %c0_i32 = arith.constant 0 : i32
    %c0_i32_0 = arith.constant 0 : i32
    %c0_i32_1 = arith.constant 0 : i32
    return %arg0, %c0_i32, %c0_i32_0 : i32, i32, i32
  }
}

</mosaic_0001>

<sc_bundles>
// kernel: kernel.4.cloned.1.call-start
scs
__scs_entry_jumppad:
0x0: {  	(pc) =	sbr.rel $0x88, $3  }
0x1: {  	(tag) =	ssettag $0x0;
	lr =	simm.s32 $0x1  }
0x2: {  	[smem:$0x3F95] =	sst lr;
	_ =	strace $0xD0000000  }
0x3: {  	_ = 	snop  }
0x4: {  	_ = 	snop  }
0x5: {  	_ = 	snop  }
0x6: {  	_ = 	snop  }
0x7: {  	_ = 	snop  }
__scs_overlays_trampoline_lowered:
0x8: {  	[smem:$0x3FA4] =	sst s0  }
0x9: {  	[smem:$0x3FA5] =	sst s1  }
0xa: {  	[smem:$0x3FA6] =	sst s2  }
0xb: {  	[smem:$0x3FA7] =	sst s3  }
0xc: {  	[smem:$0x3FA8] =	sst s4  }
0xd: {  	[smem:$0x3FA9] =	sst s5  }
0xe: {  	[smem:$0x3FAA] =	sst s6  }
0xf: {  	[smem:$0x3FAB] =	sst s7  }
0x10: {  	[smem:$0x3FAC] =	sst s8  }
0x11: {  	[smem:$0x3FAD] =	sst s9;
	s0 =	simm.s32 @!p0 $0x0  }
0x12: {  	s1 =	sld [smem:$0x3F93];
	s0 =	simm.s32 @p0 $0x1  }
0x13: {  	[smem:$0x3FAE] =	sst s0;
	s0 =	simm.s32 @!p1 $0x0  }
0x14: {  	s2 =	sld [smem:$0x3F92];
	s0 =	simm.s32 @p1 $0x1  }
0x15: {  	[smem:$0x3FAF] =	sst s0;
	s0 =	simm.s32 @!p2 $0x0  }
0x16: {  	s3 =	sld [smem:$0x3FDB];
	s0 =	simm.s32 @p2 $0x1  }
0x17: {  	s4 =	simm.s32 $0x1BF5;
	[smem:$0x3FB1] =	sst s0  }
0x18: {  	s0 =	sld [smem:$0x3F94];
	_ =	swait.ge [sflag:s4], $0x0  }
0x19: {  	s7 =	sld [smem:$0x3F95]  }
0x1a: {  	s8 =	sadd.s32 $0xFFFFE003, lr  }
0x1b: {  	s9 =	sadd.s32 $0xFFFFFEF7, lr;
	s5 =	simm.s32 $0xFFFFFFFF;
	p2 =	slt.u32 s8, $0xFFFFF086  }
0x1c: {  	p1 =	slt.u32 s9, $0xF7A;
	s5 =	simm.s32 @!p2 $0x0  }
0x1d: {  	s5 =	simm.s32 @p1 $0x1;
	p0 =	seq.s32 s7, s2  }
0x1e: {  	s7 =	smul.u32 @!p0 $0xF7A, s2;
	p2 =	seq.s32 @!p0 s5, $0x0  }
0x1f: {  	s9 =	smul.u32 $0xF7A, s1;
	s8 =	simm.s32 @!p0 $0x1BF5;
	p2 =	por !p2, p0  }
0x20: {  	[sflag:s8] =	ssyncset.s32 @!p0 $0xFFFFF086;
	s6 =	sadd.s32 @!p0 s3, s7;
	s7 =	simm.s32 @!p0 $0x108  }
0x21: {  	s3 =	sadd.s32 s3, s9;
	s6 =	sadd.s32 @!p0 $0x88, s6;
	s7 =	simm.s32 @p2 $0x1082  }
0x22: {  	[simem:s7], [sflag:s8] =	dma.local @!p0 [hbm:s6], $0xF7A  }
0x23: {  	s9 =	sor.u32 $0xD0000000, s2;
	s6 =	simm.s32 $0x108;
	_ =	swait.ge @!p0 [sflag:s8], $0x0  }
0x24: {  	s3 =	sadd.s32 $0x88, s3;
	s6 =	simm.s32 @!p1 $0x1082;
	[sflag:s4] =	ssyncset.s32 $0xFFFFF086  }
0x25: {  	[simem:s6], [sflag:s4] =	dma.local [hbm:s3], $0xF7A  }
0x26: {  	[smem:$0x3F95] =	sst s1;
	(tag) =	ssettag s2;
	_ =	strace s9  }
0x27: {  	s1 =	sld [smem:$0x3FA5]  }
0x28: {  	s2 =	sld [smem:$0x3FA6]  }
0x29: {  	s4 =	sld [smem:$0x3FA8]  }
0x2a: {  	p0 =	seq.s32 s5, $0x0;
	s5 =	sld [smem:$0x3FA9]  }
0x2b: {  	s6 =	sld [smem:$0x3FAA]  }
0x2c: {  	s7 =	sld [smem:$0x3FAB]  }
0x2d: {  	s3 =	simm.s32 $0x108;
	s8 =	sld [smem:$0x3FAC]  }
0x2e: {  	s3 =	simm.s32 @!p0 $0x1082;
	s9 =	sld [smem:$0x3FAD]  }
0x2f: {  	lr =	sadd.s32 s0, s3;
	s0 =	sld [smem:$0x3FA4]  }
0x30: {  	s3 =	sld [smem:$0x3FA7]  }
0x31: {  	[smem:$0x3FB0] =	sst s10  }
0x32: {  	s10 =	sld [smem:$0x3FAE];
	_ =	sdelay $0x3  }
0x33: {  	p0 =	seq.s32 s10, $0x1;
	s10 =	sld [smem:$0x3FB0];
	_ =	sdelay $0x3  }
0x34: {  	[smem:$0x3FB0] =	sst s10  }
0x35: {  	s10 =	sld [smem:$0x3FAF];
	_ =	sdelay $0x3  }
0x36: {  	p1 =	seq.s32 s10, $0x1;
	s10 =	sld [smem:$0x3FB0];
	_ =	sdelay $0x3  }
0x37: {  	[smem:$0x3FB0] =	sst s10  }
0x38: {  	s10 =	sld [smem:$0x3FB1]  }
0x39: {  	_ = 	snop;
	(pc) =	sbr.ind lr, $3  }
0x3a: {  	_ = 	snop  }
0x3b: {  	_ = 	snop  }
0x3c: {  	p2 =	seq.s32 s10, $0x1;
	s10 =	sld [smem:$0x3FB0]  }
0x3d: {  	_ =	shalt  }
0x3e: {  	_ =	shalt  }
0x3f: {  	_ =	shalt  }
0x40: {  	_ =	shalt  }
0x41: {  	_ =	shalt  }
0x42: {  	_ =	shalt  }
0x43: {  	_ =	shalt  }
0x44: {  	_ =	shalt  }
0x45: {  	_ =	shalt  }
0x46: {  	_ =	shalt  }
0x47: {  	_ =	shalt  }
0x48: {  	_ =	shalt  }
0x49: {  	_ =	shalt  }
0x4a: {  	_ =	shalt  }
0x4b: {  	_ =	shalt  }
0x4c: {  	_ =	shalt  }
0x4d: {  	_ =	shalt  }
0x4e: {  	_ =	shalt  }
0x4f: {  	_ =	shalt  }
0x50: {  	_ =	shalt  }
0x51: {  	_ =	shalt  }
0x52: {  	_ =	shalt  }
0x53: {  	_ =	shalt  }
0x54: {  	_ =	shalt  }
0x55: {  	_ =	shalt  }
0x56: {  	_ =	shalt  }
0x57: {  	_ =	shalt  }
0x58: {  	_ =	shalt  }
0x59: {  	_ =	shalt  }
0x5a: {  	_ =	shalt  }
0x5b: {  	_ =	shalt  }
0x5c: {  	_ =	shalt  }
0x5d: {  	_ =	shalt  }
0x5e: {  	_ =	shalt  }
0x5f: {  	_ =	shalt  }
0x60: {  	_ =	shalt  }
0x61: {  	_ =	shalt  }
0x62: {  	_ =	shalt  }
0x63: {  	_ =	shalt  }
0x64: {  	_ =	shalt  }
0x65: {  	_ =	shalt  }
0x66: {  	_ =	shalt  }
0x67: {  	_ =	shalt  }
0x68: {  	_ =	shalt  }
0x69: {  	_ =	shalt  }
0x6a: {  	_ =	shalt  }
0x6b: {  	_ =	shalt  }
0x6c: {  	_ =	shalt  }
0x6d: {  	_ =	shalt  }
0x6e: {  	_ =	shalt  }
0x6f: {  	_ =	shalt  }
0x70: {  	_ =	shalt  }
0x71: {  	_ =	shalt  }
0x72: {  	_ =	shalt  }
0x73: {  	_ =	shalt  }
0x74: {  	_ =	shalt  }
0x75: {  	_ =	shalt  }
0x76: {  	_ =	shalt  }
0x77: {  	_ =	shalt  }
0x78: {  	_ =	shalt  }
0x79: {  	_ =	shalt  }
0x7a: {  	_ =	shalt  }
0x7b: {  	_ =	shalt  }
0x7c: {  	_ =	shalt  }
0x7d: {  	_ =	shalt  }
0x7e: {  	_ =	shalt  }
0x7f: {  	_ =	shalt  }
0x80: {  	_ =	shalt  }
0x81: {  	_ =	shalt  }
0x82: {  	_ =	shalt  }
0x83: {  	_ =	shalt  }
0x84: {  	_ =	shalt  }
0x85: {  	_ =	shalt  }
0x86: {  	_ =	shalt  }
0x87: {  	_ =	shalt  }
.Lfunc_end0:
.L_simem_size_0:
called_computation_lowered:
.L_overlay_start_0:
0x88: {  	s2 =	sld [smem:$0x3FD9]  }
0x89: {  	s3 =	sld [smem:$0x3FFE];
	_ =	sdelay $0x1  }
0x8a: {  	s1 =	srdreg.scid  }
0x8b: {  	s0 =	sand.u32 $0x1, s1  }
0x8c: {  	s14 =	sshll.u32 s0, $0xA;
	s2 =	sadd.s32 s3, s2  }
0x8d: {  	s2 =	sadd.s32 s2, s14  }
0x8e: {  	[smem:$0x3FBC] =	sst s2  }
0x8f: {  	_ = 	snop  }
0x90: {  	s2 =	sld [smem:$0x3FD0];
	_ =	sdelay $0x2  }
0x91: {  	s4 =	simm.s32 $0xA;
	s5 =	simm.s32 $0x10;
	s15 =	sld [smem:$0x3FC9]  }
0x92: {  	[smem:s5], [sflag:s4] =	dma.local [hbm:s2], $0x1  }
0x93: {  	_ =	swait.eq [sflag:s4], $0x1  }
0x94: {  	[sflag:s4] =	ssyncset.done $0x0  }
0x95: {  	s16 =	sld [smem:$0x10];
	[sflag:s4] =	ssyncadd.s32 $0xFFFFFFFF  }
0x96: {  	s17 =	sld [smem:$0x11];
	(tm) =	ssettm $0x1  }
0x97: {  	s18 =	sld [smem:$0x3FFB];
	_ =	sdelay $0x3  }
0x98: {  	_ =	strace s18  }
0x99: {  	s5 =	sld [smem:$0x3FFC];
	_ =	sdelay $0x3  }
0x9a: {  	_ =	strace s5  }
0x9b: {  	s5 =	sld [smem:$0x3FFD];
	_ =	sdelay $0x3  }
0x9c: {  	_ =	strace s5  }
0x9d: {  	_ =	strace $0x8FFFFFFF  }
0x9e: {  	s19 =	sld [smem:$0x3FDB];
	_ =	sdelay $0x1  }
0x9f: {  	s6 =	simm.s32 $_scs_section_size  }
0xa0: {  	s7 =	simm.s32 $_size__tile_overlayer_lowered;
	s8 =	simm.s32 $_tile_overlayer_lowered  }
0xa1: {  	s22 =	simm.s32 $0x1BFF;
	s21 =	sshll.u32 s8, $0x1;
	s5 =	sadd.s32 s6, s19  }
0xa2: {  	s9 =	simm.s32 $0x0;
	s20 =	sshll.u32 s7, $0x1;
	s7 =	sadd.s32 s21, s5  }
0xa3: {  	[timem:s9], [sflag:s22] =	dma.local [hbm:s7], s20  }
0xa4: {  	_ =	swait.ge [sflag:s22], s20  }
0xa5: {  	s6 =	ssub.s32 $0x0, s20;
	[sflag:s22] =	ssyncset.done $0x0  }
0xa6: {  	[sflag:s22] =	ssyncadd.s32 s6;
	_ =	sdelay $0x1  }
0xa7: {  	s23 =	simm.s32 $0x1B8B  }
0xa8: {  	_ =	swait.ge [sflag:s23], $0x1  }
0xa9: {  	[sflag:s23] =	ssyncset.done $0x0  }
0xaa: {  	s25 =	simm.s32 $0x1B8E;
	s24 =	sld [smem:$0x3FFE];
	[sflag:s23] =	ssyncadd.s32 $0xFFFFFFFF  }
0xab: {  	s26 =	simm.s32 $execute0_lowered;
	[smem:$0x3FD2] =	sst s25  }
0xac: {  	s7 =	sshll.u32 s26, $0x1;
	_ =	strace $0x80000046;
	[dreg:$0x1] =	wrdreg $0xFFFFFFFF  }
0xad: {  	s28 =	simm.s32 $_size_execute0_lowered;
	s5 =	sadd.s32 s5, s7;
	[dreg:$0x0] =	wrdreg $0x0  }
0xae: {  	s7 =	sshll.u32 s28, $0x1;
	[dreg:$0x2] =	wrdreg s5  }
0xaf: {  	[dreg:$0x3] =	wrdreg s7  }
0xb0: {  	[dreg:$0x4] =	wrdreg $0xC0  }
0xb1: {  	_ =	task [dreg:s9], $0x5FFFF  }
0xb2: {  	[dreg:$0x1] =	wrdreg $0xFFFFFFFF  }
0xb3: {  	[dreg:$0x0] =	wrdreg $0x60  }
0xb4: {  	[dreg:$0x2] =	wrdreg s24  }
0xb5: {  	[dreg:$0x3] =	wrdreg s15  }
0xb6: {  	[dreg:$0x4] =	wrdreg s16  }
0xb7: {  	[dreg:$0x5] =	wrdreg s17  }
0xb8: {  	[dreg:$0x6] =	wrdreg $0x69F80  }
0xb9: {  	[dreg:$0x7] =	wrdreg $0x69F00  }
0xba: {  	[dreg:$0x8] =	wrdreg $0x69800  }
0xbb: {  	[dreg:$0x9] =	wrdreg $0x69B80  }
0xbc: {  	[dreg:$0xa] =	wrdreg $0x9  }
0xbd: {  	_ =	task.clear_ibuf [dreg:s9], $0xBFFFF;
	_ =	strace $0x90000046  }
0xbe: {  	s29 =	simm.s32 $0x9;
	_ =	strace $0x80000048  }
0xbf: {  	_ =	swait.ge [sflag:s29], $0x1  }
0xc0: {  	[sflag:s29] =	ssyncadd.s32 $0xFFFFFFFF  }
0xc1: {  	_ =	strace $0x90000048  }
0xc2: {  	_ =	sfence  }
0xc3: {  	s30 =	sld [smem:$0x0];
	_ =	sdelay $0x2  }
0xc4: {  	s31 =	sshll.u32 s1, $0xD;
	s1 =	sshrl.u32 s1, $0x2  }
0xc5: {  	s3 =	sand.u32 $0x4000, s31;
	s1 =	sadd.s32 s1, s30  }
0xc6: {  	s0 =	sor.u32 s3, s0;
	s1 =	sshll.u32 s1, $0x11  }
0xc7: {  	s0 =	sor.u32 s1, s0  }
0xc8: {  	s0 =	sadd.s32 $0x8F2B, s0  }
0xc9: {  	[sflag:s0] =	ssyncadd.remote.s32 $0x1  }
0xca: {  	_ =	sfence.sel $0xFFFF  }
0xcb: {  	[dreg:$0x0] =	wrdreg $0xFFFFFFFF;
	(pc) =	sbr.abs _section_cstart, $3  }
0xcc: {  	[dreg:$0x1] =	wrdreg $0xFFFFFFFF  }
0xcd: {  	_ =	task.clear_ibuf [dreg:s9], $0x2FFFF;
	_ =	strace $0x9FFFFFFF  }
0xce: {  	(tm) =	ssettm $0x7FFFFFFF  }
0xcf: {  	_ =	shalt  }
tec
execute0_lowered:
.L_overlay_start_1:
0x0: {  	(tag) =	ssettag $0x1  }
0x1: {  	s2 =	rddreg [dreg:$0x0]  }
0x2: {  	s0 =	rddreg [dreg:$0x1]  }
0x3: {  	s6 =	rddreg [dreg:$0x3]  }
0x4: {  	s18 =	rddreg [dreg:$0x4]  }
0x5: {  	s8 =	rddreg [dreg:$0x5]  }
0x6: {  	s1 =	srdreg.scid;
	s9 =	rddreg [dreg:$0x6]  }
0x7: {  	s3 =	stileid.u32;
	s11 =	rddreg [dreg:$0x7];
	v0 =	vlaneseq.u32;
	v50 =	vimm.s32 $0x0  }
0x8: {  	s5 =	simm.s32 $0x0;
	s30 =	simm.s32 $0x3F00;
	s28 =	simm.s32 $0x1;
	v51 =	vimm.s32 $0x1;
	vm0 =	vcmask $0x704;
	v4 =	vor.u32 $0x10, v0  }
0x9: {  	s7 =	sand.u32 $0x1, s1;
	s12 =	sshrl.u32 s3, $0x3;
	s19 =	sand.u32 $0x7, s3;
	v6 =	vor.u32 $0x20, v0;
	v7 =	vor.u32 $0x30, v0;
	v10 =	vor.u32 $0x40, v0  }
0xa: {  	[smem:$0x7FF] =	sst s5;
	v12 =	vor.u32 $0x50, v0;
	v13 =	vor.u32 $0x60, v0;
	v16 =	vor.u32 $0x70, v0;
	s1 =	sshll.u32 s7, $0x1;
	s14 =	smul.u32 $0x28, s19  }
0xb: {  	v18 =	vor.u32 $0x80, v0;
	v19 =	vor.u32 $0x90, v0;
	v22 =	vor.u32 $0xA0, v0;
	s4 =	smul.u32 $0x180, s12;
	_ =	strace $0x80000047;
	s17 =	ssub.s32 $0x2, s7  }
0xc: {  	v24 =	vor.u32 $0xB0, v0;
	v25 =	vor.u32 $0xC0, v0;
	v28 =	vor.u32 $0xD0, v0;
	s21 =	smul.u32 $0x1A0, s12;
	s23 =	sshll.u32 s12, $0x4;
	s26 =	sshll.u32 s7, $0xE  }
0xd: {  	v30 =	vor.u32 $0xE0, v0;
	v31 =	vor.u32 $0xF0, v0;
	v34 =	vor.u32 $0x100, v0;
	s29 =	sshll.u32 s12, $0xD;
	p0 =	sne.s32 s19, $0x0;
	p1 =	seq.s32 s19, $0x7  }
0xe: {  	v36 =	vor.u32 $0x110, v0;
	v37 =	vor.u32 $0x120, v0;
	v40 =	vor.u32 $0x130, v0;
	s10 =	sor.u32 s12, s1;
	s20 =	sshrl.u32 s17, $0x1;
	s8 =	sadd.s32 s23, s8  }
0xf: {  	v42 =	vor.u32 $0x140, v0;
	v43 =	vor.u32 $0x150, v0;
	v46 =	vor.u32 $0x160, v0;
	s23 =	simm.s32 $0x3400;
	s1 =	simm.s32 $0x3600;
	s13 =	smul.u32 $0x130, s10  }
0x10: {  	v48 =	vor.u32 $0x170, v0;
	v53 =	vor.u32 $0x80000000, v0;
	s10 =	sshll.u32 s10, $0xA;
	s15 =	sadd.s32 $0x170, s4;
	v3 =	vor.u32 s4, v0;
	s17 =	ssub.s32 s17, s20  }
0x11: {  	v2 =	vmov s4;
	s24 =	sadd.s32 s4, s18;
	s9 =	sadd.s32 s21, s9;
	v17 =	vor.u32 s4, v16;
	s18 =	simm.s32 $0x2;
	[tilespmem:$0x1FF90] =	vst v3;
	v3 =	vor.u32 s4, v4  }
0x12: {  	v20 =	vadd.s32 s4, v18;
	v21 =	vadd.s32 s4, v19;
	s20 =	simm.s32 $0x2000;
	s10 =	sadd.s32 s10, s2;
	[dreg:$0xa] =	wrdreg s24;
	[tilespmem:$0x1FFA0] =	vst v3;
	v3 =	vor.u32 s4, v6  }
0x13: {  	v23 =	vadd.s32 s4, v22;
	v26 =	vadd.s32 s4, v24;
	s3 =	sadd.s32 s14, s24;
	s31 =	smax.u32 s17, $0x1;
	s17 =	sor.u32 s29, s26;
	[tilespmem:$0x1FFB0] =	vst v3;
	v3 =	vor.u32 s4, v7  }
0x14: {  	v27 =	vadd.s32 s4, v25;
	v29 =	vadd.s32 s4, v28;
	s26 =	simm.s32 $0x0;
	s13 =	sadd.s32 s14, s13;
	s22 =	sadd.s32 $0x81A00, s10;
	[tilespmem:$0x1FFC0] =	vst v3;
	v3 =	vor.u32 s4, v10  }
.Ltmp0:
0x15: {  	v32 =	vadd.s32 s4, v30;
	v33 =	vadd.s32 s4, v31;
	s10 =	sadd.s32 s21, s11;
	[dreg:$0xb] =	wrdreg s3;
	[tilespmem:$0x1FFD0] =	vst v3;
	v3 =	vor.u32 s4, v12;
	(pc) =	sbr.rel .LBB2_1-.Ltmp0, $4  }
0x16: {  	v35 =	vadd.s32 s4, v34;
	v38 =	vadd.s32 s4, v36;
	s11 =	smul.u32 $0x30, s19;
	[dreg:$0xc] =	wrdreg s31;
	s21 =	simm.s32 $0x3000;
	[tilespmem:$0x1FFE0] =	vst v3;
	v3 =	vor.u32 s4, v13  }
0x17: {  	v39 =	vadd.s32 s4, v37;
	v41 =	vadd.s32 s4, v40;
	s19 =	simm.s32 $0x3780;
	s16 =	sshll.u32 s13, $0x5;
	s25 =	sshrl.u32 s13, $0x1;
	[tilespmem:$0x1FFF0] =	vst v3;
	v3 =	vmul.u32 $0xFFFFFFFF, v0  }
0x18: {  	v44 =	vadd.s32 s4, v42;
	v45 =	vadd.s32 s4, v43;
	v47 =	vadd.s32 s4, v46;
	[dreg:$0x9] =	wrdreg s22;
	s2 =	sadd.s32 s16, s2;
	s14 =	sadd.s32 s6, s25  }
0x19: {  	v49 =	vadd.s32 s4, v48;
	v1 =	vor.u32 s15, v0;
	s22 =	simm.s32 $0x3200;
	s13 =	sadd.s32 $0x82A00, s2;
	s15 =	sadd.s32 $0xA, s14;
	v52 =	vadd.s32 $0xF, v3  }
.LBB2_46:
0x1a: {  	s2 =	rddreg [dreg:$0x4]  }
0x1b: {  	s3 =	simm.s32 $0x30;
	s4 =	simm.s32 $0x3C00;
	s6 =	simm.s32 $0x3C80  }
0x1c: {  	[spmem:s2] =	stream.indirect.scatter.add.s32 [tilespmem:s6], [sflag:$0x2], $0x1, s4, s3, $0xb8;
	[tilespmem:$0x6A28] =	vst v63  }
0x1d: {  	_ =	swait.ge [sflag:s18], $0x30  }
0x1e: {  	[sflag:s18] =	ssyncset.done $0x0  }
0x1f: {  	[sflag:s18] =	ssyncadd.s32 $0xFFFFFFD0  }
0x20: {  	[bflag:$0x0] =	sbarrier.arrive $0xFFFF  }
0x21: {  	s25 =	rddreg [dreg:$0xb]  }
0x22: {  	[tilespmem:s30], [sflag:$0x2] =	stream.linear.gather [spmem:s25], $0x28, $0x38;
	[tilespmem:$0x6A28] =	vst v63  }
0x23: {  	_ =	swait.ge [sflag:s18], $0x28  }
0x24: {  	[sflag:s18] =	ssyncset.done $0x0  }
0x25: {  	[sflag:s18] =	ssyncadd.s32 $0xFFFFFFD8  }
0x26: {  	v3 =	vld [tilespmem:$0x3F00];
	_ =	sdelay $0x4  }
0x27: {  	v5 =	vshll.u32 v3, $0x1  }
0x28: {  	v3 =	vand.u32 $0x7, v3;
	v5 =	vand.u32 $0xFFFFFFF0, v5  }
0x29: {  	v8 =	vshrl.u32 v0, $0x3;
	v3 =	vor.u32 v3, v5;
	v5 =	vand.u32 $0x7, v0  }
0x2a: {  	v8 =	vmul.u32 $0x8, v8;
	v9 =	vperm.xlane v3, v5  }
0x2b: {  	v11 =	vor.u32 $0x8, v0  }
0x2c: {  	v3 =	vperm.xlane v3, v11;
	v9 =	vadd.s32 v8, v9;
	_ =	sdelay $0x1  }
0x2d: {  	v3 =	vadd.s32 v8, v3;
	_ =	sdelay $0x1  }
0x2e: {  	vm1 =	vmmov $0xffff;
	s29 =	simm.s32 $0x3F80  }
0x2f: {  	[tilespmem:s29], [sflag:$0x1] =	stream.indirect_vreg.gather [hbm4b:s0+s5], $0x80, v9, vm1, $0xb8;
	[tilespmem:$0x6A28] =	vst v63  }
0x30: {  	s31 =	simm.s32 $0x4780  }
0x31: {  	[tilespmem:s31], [sflag:$0x1] =	stream.indirect_vreg.gather [hbm4b:s0+s5], $0x80, v3, vm1, $0xb8;
	[tilespmem:$0x6A28] =	vst v63  }
0x32: {  	v3 =	vld [tilespmem:$0x3F10];
	_ =	sdelay $0x4  }
0x33: {  	v9 =	vshll.u32 v3, $0x1  }
0x34: {  	v3 =	vand.u32 $0x7, v3;
	v9 =	vand.u32 $0xFFFFFFF0, v9  }
0x35: {  	v3 =	vor.u32 v3, v9  }
0x36: {  	v9 =	vperm.xlane v3, v5;
	_ =	sdelay $0x1  }
0x37: {  	v3 =	vperm.xlane v3, v11;
	v9 =	vadd.s32 v8, v9;
	_ =	sdelay $0x1  }
0x38: {  	v3 =	vadd.s32 v8, v3;
	_ =	sdelay $0x1  }
0x39: {  	s3 =	simm.s32 $0x4F80  }
0x3a: {  	[tilespmem:s3], [sflag:$0x1] =	stream.indirect_vreg.gather [hbm4b:s0+s5], $0x80, v9, vm1, $0xb8;
	[tilespmem:$0x6A28] =	vst v63  }
0x3b: {  	s4 =	simm.s32 $0x5780  }
0x3c: {  	[tilespmem:s4], [sflag:$0x1] =	stream.indirect_vreg.gather [hbm4b:s0+s5], $0x80, v3, vm1, $0xb8;
	[tilespmem:$0x6A28] =	vst v63  }
0x3d: {  	v3 =	vld.msk [tilespmem:$0x3F20], $0xff;
	_ =	sdelay $0x4  }
0x3e: {  	v9 =	vshll.u32 v3, $0x1  }
0x3f: {  	v3 =	vand.u32 $0x7, v3;
	v9 =	vand.u32 $0xFFFFFFF0, v9  }
0x40: {  	v3 =	vor.u32 v3, v9  }
0x41: {  	v3 =	vperm.xlane v3, v5;
	_ =	sdelay $0x1  }
0x42: {  	v3 =	vadd.s32 v8, v3;
	_ =	sdelay $0x3  }
0x43: {  	s6 =	simm.s32 $0x5F80;
	v5 =	vshrl.u32 v0, $0x2  }
0x44: {  	[tilespmem:s6], [sflag:$0x1] =	stream.indirect_vreg.gather [hbm4b:s0+s5], $0x80, v3, vm1, $0xb8;
	[tilespmem:$0x6A28] =	vst v63  }
0x45: {  	_ =	swait.ge [sflag:s28], $0x2800  }
0x46: {  	[sflag:s28] =	ssyncset.done $0x0  }
0x47: {  	[sflag:s28] =	ssyncadd.s32 $0xFFFFD800  }
0x48: {  	v3 =	vld.idx.msk [tilespmem:v5+s30+$0x0], $0xffff;
	_ =	sdelay $0x2  }
0x49: {  	v8 =	vor.u32 $0x4, v5;
	_ =	sdelay $0x1  }
0x4a: {  	v9 =	vand.u32 $0x3, v0;
	v3 =	vshll.u32 v3, $0x2  }
0x4b: {  	v3 =	vor.u32 v9, v3  }
0x4c: {  	[tilespmem:$0x6780] =	vst v3  }
0x4d: {  	v3 =	vld.idx.msk [tilespmem:v8+s30+$0x0], $0xffff;
	_ =	sdelay $0x2  }
0x4e: {  	v8 =	vor.u32 $0x8, v5;
	_ =	sdelay $0x1  }
0x4f: {  	v3 =	vshll.u32 v3, $0x2  }
0x50: {  	v3 =	vor.u32 v9, v3  }
0x51: {  	[tilespmem:$0x6790] =	vst v3  }
0x52: {  	v3 =	vld.idx.msk [tilespmem:v8+s30+$0x0], $0xffff;
	_ =	sdelay $0x2  }
0x53: {  	v8 =	vor.u32 $0xC, v5;
	_ =	sdelay $0x1  }
0x54: {  	v3 =	vshll.u32 v3, $0x2  }
0x55: {  	v3 =	vor.u32 v9, v3  }
0x56: {  	[tilespmem:$0x67A0] =	vst v3  }
0x57: {  	v3 =	vld.idx.msk [tilespmem:v8+s30+$0x0], $0xffff;
	_ =	sdelay $0x2  }
0x58: {  	v8 =	vor.u32 $0x10, v5;
	_ =	sdelay $0x1  }
0x59: {  	v3 =	vshll.u32 v3, $0x2  }
0x5a: {  	v3 =	vor.u32 v9, v3  }
0x5b: {  	[tilespmem:$0x67B0] =	vst v3  }
0x5c: {  	v3 =	vld.idx.msk [tilespmem:v8+s30+$0x0], $0xffff;
	_ =	sdelay $0x2  }
0x5d: {  	v8 =	vor.u32 $0x14, v5;
	_ =	sdelay $0x1  }
0x5e: {  	v3 =	vshll.u32 v3, $0x2  }
0x5f: {  	v3 =	vor.u32 v9, v3  }
0x60: {  	[tilespmem:$0x67C0] =	vst v3  }
0x61: {  	v3 =	vld.idx.msk [tilespmem:v8+s30+$0x0], $0xffff;
	_ =	sdelay $0x2  }
0x62: {  	v8 =	vor.u32 $0x18, v5;
	_ =	sdelay $0x1  }
0x63: {  	v3 =	vshll.u32 v3, $0x2  }
0x64: {  	v3 =	vor.u32 v9, v3  }
0x65: {  	[tilespmem:$0x6800] =	vst v3  }
0x66: {  	v3 =	vld.idx.msk [tilespmem:v8+s30+$0x0], $0xffff;
	_ =	sdelay $0x2  }
0x67: {  	v8 =	vor.u32 $0x1C, v5;
	_ =	sdelay $0x1  }
0x68: {  	v3 =	vshll.u32 v3, $0x2  }
0x69: {  	v3 =	vor.u32 v9, v3  }
0x6a: {  	[tilespmem:$0x6810] =	vst v3  }
0x6b: {  	v3 =	vld.idx.msk [tilespmem:v8+s30+$0x0], $0xffff;
	_ =	sdelay $0x2  }
0x6c: {  	v8 =	vor.u32 $0x20, v5;
	_ =	sdelay $0x1  }
0x6d: {  	v3 =	vshll.u32 v3, $0x2  }
0x6e: {  	v3 =	vor.u32 v9, v3  }
0x6f: {  	[tilespmem:$0x6820] =	vst v3  }
0x70: {  	v3 =	vld.idx.msk [tilespmem:v8+s30+$0x0], $0xffff;
	_ =	sdelay $0x2  }
0x71: {  	v5 =	vor.u32 $0x24, v5;
	_ =	sdelay $0x1  }
0x72: {  	v3 =	vshll.u32 v3, $0x2  }
0x73: {  	v3 =	vor.u32 v9, v3  }
0x74: {  	[tilespmem:$0x6830] =	vst v3  }
0x75: {  	v3 =	vld.idx.msk [tilespmem:v5+s30+$0x0], $0xffff;
	_ =	sdelay $0x4  }
0x76: {  	v3 =	vshll.u32 v3, $0x2  }
0x77: {  	s12 =	simm.s32 $0x50;
	v3 =	vor.u32 v9, v3  }
0x78: {  	s16 =	simm.s32 $0x6780;
	s24 =	simm.s32 $0x6880;
	s7 =	rddreg [dreg:$0x2];
	[tilespmem:$0x6840] =	vst v3  }
0x79: {  	[tilespmem:s24], [sflag:$0x1] =	stream.indirect.gather [hbm4b:s7+s12], $0x1, s16, s12, $0xb8;
	[tilespmem:$0x6A28] =	vst v63  }
0x7a: {  	_ =	swait.ge [sflag:s28], $0x50  }
0x7b: {  	[sflag:s28] =	ssyncset.done $0x0  }
0x7c: {  	s25 =	simm.s32 $0x6800;
	s29 =	simm.s32 $0x6900;
	[sflag:s28] =	ssyncadd.s32 $0xFFFFFFB0  }
0x7d: {  	[tilespmem:s29], [sflag:$0x1] =	stream.indirect.gather [hbm4b:s7+s12], $0x1, s25, s12, $0xb8;
	[tilespmem:$0x6A28] =	vst v63  }
0x7e: {  	_ =	swait.ge [sflag:s28], $0x50  }
0x7f: {  	[sflag:s28] =	ssyncset.done $0x0  }
0x80: {  	s2 =	simm.s32 @p1 $0x0;
	s3 =	simm.s32 @p1 $0x3F80;
	[sflag:s28] =	ssyncadd.s32 $0xFFFFFFB0  }
0x81: {  	[hbm4b:s13+s2] =	stream.linear.scatter @p1 [tilespmem:s3], [sflag:$0x2], $0x1800, $0x38;
	[tilespmem:$0x6A28] =	vst v63  }
0x82: {  	s3 =	simm.s32 @p1 $0x2  }
0x83: {  	_ =	swait.ge @p1 [sflag:s3], $0x1800  }
0x84: {  	[sflag:s3] =	ssyncset.done @p1 $0x0  }
0x85: {  	s4 =	simm.s32 @p1 $0x6880;
	[sflag:s3] =	ssyncadd.s32 @p1 $0xFFFFE800  }
0x86: {  	[hbm4b:s14+s2] =	stream.linear.scatter @p1 [tilespmem:s4], [sflag:$0x2], $0x50, $0x38;
	[tilespmem:$0x6A28] =	vst v63  }
0x87: {  	_ =	swait.ge @p1 [sflag:s3], $0x50  }
0x88: {  	[sflag:s3] =	ssyncset.done @p1 $0x0  }
0x89: {  	s4 =	simm.s32 @p1 $0x6900;
	[sflag:s3] =	ssyncadd.s32 @p1 $0xFFFFFFB0  }
0x8a: {  	[hbm4b:s15+s2] =	stream.linear.scatter @p1 [tilespmem:s4], [sflag:$0x2], $0x10, $0x38;
	[tilespmem:$0x6A28] =	vst v63  }
0x8b: {  	_ =	swait.ge @p1 [sflag:s3], $0x10  }
0x8c: {  	[sflag:s3] =	ssyncset.done @p1 $0x0  }
0x8d: {  	s2 =	simm.s32 @!p1 $0x0;
	[sflag:s3] =	ssyncadd.s32 @p1 $0xFFFFFFF0;
	s3 =	simm.s32 @!p1 $0x3F80  }
0x8e: {  	[hbm4b:s13+s2] =	stream.linear.scatter @!p1 [tilespmem:s3], [sflag:$0x2], $0x2800, $0x38;
	[tilespmem:$0x6A28] =	vst v63  }
0x8f: {  	s3 =	simm.s32 @!p1 $0x2  }
0x90: {  	_ =	swait.ge @!p1 [sflag:s3], $0x2800  }
0x91: {  	[sflag:s3] =	ssyncset.done @!p1 $0x0  }
0x92: {  	s4 =	simm.s32 @!p1 $0x6880;
	[sflag:s3] =	ssyncadd.s32 @!p1 $0xFFFFD800  }
0x93: {  	[hbm4b:s14+s2] =	stream.linear.scatter @!p1 [tilespmem:s4], [sflag:$0x2], $0x50, $0x38;
	[tilespmem:$0x6A28] =	vst v63  }
0x94: {  	_ =	swait.ge @!p1 [sflag:s3], $0x50  }
0x95: {  	[sflag:s3] =	ssyncset.done @!p1 $0x0  }
0x96: {  	s4 =	simm.s32 @!p1 $0x6900;
	[sflag:s3] =	ssyncadd.s32 @!p1 $0xFFFFFFB0  }
0x97: {  	[hbm4b:s15+s2] =	stream.linear.scatter @!p1 [tilespmem:s4], [sflag:$0x2], $0x50, $0x38;
	[tilespmem:$0x6A28] =	vst v63  }
0x98: {  	_ =	swait.ge @!p1 [sflag:s3], $0x50  }
0x99: {  	s26 =	sadd.s32 $0x1, s26;
	s31 =	rddreg [dreg:$0xc]  }
0x9a: {  	p2 =	sne.s32 s26, s31  }
.Ltmp1:
0x9b: {  	_ = 	snop;
	(pc) =	sbr.rel @!p2 .LBB2_47-.Ltmp1, $3  }
0x9c: {  	_ =	sdelay $0x1  }
0x9d: {  	[sflag:s3] =	ssyncset.done @!p1 $0x0  }
0x9e: {  	[sflag:s3] =	ssyncadd.s32 @!p1 $0xFFFFFFB0  }
.LBB2_1:
.Ltmp2:
0x9f: {  	(pc) =	sbr.rel @p0 .LBB2_37-.Ltmp2, $1  }
0xa0: {  	_ =	sdelay $0x3  }
0xa1: {  	s2 =	simm.s32 $0x0;
	s3 =	rddreg [dreg:$0x9]  }
0xa2: {  	[tilespmem:s2], [sflag:$0x2] =	stream.linear.gather [hbm4b:s3+s2], $0x2000, $0x38;
	[tilespmem:$0x6A28] =	vst v63  }
0xa3: {  	_ =	swait.ge [sflag:s18], $0x2000  }
0xa4: {  	[sflag:s18] =	ssyncset.done $0x0  }
0xa5: {  	[sflag:s18] =	ssyncadd.s32 $0xFFFFE000  }
0xa6: {  	[tilespmem:$0x3D80] =	vst v50  }
0xa7: {  	[tilespmem:$0x3D90] =	vst v50  }
0xa8: {  	[tilespmem:$0x3DA0] =	vst v50  }
0xa9: {  	[tilespmem:$0x3DB0] =	vst v50  }
0xaa: {  	[tilespmem:$0x3DC0] =	vst v50  }
0xab: {  	[tilespmem:$0x3DD0] =	vst v50  }
0xac: {  	[tilespmem:$0x3DE0] =	vst v50  }
0xad: {  	[tilespmem:$0x3DF0] =	vst v50  }
0xae: {  	[tilespmem:$0x3E00] =	vst v50  }
0xaf: {  	[tilespmem:$0x3E10] =	vst v50  }
0xb0: {  	[tilespmem:$0x3E20] =	vst v50  }
0xb1: {  	[tilespmem:$0x3E30] =	vst v50  }
0xb2: {  	[tilespmem:$0x3E40] =	vst v50  }
0xb3: {  	[tilespmem:$0x3E50] =	vst v50  }
0xb4: {  	[tilespmem:$0x3E60] =	vst v50  }
0xb5: {  	[tilespmem:$0x3E70] =	vst v50  }
0xb6: {  	[tilespmem:$0x3E80] =	vst v50  }
0xb7: {  	[tilespmem:$0x3E90] =	vst v50  }
0xb8: {  	[tilespmem:$0x3EA0] =	vst v50  }
0xb9: {  	[tilespmem:$0x3EB0] =	vst v50  }
0xba: {  	[tilespmem:$0x3EC0] =	vst v50  }
0xbb: {  	[tilespmem:$0x3ED0] =	vst v50  }
0xbc: {  	[tilespmem:$0x3EE0] =	vst v50  }
0xbd: {  	s4 =	simm.s32 $0x3D80;
	s31 =	rddreg [dreg:$0xa];
	[tilespmem:$0x3EF0] =	vst v50  }
0xbe: {  	[spmem:s31] =	stream.linear.scatter [tilespmem:s4], [sflag:$0x2], $0x180, $0x38;
	[tilespmem:$0x6A28] =	vst v63  }
0xbf: {  	_ =	swait.ge [sflag:s18], $0x180  }
0xc0: {  	[sflag:s18] =	ssyncset.done $0x0  }
0xc1: {  	s6 =	simm.s32 $0x100;
	s4 =	simm.s32 $0x0;
	[sflag:s18] =	ssyncadd.s32 $0xFFFFFE80  }
.LBB2_3:
0xc2: {  	p2 =	sne.s32 s6, $0x3F00;
	[tilespmem:s4+$0x2030] =	vst v50;
	s7 =	smov.u32 s6;
	s6 =	sadd.s32 $0x100, s6  }
.Ltmp3:
0xc3: {  	[tilespmem:s4+$0x2020] =	vst v50;
	(pc) =	sbr.rel @p2 .LBB2_3-.Ltmp3, $3  }
0xc4: {  	[tilespmem:s4+$0x2000] =	vst v50  }
0xc5: {  	[tilespmem:s4+$0x2010] =	vst v50;
	_ =	sdelay $0x1  }
0xc6: {  	s4 =	sshra.s32 s7, $0x2  }
0xc7: {  	[tilespmem:s4+$0x2030] =	vst v50  }
0xc8: {  	[tilespmem:s4+$0x2020] =	vst v50  }
0xc9: {  	[tilespmem:s4+$0x2000] =	vst v50  }
0xca: {  	[tilespmem:s4+$0x2010] =	vst v50  }
.LBB2_5:
0xcb: {  	s4 =	sshra.s32 s2, $0x2  }
0xcc: {  	v3 =	vld [tilespmem:s4+$0x0];
	_ =	sdelay $0x4  }
0xcd: {  	v3 =	vshrl.u32 v3, $0x14  }
0xce: {  	v3 =	vand.u32 $0xFF0, v3  }
0xcf: {  	v3 =	vor.u32 v0, v3;
	_ =	sdelay $0x4  }
0xd0: {  	[tilespmem:v3+s20+$0x0] =	vst.idx.add.s32.msk $0xffff, v51  }
0xd1: {  	v3 =	vld [tilespmem:s4+$0x10];
	_ =	sdelay $0x4  }
0xd2: {  	v3 =	vshrl.u32 v3, $0x14  }
0xd3: {  	v3 =	vand.u32 $0xFF0, v3  }
0xd4: {  	v3 =	vor.u32 v0, v3;
	_ =	sdelay $0x4  }
0xd5: {  	[tilespmem:v3+s20+$0x0] =	vst.idx.add.s32.msk $0xffff, v51  }
0xd6: {  	v3 =	vld [tilespmem:s4+$0x20];
	_ =	sdelay $0x4  }
0xd7: {  	v3 =	vshrl.u32 v3, $0x14  }
0xd8: {  	v3 =	vand.u32 $0xFF0, v3  }
0xd9: {  	v3 =	vor.u32 v0, v3;
	_ =	sdelay $0x4  }
0xda: {  	[tilespmem:v3+s20+$0x0] =	vst.idx.add.s32.msk $0xffff, v51  }
0xdb: {  	v3 =	vld [tilespmem:s4+$0x30];
	_ =	sdelay $0x4  }
0xdc: {  	v3 =	vshrl.u32 v3, $0x14  }
0xdd: {  	v3 =	vand.u32 $0xFF0, v3  }
0xde: {  	p2 =	sne.s32 s2, $0x7F00;
	v3 =	vor.u32 v0, v3  }
.Ltmp4:
0xdf: {  	_ = 	snop;
	(pc) =	sbr.rel @p2 .LBB2_5-.Ltmp4, $2  }
0xe0: {  	_ =	sdelay $0x2  }
0xe1: {  	s2 =	sadd.s32 $0x100, s2;
	[tilespmem:v3+s20+$0x0] =	vst.idx.add.s32.msk $0xffff, v51  }
0xe2: {  	s2 =	simm.s32 $0x2080  }
0xe3: {  	v3 =	vld [tilespmem:s2+$0xFFFFFF80]  }
0xe4: {  	v5 =	vld [tilespmem:s2+$0xFFFFFF90]  }
0xe5: {  	v8 =	vld [tilespmem:s2+$0xFFFFFFA0]  }
0xe6: {  	v9 =	vld [tilespmem:s2+$0xFFFFFFB0]  }
0xe7: {  	v11 =	vld [tilespmem:s2+$0xFFFFFFC0]  }
0xe8: {  	v54 =	vld [tilespmem:s2+$0xFFFFFFD0]  }
0xe9: {  	v3 =	vadd.s32 v3, v5;
	v5 =	vld [tilespmem:s2+$0xFFFFFFE0]  }
0xea: {  	v3 =	vadd.s32 v8, v3;
	v8 =	vld [tilespmem:s2+$0xFFFFFFF0]  }
0xeb: {  	v3 =	vadd.s32 v9, v3;
	v9 =	vld [tilespmem:s2+$0x0]  }
0xec: {  	v3 =	vadd.s32 v11, v3;
	v11 =	vld [tilespmem:s2+$0x10]  }
0xed: {  	v63 =	vld [tilespmem:s2+$0x20];
	v3 =	vadd.s32 v54, v3  }
0xee: {  	v57 =	vld [tilespmem:s2+$0x30];
	v3 =	vadd.s32 v5, v3  }
0xef: {  	v3 =	vadd.s32 v8, v3;
	v8 =	vld [tilespmem:s2+$0x40]  }
0xf0: {  	v5 =	vadd.s32 v9, v3;
	v3 =	vld [tilespmem:s2+$0x50]  }
0xf1: {  	v55 =	vld [tilespmem:s2+$0x60];
	v5 =	vadd.s32 v11, v5  }
0xf2: {  	s7 =	simm.s32 $0x2180;
	v56 =	vld [tilespmem:s2+$0x70];
	v9 =	vadd.s32 v63, v5  }
0xf3: {  	v5 =	vld [tilespmem:s7+$0xFFFFFF80];
	v9 =	vadd.s32 v57, v9  }
0xf4: {  	s6 =	simm.s32 $0x0;
	s4 =	simm.s32 $0x1;
	v54 =	vimm.s32 $0x0;
	s2 =	simm.s32 $0x2;
	v57 =	vld [tilespmem:s7+$0xFFFFFF90];
	v8 =	vadd.s32 v8, v9  }
.LBB2_7:
0xf5: {  	p2 =	sne.s32 s2, $0xF;
	v9 =	vld [tilespmem:s7+$0xFFFFFFA0];
	v3 =	vadd.s32 v3, v8  }
0xf6: {  	v8 =	vld [tilespmem:s7+$0xFFFFFFB0];
	v3 =	vadd.s32 v55, v3  }
0xf7: {  	v11 =	vld [tilespmem:s7+$0xFFFFFFC0];
	v3 =	vadd.s32 v56, v3  }
0xf8: {  	v55 =	vld [tilespmem:s7+$0xFFFFFFD0];
	(xrf0) =	vadd.scan.msk.s32 $0xffff, v3  }
0xf9: {  	v3 =	vadd.s32 v5, v57;
	v5 =	vld [tilespmem:s7+$0xFFFFFFE0]  }
0xfa: {  	v3 =	vadd.s32 v9, v3;
	v9 =	vld [tilespmem:s7+$0xFFFFFFF0]  }
0xfb: {  	v3 =	vadd.s32 v8, v3;
	v8 =	vld [tilespmem:s7+$0x0]  }
0xfc: {  	v3 =	vadd.s32 v11, v3;
	v11 =	vld [tilespmem:s7+$0x10]  }
0xfd: {  	v3 =	vadd.s32 v55, v3;
	v56 =	vld [tilespmem:s7+$0x20]  }
0xfe: {  	v3 =	vadd.s32 v5, v3;
	v57 =	vld [tilespmem:s7+$0x30];
	v5, _, _ =	vpop (xrf0)  }
0xff: {  	v55 =	vmov s6;
	s6 =	smov.u32 s4;
	s4 =	smov.u32 s2;
	v3 =	vadd.s32 v9, v3;
	v9 =	vld [tilespmem:s7+$0x40];
	v5 =	vbroadcast v5, $0xF  }
.Ltmp5:
0x100: {  	vm1 =	veq.s32 v55, v0;
	v8 =	vadd.s32 v8, v3;
	v3 =	vld [tilespmem:s7+$0x50];
	(pc) =	sbr.rel @p2 .LBB2_7-.Ltmp5, $4  }
0x101: {  	v8 =	vadd.s32 v11, v8;
	v55 =	vld [tilespmem:s7+$0x60];
	v54 =	vsel vm1, v5, v54  }
0x102: {  	v8 =	vadd.s32 v56, v8;
	v56 =	vld [tilespmem:s7+$0x70];
	s7 =	sadd.s32 $0x100, s7  }
0x103: {  	v5 =	vld [tilespmem:s7+$0xFFFFFF80];
	v8 =	vadd.s32 v57, v8  }
0x104: {  	s2 =	sadd.s32 $0x1, s2;
	v57 =	vld [tilespmem:s7+$0xFFFFFF90];
	v8 =	vadd.s32 v9, v8  }
0x105: {  	v9 =	vld [tilespmem:s7+$0xFFFFFFA0]  }
0x106: {  	v11 =	vld [tilespmem:s7+$0xFFFFFFB0]  }
0x107: {  	v58 =	vld [tilespmem:s7+$0xFFFFFFC0]  }
0x108: {  	v59 =	vld [tilespmem:s7+$0xFFFFFFD0]  }
0x109: {  	v62 =	vld [tilespmem:s7+$0xFFFFFFE0];
	v5 =	vadd.s32 v5, v57  }
0x10a: {  	v5 =	vadd.s32 v9, v5;
	v9 =	vld [tilespmem:s7+$0xFFFFFFF0]  }
0x10b: {  	v5 =	vadd.s32 v11, v5;
	v11 =	vld [tilespmem:s7+$0x0]  }
0x10c: {  	v63 =	vld [tilespmem:s7+$0x10];
	v5 =	vadd.s32 v58, v5  }
0x10d: {  	v60 =	vld [tilespmem:s7+$0x20];
	v5 =	vadd.s32 v59, v5  }
0x10e: {  	v61 =	vld [tilespmem:s7+$0x30];
	v5 =	vadd.s32 v62, v5  }
0x10f: {  	v5 =	vadd.s32 v9, v5;
	v9 =	vld [tilespmem:s7+$0x40]  }
0x110: {  	v5 =	vadd.s32 v11, v5;
	v11 =	vld [tilespmem:s7+$0x50]  }
0x111: {  	v62 =	vld [tilespmem:s7+$0x60];
	v5 =	vadd.s32 v63, v5  }
0x112: {  	v63 =	vld [tilespmem:s7+$0x70];
	v5 =	vadd.s32 v60, v5  }
0x113: {  	v5 =	vadd.s32 v61, v5  }
0x114: {  	v3 =	vadd.s32 v3, v8;
	v5 =	vadd.s32 v9, v5  }
0x115: {  	v3 =	vadd.s32 v55, v3;
	v5 =	vadd.s32 v11, v5  }
0x116: {  	v3 =	vadd.s32 v56, v3;
	v5 =	vadd.s32 v62, v5  }
0x117: {  	(xrf0) =	vadd.scan.msk.s32 $0xffff, v3;
	v3 =	vadd.s32 v63, v5  }
0x118: {  	(xrf0) =	vadd.scan.msk.s32 $0xffff, v3;
	_ =	sdelay $0x4  }
0x119: {  	v3, _, _ =	vpop (xrf0)  }
0x11a: {  	v5 =	vmov s6;
	v3 =	vbroadcast v3, $0xF;
	v8, _, _ =	vpop (xrf0)  }
0x11b: {  	vm1 =	veq.s32 v5, v0;
	v5 =	vmov s4;
	v8 =	vbroadcast v8, $0xF  }
0x11c: {  	v3 =	vsel vm1, v3, v54;
	vm1 =	veq.s32 v5, v0  }
0x11d: {  	v56 =	vsel vm1, v8, v3  }
0x11e: {  	v3 =	vperm.xlane v56, v52;
	_ =	sdelay $0x1  }
0x11f: {  	(xrf0) =	vadd.scan.msk.s32 $0xffff, v3;
	_ =	sdelay $0x5  }
0x120: {  	v3, _, _ =	vpop (xrf0)  }
0x121: {  	v57 =	vperm.xlane v3, v52;
	_ =	sdelay $0x1  }
0x122: {  	vm1 =	vgt.s32 v57, $0x12B  }
0x123: {  	v3 =	vnsel vm1, $0x7FFFFFFF, v53  }
0x124: {  	(xrf0) =	vmax.scan.msk.u32 $0xffff, v3;
	_ =	sdelay $0x5  }
0x125: {  	v3, _, _ =	vpop (xrf0)  }
0x126: {  	(v2sf) =	vpush v3, $0xF;
	_ =	sdelay $0xe  }
0x127: {  	s6 =	spop (v2sf)  }
0x128: {  	s2 =	sshll.u32 s6, $0xA  }
0x129: {  	s24 =	sshra.s32 s2, $0x2;
	s2 =	simm.s32 $0x0  }
0x12a: {  	s4 =	sadd.s32 $0x2000, s24;
	s25 =	sand.u32 $0x80, s2  }
0x12b: {  	s12 =	sand.u32 $0x70, s2;
	s7 =	sadd.s32 s25, s4  }
0x12c: {  	s7 =	sadd.s32 s12, s7  }
0x12d: {  	v5 =	vld [tilespmem:s7+$0x0];
	_ =	sdelay $0x1  }
0x12e: {  	s29 =	simm.s32 $0x10  }
0x12f: {  	s31 =	sand.u32 $0x80, s29  }
0x130: {  	s12 =	sadd.s32 s31, s4;
	s7 =	sand.u32 $0x70, s29  }
0x131: {  	s16 =	sadd.s32 s7, s12;
	(xrf0) =	vadd.scan.msk.s32 $0xffff, v5  }
0x132: {  	v5 =	vld [tilespmem:s16+$0x0]  }
0x133: {  	v3 =	vimm.s32 $0x0;
	s24 =	simm.s32 $0x20;
	s7 =	simm.s32 $0x1;
	s12 =	simm.s32 $0x2  }
.LBB2_9:
0x134: {  	s16 =	sand.u32 $0x80, s24  }
0x135: {  	p2 =	sne.s32 s12, $0xF;
	s25 =	smov.u32 s12;
	s12 =	sadd.s32 $0x1, s12  }
.Ltmp6:
0x136: {  	s31 =	sand.u32 $0x70, s24;
	s16 =	sadd.s32 s16, s4;
	(pc) =	sbr.rel @p2 .LBB2_9-.Ltmp6, $4  }
0x137: {  	s16 =	sadd.s32 s31, s16;
	(xrf0) =	vadd.scan.msk.s32 $0xffff, v5;
	v8, _, _ =	vpop (xrf0)  }
0x138: {  	v9 =	vmov s2;
	s2 =	smov.u32 s7;
	s7 =	smov.u32 s25;
	v5 =	vld [tilespmem:s16+$0x0];
	v8 =	vbroadcast v8, $0xF  }
0x139: {  	vm1 =	veq.s32 v9, v0  }
0x13a: {  	s24 =	sadd.s32 $0x10, s24;
	v3 =	vsel vm1, v8, v3  }
0x13b: {  	_ =	sdelay $0x1  }
0x13c: {  	(xrf0) =	vadd.scan.msk.s32 $0xffff, v5;
	_ =	sdelay $0x4  }
0x13d: {  	v5, _, _ =	vpop (xrf0)  }
0x13e: {  	v8 =	vmov s2;
	v5 =	vbroadcast v5, $0xF;
	v9, _, _ =	vpop (xrf0)  }
0x13f: {  	vm1 =	veq.s32 v8, v0;
	v8 =	vmov s7;
	v9 =	vbroadcast v9, $0xF  }
0x140: {  	v3 =	vsel vm1, v5, v3;
	vm1 =	veq.s32 v8, v0  }
0x141: {  	v54 =	vsel vm1, v9, v3  }
0x142: {  	v3 =	vperm.xlane v54, v52;
	_ =	sdelay $0x1  }
0x143: {  	(xrf0) =	vadd.scan.msk.s32 $0xffff, v3;
	_ =	sdelay $0x5  }
0x144: {  	v3, _, _ =	vpop (xrf0)  }
0x145: {  	s4 =	simm.s32 $0x100;
	s2 =	simm.s32 $0x0;
	v55 =	vperm.xlane v3, v52  }
.LBB2_11:
0x146: {  	p2 =	seq.s32 s4, $0x3F00;
	[tilespmem:s2+$0x2030] =	vst v50;
	s7 =	smov.u32 s4;
	s4 =	sadd.s32 $0x100, s4  }
.Ltmp7:
0x147: {  	[tilespmem:s2+$0x2020] =	vst v50;
	(pc) =	sbr.rel @!p2 .LBB2_11-.Ltmp7, $3  }
0x148: {  	[tilespmem:s2+$0x2000] =	vst v50  }
0x149: {  	[tilespmem:s2+$0x2010] =	vst v50;
	_ =	sdelay $0x1  }
0x14a: {  	s2 =	sshra.s32 s7, $0x2  }
0x14b: {  	s16 =	sxor.u32 $0x80000000, s6  }
0x14c: {  	v3 =	vmov s16  }
0x14d: {  	vm1 =	veq.s32 v3, v0  }
0x14e: {  	v3 =	vnsel vm1, $0x0, v57  }
0x14f: {  	(xrf0) =	vadd.scan.msk.s32 $0xffff, v3;
	v3 =	vnsel vm1, $0x0, v56  }
0x150: {  	(xrf0) =	vadd.scan.msk.s32 $0xffff, v3;
	_ =	sdelay $0x4  }
0x151: {  	v3, _, _ =	vpop (xrf0)  }
0x152: {  	(v2sf) =	vpush v3, $0xF;
	v3, _, _ =	vpop (xrf0)  }
0x153: {  	(v2sf) =	vpush v3, $0xF;
	_ =	sdelay $0xc  }
0x154: {  	[tilespmem:s2+$0x2030] =	vst v50  }
0x155: {  	[tilespmem:s2+$0x2020] =	vst v50;
	s24 =	spop (v2sf)  }
0x156: {  	[tilespmem:s2+$0x2000] =	vst v50;
	s4 =	spop (v2sf)  }
0x157: {  	[tilespmem:s2+$0x2010] =	vst v50;
	s2 =	ssub.s32 s4, s24  }
0x158: {  	s4 =	sadd.s32 $0x12C, s2  }
0x159: {  	vm1 =	vlt.s32 v55, s4  }
0x15a: {  	v3 =	vsel vm1, $0x7FFFFFFF, v53  }
0x15b: {  	(xrf0) =	vmax.scan.msk.u32 $0xffff, v3;
	_ =	sdelay $0x5  }
0x15c: {  	v3, _, _ =	vpop (xrf0)  }
0x15d: {  	(v2sf) =	vpush v3, $0xF;
	_ =	sdelay $0xe  }
0x15e: {  	s7 =	spop (v2sf)  }
0x15f: {  	s25 =	sshll.u32 s6, $0x1C;
	s29 =	sshll.u32 s7, $0x18  }
0x160: {  	s31 =	sadd.s32 s25, s29  }
0x161: {  	s2 =	sshra.s32 s31, $0x18  }
0x162: {  	s6 =	simm.s32 $0x0;
	v3 =	vmov s2;
	s2 =	simm.s32 $0x0  }
.LBB2_13:
0x163: {  	s12 =	sshra.s32 s2, $0x2  }
0x164: {  	v5 =	vld [tilespmem:s12+$0x0];
	_ =	sdelay $0x4  }
0x165: {  	v8 =	vshrl.u32 v5, $0xC  }
0x166: {  	v8 =	vand.u32 $0xFF0, v8  }
0x167: {  	v8 =	vor.u32 v0, v8;
	_ =	sdelay $0x1  }
0x168: {  	v5 =	vshra.s32 v5, $0x18  }
0x169: {  	vm1 =	veq.s32 v5, v3  }
0x16a: {  	v5 =	vsel vm1, $0x1, v50  }
0x16b: {  	[tilespmem:v8+s20+$0x0] =	vst.idx.add.s32.msk $0xffff, v5  }
0x16c: {  	v5 =	vld [tilespmem:s12+$0x10];
	_ =	sdelay $0x4  }
0x16d: {  	v8 =	vshrl.u32 v5, $0xC  }
0x16e: {  	v8 =	vand.u32 $0xFF0, v8  }
0x16f: {  	v8 =	vor.u32 v0, v8;
	_ =	sdelay $0x1  }
0x170: {  	v5 =	vshra.s32 v5, $0x18  }
0x171: {  	vm1 =	veq.s32 v5, v3  }
0x172: {  	v5 =	vsel vm1, $0x1, v50  }
0x173: {  	[tilespmem:v8+s20+$0x0] =	vst.idx.add.s32.msk $0xffff, v5  }
0x174: {  	v5 =	vld [tilespmem:s12+$0x20];
	_ =	sdelay $0x4  }
0x175: {  	v8 =	vshrl.u32 v5, $0xC  }
0x176: {  	v8 =	vand.u32 $0xFF0, v8  }
0x177: {  	v8 =	vor.u32 v0, v8;
	_ =	sdelay $0x1  }
0x178: {  	v5 =	vshra.s32 v5, $0x18  }
0x179: {  	vm1 =	veq.s32 v5, v3  }
0x17a: {  	v5 =	vsel vm1, $0x1, v50  }
0x17b: {  	[tilespmem:v8+s20+$0x0] =	vst.idx.add.s32.msk $0xffff, v5  }
0x17c: {  	v5 =	vld [tilespmem:s12+$0x30];
	_ =	sdelay $0x4  }
0x17d: {  	v8 =	vshrl.u32 v5, $0xC  }
0x17e: {  	v8 =	vand.u32 $0xFF0, v8  }
0x17f: {  	p2 =	sne.s32 s2, $0x7F00;
	v8 =	vor.u32 v0, v8  }
.Ltmp8:
0x180: {  	_ = 	snop;
	(pc) =	sbr.rel @p2 .LBB2_13-.Ltmp8, $4  }
0x181: {  	v5 =	vshra.s32 v5, $0x18  }
0x182: {  	vm1 =	veq.s32 v5, v3  }
0x183: {  	v5 =	vsel vm1, $0x1, v50  }
0x184: {  	s2 =	sadd.s32 $0x100, s2;
	[tilespmem:v8+s20+$0x0] =	vst.idx.add.s32.msk $0xffff, v5  }
0x185: {  	s2 =	simm.s32 $0x2080  }
0x186: {  	v3 =	vld [tilespmem:s2+$0xFFFFFF80]  }
0x187: {  	v5 =	vld [tilespmem:s2+$0xFFFFFF90]  }
0x188: {  	v8 =	vld [tilespmem:s2+$0xFFFFFFA0]  }
0x189: {  	v9 =	vld [tilespmem:s2+$0xFFFFFFB0]  }
0x18a: {  	v11 =	vld [tilespmem:s2+$0xFFFFFFC0]  }
0x18b: {  	v56 =	vld [tilespmem:s2+$0xFFFFFFD0]  }
0x18c: {  	v3 =	vadd.s32 v3, v5;
	v5 =	vld [tilespmem:s2+$0xFFFFFFE0]  }
0x18d: {  	v3 =	vadd.s32 v8, v3;
	v8 =	vld [tilespmem:s2+$0xFFFFFFF0]  }
0x18e: {  	v3 =	vadd.s32 v9, v3;
	v9 =	vld [tilespmem:s2+$0x0]  }
0x18f: {  	v3 =	vadd.s32 v11, v3;
	v11 =	vld [tilespmem:s2+$0x10]  }
0x190: {  	v63 =	vld [tilespmem:s2+$0x20];
	v3 =	vadd.s32 v56, v3  }
0x191: {  	v59 =	vld [tilespmem:s2+$0x30];
	v3 =	vadd.s32 v5, v3  }
0x192: {  	v3 =	vadd.s32 v8, v3;
	v8 =	vld [tilespmem:s2+$0x40]  }
0x193: {  	v5 =	vadd.s32 v9, v3;
	v3 =	vld [tilespmem:s2+$0x50]  }
0x194: {  	v57 =	vld [tilespmem:s2+$0x60];
	v5 =	vadd.s32 v11, v5  }
0x195: {  	s24 =	simm.s32 $0x2180;
	v58 =	vld [tilespmem:s2+$0x70];
	v9 =	vadd.s32 v63, v5  }
0x196: {  	v5 =	vld [tilespmem:s24+$0xFFFFFF80];
	v9 =	vadd.s32 v59, v9  }
0x197: {  	s25 =	simm.s32 $0x1;
	v56 =	vimm.s32 $0x0;
	s2 =	simm.s32 $0x2;
	v59 =	vld [tilespmem:s24+$0xFFFFFF90];
	v8 =	vadd.s32 v8, v9  }
.LBB2_15:
0x198: {  	p2 =	sne.s32 s2, $0xF;
	v9 =	vld [tilespmem:s24+$0xFFFFFFA0];
	v3 =	vadd.s32 v3, v8  }
0x199: {  	v8 =	vld [tilespmem:s24+$0xFFFFFFB0];
	v3 =	vadd.s32 v57, v3  }
0x19a: {  	v11 =	vld [tilespmem:s24+$0xFFFFFFC0];
	v3 =	vadd.s32 v58, v3  }
0x19b: {  	v57 =	vld [tilespmem:s24+$0xFFFFFFD0];
	(xrf0) =	vadd.scan.msk.s32 $0xffff, v3  }
0x19c: {  	v3 =	vadd.s32 v5, v59;
	v5 =	vld [tilespmem:s24+$0xFFFFFFE0]  }
0x19d: {  	v3 =	vadd.s32 v9, v3;
	v9 =	vld [tilespmem:s24+$0xFFFFFFF0]  }
0x19e: {  	v3 =	vadd.s32 v8, v3;
	v8 =	vld [tilespmem:s24+$0x0]  }
0x19f: {  	v3 =	vadd.s32 v11, v3;
	v11 =	vld [tilespmem:s24+$0x10]  }
0x1a0: {  	v3 =	vadd.s32 v57, v3;
	v58 =	vld [tilespmem:s24+$0x20]  }
0x1a1: {  	v3 =	vadd.s32 v5, v3;
	v59 =	vld [tilespmem:s24+$0x30];
	v5, _, _ =	vpop (xrf0)  }
0x1a2: {  	v57 =	vmov s6;
	s6 =	smov.u32 s25;
	s25 =	smov.u32 s2;
	v3 =	vadd.s32 v9, v3;
	v9 =	vld [tilespmem:s24+$0x40];
	v5 =	vbroadcast v5, $0xF  }
.Ltmp9:
0x1a3: {  	vm1 =	veq.s32 v57, v0;
	v8 =	vadd.s32 v8, v3;
	v3 =	vld [tilespmem:s24+$0x50];
	(pc) =	sbr.rel @p2 .LBB2_15-.Ltmp9, $4  }
0x1a4: {  	v8 =	vadd.s32 v11, v8;
	v57 =	vld [tilespmem:s24+$0x60];
	v56 =	vsel vm1, v5, v56  }
0x1a5: {  	v8 =	vadd.s32 v58, v8;
	v58 =	vld [tilespmem:s24+$0x70];
	s24 =	sadd.s32 $0x100, s24  }
0x1a6: {  	v5 =	vld [tilespmem:s24+$0xFFFFFF80];
	v8 =	vadd.s32 v59, v8  }
0x1a7: {  	s2 =	sadd.s32 $0x1, s2;
	v59 =	vld [tilespmem:s24+$0xFFFFFF90];
	v8 =	vadd.s32 v9, v8  }
0x1a8: {  	v9 =	vld [tilespmem:s24+$0xFFFFFFA0]  }
0x1a9: {  	v11 =	vld [tilespmem:s24+$0xFFFFFFB0]  }
0x1aa: {  	v60 =	vld [tilespmem:s24+$0xFFFFFFC0]  }
0x1ab: {  	v61 =	vld [tilespmem:s24+$0xFFFFFFD0]  }
0x1ac: {  	v5 =	vadd.s32 v5, v59;
	v59 =	vld [tilespmem:s24+$0xFFFFFFE0]  }
0x1ad: {  	v5 =	vadd.s32 v9, v5;
	v9 =	vld [tilespmem:s24+$0xFFFFFFF0]  }
0x1ae: {  	v5 =	vadd.s32 v11, v5;
	v11 =	vld [tilespmem:s24+$0x0]  }
0x1af: {  	v5 =	vadd.s32 v60, v5;
	v60 =	vld [tilespmem:s24+$0x10]  }
0x1b0: {  	v5 =	vadd.s32 v61, v5;
	v61 =	vld [tilespmem:s24+$0x20]  }
0x1b1: {  	v5 =	vadd.s32 v59, v5;
	v59 =	vld [tilespmem:s24+$0x30]  }
0x1b2: {  	v5 =	vadd.s32 v9, v5;
	v9 =	vld [tilespmem:s24+$0x40]  }
0x1b3: {  	v5 =	vadd.s32 v11, v5;
	v11 =	vld [tilespmem:s24+$0x50]  }
0x1b4: {  	v5 =	vadd.s32 v60, v5;
	v60 =	vld [tilespmem:s24+$0x60]  }
0x1b5: {  	v5 =	vadd.s32 v61, v5;
	v61 =	vld [tilespmem:s24+$0x70]  }
0x1b6: {  	v5 =	vadd.s32 v59, v5  }
0x1b7: {  	v3 =	vadd.s32 v3, v8;
	v5 =	vadd.s32 v9, v5  }
0x1b8: {  	s2 =	sxor.u32 $0x80000000, s7;
	v3 =	vadd.s32 v57, v3;
	v5 =	vadd.s32 v11, v5  }
0x1b9: {  	v8 =	vmov s2;
	v3 =	vadd.s32 v58, v3;
	v5 =	vadd.s32 v60, v5  }
0x1ba: {  	vm1 =	veq.s32 v8, v0;
	(xrf0) =	vadd.scan.msk.s32 $0xffff, v3;
	v3 =	vadd.s32 v61, v5  }
0x1bb: {  	(xrf0) =	vadd.scan.msk.s32 $0xffff, v3;
	v3 =	vnsel vm1, $0x0, v55  }
0x1bc: {  	(xrf0) =	vadd.scan.msk.s32 $0xffff, v3;
	v3 =	vnsel vm1, $0x0, v54  }
0x1bd: {  	(xrf0) =	vadd.scan.msk.s32 $0xffff, v3;
	_ =	sdelay $0x2  }
0x1be: {  	v3, _, _ =	vpop (xrf0)  }
0x1bf: {  	v5, _, _ =	vpop (xrf0)  }
0x1c0: {  	v8, _, _ =	vpop (xrf0)  }
0x1c1: {  	(v2sf) =	vpush v8, $0xF;
	v8, _, _ =	vpop (xrf0)  }
0x1c2: {  	(v2sf) =	vpush v8, $0xF;
	_ =	sdelay $0x2  }
0x1c3: {  	v3 =	vbroadcast v3, $0xF;
	v8 =	vmov s6  }
0x1c4: {  	v5 =	vbroadcast v5, $0xF;
	vm1 =	veq.s32 v8, v0;
	v8 =	vmov s25  }
0x1c5: {  	v3 =	vsel vm1, v3, v56;
	vm1 =	veq.s32 v8, v0  }
0x1c6: {  	v56 =	vsel vm1, v5, v3  }
0x1c7: {  	v3 =	vperm.xlane v56, v52;
	_ =	sdelay $0x1  }
0x1c8: {  	(xrf0) =	vadd.scan.msk.s32 $0xffff, v3;
	_ =	sdelay $0x4  }
0x1c9: {  	s7 =	spop (v2sf)  }
0x1ca: {  	v3, _, _ =	vpop (xrf0);
	s12 =	spop (v2sf)  }
0x1cb: {  	v57 =	vperm.xlane v3, v52;
	s2 =	ssub.s32 s12, s7  }
0x1cc: {  	s4 =	sadd.s32 s4, s2  }
0x1cd: {  	vm1 =	vlt.s32 v57, s4  }
0x1ce: {  	v3 =	vsel vm1, $0x7FFFFFFF, v53  }
0x1cf: {  	(xrf0) =	vmax.scan.msk.u32 $0xffff, v3;
	_ =	sdelay $0x5  }
0x1d0: {  	v3, _, _ =	vpop (xrf0)  }
0x1d1: {  	(v2sf) =	vpush v3, $0xF;
	_ =	sdelay $0xe  }
0x1d2: {  	s6 =	spop (v2sf)  }
0x1d3: {  	s16 =	sshll.u32 s6, $0xA  }
0x1d4: {  	s2 =	simm.s32 $0x0;
	s24 =	sshra.s32 s16, $0x2  }
0x1d5: {  	s12 =	sand.u32 $0x80, s2;
	s7 =	sadd.s32 $0x2000, s24  }
0x1d6: {  	s16 =	sand.u32 $0x70, s2;
	s12 =	sadd.s32 s12, s7  }
0x1d7: {  	s12 =	sadd.s32 s16, s12  }
0x1d8: {  	v5 =	vld [tilespmem:s12+$0x0];
	_ =	sdelay $0x1  }
0x1d9: {  	s25 =	simm.s32 $0x10  }
0x1da: {  	s29 =	sand.u32 $0x80, s25  }
0x1db: {  	s16 =	sadd.s32 s29, s7;
	s12 =	sand.u32 $0x70, s25  }
0x1dc: {  	s16 =	sadd.s32 s12, s16;
	(xrf0) =	vadd.scan.msk.s32 $0xffff, v5  }
0x1dd: {  	v5 =	vld [tilespmem:s16+$0x0]  }
0x1de: {  	v3 =	vimm.s32 $0x0;
	s24 =	simm.s32 $0x2;
	s25 =	simm.s32 $0x20;
	s12 =	simm.s32 $0x1  }
.LBB2_17:
0x1df: {  	s16 =	sand.u32 $0x80, s25  }
0x1e0: {  	p2 =	sne.s32 s24, $0xF;
	s29 =	smov.u32 s24;
	s24 =	sadd.s32 $0x1, s24  }
.Ltmp10:
0x1e1: {  	s3 =	sand.u32 $0x70, s25;
	s16 =	sadd.s32 s16, s7;
	(pc) =	sbr.rel @p2 .LBB2_17-.Ltmp10, $4  }
0x1e2: {  	s3 =	sadd.s32 s3, s16;
	(xrf0) =	vadd.scan.msk.s32 $0xffff, v5;
	v8, _, _ =	vpop (xrf0)  }
0x1e3: {  	v9 =	vmov s2;
	s2 =	smov.u32 s12;
	s12 =	smov.u32 s29;
	v5 =	vld [tilespmem:s3+$0x0];
	v8 =	vbroadcast v8, $0xF  }
0x1e4: {  	vm1 =	veq.s32 v9, v0  }
0x1e5: {  	s25 =	sadd.s32 $0x10, s25;
	v3 =	vsel vm1, v8, v3  }
0x1e6: {  	_ =	sdelay $0x1  }
0x1e7: {  	(xrf0) =	vadd.scan.msk.s32 $0xffff, v5;
	_ =	sdelay $0x4  }
0x1e8: {  	v5, _, _ =	vpop (xrf0)  }
0x1e9: {  	v8 =	vmov s2;
	v5 =	vbroadcast v5, $0xF;
	v9, _, _ =	vpop (xrf0)  }
0x1ea: {  	vm1 =	veq.s32 v8, v0;
	v8 =	vmov s12;
	v9 =	vbroadcast v9, $0xF  }
0x1eb: {  	v3 =	vsel vm1, v5, v3;
	vm1 =	veq.s32 v8, v0  }
0x1ec: {  	v54 =	vsel vm1, v9, v3  }
0x1ed: {  	v3 =	vperm.xlane v54, v52;
	_ =	sdelay $0x1  }
0x1ee: {  	(xrf0) =	vadd.scan.msk.s32 $0xffff, v3;
	_ =	sdelay $0x5  }
0x1ef: {  	v3, _, _ =	vpop (xrf0)  }
0x1f0: {  	s7 =	simm.s32 $0x100;
	s2 =	simm.s32 $0x0;
	v55 =	vperm.xlane v3, v52  }
.LBB2_19:
0x1f1: {  	p2 =	seq.s32 s7, $0x3F00;
	[tilespmem:s2+$0x2030] =	vst v50;
	s3 =	smov.u32 s7;
	s7 =	sadd.s32 $0x100, s7  }
.Ltmp11:
0x1f2: {  	[tilespmem:s2+$0x2020] =	vst v50;
	(pc) =	sbr.rel @!p2 .LBB2_19-.Ltmp11, $3  }
0x1f3: {  	[tilespmem:s2+$0x2000] =	vst v50  }
0x1f4: {  	[tilespmem:s2+$0x2010] =	vst v50;
	_ =	sdelay $0x1  }
0x1f5: {  	s2 =	sshra.s32 s3, $0x2  }
0x1f6: {  	s16 =	sxor.u32 $0x80000000, s6  }
0x1f7: {  	v3 =	vmov s16  }
0x1f8: {  	vm1 =	veq.s32 v3, v0  }
0x1f9: {  	v3 =	vnsel vm1, $0x0, v57  }
0x1fa: {  	(xrf0) =	vadd.scan.msk.s32 $0xffff, v3;
	v3 =	vnsel vm1, $0x0, v56  }
0x1fb: {  	(xrf0) =	vadd.scan.msk.s32 $0xffff, v3;
	_ =	sdelay $0x4  }
0x1fc: {  	v3, _, _ =	vpop (xrf0)  }
0x1fd: {  	(v2sf) =	vpush v3, $0xF;
	v3, _, _ =	vpop (xrf0)  }
0x1fe: {  	(v2sf) =	vpush v3, $0xF;
	_ =	sdelay $0xc  }
0x1ff: {  	[tilespmem:s2+$0x2030] =	vst v50  }
0x200: {  	[tilespmem:s2+$0x2020] =	vst v50;
	s24 =	spop (v2sf)  }
0x201: {  	[tilespmem:s2+$0x2000] =	vst v50;
	s3 =	spop (v2sf)  }
0x202: {  	[tilespmem:s2+$0x2010] =	vst v50;
	s2 =	ssub.s32 s3, s24  }
0x203: {  	s4 =	sadd.s32 s4, s2  }
0x204: {  	vm1 =	vlt.s32 v55, s4  }
0x205: {  	v3 =	vsel vm1, $0x7FFFFFFF, v53  }
0x206: {  	(xrf0) =	vmax.scan.msk.u32 $0xffff, v3;
	_ =	sdelay $0x5  }
0x207: {  	v3, _, _ =	vpop (xrf0)  }
0x208: {  	(v2sf) =	vpush v3, $0xF;
	_ =	sdelay $0xe  }
0x209: {  	s7 =	spop (v2sf)  }
0x20a: {  	s25 =	sshll.u32 s6, $0x14;
	s29 =	sshll.u32 s7, $0x10  }
0x20b: {  	s2 =	sadd.s32 s25, s29  }
0x20c: {  	s31 =	sor.u32 s31, s2  }
0x20d: {  	s2 =	sshra.s32 s31, $0x10  }
0x20e: {  	s6 =	simm.s32 $0x0;
	v3 =	vmov s2;
	s2 =	simm.s32 $0x0  }
.LBB2_21:
0x20f: {  	s3 =	sshra.s32 s2, $0x2  }
0x210: {  	v5 =	vld [tilespmem:s3+$0x0];
	_ =	sdelay $0x4  }
0x211: {  	v8 =	vshrl.u32 v5, $0x4  }
0x212: {  	v8 =	vand.u32 $0xFF0, v8  }
0x213: {  	v8 =	vor.u32 v0, v8;
	_ =	sdelay $0x1  }
0x214: {  	v5 =	vshra.s32 v5, $0x10  }
0x215: {  	vm1 =	veq.s32 v5, v3  }
0x216: {  	v5 =	vsel vm1, $0x1, v50  }
0x217: {  	[tilespmem:v8+s20+$0x0] =	vst.idx.add.s32.msk $0xffff, v5  }
0x218: {  	v5 =	vld [tilespmem:s3+$0x10];
	_ =	sdelay $0x4  }
0x219: {  	v8 =	vshrl.u32 v5, $0x4  }
0x21a: {  	v8 =	vand.u32 $0xFF0, v8  }
0x21b: {  	v8 =	vor.u32 v0, v8;
	_ =	sdelay $0x1  }
0x21c: {  	v5 =	vshra.s32 v5, $0x10  }
0x21d: {  	vm1 =	veq.s32 v5, v3  }
0x21e: {  	v5 =	vsel vm1, $0x1, v50  }
0x21f: {  	[tilespmem:v8+s20+$0x0] =	vst.idx.add.s32.msk $0xffff, v5  }
0x220: {  	v5 =	vld [tilespmem:s3+$0x20];
	_ =	sdelay $0x4  }
0x221: {  	v8 =	vshrl.u32 v5, $0x4  }
0x222: {  	v8 =	vand.u32 $0xFF0, v8  }
0x223: {  	v8 =	vor.u32 v0, v8;
	_ =	sdelay $0x1  }
0x224: {  	v5 =	vshra.s32 v5, $0x10  }
0x225: {  	vm1 =	veq.s32 v5, v3  }
0x226: {  	v5 =	vsel vm1, $0x1, v50  }
0x227: {  	[tilespmem:v8+s20+$0x0] =	vst.idx.add.s32.msk $0xffff, v5  }
0x228: {  	v5 =	vld [tilespmem:s3+$0x30];
	_ =	sdelay $0x4  }
0x229: {  	v8 =	vshrl.u32 v5, $0x4  }
0x22a: {  	v8 =	vand.u32 $0xFF0, v8  }
0x22b: {  	p2 =	sne.s32 s2, $0x7F00;
	v8 =	vor.u32 v0, v8  }
.Ltmp12:
0x22c: {  	_ = 	snop;
	(pc) =	sbr.rel @p2 .LBB2_21-.Ltmp12, $4  }
0x22d: {  	v5 =	vshra.s32 v5, $0x10  }
0x22e: {  	vm1 =	veq.s32 v5, v3  }
0x22f: {  	v5 =	vsel vm1, $0x1, v50  }
0x230: {  	s2 =	sadd.s32 $0x100, s2;
	[tilespmem:v8+s20+$0x0] =	vst.idx.add.s32.msk $0xffff, v5  }
0x231: {  	s2 =	simm.s32 $0x2080  }
0x232: {  	v3 =	vld [tilespmem:s2+$0xFFFFFF80]  }
0x233: {  	v5 =	vld [tilespmem:s2+$0xFFFFFF90]  }
0x234: {  	v8 =	vld [tilespmem:s2+$0xFFFFFFA0]  }
0x235: {  	v9 =	vld [tilespmem:s2+$0xFFFFFFB0]  }
0x236: {  	v11 =	vld [tilespmem:s2+$0xFFFFFFC0]  }
0x237: {  	v56 =	vld [tilespmem:s2+$0xFFFFFFD0]  }
0x238: {  	v3 =	vadd.s32 v3, v5;
	v5 =	vld [tilespmem:s2+$0xFFFFFFE0]  }
0x239: {  	v3 =	vadd.s32 v8, v3;
	v8 =	vld [tilespmem:s2+$0xFFFFFFF0]  }
0x23a: {  	v3 =	vadd.s32 v9, v3;
	v9 =	vld [tilespmem:s2+$0x0]  }
0x23b: {  	v3 =	vadd.s32 v11, v3;
	v11 =	vld [tilespmem:s2+$0x10]  }
0x23c: {  	v63 =	vld [tilespmem:s2+$0x20];
	v3 =	vadd.s32 v56, v3  }
0x23d: {  	v59 =	vld [tilespmem:s2+$0x30];
	v3 =	vadd.s32 v5, v3  }
0x23e: {  	v3 =	vadd.s32 v8, v3;
	v8 =	vld [tilespmem:s2+$0x40]  }
0x23f: {  	v5 =	vadd.s32 v9, v3;
	v3 =	vld [tilespmem:s2+$0x50]  }
0x240: {  	v57 =	vld [tilespmem:s2+$0x60];
	v5 =	vadd.s32 v11, v5  }
0x241: {  	s24 =	simm.s32 $0x2180;
	v58 =	vld [tilespmem:s2+$0x70];
	v9 =	vadd.s32 v63, v5  }
0x242: {  	v5 =	vld [tilespmem:s24+$0xFFFFFF80];
	v9 =	vadd.s32 v59, v9  }
0x243: {  	s25 =	simm.s32 $0x1;
	v56 =	vimm.s32 $0x0;
	s2 =	simm.s32 $0x2;
	v59 =	vld [tilespmem:s24+$0xFFFFFF90];
	v8 =	vadd.s32 v8, v9  }
.LBB2_23:
0x244: {  	p2 =	sne.s32 s2, $0xF;
	v9 =	vld [tilespmem:s24+$0xFFFFFFA0];
	v3 =	vadd.s32 v3, v8  }
0x245: {  	v8 =	vld [tilespmem:s24+$0xFFFFFFB0];
	v3 =	vadd.s32 v57, v3  }
0x246: {  	v11 =	vld [tilespmem:s24+$0xFFFFFFC0];
	v3 =	vadd.s32 v58, v3  }
0x247: {  	v57 =	vld [tilespmem:s24+$0xFFFFFFD0];
	(xrf0) =	vadd.scan.msk.s32 $0xffff, v3  }
0x248: {  	v3 =	vadd.s32 v5, v59;
	v5 =	vld [tilespmem:s24+$0xFFFFFFE0]  }
0x249: {  	v3 =	vadd.s32 v9, v3;
	v9 =	vld [tilespmem:s24+$0xFFFFFFF0]  }
0x24a: {  	v3 =	vadd.s32 v8, v3;
	v8 =	vld [tilespmem:s24+$0x0]  }
0x24b: {  	v3 =	vadd.s32 v11, v3;
	v11 =	vld [tilespmem:s24+$0x10]  }
0x24c: {  	v3 =	vadd.s32 v57, v3;
	v58 =	vld [tilespmem:s24+$0x20]  }
0x24d: {  	v3 =	vadd.s32 v5, v3;
	v59 =	vld [tilespmem:s24+$0x30];
	v5, _, _ =	vpop (xrf0)  }
0x24e: {  	v57 =	vmov s6;
	s6 =	smov.u32 s25;
	s25 =	smov.u32 s2;
	v3 =	vadd.s32 v9, v3;
	v9 =	vld [tilespmem:s24+$0x40];
	v5 =	vbroadcast v5, $0xF  }
.Ltmp13:
0x24f: {  	vm1 =	veq.s32 v57, v0;
	v8 =	vadd.s32 v8, v3;
	v3 =	vld [tilespmem:s24+$0x50];
	(pc) =	sbr.rel @p2 .LBB2_23-.Ltmp13, $4  }
0x250: {  	v8 =	vadd.s32 v11, v8;
	v57 =	vld [tilespmem:s24+$0x60];
	v56 =	vsel vm1, v5, v56  }
0x251: {  	v8 =	vadd.s32 v58, v8;
	v58 =	vld [tilespmem:s24+$0x70];
	s24 =	sadd.s32 $0x100, s24  }
0x252: {  	v5 =	vld [tilespmem:s24+$0xFFFFFF80];
	v8 =	vadd.s32 v59, v8  }
0x253: {  	s2 =	sadd.s32 $0x1, s2;
	v59 =	vld [tilespmem:s24+$0xFFFFFF90];
	v8 =	vadd.s32 v9, v8  }
0x254: {  	v9 =	vld [tilespmem:s24+$0xFFFFFFA0]  }
0x255: {  	v11 =	vld [tilespmem:s24+$0xFFFFFFB0]  }
0x256: {  	v60 =	vld [tilespmem:s24+$0xFFFFFFC0]  }
0x257: {  	v61 =	vld [tilespmem:s24+$0xFFFFFFD0]  }
0x258: {  	v5 =	vadd.s32 v5, v59;
	v59 =	vld [tilespmem:s24+$0xFFFFFFE0]  }
0x259: {  	v5 =	vadd.s32 v9, v5;
	v9 =	vld [tilespmem:s24+$0xFFFFFFF0]  }
0x25a: {  	v5 =	vadd.s32 v11, v5;
	v11 =	vld [tilespmem:s24+$0x0]  }
0x25b: {  	v5 =	vadd.s32 v60, v5;
	v60 =	vld [tilespmem:s24+$0x10]  }
0x25c: {  	v5 =	vadd.s32 v61, v5;
	v61 =	vld [tilespmem:s24+$0x20]  }
0x25d: {  	v5 =	vadd.s32 v59, v5;
	v59 =	vld [tilespmem:s24+$0x30]  }
0x25e: {  	v5 =	vadd.s32 v9, v5;
	v9 =	vld [tilespmem:s24+$0x40]  }
0x25f: {  	v5 =	vadd.s32 v11, v5;
	v11 =	vld [tilespmem:s24+$0x50]  }
0x260: {  	v5 =	vadd.s32 v60, v5;
	v60 =	vld [tilespmem:s24+$0x60]  }
0x261: {  	v5 =	vadd.s32 v61, v5;
	v61 =	vld [tilespmem:s24+$0x70]  }
0x262: {  	v5 =	vadd.s32 v59, v5  }
0x263: {  	v3 =	vadd.s32 v3, v8;
	v5 =	vadd.s32 v9, v5  }
0x264: {  	s2 =	sxor.u32 $0x80000000, s7;
	v3 =	vadd.s32 v57, v3;
	v5 =	vadd.s32 v11, v5  }
0x265: {  	v8 =	vmov s2;
	v3 =	vadd.s32 v58, v3;
	v5 =	vadd.s32 v60, v5  }
0x266: {  	vm1 =	veq.s32 v8, v0;
	(xrf0) =	vadd.scan.msk.s32 $0xffff, v3;
	v3 =	vadd.s32 v61, v5  }
0x267: {  	(xrf0) =	vadd.scan.msk.s32 $0xffff, v3;
	v3 =	vnsel vm1, $0x0, v55  }
0x268: {  	(xrf0) =	vadd.scan.msk.s32 $0xffff, v3;
	v3 =	vnsel vm1, $0x0, v54  }
0x269: {  	(xrf0) =	vadd.scan.msk.s32 $0xffff, v3;
	_ =	sdelay $0x2  }
0x26a: {  	v3, _, _ =	vpop (xrf0)  }
0x26b: {  	v5, _, _ =	vpop (xrf0)  }
0x26c: {  	v8, _, _ =	vpop (xrf0)  }
0x26d: {  	(v2sf) =	vpush v8, $0xF;
	v8, _, _ =	vpop (xrf0)  }
0x26e: {  	(v2sf) =	vpush v8, $0xF;
	_ =	sdelay $0x2  }
0x26f: {  	v3 =	vbroadcast v3, $0xF;
	v8 =	vmov s6  }
0x270: {  	v5 =	vbroadcast v5, $0xF;
	vm1 =	veq.s32 v8, v0;
	v8 =	vmov s25  }
0x271: {  	v3 =	vsel vm1, v3, v56;
	vm1 =	veq.s32 v8, v0  }
0x272: {  	v56 =	vsel vm1, v5, v3  }
0x273: {  	v3 =	vperm.xlane v56, v52;
	_ =	sdelay $0x1  }
0x274: {  	(xrf0) =	vadd.scan.msk.s32 $0xffff, v3;
	_ =	sdelay $0x4  }
0x275: {  	s7 =	spop (v2sf)  }
0x276: {  	v3, _, _ =	vpop (xrf0);
	s3 =	spop (v2sf)  }
0x277: {  	v57 =	vperm.xlane v3, v52;
	s2 =	ssub.s32 s3, s7  }
0x278: {  	s4 =	sadd.s32 s4, s2  }
0x279: {  	vm1 =	vlt.s32 v57, s4  }
0x27a: {  	v3 =	vsel vm1, $0x7FFFFFFF, v53  }
0x27b: {  	(xrf0) =	vmax.scan.msk.u32 $0xffff, v3;
	_ =	sdelay $0x5  }
0x27c: {  	v3, _, _ =	vpop (xrf0)  }
0x27d: {  	(v2sf) =	vpush v3, $0xF;
	_ =	sdelay $0xe  }
0x27e: {  	s6 =	spop (v2sf)  }
0x27f: {  	s12 =	sshll.u32 s6, $0xA  }
0x280: {  	s2 =	simm.s32 $0x0;
	s16 =	sshra.s32 s12, $0x2  }
0x281: {  	s24 =	sand.u32 $0x80, s2;
	s7 =	sadd.s32 $0x2000, s16  }
0x282: {  	s12 =	sand.u32 $0x70, s2;
	s3 =	sadd.s32 s24, s7  }
0x283: {  	s3 =	sadd.s32 s12, s3  }
0x284: {  	v5 =	vld [tilespmem:s3+$0x0];
	_ =	sdelay $0x1  }
0x285: {  	s25 =	simm.s32 $0x10  }
0x286: {  	s29 =	sand.u32 $0x80, s25  }
0x287: {  	s12 =	sadd.s32 s29, s7;
	s3 =	sand.u32 $0x70, s25  }
0x288: {  	s3 =	sadd.s32 s3, s12;
	(xrf0) =	vadd.scan.msk.s32 $0xffff, v5  }
0x289: {  	v5 =	vld [tilespmem:s3+$0x0]  }
0x28a: {  	v3 =	vimm.s32 $0x0;
	s24 =	simm.s32 $0x2;
	s25 =	simm.s32 $0x20;
	s12 =	simm.s32 $0x1  }
.LBB2_25:
0x28b: {  	s3 =	sand.u32 $0x80, s25  }
0x28c: {  	p2 =	sne.s32 s24, $0xF;
	s16 =	smov.u32 s24;
	s24 =	sadd.s32 $0x1, s24  }
.Ltmp14:
0x28d: {  	s29 =	sand.u32 $0x70, s25;
	s3 =	sadd.s32 s3, s7;
	(pc) =	sbr.rel @p2 .LBB2_25-.Ltmp14, $4  }
0x28e: {  	s3 =	sadd.s32 s29, s3;
	(xrf0) =	vadd.scan.msk.s32 $0xffff, v5;
	v8, _, _ =	vpop (xrf0)  }
0x28f: {  	v9 =	vmov s2;
	s2 =	smov.u32 s12;
	s12 =	smov.u32 s16;
	v5 =	vld [tilespmem:s3+$0x0];
	v8 =	vbroadcast v8, $0xF  }
0x290: {  	vm1 =	veq.s32 v9, v0  }
0x291: {  	s25 =	sadd.s32 $0x10, s25;
	v3 =	vsel vm1, v8, v3  }
0x292: {  	_ =	sdelay $0x1  }
0x293: {  	(xrf0) =	vadd.scan.msk.s32 $0xffff, v5;
	_ =	sdelay $0x4  }
0x294: {  	v5, _, _ =	vpop (xrf0)  }
0x295: {  	v8 =	vmov s2;
	v5 =	vbroadcast v5, $0xF;
	v9, _, _ =	vpop (xrf0)  }
0x296: {  	vm1 =	veq.s32 v8, v0;
	v8 =	vmov s12;
	v9 =	vbroadcast v9, $0xF  }
0x297: {  	v3 =	vsel vm1, v5, v3;
	vm1 =	veq.s32 v8, v0  }
0x298: {  	v54 =	vsel vm1, v9, v3  }
0x299: {  	v3 =	vperm.xlane v54, v52;
	_ =	sdelay $0x1  }
0x29a: {  	(xrf0) =	vadd.scan.msk.s32 $0xffff, v3;
	_ =	sdelay $0x5  }
0x29b: {  	v3, _, _ =	vpop (xrf0)  }
0x29c: {  	s7 =	simm.s32 $0x100;
	s2 =	simm.s32 $0x0;
	v55 =	vperm.xlane v3, v52  }
.LBB2_27:
0x29d: {  	p2 =	seq.s32 s7, $0x3F00;
	[tilespmem:s2+$0x2030] =	vst v50;
	s3 =	smov.u32 s7;
	s7 =	sadd.s32 $0x100, s7  }
.Ltmp15:
0x29e: {  	[tilespmem:s2+$0x2020] =	vst v50;
	(pc) =	sbr.rel @!p2 .LBB2_27-.Ltmp15, $3  }
0x29f: {  	[tilespmem:s2+$0x2000] =	vst v50  }
0x2a0: {  	[tilespmem:s2+$0x2010] =	vst v50;
	_ =	sdelay $0x1  }
0x2a1: {  	s2 =	sshra.s32 s3, $0x2  }
0x2a2: {  	s16 =	sxor.u32 $0x80000000, s6  }
0x2a3: {  	v3 =	vmov s16  }
0x2a4: {  	vm1 =	veq.s32 v3, v0  }
0x2a5: {  	v3 =	vnsel vm1, $0x0, v57  }
0x2a6: {  	(xrf0) =	vadd.scan.msk.s32 $0xffff, v3;
	v3 =	vnsel vm1, $0x0, v56  }
0x2a7: {  	(xrf0) =	vadd.scan.msk.s32 $0xffff, v3;
	_ =	sdelay $0x4  }
0x2a8: {  	v3, _, _ =	vpop (xrf0)  }
0x2a9: {  	(v2sf) =	vpush v3, $0xF;
	v3, _, _ =	vpop (xrf0)  }
0x2aa: {  	(v2sf) =	vpush v3, $0xF;
	_ =	sdelay $0xc  }
0x2ab: {  	[tilespmem:s2+$0x2030] =	vst v50  }
0x2ac: {  	[tilespmem:s2+$0x2020] =	vst v50;
	s24 =	spop (v2sf)  }
0x2ad: {  	[tilespmem:s2+$0x2000] =	vst v50;
	s3 =	spop (v2sf)  }
0x2ae: {  	[tilespmem:s2+$0x2010] =	vst v50;
	s2 =	ssub.s32 s3, s24  }
0x2af: {  	s4 =	sadd.s32 s4, s2  }
0x2b0: {  	vm1 =	vlt.s32 v55, s4  }
0x2b1: {  	v3 =	vsel vm1, $0x7FFFFFFF, v53  }
0x2b2: {  	(xrf0) =	vmax.scan.msk.u32 $0xffff, v3;
	_ =	sdelay $0x5  }
0x2b3: {  	v3, _, _ =	vpop (xrf0)  }
0x2b4: {  	(v2sf) =	vpush v3, $0xF;
	_ =	sdelay $0xe  }
0x2b5: {  	s7 =	spop (v2sf)  }
0x2b6: {  	s25 =	sshll.u32 s6, $0xC;
	s29 =	sshll.u32 s7, $0x8  }
0x2b7: {  	s2 =	sadd.s32 s25, s29  }
0x2b8: {  	s31 =	sor.u32 s31, s2  }
0x2b9: {  	s2 =	sshra.s32 s31, $0x8  }
0x2ba: {  	s6 =	simm.s32 $0x0;
	v3 =	vmov s2;
	s2 =	simm.s32 $0x0  }
.LBB2_29:
0x2bb: {  	s3 =	sshra.s32 s2, $0x2  }
0x2bc: {  	v5 =	vld [tilespmem:s3+$0x0];
	_ =	sdelay $0x4  }
0x2bd: {  	v8 =	vshll.u32 v5, $0x4  }
0x2be: {  	v8 =	vor.u32 v0, v8  }
0x2bf: {  	v8 =	vand.u32 $0xFFF, v8;
	_ =	sdelay $0x1  }
0x2c0: {  	v5 =	vshra.s32 v5, $0x8  }
0x2c1: {  	vm1 =	veq.s32 v5, v3  }
0x2c2: {  	v5 =	vsel vm1, $0x1, v50  }
0x2c3: {  	[tilespmem:v8+s20+$0x0] =	vst.idx.add.s32.msk $0xffff, v5  }
0x2c4: {  	v5 =	vld [tilespmem:s3+$0x10];
	_ =	sdelay $0x4  }
0x2c5: {  	v8 =	vshll.u32 v5, $0x4  }
0x2c6: {  	v8 =	vor.u32 v0, v8  }
0x2c7: {  	v8 =	vand.u32 $0xFFF, v8;
	_ =	sdelay $0x1  }
0x2c8: {  	v5 =	vshra.s32 v5, $0x8  }
0x2c9: {  	vm1 =	veq.s32 v5, v3  }
0x2ca: {  	v5 =	vsel vm1, $0x1, v50  }
0x2cb: {  	[tilespmem:v8+s20+$0x0] =	vst.idx.add.s32.msk $0xffff, v5  }
0x2cc: {  	v5 =	vld [tilespmem:s3+$0x20];
	_ =	sdelay $0x4  }
0x2cd: {  	v8 =	vshll.u32 v5, $0x4  }
0x2ce: {  	v8 =	vor.u32 v0, v8  }
0x2cf: {  	v8 =	vand.u32 $0xFFF, v8;
	_ =	sdelay $0x1  }
0x2d0: {  	v5 =	vshra.s32 v5, $0x8  }
0x2d1: {  	vm1 =	veq.s32 v5, v3  }
0x2d2: {  	v5 =	vsel vm1, $0x1, v50  }
0x2d3: {  	[tilespmem:v8+s20+$0x0] =	vst.idx.add.s32.msk $0xffff, v5  }
0x2d4: {  	v5 =	vld [tilespmem:s3+$0x30];
	_ =	sdelay $0x4  }
0x2d5: {  	v8 =	vshll.u32 v5, $0x4  }
0x2d6: {  	v8 =	vor.u32 v0, v8  }
0x2d7: {  	p2 =	sne.s32 s2, $0x7F00;
	v8 =	vand.u32 $0xFFF, v8  }
.Ltmp16:
0x2d8: {  	_ = 	snop;
	(pc) =	sbr.rel @p2 .LBB2_29-.Ltmp16, $4  }
0x2d9: {  	v5 =	vshra.s32 v5, $0x8  }
0x2da: {  	vm1 =	veq.s32 v5, v3  }
0x2db: {  	v5 =	vsel vm1, $0x1, v50  }
0x2dc: {  	s2 =	sadd.s32 $0x100, s2;
	[tilespmem:v8+s20+$0x0] =	vst.idx.add.s32.msk $0xffff, v5  }
0x2dd: {  	s2 =	simm.s32 $0x2080  }
0x2de: {  	v3 =	vld [tilespmem:s2+$0xFFFFFF80]  }
0x2df: {  	v5 =	vld [tilespmem:s2+$0xFFFFFF90]  }
0x2e0: {  	v8 =	vld [tilespmem:s2+$0xFFFFFFA0]  }
0x2e1: {  	v9 =	vld [tilespmem:s2+$0xFFFFFFB0]  }
0x2e2: {  	v11 =	vld [tilespmem:s2+$0xFFFFFFC0]  }
0x2e3: {  	v56 =	vld [tilespmem:s2+$0xFFFFFFD0]  }
0x2e4: {  	v3 =	vadd.s32 v3, v5;
	v5 =	vld [tilespmem:s2+$0xFFFFFFE0]  }
0x2e5: {  	v3 =	vadd.s32 v8, v3;
	v8 =	vld [tilespmem:s2+$0xFFFFFFF0]  }
0x2e6: {  	v3 =	vadd.s32 v9, v3;
	v9 =	vld [tilespmem:s2+$0x0]  }
0x2e7: {  	v3 =	vadd.s32 v11, v3;
	v11 =	vld [tilespmem:s2+$0x10]  }
0x2e8: {  	v63 =	vld [tilespmem:s2+$0x20];
	v3 =	vadd.s32 v56, v3  }
0x2e9: {  	v59 =	vld [tilespmem:s2+$0x30];
	v3 =	vadd.s32 v5, v3  }
0x2ea: {  	v3 =	vadd.s32 v8, v3;
	v8 =	vld [tilespmem:s2+$0x40]  }
0x2eb: {  	v5 =	vadd.s32 v9, v3;
	v3 =	vld [tilespmem:s2+$0x50]  }
0x2ec: {  	v57 =	vld [tilespmem:s2+$0x60];
	v5 =	vadd.s32 v11, v5  }
0x2ed: {  	s24 =	simm.s32 $0x2180;
	v58 =	vld [tilespmem:s2+$0x70];
	v9 =	vadd.s32 v63, v5  }
0x2ee: {  	v5 =	vld [tilespmem:s24+$0xFFFFFF80];
	v9 =	vadd.s32 v59, v9  }
0x2ef: {  	s25 =	simm.s32 $0x1;
	v56 =	vimm.s32 $0x0;
	s2 =	simm.s32 $0x2;
	v59 =	vld [tilespmem:s24+$0xFFFFFF90];
	v8 =	vadd.s32 v8, v9  }
.LBB2_31:
0x2f0: {  	p2 =	sne.s32 s2, $0xF;
	v9 =	vld [tilespmem:s24+$0xFFFFFFA0];
	v3 =	vadd.s32 v3, v8  }
0x2f1: {  	v8 =	vld [tilespmem:s24+$0xFFFFFFB0];
	v3 =	vadd.s32 v57, v3  }
0x2f2: {  	v11 =	vld [tilespmem:s24+$0xFFFFFFC0];
	v3 =	vadd.s32 v58, v3  }
0x2f3: {  	v57 =	vld [tilespmem:s24+$0xFFFFFFD0];
	(xrf0) =	vadd.scan.msk.s32 $0xffff, v3  }
0x2f4: {  	v3 =	vadd.s32 v5, v59;
	v5 =	vld [tilespmem:s24+$0xFFFFFFE0]  }
0x2f5: {  	v3 =	vadd.s32 v9, v3;
	v9 =	vld [tilespmem:s24+$0xFFFFFFF0]  }
0x2f6: {  	v3 =	vadd.s32 v8, v3;
	v8 =	vld [tilespmem:s24+$0x0]  }
0x2f7: {  	v3 =	vadd.s32 v11, v3;
	v11 =	vld [tilespmem:s24+$0x10]  }
0x2f8: {  	v3 =	vadd.s32 v57, v3;
	v58 =	vld [tilespmem:s24+$0x20]  }
0x2f9: {  	v3 =	vadd.s32 v5, v3;
	v59 =	vld [tilespmem:s24+$0x30];
	v5, _, _ =	vpop (xrf0)  }
0x2fa: {  	v57 =	vmov s6;
	s6 =	smov.u32 s25;
	s25 =	smov.u32 s2;
	v3 =	vadd.s32 v9, v3;
	v9 =	vld [tilespmem:s24+$0x40];
	v5 =	vbroadcast v5, $0xF  }
.Ltmp17:
0x2fb: {  	vm1 =	veq.s32 v57, v0;
	v8 =	vadd.s32 v8, v3;
	v3 =	vld [tilespmem:s24+$0x50];
	(pc) =	sbr.rel @p2 .LBB2_31-.Ltmp17, $4  }
0x2fc: {  	v8 =	vadd.s32 v11, v8;
	v57 =	vld [tilespmem:s24+$0x60];
	v56 =	vsel vm1, v5, v56  }
0x2fd: {  	v8 =	vadd.s32 v58, v8;
	v58 =	vld [tilespmem:s24+$0x70];
	s24 =	sadd.s32 $0x100, s24  }
0x2fe: {  	v5 =	vld [tilespmem:s24+$0xFFFFFF80];
	v8 =	vadd.s32 v59, v8  }
0x2ff: {  	s2 =	sadd.s32 $0x1, s2;
	v59 =	vld [tilespmem:s24+$0xFFFFFF90];
	v8 =	vadd.s32 v9, v8  }
0x300: {  	v9 =	vld [tilespmem:s24+$0xFFFFFFA0]  }
0x301: {  	v11 =	vld [tilespmem:s24+$0xFFFFFFB0]  }
0x302: {  	v60 =	vld [tilespmem:s24+$0xFFFFFFC0]  }
0x303: {  	v61 =	vld [tilespmem:s24+$0xFFFFFFD0]  }
0x304: {  	v5 =	vadd.s32 v5, v59;
	v59 =	vld [tilespmem:s24+$0xFFFFFFE0]  }
0x305: {  	v5 =	vadd.s32 v9, v5;
	v9 =	vld [tilespmem:s24+$0xFFFFFFF0]  }
0x306: {  	v5 =	vadd.s32 v11, v5;
	v11 =	vld [tilespmem:s24+$0x0]  }
0x307: {  	v5 =	vadd.s32 v60, v5;
	v60 =	vld [tilespmem:s24+$0x10]  }
0x308: {  	v5 =	vadd.s32 v61, v5;
	v61 =	vld [tilespmem:s24+$0x20]  }
0x309: {  	v5 =	vadd.s32 v59, v5;
	v59 =	vld [tilespmem:s24+$0x30]  }
0x30a: {  	v5 =	vadd.s32 v9, v5;
	v9 =	vld [tilespmem:s24+$0x40]  }
0x30b: {  	v5 =	vadd.s32 v11, v5;
	v11 =	vld [tilespmem:s24+$0x50]  }
0x30c: {  	v5 =	vadd.s32 v60, v5;
	v60 =	vld [tilespmem:s24+$0x60]  }
0x30d: {  	v5 =	vadd.s32 v61, v5;
	v61 =	vld [tilespmem:s24+$0x70]  }
0x30e: {  	v5 =	vadd.s32 v59, v5  }
0x30f: {  	v3 =	vadd.s32 v3, v8;
	v5 =	vadd.s32 v9, v5  }
0x310: {  	s2 =	sxor.u32 $0x80000000, s7;
	v3 =	vadd.s32 v57, v3;
	v5 =	vadd.s32 v11, v5  }
0x311: {  	v8 =	vmov s2;
	v3 =	vadd.s32 v58, v3;
	v5 =	vadd.s32 v60, v5  }
0x312: {  	vm1 =	veq.s32 v8, v0;
	(xrf0) =	vadd.scan.msk.s32 $0xffff, v3;
	v3 =	vadd.s32 v61, v5  }
0x313: {  	(xrf0) =	vadd.scan.msk.s32 $0xffff, v3;
	v3 =	vnsel vm1, $0x0, v55  }
0x314: {  	(xrf0) =	vadd.scan.msk.s32 $0xffff, v3;
	v3 =	vnsel vm1, $0x0, v54  }
0x315: {  	(xrf0) =	vadd.scan.msk.s32 $0xffff, v3;
	_ =	sdelay $0x2  }
0x316: {  	v3, _, _ =	vpop (xrf0)  }
0x317: {  	v5, _, _ =	vpop (xrf0)  }
0x318: {  	v8, _, _ =	vpop (xrf0)  }
0x319: {  	(v2sf) =	vpush v8, $0xF;
	v8, _, _ =	vpop (xrf0)  }
0x31a: {  	(v2sf) =	vpush v8, $0xF;
	_ =	sdelay $0x2  }
0x31b: {  	v3 =	vbroadcast v3, $0xF;
	v8 =	vmov s6  }
0x31c: {  	v5 =	vbroadcast v5, $0xF;
	vm1 =	veq.s32 v8, v0;
	v8 =	vmov s25  }
0x31d: {  	v3 =	vsel vm1, v3, v56;
	vm1 =	veq.s32 v8, v0  }
0x31e: {  	v54 =	vsel vm1, v5, v3  }
0x31f: {  	v3 =	vperm.xlane v54, v52;
	_ =	sdelay $0x1  }
0x320: {  	(xrf0) =	vadd.scan.msk.s32 $0xffff, v3;
	_ =	sdelay $0x4  }
0x321: {  	s7 =	spop (v2sf)  }
0x322: {  	v3, _, _ =	vpop (xrf0);
	s3 =	spop (v2sf)  }
0x323: {  	v3 =	vperm.xlane v3, v52;
	s2 =	ssub.s32 s3, s7  }
0x324: {  	s4 =	sadd.s32 s4, s2  }
0x325: {  	vm1 =	vlt.s32 v3, s4  }
0x326: {  	v5 =	vsel vm1, $0x7FFFFFFF, v53  }
0x327: {  	(xrf0) =	vmax.scan.msk.u32 $0xffff, v5;
	_ =	sdelay $0x5  }
0x328: {  	v5, _, _ =	vpop (xrf0)  }
0x329: {  	(v2sf) =	vpush v5, $0xF;
	_ =	sdelay $0xe  }
0x32a: {  	s2 =	spop (v2sf)  }
0x32b: {  	s12 =	sshll.u32 s2, $0xA  }
0x32c: {  	s6 =	simm.s32 $0x0;
	s3 =	sshra.s32 s12, $0x2  }
0x32d: {  	s16 =	sand.u32 $0x80, s6;
	s12 =	sadd.s32 $0x2000, s3  }
0x32e: {  	s24 =	sand.u32 $0x70, s6;
	s3 =	sadd.s32 s16, s12  }
0x32f: {  	s3 =	sadd.s32 s24, s3  }
0x330: {  	v8 =	vld [tilespmem:s3+$0x0];
	_ =	sdelay $0x1  }
0x331: {  	s25 =	simm.s32 $0x10  }
0x332: {  	s29 =	sand.u32 $0x80, s25  }
0x333: {  	s7 =	sadd.s32 s29, s12;
	s3 =	sand.u32 $0x70, s25  }
0x334: {  	s3 =	sadd.s32 s3, s7;
	(xrf0) =	vadd.scan.msk.s32 $0xffff, v8  }
0x335: {  	v8 =	vld [tilespmem:s3+$0x0]  }
0x336: {  	v5 =	vimm.s32 $0x0;
	s24 =	simm.s32 $0x2;
	s25 =	simm.s32 $0x20;
	s7 =	simm.s32 $0x1  }
.LBB2_33:
0x337: {  	s3 =	sand.u32 $0x80, s25  }
0x338: {  	p2 =	sne.s32 s24, $0xF;
	s16 =	smov.u32 s24;
	s24 =	sadd.s32 $0x1, s24  }
.Ltmp18:
0x339: {  	s29 =	sand.u32 $0x70, s25;
	s3 =	sadd.s32 s3, s12;
	(pc) =	sbr.rel @p2 .LBB2_33-.Ltmp18, $4  }
0x33a: {  	s3 =	sadd.s32 s29, s3;
	(xrf0) =	vadd.scan.msk.s32 $0xffff, v8;
	v9, _, _ =	vpop (xrf0)  }
0x33b: {  	v11 =	vmov s6;
	s6 =	smov.u32 s7;
	s7 =	smov.u32 s16;
	v8 =	vld [tilespmem:s3+$0x0];
	v9 =	vbroadcast v9, $0xF  }
0x33c: {  	vm1 =	veq.s32 v11, v0  }
0x33d: {  	s25 =	sadd.s32 $0x10, s25;
	v5 =	vsel vm1, v9, v5  }
0x33e: {  	s3 =	sxor.u32 $0x80000000, s2  }
0x33f: {  	v9 =	vmov s3  }
0x340: {  	vm1 =	veq.s32 v9, v0  }
0x341: {  	(xrf0) =	vadd.scan.msk.s32 $0xffff, v8;
	v3 =	vnsel vm1, $0x0, v3  }
0x342: {  	(xrf0) =	vadd.scan.msk.s32 $0xffff, v3;
	v3 =	vnsel vm1, $0x0, v54  }
0x343: {  	(xrf0) =	vadd.scan.msk.s32 $0xffff, v3;
	_ =	sdelay $0x2  }
0x344: {  	v3, _, _ =	vpop (xrf0)  }
0x345: {  	v8, _, _ =	vpop (xrf0)  }
0x346: {  	v9, _, _ =	vpop (xrf0)  }
0x347: {  	(v2sf) =	vpush v9, $0xF;
	v9, _, _ =	vpop (xrf0)  }
0x348: {  	(v2sf) =	vpush v9, $0xF;
	_ =	sdelay $0x2  }
0x349: {  	v3 =	vbroadcast v3, $0xF;
	v9 =	vmov s6  }
0x34a: {  	v8 =	vbroadcast v8, $0xF;
	vm1 =	veq.s32 v9, v0;
	v9 =	vmov s7  }
0x34b: {  	v3 =	vsel vm1, v3, v5;
	vm1 =	veq.s32 v9, v0  }
0x34c: {  	v54 =	vsel vm1, v8, v3  }
0x34d: {  	v3 =	vperm.xlane v54, v52;
	_ =	sdelay $0x1  }
0x34e: {  	(xrf0) =	vadd.scan.msk.s32 $0xffff, v3;
	_ =	sdelay $0x4  }
0x34f: {  	s16 =	spop (v2sf)  }
0x350: {  	v3, _, _ =	vpop (xrf0);
	s24 =	spop (v2sf)  }
0x351: {  	v55 =	vperm.xlane v3, v52;
	s3 =	ssub.s32 s24, s16  }
0x352: {  	s4 =	sadd.s32 s4, s3  }
0x353: {  	vm1 =	vlt.s32 v55, s4  }
0x354: {  	v3 =	vsel vm1, $0x7FFFFFFF, v53  }
0x355: {  	(xrf0) =	vmax.scan.msk.u32 $0xffff, v3;
	_ =	sdelay $0x5  }
0x356: {  	v3, _, _ =	vpop (xrf0)  }
0x357: {  	(v2sf) =	vpush v3, $0xF;
	_ =	sdelay $0xe  }
0x358: {  	s25 =	spop (v2sf)  }
0x359: {  	s29 =	sshll.u32 s2, $0x4;
	s6 =	sxor.u32 $0x80000000, s25  }
0x35a: {  	s2 =	sadd.s32 s29, s6  }
0x35b: {  	s2 =	sor.u32 s31, s2  }
0x35c: {  	s7 =	simm.s32 $0x0;
	v5 =	vimm.s32 $0x0;
	v3 =	vimm.s32 $0x0;
	s25 =	simm.s32 $0x20;
	v56 =	vmov s2  }
.LBB2_35:
0x35d: {  	v8 =	vld [tilespmem:s25+$0xFFFFFFE0];
	_ =	sdelay $0x4  }
0x35e: {  	vm1 =	vgt.s32 v8, v56  }
0x35f: {  	vm2 =	veq.s32 v8, v56;
	v9 =	vsel vm1, $0x1, v50  }
0x360: {  	(xrf0) =	vadd.scan.msk.s32 $0xffff, v9;
	v9 =	vsel vm2, $0x1, v50  }
0x361: {  	(xrf0) =	vadd.scan.msk.s32 $0xffff, v9;
	_ =	sdelay $0x4  }
0x362: {  	v9, _, _ =	vpop (xrf0)  }
0x363: {  	v11, _, _ =	vpop (xrf0)  }
0x364: {  	v9 =	vadd.s32 v9, v3;
	v11 =	vadd.s32 v11, v5  }
0x365: {  	v9 =	vadd.s32 $0xFFFFFFFF, v9;
	v11 =	vadd.s32 $0xFFFFFFFF, v11  }
0x366: {  	v9 =	vnsel vm1, $0x19F, v9;
	vm3 =	vlt.s32 v11, $0x140  }
0x367: {  	vm3 =	vmand vm2, vm3  }
0x368: {  	v11 =	vnsel vm3, $0x19F, v11;
	_ =	sdelay $0x1  }
0x369: {  	s2 =	sadd.s32 s7, s17  }
0x36a: {  	v57 =	vor.u32 s2, v0;
	[tilespmem:v9+s21+$0x0] =	vst.idx.msk vm1, v8  }
0x36b: {  	[tilespmem:v9+s22+$0x0] =	vst.idx.msk vm1, v57  }
0x36c: {  	[tilespmem:v11+s23+$0x0] =	vst.idx.msk vm3, v57  }
0x36d: {  	v8 =	vld [tilespmem:s25+$0xFFFFFFF0];
	_ =	sdelay $0x4  }
0x36e: {  	vm3 =	vgt.s32 v8, v56  }
0x36f: {  	vm4 =	veq.s32 v8, v56;
	v9 =	vsel vm3, $0x1, v50  }
0x370: {  	(xrf0) =	vadd.scan.msk.s32 $0xffff, v9;
	v9 =	vsel vm4, $0x1, v50  }
0x371: {  	(xrf0) =	vadd.scan.msk.s32 $0xffff, v9;
	_ =	sdelay $0x1  }
0x372: {  	v9 =	vmpcnt.ones.xlane vm1;
	_ =	sdelay $0x1  }
0x373: {  	v11 =	vmpcnt.ones.xlane vm2  }
0x374: {  	v62, _, _ =	vpop (xrf0)  }
0x375: {  	v5 =	vadd.s32 v5, v11;
	v3 =	vadd.s32 v3, v9;
	v9, _, _ =	vpop (xrf0)  }
0x376: {  	v11 =	vadd.s32 v62, v3;
	v9 =	vadd.s32 v9, v5  }
0x377: {  	v11 =	vadd.s32 $0xFFFFFFFF, v11;
	v9 =	vadd.s32 $0xFFFFFFFF, v9  }
0x378: {  	v11 =	vnsel vm3, $0x19F, v11;
	vm1 =	vlt.s32 v9, $0x140  }
0x379: {  	vm1 =	vmand vm4, vm1  }
0x37a: {  	v9 =	vnsel vm1, $0x19F, v9;
	_ =	sdelay $0x1  }
0x37b: {  	s3 =	sadd.s32 $0x10, s2  }
0x37c: {  	v63 =	vor.u32 s3, v0;
	[tilespmem:v11+s21+$0x0] =	vst.idx.msk vm3, v8  }
0x37d: {  	[tilespmem:v11+s22+$0x0] =	vst.idx.msk vm3, v63  }
0x37e: {  	[tilespmem:v9+s23+$0x0] =	vst.idx.msk vm1, v63  }
0x37f: {  	v8 =	vld [tilespmem:s25+$0x0];
	_ =	sdelay $0x4  }
0x380: {  	vm1 =	vgt.s32 v8, v56  }
0x381: {  	vm2 =	veq.s32 v8, v56;
	v9 =	vsel vm1, $0x1, v50  }
0x382: {  	(xrf0) =	vadd.scan.msk.s32 $0xffff, v9;
	v9 =	vsel vm2, $0x1, v50  }
0x383: {  	(xrf0) =	vadd.scan.msk.s32 $0xffff, v9;
	_ =	sdelay $0x1  }
0x384: {  	v9 =	vmpcnt.ones.xlane vm3;
	_ =	sdelay $0x1  }
0x385: {  	v11 =	vmpcnt.ones.xlane vm4  }
0x386: {  	v60, _, _ =	vpop (xrf0)  }
0x387: {  	v5 =	vadd.s32 v5, v11;
	v3 =	vadd.s32 v3, v9;
	v9, _, _ =	vpop (xrf0)  }
0x388: {  	v11 =	vadd.s32 v60, v3;
	v9 =	vadd.s32 v9, v5  }
0x389: {  	v11 =	vadd.s32 $0xFFFFFFFF, v11;
	v9 =	vadd.s32 $0xFFFFFFFF, v9  }
0x38a: {  	v11 =	vnsel vm1, $0x19F, v11;
	vm3 =	vlt.s32 v9, $0x140  }
0x38b: {  	vm3 =	vmand vm2, vm3  }
0x38c: {  	v9 =	vnsel vm3, $0x19F, v9;
	_ =	sdelay $0x1  }
0x38d: {  	s31 =	sadd.s32 $0x20, s2  }
0x38e: {  	v61 =	vor.u32 s31, v0;
	[tilespmem:v11+s21+$0x0] =	vst.idx.msk vm1, v8  }
0x38f: {  	[tilespmem:v11+s22+$0x0] =	vst.idx.msk vm1, v61  }
0x390: {  	[tilespmem:v9+s23+$0x0] =	vst.idx.msk vm3, v61  }
0x391: {  	v8 =	vld [tilespmem:s25+$0x10];
	_ =	sdelay $0x4  }
0x392: {  	vm3 =	vgt.s32 v8, v56  }
0x393: {  	vm15 =	veq.s32 v8, v56;
	v9 =	vsel vm3, $0x1, v50  }
0x394: {  	(xrf0) =	vadd.scan.msk.s32 $0xffff, v9;
	v9 =	vsel vm15, $0x1, v50  }
0x395: {  	(xrf0) =	vadd.scan.msk.s32 $0xffff, v9;
	_ =	sdelay $0x1  }
0x396: {  	v9 =	vmpcnt.ones.xlane vm1;
	_ =	sdelay $0x1  }
0x397: {  	v11 =	vmpcnt.ones.xlane vm2  }
0x398: {  	v62, _, _ =	vpop (xrf0)  }
0x399: {  	v5 =	vadd.s32 v5, v11;
	v3 =	vadd.s32 v3, v9;
	v9, _, _ =	vpop (xrf0)  }
0x39a: {  	v11 =	vadd.s32 v62, v3;
	v9 =	vadd.s32 v9, v5  }
0x39b: {  	v11 =	vadd.s32 $0xFFFFFFFF, v11;
	v9 =	vadd.s32 $0xFFFFFFFF, v9  }
0x39c: {  	v11 =	vnsel vm3, $0x19F, v11;
	vm1 =	vlt.s32 v9, $0x140  }
0x39d: {  	vm1 =	vmand vm15, vm1  }
0x39e: {  	p2 =	sne.s32 s7, $0x1FC0;
	v9 =	vnsel vm1, $0x19F, v9  }
.Ltmp19:
0x39f: {  	_ = 	snop;
	(pc) =	sbr.rel @p2 .LBB2_35-.Ltmp19, $4  }
0x3a0: {  	s2 =	sadd.s32 $0x30, s2  }
0x3a1: {  	v63 =	vor.u32 s2, v0;
	v58 =	vmpcnt.ones.xlane vm15;
	[tilespmem:v11+s21+$0x0] =	vst.idx.msk vm3, v8;
	v8 =	vmpcnt.ones.xlane vm3  }
0x3a2: {  	[tilespmem:v11+s22+$0x0] =	vst.idx.msk vm3, v63  }
0x3a3: {  	s7 =	sadd.s32 $0x40, s7;
	s25 =	sadd.s32 $0x40, s25;
	v5 =	vadd.s32 v5, v58;
	v3 =	vadd.s32 v3, v8;
	[tilespmem:v9+s23+$0x0] =	vst.idx.msk vm1, v63  }
0x3a4: {  	v5 =	vmov s6  }
0x3a5: {  	vm1 =	veq.s32 v5, v0  }
0x3a6: {  	v5 =	vnsel vm1, $0x0, v55  }
0x3a7: {  	(xrf0) =	vadd.scan.msk.s32 $0xffff, v5;
	v5 =	vnsel vm1, $0x0, v54  }
0x3a8: {  	(xrf0) =	vadd.scan.msk.s32 $0xffff, v5;
	_ =	sdelay $0x4  }
0x3a9: {  	v5, _, _ =	vpop (xrf0)  }
0x3aa: {  	(v2sf) =	vpush v5, $0xF;
	v5, _, _ =	vpop (xrf0)  }
0x3ab: {  	(v2sf) =	vpush v5, $0xF;
	_ =	sdelay $0x6  }
0x3ac: {  	vm1 =	vmmov $0x1  }
0x3ad: {  	v3 =	vnsel vm1, $0x0, v3  }
0x3ae: {  	(xrf0) =	vadd.scan.msk.s32 $0xffff, v3;
	_ =	sdelay $0x4  }
0x3af: {  	s2 =	spop (v2sf)  }
0x3b0: {  	v3, _, _ =	vpop (xrf0);
	s3 =	spop (v2sf);
	s2 =	ssub.s32 s4, s2  }
0x3b1: {  	v62 =	vbroadcast v3, $0xF;
	s2 =	sadd.s32 s3, s2  }
0x3b2: {  	v63 =	vmov s2  }
0x3b3: {  	v3 =	vnsel vm1, $0x0, v62;
	v5 =	vnsel vm0, $0x0, v63  }
0x3b4: {  	v3 =	vadd.s32 v5, v3  }
0x3b5: {  	s31 =	simm.s32 $0x3D00;
	[tilespmem:$0x3D00] =	vst v3  }
0x3b6: {  	[spmem:s8] =	stream.linear.scatter [tilespmem:s31], [sflag:$0x2], $0x10, $0x38;
	[tilespmem:$0x6A28] =	vst v63  }
0x3b7: {  	_ =	swait.ge [sflag:s18], $0x10  }
0x3b8: {  	[sflag:s18] =	ssyncset.done $0x0  }
0x3b9: {  	[sflag:s18] =	ssyncadd.s32 $0xFFFFFFF0  }
0x3ba: {  	[spmem:s9] =	stream.linear.scatter [tilespmem:s21], [sflag:$0x2], $0x180, $0x38;
	[tilespmem:$0x6A28] =	vst v63  }
0x3bb: {  	_ =	swait.ge [sflag:s18], $0x180  }
0x3bc: {  	[sflag:s18] =	ssyncset.done $0x0  }
0x3bd: {  	[sflag:s18] =	ssyncadd.s32 $0xFFFFFE80  }
0x3be: {  	[spmem:s10] =	stream.linear.scatter [tilespmem:s22], [sflag:$0x2], $0x180, $0x38;
	[tilespmem:$0x6A28] =	vst v63  }
0x3bf: {  	_ =	swait.ge [sflag:s18], $0x180  }
0x3c0: {  	v5 =	vld [tilespmem:$0x1FF90];
	_ =	sdelay $0x4  }
0x3c1: {  	vm1 =	vgt.s32 v63, v0;
	[sflag:s18] =	ssyncset.done $0x0;
	v5 =	vadd.s32 v5, v62  }
0x3c2: {  	[sflag:s18] =	ssyncadd.s32 $0xFFFFFE80;
	v5 =	vsel vm1, v5, v1  }
0x3c3: {  	[tilespmem:$0x3900] =	vst v5;
	v5 =	vld [tilespmem:$0x1FFA0]  }
0x3c4: {  	v3 =	vld [tilespmem:$0x3400];
	_ =	sdelay $0x3  }
0x3c5: {  	vm1 =	vgt.s32 v63, v4;
	v5 =	vadd.s32 v5, v62  }
0x3c6: {  	[tilespmem:$0x3A80] =	vst v3;
	v3 =	vsel vm1, v5, v1  }
0x3c7: {  	[tilespmem:$0x3910] =	vst v3;
	v3 =	vld [tilespmem:$0x1FFB0];
	_ =	sdelay $0x4  }
0x3c8: {  	vm1 =	vgt.s32 v63, v6;
	v3 =	vadd.s32 v3, v62  }
0x3c9: {  	v3 =	vsel vm1, v3, v1  }
0x3ca: {  	[tilespmem:$0x3920] =	vst v3;
	v3 =	vld [tilespmem:$0x1FFC0];
	_ =	sdelay $0x4  }
0x3cb: {  	vm1 =	vgt.s32 v63, v7;
	v3 =	vadd.s32 v3, v62  }
0x3cc: {  	v3 =	vsel vm1, v3, v1  }
0x3cd: {  	[tilespmem:$0x3930] =	vst v3;
	v3 =	vld [tilespmem:$0x1FFD0];
	_ =	sdelay $0x4  }
0x3ce: {  	v8 =	vld [tilespmem:$0x3410];
	vm1 =	vgt.s32 v63, v10;
	v3 =	vadd.s32 v3, v62  }
0x3cf: {  	v9 =	vld [tilespmem:$0x3420];
	v3 =	vsel vm1, v3, v1  }
0x3d0: {  	[tilespmem:$0x3940] =	vst v3;
	v3 =	vld [tilespmem:$0x1FFE0];
	_ =	sdelay $0x2  }
0x3d1: {  	[tilespmem:$0x3A90] =	vst v8;
	v8 =	vld [tilespmem:$0x3440];
	_ =	sdelay $0x1  }
0x3d2: {  	[tilespmem:$0x3AA0] =	vst v9;
	v9 =	vld [tilespmem:$0x3450];
	vm1 =	vgt.s32 v63, v12;
	v3 =	vadd.s32 v3, v62  }
0x3d3: {  	v5 =	vld [tilespmem:$0x3430];
	v3 =	vsel vm1, v3, v1  }
0x3d4: {  	[tilespmem:$0x3950] =	vst v3;
	v3 =	vld [tilespmem:$0x1FFF0]  }
0x3d5: {  	[tilespmem:$0x3AC0] =	vst v8;
	v8 =	vld [tilespmem:$0x3470];
	_ =	sdelay $0x1  }
0x3d6: {  	[tilespmem:$0x3AD0] =	vst v9;
	v9 =	vld [tilespmem:$0x3480];
	_ =	sdelay $0x1  }
0x3d7: {  	[tilespmem:$0x3AB0] =	vst v5;
	v5 =	vld [tilespmem:$0x3460];
	vm1 =	vgt.s32 v63, v13;
	v3 =	vadd.s32 v3, v62  }
0x3d8: {  	[tilespmem:$0x3AF0] =	vst v8;
	v3 =	vsel vm1, v3, v1  }
0x3d9: {  	v8 =	vld [tilespmem:$0x34A0];
	vm1 =	vgt.s32 v63, v16;
	[tilespmem:$0x3960] =	vst v3;
	v3 =	vadd.s32 v17, v62  }
0x3da: {  	[tilespmem:$0x3B00] =	vst v9;
	v3 =	vsel vm1, v3, v1  }
0x3db: {  	v9 =	vld [tilespmem:$0x34B0];
	vm1 =	vgt.s32 v63, v18;
	[tilespmem:$0x3970] =	vst v3;
	v3 =	vadd.s32 v20, v62  }
0x3dc: {  	[tilespmem:$0x3AE0] =	vst v5;
	v3 =	vsel vm1, v3, v1  }
0x3dd: {  	v5 =	vld [tilespmem:$0x3490];
	vm1 =	vgt.s32 v63, v19;
	[tilespmem:$0x3980] =	vst v3;
	v3 =	vadd.s32 v21, v62  }
0x3de: {  	[tilespmem:$0x3B20] =	vst v8;
	v3 =	vsel vm1, v3, v1  }
0x3df: {  	v8 =	vld [tilespmem:$0x34D0];
	vm1 =	vgt.s32 v63, v22;
	[tilespmem:$0x3990] =	vst v3;
	v3 =	vadd.s32 v23, v62  }
0x3e0: {  	[tilespmem:$0x3B30] =	vst v9;
	v3 =	vsel vm1, v3, v1  }
0x3e1: {  	v9 =	vld [tilespmem:$0x34E0];
	vm1 =	vgt.s32 v63, v24;
	[tilespmem:$0x39A0] =	vst v3;
	v3 =	vadd.s32 v26, v62  }
0x3e2: {  	[tilespmem:$0x3B10] =	vst v5;
	v3 =	vsel vm1, v3, v1  }
0x3e3: {  	v5 =	vld [tilespmem:$0x34C0];
	vm1 =	vgt.s32 v63, v25;
	[tilespmem:$0x39B0] =	vst v3;
	v3 =	vadd.s32 v27, v62  }
0x3e4: {  	[tilespmem:$0x3B50] =	vst v8;
	v3 =	vsel vm1, v3, v1  }
0x3e5: {  	v8 =	vld [tilespmem:$0x3500];
	vm1 =	vgt.s32 v63, v28;
	[tilespmem:$0x39C0] =	vst v3;
	v3 =	vadd.s32 v29, v62  }
0x3e6: {  	[tilespmem:$0x3B60] =	vst v9;
	v3 =	vsel vm1, v3, v1  }
0x3e7: {  	v9 =	vld [tilespmem:$0x3510];
	vm1 =	vgt.s32 v63, v30;
	[tilespmem:$0x39D0] =	vst v3;
	v3 =	vadd.s32 v32, v62  }
0x3e8: {  	[tilespmem:$0x3B40] =	vst v5;
	v3 =	vsel vm1, v3, v1  }
0x3e9: {  	v5 =	vld [tilespmem:$0x34F0];
	vm1 =	vgt.s32 v63, v31;
	[tilespmem:$0x39E0] =	vst v3;
	v3 =	vadd.s32 v33, v62  }
0x3ea: {  	[tilespmem:$0x3B80] =	vst v8;
	v3 =	vsel vm1, v3, v1  }
0x3eb: {  	v8 =	vld [tilespmem:$0x3530];
	vm1 =	vgt.s32 v63, v34;
	[tilespmem:$0x39F0] =	vst v3;
	v3 =	vadd.s32 v35, v62  }
0x3ec: {  	[tilespmem:$0x3B90] =	vst v9;
	v3 =	vsel vm1, v3, v1  }
0x3ed: {  	v9 =	vld [tilespmem:$0x3540];
	vm1 =	vgt.s32 v63, v36;
	[tilespmem:$0x3A00] =	vst v3;
	v3 =	vadd.s32 v38, v62  }
0x3ee: {  	[tilespmem:$0x3B70] =	vst v5;
	v3 =	vsel vm1, v3, v1  }
0x3ef: {  	v5 =	vld [tilespmem:$0x3520];
	vm1 =	vgt.s32 v63, v37;
	[tilespmem:$0x3A10] =	vst v3;
	v3 =	vadd.s32 v39, v62  }
0x3f0: {  	[tilespmem:$0x3BB0] =	vst v8;
	v3 =	vsel vm1, v3, v1  }
0x3f1: {  	v8 =	vld [tilespmem:$0x3560];
	vm1 =	vgt.s32 v63, v40;
	[tilespmem:$0x3A20] =	vst v3;
	v3 =	vadd.s32 v41, v62  }
0x3f2: {  	[tilespmem:$0x3BC0] =	vst v9;
	v3 =	vsel vm1, v3, v1  }
0x3f3: {  	v9 =	vld [tilespmem:$0x3570];
	vm1 =	vgt.s32 v63, v42;
	[tilespmem:$0x3A30] =	vst v3;
	v3 =	vadd.s32 v44, v62  }
0x3f4: {  	[tilespmem:$0x3BA0] =	vst v5;
	v3 =	vsel vm1, v3, v1  }
0x3f5: {  	v5 =	vld [tilespmem:$0x3550];
	vm1 =	vgt.s32 v63, v43;
	[tilespmem:$0x3A40] =	vst v3;
	v3 =	vadd.s32 v45, v62  }
0x3f6: {  	[tilespmem:$0x3BE0] =	vst v8;
	v3 =	vsel vm1, v3, v1  }
0x3f7: {  	vm1 =	vgt.s32 v63, v46;
	[tilespmem:$0x3A50] =	vst v3;
	v3 =	vadd.s32 v47, v62  }
0x3f8: {  	[tilespmem:$0x3BF0] =	vst v9;
	v3 =	vsel vm1, v3, v1  }
0x3f9: {  	vm1 =	vgt.s32 v63, v48;
	[tilespmem:$0x3A60] =	vst v3;
	v3 =	vadd.s32 v49, v62  }
0x3fa: {  	s7 =	simm.s32 $0x80;
	[tilespmem:$0x3BD0] =	vst v5;
	v3 =	vsel vm1, v3, v1  }
0x3fb: {  	s12 =	simm.s32 $0x3900;
	s16 =	simm.s32 $0x3A80;
	s3 =	rddreg [dreg:$0x4];
	[tilespmem:$0x3A70] =	vst v3  }
0x3fc: {  	[spmem:s3] =	stream.indirect.scatter.add.s32 [tilespmem:s16], [sflag:$0x2], $0x1, s12, s7, $0xb8;
	[tilespmem:$0x6A28] =	vst v63  }
0x3fd: {  	_ =	swait.ge [sflag:s18], $0x80  }
0x3fe: {  	[sflag:s18] =	ssyncset.done $0x0  }
0x3ff: {  	s24 =	simm.s32 $0x3980;
	s25 =	simm.s32 $0x3B00;
	[sflag:s18] =	ssyncadd.s32 $0xFFFFFF80  }
0x400: {  	[spmem:s3] =	stream.indirect.scatter.add.s32 [tilespmem:s25], [sflag:$0x2], $0x1, s24, s7, $0xb8;
	[tilespmem:$0x6A28] =	vst v63  }
0x401: {  	_ =	swait.ge [sflag:s18], $0x80  }
0x402: {  	[sflag:s18] =	ssyncset.done $0x0  }
0x403: {  	s29 =	simm.s32 $0x3A00;
	s31 =	simm.s32 $0x3B80;
	[sflag:s18] =	ssyncadd.s32 $0xFFFFFF80  }
0x404: {  	[spmem:s3] =	stream.indirect.scatter.add.s32 [tilespmem:s31], [sflag:$0x2], $0x1, s29, s7, $0xb8;
	[tilespmem:$0x6A28] =	vst v63  }
0x405: {  	_ =	swait.ge [sflag:s18], $0x80  }
0x406: {  	[sflag:s18] =	ssyncset.done $0x0  }
0x407: {  	[sflag:s18] =	ssyncadd.s32 $0xFFFFFF80  }
.LBB2_37:
0x408: {  	[bflag:$0x0] =	sbarrier.arrive $0xFFFF;
	s2 =	simm.s32 $0x3D00  }
0x409: {  	[tilespmem:s2], [sflag:$0x2] =	stream.linear.gather [spmem:s8], $0x10, $0x38;
	[tilespmem:$0x6A28] =	vst v63  }
0x40a: {  	_ =	swait.ge [sflag:s18], $0x10  }
0x40b: {  	[sflag:s18] =	ssyncset.done $0x0  }
0x40c: {  	[sflag:s18] =	ssyncadd.s32 $0xFFFFFFF0  }
0x40d: {  	v3 =	vld [tilespmem:$0x3D00];
	_ =	sdelay $0x3  }
0x40e: {  	vm1 =	vmmov $0x1  }
0x40f: {  	v3 =	vnsel vm1, $0x0, v3  }
0x410: {  	(xrf0) =	vadd.scan.msk.s32 $0xffff, v3;
	_ =	sdelay $0x5  }
0x411: {  	v3, _, _ =	vpop (xrf0)  }
0x412: {  	(v2sf) =	vpush v3, $0xF;
	_ =	sdelay $0xd  }
0x413: {  	[tilespmem:s1], [sflag:$0x2] =	stream.linear.gather [spmem:s9], $0x180, $0x38;
	[tilespmem:$0x6A28] =	vst v63  }
0x414: {  	s4 =	spop (v2sf)  }
0x415: {  	_ =	swait.ge [sflag:s18], $0x180  }
0x416: {  	[sflag:s18] =	ssyncset.done $0x0  }
.Ltmp20:
0x417: {  	[sflag:s18] =	ssyncadd.s32 $0xFFFFFE80;
	(pc) =	sbr.rel .LBB2_38-.Ltmp20, $4  }
0x418: {  	[tilespmem:s19], [sflag:$0x2] =	stream.linear.gather [spmem:s10], $0x180, $0x38;
	[tilespmem:$0x6A28] =	vst v63  }
0x419: {  	_ =	swait.ge [sflag:s18], $0x180  }
0x41a: {  	v54 =	vbroadcast v3, $0xF;
	[sflag:s18] =	ssyncset.done $0x0  }
0x41b: {  	s6 =	simm.s32 $0x0;
	[sflag:s18] =	ssyncadd.s32 $0xFFFFFE80  }
.LBB2_39:
0x41c: {  	v3 =	vmov v1;
	v55 =	vimm.s32 $0x0  }
.LBB2_45:
0x41d: {  	s6 =	sadd.s32 $0x1, s6  }
0x41e: {  	p2 =	sne.s32 s6, $0x3  }
.Ltmp21:
0x41f: {  	_ = 	snop;
	(pc) =	sbr.rel @!p2 .LBB2_46-.Ltmp21, $3  }
0x420: {  	_ =	sdelay $0x1  }
0x421: {  	[tilespmem:s7+$0x3C00] =	vst v3  }
0x422: {  	[tilespmem:s7+$0x3C80] =	vst v55  }
.LBB2_38:
0x423: {  	s7 =	sshll.u32 s6, $0x4  }
0x424: {  	s31 =	sadd.s32 s11, s7  }
0x425: {  	p2 =	sge.s32 s31, s4  }
.Ltmp22:
0x426: {  	_ = 	snop;
	(pc) =	sbr.rel @p2 .LBB2_39-.Ltmp22, $2  }
0x427: {  	_ =	sdelay $0x2  }
0x428: {  	v56 =	vimm.s32 $0x0  }
0x429: {  	v55 =	vld [tilespmem:s31+$0x3780];
	s25 =	simm.s32 $0x0  }
.LBB2_41:
0x42a: {  	s2 =	sor.u32 s31, s25;
	s24 =	simm.s32 $0x37A0  }
0x42b: {  	v3 =	vmov s2;
	s2 =	simm.s32 $0x3620;
	v61 =	vld [tilespmem:s24+$0x10]  }
0x42c: {  	v60 =	vld [tilespmem:s2+$0x10]  }
0x42d: {  	v62 =	vld [tilespmem:s2+$0x0]  }
0x42e: {  	v63 =	vld [tilespmem:s2+$0xFFFFFFF0]  }
0x42f: {  	v5 =	vld [tilespmem:s2+$0xFFFFFFE0]  }
0x430: {  	v58 =	vld.idx.msk [tilespmem:v3+s1+$0x0], $0xffff  }
0x431: {  	s3 =	simm.s32 $0x30;
	s12 =	simm.s32 $0x10;
	v57 =	vld.idx.msk [tilespmem:v3+s19+$0x0], $0xffff  }
0x432: {  	s29 =	simm.s32 $0x20;
	v59 =	vor.u32 s3, v0;
	v9 =	vor.u32 s12, v0;
	v3 =	vld [tilespmem:s24+$0x0]  }
0x433: {  	s16 =	simm.s32 $0x0;
	v8 =	vld [tilespmem:s24+$0xFFFFFFE0];
	v11 =	vor.u32 s29, v0;
	s12 =	simm.s32 $0x70;
	vm1 =	vlt.s32 v59, v54;
	v59 =	vimm.s32 $0x0  }
.LBB2_42:
0x434: {  	p2 =	sne.s32 s12, $0x170;
	v14 =	vor.u32 s16, v0;
	v15 =	vld [tilespmem:s24+$0xFFFFFFF0];
	vm3 =	vlt.s32 v9, v54;
	vm2 =	vlt.s32 v11, v54  }
0x435: {  	vm4 =	vgt.s32 v62, v58;
	vm6 =	vgt.s32 v60, v58;
	vm5 =	vlt.s32 v14, v54  }
0x436: {  	vm8 =	veq.s32 v60, v58;
	vm9 =	vlt.s32 v61, v57;
	vm7 =	vgt.s32 v63, v58  }
0x437: {  	vm11 =	veq.s32 v62, v58;
	vm12 =	vlt.s32 v3, v57;
	vm10 =	vgt.s32 v5, v58  }
0x438: {  	vm15 =	veq.s32 v63, v58;
	vm13 =	veq.s32 v5, v58;
	vm14 =	vlt.s32 v8, v57  }
0x439: {  	vm8 =	vmand vm8, vm9;
	vm13 =	vmand vm13, vm14;
	vm14 =	vlt.s32 v15, v57  }
0x43a: {  	s2 =	sadd.s32 $0x40, s2;
	vm11 =	vmand vm11, vm12;
	vm9 =	vmor vm10, vm13;
	vm10 =	vmand vm15, vm14  }
0x43b: {  	s24 =	sadd.s32 $0x40, s24;
	vm6 =	vmor vm6, vm8;
	v60 =	vld [tilespmem:s2+$0x10];
	vm5 =	vmand vm5, vm9;
	vm7 =	vmor vm7, vm10  }
0x43c: {  	vm4 =	vmor vm4, vm11;
	v61 =	vld [tilespmem:s24+$0x10];
	v3 =	vsel vm5, $0x1, v50;
	vm3 =	vmand vm3, vm7  }
.Ltmp23:
0x43d: {  	vm2 =	vmand vm2, vm4;
	v62 =	vld [tilespmem:s2+$0x0];
	v5 =	vadd.s32 v3, v59;
	v8 =	vsel vm3, $0x1, v50;
	(pc) =	sbr.rel @p2 .LBB2_42-.Ltmp23, $4  }
0x43e: {  	vm1 =	vmand vm1, vm6;
	v3 =	vld [tilespmem:s24+$0x0];
	v5 =	vadd.s32 v8, v5;
	v8 =	vsel vm2, $0x1, v50  }
0x43f: {  	v9 =	vsel vm1, $0x1, v50;
	v63 =	vld [tilespmem:s2+$0xFFFFFFF0];
	v8 =	vadd.s32 v8, v5  }
0x440: {  	s3 =	sadd.s32 $0xFFFFFFE0, s12;
	s29 =	sadd.s32 $0xFFFFFFF0, s12;
	v14 =	vor.u32 s12, v0;
	v5 =	vld [tilespmem:s2+$0xFFFFFFE0];
	v59 =	vadd.s32 v9, v8  }
0x441: {  	s16 =	sadd.s32 $0xFFFFFFD0, s12;
	v11 =	vor.u32 s29, v0;
	s12 =	sadd.s32 $0x40, s12;
	vm1 =	vlt.s32 v14, v54;
	v9 =	vor.u32 s3, v0;
	v8 =	vld [tilespmem:s24+$0xFFFFFFE0]  }
0x442: {  	v14 =	vor.u32 s16, v0;
	v15 =	vld [tilespmem:s24+$0xFFFFFFF0];
	vm2 =	vlt.s32 v9, v54;
	vm3 =	vlt.s32 v11, v54  }
0x443: {  	vm5 =	vgt.s32 v62, v58;
	vm6 =	vgt.s32 v60, v58;
	vm8 =	veq.s32 v60, v58  }
0x444: {  	vm9 =	vlt.s32 v61, v57;
	vm11 =	veq.s32 v62, v58;
	vm4 =	vlt.s32 v14, v54  }
0x445: {  	vm12 =	vlt.s32 v3, v57;
	vm8 =	vmand vm8, vm9;
	vm7 =	vgt.s32 v63, v58  }
0x446: {  	vm15 =	veq.s32 v63, v58;
	vm13 =	veq.s32 v5, v58;
	vm14 =	vlt.s32 v8, v57  }
0x447: {  	vm10 =	vgt.s32 v5, v58;
	vm13 =	vmand vm13, vm14;
	vm14 =	vlt.s32 v15, v57  }
0x448: {  	vm11 =	vmand vm11, vm12;
	vm13 =	vmor vm10, vm13;
	vm14 =	vmand vm15, vm14  }
0x449: {  	vm6 =	vmor vm6, vm8;
	vm4 =	vmand vm4, vm13;
	vm7 =	vmor vm7, vm14  }
0x44a: {  	vm15 =	vmor vm5, vm11;
	v3 =	vsel vm4, $0x1, v50;
	vm2 =	vmand vm2, vm7  }
0x44b: {  	v3 =	vadd.s32 v3, v59;
	v5 =	vsel vm2, $0x1, v50;
	vm2 =	vmand vm3, vm15  }
0x44c: {  	vm1 =	vmand vm1, vm6;
	v3 =	vadd.s32 v5, v3;
	v5 =	vsel vm2, $0x1, v50  }
0x44d: {  	v3 =	vadd.s32 v5, v3;
	v5 =	vsel vm1, $0x1, v50  }
0x44e: {  	v3 =	vadd.s32 v5, v3  }
0x44f: {  	(xrf0) =	vadd.scan.msk.s32 $0xffff, v3;
	_ =	sdelay $0x2  }
0x450: {  	v3 =	vmov s25;
	s25 =	sadd.s32 $0x1, s25  }
0x451: {  	p2 =	sne.s32 s25, $0x10  }
.Ltmp24:
0x452: {  	_ = 	snop;
	(pc) =	sbr.rel @p2 .LBB2_41-.Ltmp24, $4  }
0x453: {  	v5, _, _ =	vpop (xrf0)  }
0x454: {  	v5 =	vbroadcast v5, $0xF  }
0x455: {  	vm1 =	veq.s32 v3, v0  }
0x456: {  	v56 =	vsel vm1, v5, v56  }
.Ltmp25:
0x457: {  	(pc) =	sbr.rel .LBB2_45-.Ltmp25, $4  }
0x458: {  	_ = 	snop  }
0x459: {  	v3 =	vor.u32 s31, v0  }
0x45a: {  	vm1 =	vlt.s32 v3, v54;
	v3 =	vadd.s32 v2, v56  }
0x45b: {  	v3 =	vsel vm1, v3, v1  }
.LBB2_47:
0x45c: {  	_ =	sfence.sel $0x180000  }
0x45d: {  	[bflag:$0x0] =	sbarrier.arrive $0xFFFF  }
0x45e: {  	_ =	strace $0x90000047  }
0x45f: {  	s0 =	stileid.u32;
	[bflag:$0x2] =	sbarrier.arrive $0xFFFF  }
0x460: {  	p0 =	sne.s32 s0, $0x0;
	s0 =	rddreg [dreg:$0x8]  }
0x461: {  	s0 =	sadd.s32 @!p0 $0x100000, s0  }
0x462: {  	[sflag:s0] =	ssyncadd.tile.s32 @!p0 $0x1;
	_ =	shalt  }
.Lfunc_end2:
_tile_overlayer_lowered:
.L_overlay_start_2:
0x463: {  	(tag) =	ssettag $0x2  }
0x464: {  	s0 =	rddreg [dreg:$0x0];
	s2 =	stileid.u32  }
0x465: {  	s1 =	rddreg [dreg:$0x1];
	p0 =	sne.s32 s2, $0x0  }
0x466: {  	s3 =	rddreg [dreg:$0x2];
	[bflag:$0x3] =	sbarrier.arrive $0xFFFF;
	s2 =	simm.s32 @!p0 $0x1C02  }
0x467: {  	[timem:s3], [sflag:s2] =	dma.local @!p0 [hbm:s0], s1  }
0x468: {  	s0 =	simm.s32 @!p0 $0x2  }
0x469: {  	_ =	swait.ge @!p0 [sflag:s0], s1  }
0x46a: {  	s1 =	ssub.s32 @!p0 $0x0, s1;
	[sflag:s0] =	ssyncset.done @!p0 $0x0  }
0x46b: {  	[sflag:s0] =	ssyncadd.s32 @!p0 s1  }
0x46c: {  	[bflag:$0x3] =	sbarrier.arrive $0xFFFF  }
0x46d: {  	_ =	shalt  }

</sc_bundles>
